<compile_context>
chip_gen: v7x
topology: tpu7x:2x2x1
jax: 0.10.2.dev20260603
libtpu: 0.0.44.dev20260713+nightly
codegen_flags: <defaults>
</compile_context>

<pallas_src>
import jax
import jax.numpy as jnp
from jax import lax
from jax.experimental import pallas as pl
from jax.experimental.pallas import tpu as pltpu
from jax.experimental.pallas import tpu_sc as plsc

N = 10000
NP = 10240
E = 320000
D = 128
NC = 2
NS = 16
NW = NC * NS
CH = 128
KCH = 80
EPW = CH * KCH
EP = NW * EPW
NB = 4
CHA = 64
KCHA = EPW // CHA
RPT = NP // NS
ZF = RPT // CH

_MESH = plsc.VectorSubcoreMesh(core_axis_name="c", subcore_axis_name="s")


def _fill_rows(buf, nrow, ncol, vec):
    def body(i, _):
        for j in range(ncol // 16):
            buf[i, pl.ds(j * 16, 16)] = vec
        return 0

    lax.fori_loop(0, nrow, body, 0)


def _cnt_body(dst_hbm, out_hbm, di, ones_v, acc, i0, i1):
    c = lax.axis_index("c")
    s = lax.axis_index("s")
    w = c * NS + s
    isem = (i0, i1)
    _fill_rows(ones_v, CH, D, jnp.zeros((16,), jnp.float32))
    for k in range(ZF):
        pltpu.sync_copy(ones_v, acc.at[pl.ds(s * RPT + k * CH, CH)])
    plsc.subcore_barrier()
    _fill_rows(ones_v, CH, D, jnp.ones((16,), jnp.float32))
    base = w * EPW
    for j in range(2):
        pltpu.async_copy(dst_hbm.at[pl.ds(base + j * CH, CH)], di.at[j],
                         isem[j])

    def chunk(t, _):
        for slot in range(2):
            ci = t * 2 + slot
            pltpu.make_async_copy(dst_hbm.at[pl.ds(base + ci * CH, CH)],
                                  di.at[slot], isem[slot]).wait()
            pltpu.sync_copy(ones_v, acc.at[di.at[slot]], add=True)
            nl = ci + 2

            @pl.when(nl < KCH)
            def _():
                pltpu.async_copy(dst_hbm.at[pl.ds(base + nl * CH, CH)],
                                 di.at[slot], isem[slot])

        return 0

    lax.fori_loop(0, KCH // 2, chunk, 0)
    plsc.subcore_barrier()
    for k in range(ZF):
        pltpu.sync_copy(acc.at[pl.ds(s * RPT + k * CH, CH)],
                        out_hbm.at[pl.ds(c * NP + s * RPT + k * CH, CH)])


_cnt_call = pl.kernel(
    _cnt_body,
    out_type=jax.ShapeDtypeStruct((2 * NP, D), jnp.float32),
    mesh=_MESH,
    scratch_types=[
        pltpu.VMEM((2, CH), jnp.int32),
        pltpu.VMEM((CH, D), jnp.float32),
        pltpu.VMEM_SHARED((NP, D), jnp.float32),
        pltpu.SemaphoreType.DMA,
        pltpu.SemaphoreType.DMA,
    ],
)


def _agg_body(hs_hbm, src_hbm, dst_hbm, out_hbm,
              si, di, r0, r1, r2, r3, acc,
              i0, i1, i2, i3, i4, i5, i6, i7, g0, g1, g2, g3):
    c = lax.axis_index("c")
    s = lax.axis_index("s")
    w = c * NS + s
    rows = (r0, r1, r2, r3)
    gsem = (g0, g1, g2, g3)
    isem = (i0, i1, i2, i3, i4, i5, i6, i7)
    _fill_rows(r0, CHA, D, jnp.zeros((16,), jnp.float32))
    for k in range(RPT // CHA):
        pltpu.sync_copy(r0, acc.at[pl.ds(s * RPT + k * CHA, CHA)])
    plsc.subcore_barrier()
    base = w * EPW
    for j in range(8):
        pltpu.async_copy(src_hbm.at[pl.ds(base + j * CHA, CHA)], si.at[j],
                         isem[j])
        pltpu.async_copy(dst_hbm.at[pl.ds(base + j * CHA, CHA)], di.at[j],
                         isem[j])
    for b in range(4):
        pltpu.make_async_copy(src_hbm.at[pl.ds(base + b * CHA, CHA)],
                              si.at[b], isem[b]).wait()
        pltpu.make_async_copy(dst_hbm.at[pl.ds(base + b * CHA, CHA)],
                              di.at[b], isem[b]).wait()
        pltpu.async_copy(hs_hbm.at[si.at[b]], rows[b], gsem[b])

    def outer(t, _):
        for j in range(8):
            ci = t * 8 + j
            b = j % 4
            slot = j
            pltpu.make_async_copy(hs_hbm.at[si.at[slot]], rows[b],
                                  gsem[b]).wait()
            pltpu.sync_copy(rows[b], acc.at[di.at[slot]], add=True)
            nl = ci + 8

            @pl.when(nl < KCHA)
            def _():
                pltpu.async_copy(src_hbm.at[pl.ds(base + nl * CHA, CHA)],
                                 si.at[slot], isem[slot])
                pltpu.async_copy(dst_hbm.at[pl.ds(base + nl * CHA, CHA)],
                                 di.at[slot], isem[slot])

            ng = ci + 4
            slot2 = (j + 4) % 8

            @pl.when(ng < KCHA)
            def _():
                pltpu.make_async_copy(
                    src_hbm.at[pl.ds(base + ng * CHA, CHA)], si.at[slot2],
                    isem[slot2]).wait()
                pltpu.make_async_copy(
                    dst_hbm.at[pl.ds(base + ng * CHA, CHA)], di.at[slot2],
                    isem[slot2]).wait()
                pltpu.async_copy(hs_hbm.at[si.at[slot2]], rows[b], gsem[b])

        return 0

    lax.fori_loop(0, KCHA // 8, outer, 0)
    plsc.subcore_barrier()
    for k in range(ZF):
        pltpu.sync_copy(acc.at[pl.ds(s * RPT + k * CH, CH)],
                        out_hbm.at[pl.ds(c * NP + s * RPT + k * CH, CH)])


_agg_call = pl.kernel(
    _agg_body,
    out_type=jax.ShapeDtypeStruct((2 * NP, D), jnp.float32),
    mesh=_MESH,
    scratch_types=[
        pltpu.VMEM((8, CHA), jnp.int32),
        pltpu.VMEM((8, CHA), jnp.int32),
        pltpu.VMEM((CHA, D), jnp.float32),
        pltpu.VMEM((CHA, D), jnp.float32),
        pltpu.VMEM((CHA, D), jnp.float32),
        pltpu.VMEM((CHA, D), jnp.float32),
        pltpu.VMEM_SHARED((NP, D), jnp.float32),
    ] + [pltpu.SemaphoreType.DMA] * 12,
)

BR = 1024


def _pre_body(cnt_ref, x_ref, w_ref, dinv_ref, hs_ref):
    deg = cnt_ref[0] + cnt_ref[1] + 1.0
    dinvb = lax.rsqrt(jnp.maximum(deg, 1e-12))
    h = jnp.dot(x_ref[...], w_ref[...], preferred_element_type=jnp.float32)
    dinv_ref[...] = dinvb
    hs_ref[...] = h * dinvb


_pre_call = pl.pallas_call(
    _pre_body,
    grid=(pl.cdiv(N, BR),),
    in_specs=[
        pl.BlockSpec((2, BR, D), lambda i: (0, i, 0)),
        pl.BlockSpec((BR, D), lambda i: (i, 0)),
        pl.BlockSpec((D, D), lambda i: (0, 0)),
    ],
    out_specs=[
        pl.BlockSpec((BR, D), lambda i: (i, 0)),
        pl.BlockSpec((BR, D), lambda i: (i, 0)),
    ],
    out_shape=[
        jax.ShapeDtypeStruct((N, D), jnp.float32),
        jax.ShapeDtypeStruct((N, D), jnp.float32),
    ],
)


def _mid_body(p_ref, hs1_ref, dinv_ref, b1_ref, w2_ref, hs2_ref):
    agg = p_ref[0] + p_ref[1] + hs1_ref[...]
    t = agg * dinv_ref[...] + b1_ref[...]
    t = jnp.maximum(t, 0.0)
    h2 = jnp.dot(t, w2_ref[...], preferred_element_type=jnp.float32)
    hs2_ref[...] = h2 * dinv_ref[...]


_mid_call = pl.pallas_call(
    _mid_body,
    grid=(pl.cdiv(N, BR),),
    in_specs=[
        pl.BlockSpec((2, BR, D), lambda i: (0, i, 0)),
        pl.BlockSpec((BR, D), lambda i: (i, 0)),
        pl.BlockSpec((BR, D), lambda i: (i, 0)),
        pl.BlockSpec((1, D), lambda i: (0, 0)),
        pl.BlockSpec((D, D), lambda i: (0, 0)),
    ],
    out_specs=pl.BlockSpec((BR, D), lambda i: (i, 0)),
    out_shape=jax.ShapeDtypeStruct((N, D), jnp.float32),
)


def _fin_body(q_ref, hs2_ref, dinv_ref, b2_ref, out_ref):
    agg = q_ref[0] + q_ref[1] + hs2_ref[...]
    out_ref[...] = agg * dinv_ref[...] + b2_ref[...]


_fin_call = pl.pallas_call(
    _fin_body,
    grid=(pl.cdiv(N, BR),),
    in_specs=[
        pl.BlockSpec((2, BR, D), lambda i: (0, i, 0)),
        pl.BlockSpec((BR, D), lambda i: (i, 0)),
        pl.BlockSpec((BR, D), lambda i: (i, 0)),
        pl.BlockSpec((1, D), lambda i: (0, 0)),
    ],
    out_specs=pl.BlockSpec((BR, D), lambda i: (i, 0)),
    out_shape=jax.ShapeDtypeStruct((N, D), jnp.float32),
)


def kernel(x, edge_index, W1, b1, W2, b2):
    src = edge_index[0]
    dst = edge_index[1]
    pad = EP - E
    iota = jnp.arange(pad, dtype=src.dtype)
    srcp = jnp.concatenate([src, iota % N])
    dstp = jnp.concatenate([dst, N + iota % (NP - N)])
    cntp = _cnt_call(dstp).reshape(2, NP, D)
    dinvb, hs1 = _pre_call(cntp, x, W1)
    p = _agg_call(hs1, srcp, dstp).reshape(2, NP, D)
    hs2 = _mid_call(p, hs1, dinvb, b1.reshape(1, D), W2)
    q = _agg_call(hs2, srcp, dstp).reshape(2, NP, D)
    return _fin_call(q, hs2, dinvb, b2.reshape(1, D))

# --- scband reference (transcript-rebuilt; emitter-appended) ---
"""Pipeline reference for scband-gcn-16260746182861 (READ-ONLY COPY).

The authoritative reference and input builder live on the scoring server;
editing this copy changes nothing except your own understanding.
"""

import jax, jax.numpy as jnp
import numpy as np

N_NODES = 10000
N_EDGES = 320000
D = 128


def gcn_conv(x, edge_index, W, b):
    # Faithful PyG GCNConv: add self-loops, symmetric normalization,
    # linear transform, scatter-add aggregation, bias.
    n = x.shape[0]
    loops = jnp.arange(n, dtype=edge_index.dtype)
    src = jnp.concatenate([edge_index[0], loops])
    dst = jnp.concatenate([edge_index[1], loops])
    deg = jax.ops.segment_sum(jnp.ones_like(src, dtype=x.dtype), dst, num_segments=n)
    dinv = jax.lax.rsqrt(jnp.maximum(deg, 1e-12))
    norm = dinv[src] * dinv[dst]
    h = x @ W
    msg = h[src] * norm[:, None]
    out = jax.ops.segment_sum(msg, dst, num_segments=n)
    return out + b


def setup_inputs(seed: int = 0) -> dict:
    key = jax.random.key(seed)
    k1, k2, k3, k4, k5, k6 = jax.random.split(key, 6)
    x = jax.random.normal(k1, (N_NODES, D), dtype=jnp.float32)
    edge_index = jax.random.randint(k2, (2, N_EDGES), 0, N_NODES, dtype=jnp.int32)
    scale = (1.0 / D) ** 0.5
    W1 = jax.random.normal(k3, (D, D), dtype=jnp.float32) * scale
    b1 = jnp.zeros((D,), dtype=jnp.float32)
    W2 = jax.random.normal(k4, (D, D), dtype=jnp.float32) * scale
    b2 = jnp.zeros((D,), dtype=jnp.float32)
    return {"x": x, "edge_index": edge_index, "W1": W1, "b1": b1, "W2": W2, "b2": b2}


def reference(x, edge_index, W1, b1, W2, b2):
    h = gcn_conv(x, edge_index, W1, b1)
    h = jax.nn.relu(h)
    # F.dropout(training=self.training): identity in eval mode
    out = gcn_conv(h, edge_index, W2, b2)
    return out

if __name__ == "__main__":
    import jax
    _d = setup_inputs()
    print(jax.jit(kernel)(*tuple(_d.values())))

</pallas_src>

<mosaic_0001>
#map = affine_map<(d0, d1) -> (0)>
#map1 = affine_map<(d0, d1) -> (0, 0)>
module attributes {stable_mosaic.version = 14 : i64} {
  func.func @_cnt_body(%arg0: i32, %arg1: i32, %arg2: memref<327680xi32, #tpu.memory_space<hbm>>, %arg3: memref<20480x128xf32, #tpu.memory_space<hbm>>, %arg4: memref<2x128xi32, #tpu.memory_space<vmem>>, %arg5: memref<128x128xf32, #tpu.memory_space<vmem>>, %arg6: memref<10240x128xf32, #tpu.memory_space<vmem_shared>>, %arg7: memref<!tpu.dma_semaphore, #tpu.memory_space<semaphore_mem>>, %arg8: memref<!tpu.dma_semaphore, #tpu.memory_space<semaphore_mem>>) attributes {dimension_semantics = [#tpu.dimension_semantics<core_parallel>, #tpu.dimension_semantics<subcore_parallel>], iteration_bounds = array<i64: 2, 16>, scalar_prefetch = 0 : i64, scratch_operands = 5 : i64, tpu.core_type = #tpu.core_type<sc_vector_subcore>, window_params = [{transform_indices = #map}, {transform_indices = #map1}]} {
    %mul3A = arith.constant 16 : i32
    %mul3A_0 = arith.muli %arg0, %mul3A : i32
    %add3A = arith.addi %mul3A_0, %arg1 : i32
    %broadcast_in_dim3A = arith.constant 0.000000e+00 : f32
    %broadcast_in_dim3A_1 = vector.broadcast %broadcast_in_dim3A : f32 to vector<16xf32>
    %scan3A = arith.constant 0 : i32
    %scan3A_2 = arith.constant 0 : i32
    %scan3A_3 = arith.constant 128 : i32
    %scan3A_4 = arith.addi %scan3A_2, %scan3A_3 : i32
    %scan3A_5 = arith.constant 1 : i32
    %scan3A_6 = scf.for %scan3A_123 = %scan3A_2 to %scan3A_4 step %scan3A_5 iter_args(%scan3A_124 = %scan3A) -> (i32)  : i32 {
      %swap3A = arith.index_cast %scan3A_123 : i32 to index
      %swap3A_125 = arith.constant 0 : index
      %swap3A_126 = tpu.vector_load %arg5[%swap3A, %swap3A_125] {strides = array<i32>} : memref<128x128xf32, #tpu.memory_space<vmem>>, vector<1x16xf32>,
      %swap3A_127 = vector.shape_cast %swap3A_126 : vector<1x16xf32> to vector<16xf32>
      %swap3A_128 = vector.shape_cast %broadcast_in_dim3A_1 : vector<16xf32> to vector<1x16xf32>
      tpu.vector_store %arg5[%swap3A, %swap3A_125], %swap3A_128 {strides = array<i32>} : memref<128x128xf32, #tpu.memory_space<vmem>>, vector<1x16xf32>,
      %swap3A_129 = arith.index_cast %scan3A_123 : i32 to index
      %swap3A_130 = arith.constant 16 : index
      %swap3A_131 = tpu.vector_load %arg5[%swap3A_129, %swap3A_130] {strides = array<i32>} : memref<128x128xf32, #tpu.memory_space<vmem>>, vector<1x16xf32>,
      %swap3A_132 = vector.shape_cast %swap3A_131 : vector<1x16xf32> to vector<16xf32>
      %swap3A_133 = vector.shape_cast %broadcast_in_dim3A_1 : vector<16xf32> to vector<1x16xf32>
      tpu.vector_store %arg5[%swap3A_129, %swap3A_130], %swap3A_133 {strides = array<i32>} : memref<128x128xf32, #tpu.memory_space<vmem>>, vector<1x16xf32>,
      %swap3A_134 = arith.index_cast %scan3A_123 : i32 to index
      %swap3A_135 = arith.constant 32 : index
      %swap3A_136 = tpu.vector_load %arg5[%swap3A_134, %swap3A_135] {strides = array<i32>} : memref<128x128xf32, #tpu.memory_space<vmem>>, vector<1x16xf32>,
      %swap3A_137 = vector.shape_cast %swap3A_136 : vector<1x16xf32> to vector<16xf32>
      %swap3A_138 = vector.shape_cast %broadcast_in_dim3A_1 : vector<16xf32> to vector<1x16xf32>
      tpu.vector_store %arg5[%swap3A_134, %swap3A_135], %swap3A_138 {strides = array<i32>} : memref<128x128xf32, #tpu.memory_space<vmem>>, vector<1x16xf32>,
      %swap3A_139 = arith.index_cast %scan3A_123 : i32 to index
      %swap3A_140 = arith.constant 48 : index
      %swap3A_141 = tpu.vector_load %arg5[%swap3A_139, %swap3A_140] {strides = array<i32>} : memref<128x128xf32, #tpu.memory_space<vmem>>, vector<1x16xf32>,
      %swap3A_142 = vector.shape_cast %swap3A_141 : vector<1x16xf32> to vector<16xf32>
      %swap3A_143 = vector.shape_cast %broadcast_in_dim3A_1 : vector<16xf32> to vector<1x16xf32>
      tpu.vector_store %arg5[%swap3A_139, %swap3A_140], %swap3A_143 {strides = array<i32>} : memref<128x128xf32, #tpu.memory_space<vmem>>, vector<1x16xf32>,
      %swap3A_144 = arith.index_cast %scan3A_123 : i32 to index
      %swap3A_145 = arith.constant 64 : index
      %swap3A_146 = tpu.vector_load %arg5[%swap3A_144, %swap3A_145] {strides = array<i32>} : memref<128x128xf32, #tpu.memory_space<vmem>>, vector<1x16xf32>,
      %swap3A_147 = vector.shape_cast %swap3A_146 : vector<1x16xf32> to vector<16xf32>
      %swap3A_148 = vector.shape_cast %broadcast_in_dim3A_1 : vector<16xf32> to vector<1x16xf32>
      tpu.vector_store %arg5[%swap3A_144, %swap3A_145], %swap3A_148 {strides = array<i32>} : memref<128x128xf32, #tpu.memory_space<vmem>>, vector<1x16xf32>,
      %swap3A_149 = arith.index_cast %scan3A_123 : i32 to index
      %swap3A_150 = arith.constant 80 : index
      %swap3A_151 = tpu.vector_load %arg5[%swap3A_149, %swap3A_150] {strides = array<i32>} : memref<128x128xf32, #tpu.memory_space<vmem>>, vector<1x16xf32>,
      %swap3A_152 = vector.shape_cast %swap3A_151 : vector<1x16xf32> to vector<16xf32>
      %swap3A_153 = vector.shape_cast %broadcast_in_dim3A_1 : vector<16xf32> to vector<1x16xf32>
      tpu.vector_store %arg5[%swap3A_149, %swap3A_150], %swap3A_153 {strides = array<i32>} : memref<128x128xf32, #tpu.memory_space<vmem>>, vector<1x16xf32>,
      %swap3A_154 = arith.index_cast %scan3A_123 : i32 to index
      %swap3A_155 = arith.constant 96 : index
      %swap3A_156 = tpu.vector_load %arg5[%swap3A_154, %swap3A_155] {strides = array<i32>} : memref<128x128xf32, #tpu.memory_space<vmem>>, vector<1x16xf32>,
      %swap3A_157 = vector.shape_cast %swap3A_156 : vector<1x16xf32> to vector<16xf32>
      %swap3A_158 = vector.shape_cast %broadcast_in_dim3A_1 : vector<16xf32> to vector<1x16xf32>
      tpu.vector_store %arg5[%swap3A_154, %swap3A_155], %swap3A_158 {strides = array<i32>} : memref<128x128xf32, #tpu.memory_space<vmem>>, vector<1x16xf32>,
      %swap3A_159 = arith.index_cast %scan3A_123 : i32 to index
      %swap3A_160 = arith.constant 112 : index
      %swap3A_161 = tpu.vector_load %arg5[%swap3A_159, %swap3A_160] {strides = array<i32>} : memref<128x128xf32, #tpu.memory_space<vmem>>, vector<1x16xf32>,
      %swap3A_162 = vector.shape_cast %swap3A_161 : vector<1x16xf32> to vector<16xf32>
      %swap3A_163 = vector.shape_cast %broadcast_in_dim3A_1 : vector<16xf32> to vector<1x16xf32>
      tpu.vector_store %arg5[%swap3A_159, %swap3A_160], %swap3A_163 {strides = array<i32>} : memref<128x128xf32, #tpu.memory_space<vmem>>, vector<1x16xf32>,
      %scan3A_164 = arith.constant 0 : i32
      scf.yield %scan3A_164 : i32
    }
    %scan3A_7 = arith.constant 128 : i32
    %mul3A_8 = arith.constant 640 : i32
    %mul3A_9 = arith.muli %arg1, %mul3A_8 : i32
    %add3A_10 = arith.constant 0 : i32
    %add3A_11 = arith.addi %mul3A_9, %add3A_10 : i32
    "tpu.region"() ({
      %run_scoped3A = tpu.sem_alloc : memref<!tpu.dma_semaphore, #tpu.memory_space<semaphore_mem>>
      %dma_start3A_123 = arith.constant 0 : i32
      %dma_start3A_124 = tpu.memref_slice %arg6[%add3A_11, %dma_start3A_123] : memref<10240x128xf32, #tpu.memory_space<vmem_shared>> -> memref<128x128xf32, #tpu.memory_space<vmem_shared>>
      %dma_start3A_125 = arith.constant 0 : i32
      %dma_start3A_126 = tpu.memref_slice %arg6[%add3A_11, %dma_start3A_125] : memref<10240x128xf32, #tpu.memory_space<vmem_shared>> -> memref<128x128xf32, #tpu.memory_space<vmem_shared>>
      tpu.enqueue_dma source(%arg5 : memref<128x128xf32, #tpu.memory_space<vmem>>) target(%dma_start3A_126 : memref<128x128xf32, #tpu.memory_space<vmem_shared>>) target_semaphore(%run_scoped3A : memref<!tpu.dma_semaphore, #tpu.memory_space<semaphore_mem>>)
      %dma_wait3A = arith.constant 0 : i32
      %dma_wait3A_127 = tpu.memref_slice %arg6[%add3A_11, %dma_wait3A] : memref<10240x128xf32, #tpu.memory_space<vmem_shared>> -> memref<128x128xf32, #tpu.memory_space<vmem_shared>>
      %dma_wait3A_128 = arith.constant 0 : i32
      %dma_wait3A_129 = tpu.memref_slice %arg6[%add3A_11, %dma_wait3A_128] : memref<10240x128xf32, #tpu.memory_space<vmem_shared>> -> memref<128x128xf32, #tpu.memory_space<vmem_shared>>
      tpu.wait_dma2 semaphore(%run_scoped3A : memref<!tpu.dma_semaphore, #tpu.memory_space<semaphore_mem>>) src(%arg5 : memref<128x128xf32, #tpu.memory_space<vmem>>) dst(%dma_wait3A_129 : memref<128x128xf32, #tpu.memory_space<vmem_shared>>)
      tpu.yield
    }) : () -> ()
    %mul3A_12 = arith.constant 640 : i32
    %mul3A_13 = arith.muli %arg1, %mul3A_12 : i32
    %add3A_14 = arith.constant 128 : i32
    %add3A_15 = arith.addi %mul3A_13, %add3A_14 : i32
    "tpu.region"() ({
      %run_scoped3A = tpu.sem_alloc : memref<!tpu.dma_semaphore, #tpu.memory_space<semaphore_mem>>
      %dma_start3A_123 = arith.constant 0 : i32
      %dma_start3A_124 = tpu.memref_slice %arg6[%add3A_15, %dma_start3A_123] : memref<10240x128xf32, #tpu.memory_space<vmem_shared>> -> memref<128x128xf32, #tpu.memory_space<vmem_shared>>
      %dma_start3A_125 = arith.constant 0 : i32
      %dma_start3A_126 = tpu.memref_slice %arg6[%add3A_15, %dma_start3A_125] : memref<10240x128xf32, #tpu.memory_space<vmem_shared>> -> memref<128x128xf32, #tpu.memory_space<vmem_shared>>
      tpu.enqueue_dma source(%arg5 : memref<128x128xf32, #tpu.memory_space<vmem>>) target(%dma_start3A_126 : memref<128x128xf32, #tpu.memory_space<vmem_shared>>) target_semaphore(%run_scoped3A : memref<!tpu.dma_semaphore, #tpu.memory_space<semaphore_mem>>)
      %dma_wait3A = arith.constant 0 : i32
      %dma_wait3A_127 = tpu.memref_slice %arg6[%add3A_15, %dma_wait3A] : memref<10240x128xf32, #tpu.memory_space<vmem_shared>> -> memref<128x128xf32, #tpu.memory_space<vmem_shared>>
      %dma_wait3A_128 = arith.constant 0 : i32
      %dma_wait3A_129 = tpu.memref_slice %arg6[%add3A_15, %dma_wait3A_128] : memref<10240x128xf32, #tpu.memory_space<vmem_shared>> -> memref<128x128xf32, #tpu.memory_space<vmem_shared>>
      tpu.wait_dma2 semaphore(%run_scoped3A : memref<!tpu.dma_semaphore, #tpu.memory_space<semaphore_mem>>) src(%arg5 : memref<128x128xf32, #tpu.memory_space<vmem>>) dst(%dma_wait3A_129 : memref<128x128xf32, #tpu.memory_space<vmem_shared>>)
      tpu.yield
    }) : () -> ()
    %mul3A_16 = arith.constant 640 : i32
    %mul3A_17 = arith.muli %arg1, %mul3A_16 : i32
    %add3A_18 = arith.constant 256 : i32
    %add3A_19 = arith.addi %mul3A_17, %add3A_18 : i32
    "tpu.region"() ({
      %run_scoped3A = tpu.sem_alloc : memref<!tpu.dma_semaphore, #tpu.memory_space<semaphore_mem>>
      %dma_start3A_123 = arith.constant 0 : i32
      %dma_start3A_124 = tpu.memref_slice %arg6[%add3A_19, %dma_start3A_123] : memref<10240x128xf32, #tpu.memory_space<vmem_shared>> -> memref<128x128xf32, #tpu.memory_space<vmem_shared>>
      %dma_start3A_125 = arith.constant 0 : i32
      %dma_start3A_126 = tpu.memref_slice %arg6[%add3A_19, %dma_start3A_125] : memref<10240x128xf32, #tpu.memory_space<vmem_shared>> -> memref<128x128xf32, #tpu.memory_space<vmem_shared>>
      tpu.enqueue_dma source(%arg5 : memref<128x128xf32, #tpu.memory_space<vmem>>) target(%dma_start3A_126 : memref<128x128xf32, #tpu.memory_space<vmem_shared>>) target_semaphore(%run_scoped3A : memref<!tpu.dma_semaphore, #tpu.memory_space<semaphore_mem>>)
      %dma_wait3A = arith.constant 0 : i32
      %dma_wait3A_127 = tpu.memref_slice %arg6[%add3A_19, %dma_wait3A] : memref<10240x128xf32, #tpu.memory_space<vmem_shared>> -> memref<128x128xf32, #tpu.memory_space<vmem_shared>>
      %dma_wait3A_128 = arith.constant 0 : i32
      %dma_wait3A_129 = tpu.memref_slice %arg6[%add3A_19, %dma_wait3A_128] : memref<10240x128xf32, #tpu.memory_space<vmem_shared>> -> memref<128x128xf32, #tpu.memory_space<vmem_shared>>
      tpu.wait_dma2 semaphore(%run_scoped3A : memref<!tpu.dma_semaphore, #tpu.memory_space<semaphore_mem>>) src(%arg5 : memref<128x128xf32, #tpu.memory_space<vmem>>) dst(%dma_wait3A_129 : memref<128x128xf32, #tpu.memory_space<vmem_shared>>)
      tpu.yield
    }) : () -> ()
    %mul3A_20 = arith.constant 640 : i32
    %mul3A_21 = arith.muli %arg1, %mul3A_20 : i32
    %add3A_22 = arith.constant 384 : i32
    %add3A_23 = arith.addi %mul3A_21, %add3A_22 : i32
    "tpu.region"() ({
      %run_scoped3A = tpu.sem_alloc : memref<!tpu.dma_semaphore, #tpu.memory_space<semaphore_mem>>
      %dma_start3A_123 = arith.constant 0 : i32
      %dma_start3A_124 = tpu.memref_slice %arg6[%add3A_23, %dma_start3A_123] : memref<10240x128xf32, #tpu.memory_space<vmem_shared>> -> memref<128x128xf32, #tpu.memory_space<vmem_shared>>
      %dma_start3A_125 = arith.constant 0 : i32
      %dma_start3A_126 = tpu.memref_slice %arg6[%add3A_23, %dma_start3A_125] : memref<10240x128xf32, #tpu.memory_space<vmem_shared>> -> memref<128x128xf32, #tpu.memory_space<vmem_shared>>
      tpu.enqueue_dma source(%arg5 : memref<128x128xf32, #tpu.memory_space<vmem>>) target(%dma_start3A_126 : memref<128x128xf32, #tpu.memory_space<vmem_shared>>) target_semaphore(%run_scoped3A : memref<!tpu.dma_semaphore, #tpu.memory_space<semaphore_mem>>)
      %dma_wait3A = arith.constant 0 : i32
      %dma_wait3A_127 = tpu.memref_slice %arg6[%add3A_23, %dma_wait3A] : memref<10240x128xf32, #tpu.memory_space<vmem_shared>> -> memref<128x128xf32, #tpu.memory_space<vmem_shared>>
      %dma_wait3A_128 = arith.constant 0 : i32
      %dma_wait3A_129 = tpu.memref_slice %arg6[%add3A_23, %dma_wait3A_128] : memref<10240x128xf32, #tpu.memory_space<vmem_shared>> -> memref<128x128xf32, #tpu.memory_space<vmem_shared>>
      tpu.wait_dma2 semaphore(%run_scoped3A : memref<!tpu.dma_semaphore, #tpu.memory_space<semaphore_mem>>) src(%arg5 : memref<128x128xf32, #tpu.memory_space<vmem>>) dst(%dma_wait3A_129 : memref<128x128xf32, #tpu.memory_space<vmem_shared>>)
      tpu.yield
    }) : () -> ()
    %mul3A_24 = arith.constant 640 : i32
    %mul3A_25 = arith.muli %arg1, %mul3A_24 : i32
    %add3A_26 = arith.constant 512 : i32
    %add3A_27 = arith.addi %mul3A_25, %add3A_26 : i32
    "tpu.region"() ({
      %run_scoped3A = tpu.sem_alloc : memref<!tpu.dma_semaphore, #tpu.memory_space<semaphore_mem>>
      %dma_start3A_123 = arith.constant 0 : i32
      %dma_start3A_124 = tpu.memref_slice %arg6[%add3A_27, %dma_start3A_123] : memref<10240x128xf32, #tpu.memory_space<vmem_shared>> -> memref<128x128xf32, #tpu.memory_space<vmem_shared>>
      %dma_start3A_125 = arith.constant 0 : i32
      %dma_start3A_126 = tpu.memref_slice %arg6[%add3A_27, %dma_start3A_125] : memref<10240x128xf32, #tpu.memory_space<vmem_shared>> -> memref<128x128xf32, #tpu.memory_space<vmem_shared>>
      tpu.enqueue_dma source(%arg5 : memref<128x128xf32, #tpu.memory_space<vmem>>) target(%dma_start3A_126 : memref<128x128xf32, #tpu.memory_space<vmem_shared>>) target_semaphore(%run_scoped3A : memref<!tpu.dma_semaphore, #tpu.memory_space<semaphore_mem>>)
      %dma_wait3A = arith.constant 0 : i32
      %dma_wait3A_127 = tpu.memref_slice %arg6[%add3A_27, %dma_wait3A] : memref<10240x128xf32, #tpu.memory_space<vmem_shared>> -> memref<128x128xf32, #tpu.memory_space<vmem_shared>>
      %dma_wait3A_128 = arith.constant 0 : i32
      %dma_wait3A_129 = tpu.memref_slice %arg6[%add3A_27, %dma_wait3A_128] : memref<10240x128xf32, #tpu.memory_space<vmem_shared>> -> memref<128x128xf32, #tpu.memory_space<vmem_shared>>
      tpu.wait_dma2 semaphore(%run_scoped3A : memref<!tpu.dma_semaphore, #tpu.memory_space<semaphore_mem>>) src(%arg5 : memref<128x128xf32, #tpu.memory_space<vmem>>) dst(%dma_wait3A_129 : memref<128x128xf32, #tpu.memory_space<vmem_shared>>)
      tpu.yield
    }) : () -> ()
    %barrier3A = arith.constant 0 : index
    tpu.barrier barrier_id(%barrier3A)
    %broadcast_in_dim3A_28 = arith.constant 1.000000e+00 : f32
    %broadcast_in_dim3A_29 = vector.broadcast %broadcast_in_dim3A_28 : f32 to vector<16xf32>
    %scan3A_30 = arith.constant 0 : i32
    %scan3A_31 = arith.constant 0 : i32
    %scan3A_32 = arith.constant 128 : i32
    %scan3A_33 = arith.addi %scan3A_31, %scan3A_32 : i32
    %scan3A_34 = arith.constant 1 : i32
    %scan3A_35 = scf.for %scan3A_123 = %scan3A_31 to %scan3A_33 step %scan3A_34 iter_args(%scan3A_124 = %scan3A_30) -> (i32)  : i32 {
      %swap3A = arith.index_cast %scan3A_123 : i32 to index
      %swap3A_125 = arith.constant 0 : index
      %swap3A_126 = tpu.vector_load %arg5[%swap3A, %swap3A_125] {strides = array<i32>} : memref<128x128xf32, #tpu.memory_space<vmem>>, vector<1x16xf32>,
      %swap3A_127 = vector.shape_cast %swap3A_126 : vector<1x16xf32> to vector<16xf32>
      %swap3A_128 = vector.shape_cast %broadcast_in_dim3A_29 : vector<16xf32> to vector<1x16xf32>
      tpu.vector_store %arg5[%swap3A, %swap3A_125], %swap3A_128 {strides = array<i32>} : memref<128x128xf32, #tpu.memory_space<vmem>>, vector<1x16xf32>,
      %swap3A_129 = arith.index_cast %scan3A_123 : i32 to index
      %swap3A_130 = arith.constant 16 : index
      %swap3A_131 = tpu.vector_load %arg5[%swap3A_129, %swap3A_130] {strides = array<i32>} : memref<128x128xf32, #tpu.memory_space<vmem>>, vector<1x16xf32>,
      %swap3A_132 = vector.shape_cast %swap3A_131 : vector<1x16xf32> to vector<16xf32>
      %swap3A_133 = vector.shape_cast %broadcast_in_dim3A_29 : vector<16xf32> to vector<1x16xf32>
      tpu.vector_store %arg5[%swap3A_129, %swap3A_130], %swap3A_133 {strides = array<i32>} : memref<128x128xf32, #tpu.memory_space<vmem>>, vector<1x16xf32>,
      %swap3A_134 = arith.index_cast %scan3A_123 : i32 to index
      %swap3A_135 = arith.constant 32 : index
      %swap3A_136 = tpu.vector_load %arg5[%swap3A_134, %swap3A_135] {strides = array<i32>} : memref<128x128xf32, #tpu.memory_space<vmem>>, vector<1x16xf32>,
      %swap3A_137 = vector.shape_cast %swap3A_136 : vector<1x16xf32> to vector<16xf32>
      %swap3A_138 = vector.shape_cast %broadcast_in_dim3A_29 : vector<16xf32> to vector<1x16xf32>
      tpu.vector_store %arg5[%swap3A_134, %swap3A_135], %swap3A_138 {strides = array<i32>} : memref<128x128xf32, #tpu.memory_space<vmem>>, vector<1x16xf32>,
      %swap3A_139 = arith.index_cast %scan3A_123 : i32 to index
      %swap3A_140 = arith.constant 48 : index
      %swap3A_141 = tpu.vector_load %arg5[%swap3A_139, %swap3A_140] {strides = array<i32>} : memref<128x128xf32, #tpu.memory_space<vmem>>, vector<1x16xf32>,
      %swap3A_142 = vector.shape_cast %swap3A_141 : vector<1x16xf32> to vector<16xf32>
      %swap3A_143 = vector.shape_cast %broadcast_in_dim3A_29 : vector<16xf32> to vector<1x16xf32>
      tpu.vector_store %arg5[%swap3A_139, %swap3A_140], %swap3A_143 {strides = array<i32>} : memref<128x128xf32, #tpu.memory_space<vmem>>, vector<1x16xf32>,
      %swap3A_144 = arith.index_cast %scan3A_123 : i32 to index
      %swap3A_145 = arith.constant 64 : index
      %swap3A_146 = tpu.vector_load %arg5[%swap3A_144, %swap3A_145] {strides = array<i32>} : memref<128x128xf32, #tpu.memory_space<vmem>>, vector<1x16xf32>,
      %swap3A_147 = vector.shape_cast %swap3A_146 : vector<1x16xf32> to vector<16xf32>
      %swap3A_148 = vector.shape_cast %broadcast_in_dim3A_29 : vector<16xf32> to vector<1x16xf32>
      tpu.vector_store %arg5[%swap3A_144, %swap3A_145], %swap3A_148 {strides = array<i32>} : memref<128x128xf32, #tpu.memory_space<vmem>>, vector<1x16xf32>,
      %swap3A_149 = arith.index_cast %scan3A_123 : i32 to index
      %swap3A_150 = arith.constant 80 : index
      %swap3A_151 = tpu.vector_load %arg5[%swap3A_149, %swap3A_150] {strides = array<i32>} : memref<128x128xf32, #tpu.memory_space<vmem>>, vector<1x16xf32>,
      %swap3A_152 = vector.shape_cast %swap3A_151 : vector<1x16xf32> to vector<16xf32>
      %swap3A_153 = vector.shape_cast %broadcast_in_dim3A_29 : vector<16xf32> to vector<1x16xf32>
      tpu.vector_store %arg5[%swap3A_149, %swap3A_150], %swap3A_153 {strides = array<i32>} : memref<128x128xf32, #tpu.memory_space<vmem>>, vector<1x16xf32>,
      %swap3A_154 = arith.index_cast %scan3A_123 : i32 to index
      %swap3A_155 = arith.constant 96 : index
      %swap3A_156 = tpu.vector_load %arg5[%swap3A_154, %swap3A_155] {strides = array<i32>} : memref<128x128xf32, #tpu.memory_space<vmem>>, vector<1x16xf32>,
      %swap3A_157 = vector.shape_cast %swap3A_156 : vector<1x16xf32> to vector<16xf32>
      %swap3A_158 = vector.shape_cast %broadcast_in_dim3A_29 : vector<16xf32> to vector<1x16xf32>
      tpu.vector_store %arg5[%swap3A_154, %swap3A_155], %swap3A_158 {strides = array<i32>} : memref<128x128xf32, #tpu.memory_space<vmem>>, vector<1x16xf32>,
      %swap3A_159 = arith.index_cast %scan3A_123 : i32 to index
      %swap3A_160 = arith.constant 112 : index
      %swap3A_161 = tpu.vector_load %arg5[%swap3A_159, %swap3A_160] {strides = array<i32>} : memref<128x128xf32, #tpu.memory_space<vmem>>, vector<1x16xf32>,
      %swap3A_162 = vector.shape_cast %swap3A_161 : vector<1x16xf32> to vector<16xf32>
      %swap3A_163 = vector.shape_cast %broadcast_in_dim3A_29 : vector<16xf32> to vector<1x16xf32>
      tpu.vector_store %arg5[%swap3A_159, %swap3A_160], %swap3A_163 {strides = array<i32>} : memref<128x128xf32, #tpu.memory_space<vmem>>, vector<1x16xf32>,
      %scan3A_164 = arith.constant 0 : i32
      scf.yield %scan3A_164 : i32
    }
    %scan3A_36 = arith.constant 128 : i32
    %mul3A_37 = arith.constant 10240 : i32
    %mul3A_38 = arith.muli %add3A, %mul3A_37 : i32
    %add3A_39 = arith.constant 0 : i32
    %add3A_40 = arith.addi %mul3A_38, %add3A_39 : i32
    %dma_start3A = arith.constant 0 : i32
    %dma_start3A_41 = arith.constant 0 : i32
    %dma_start3A_42 = tpu.memref_slice %arg4[%dma_start3A, %dma_start3A_41] : memref<2x128xi32, #tpu.memory_space<vmem>> -> memref<1x128xi32, #tpu.memory_space<vmem>>
    %dma_start3A_43 = tpu.memref_squeeze %dma_start3A_42 : memref<1x128xi32, #tpu.memory_space<vmem>> -> memref<128xi32, #tpu.memory_space<vmem>>
    %dma_start3A_44 = tpu.memref_slice %arg2[%add3A_40] : memref<327680xi32, #tpu.memory_space<hbm>> -> memref<128xi32, #tpu.memory_space<hbm>>
    %dma_start3A_45 = arith.constant 0 : i32
    %dma_start3A_46 = tpu.memref_slice %arg4[%dma_start3A, %dma_start3A_45] : memref<2x128xi32, #tpu.memory_space<vmem>> -> memref<1x128xi32, #tpu.memory_space<vmem>>
    %dma_start3A_47 = tpu.memref_squeeze %dma_start3A_46 : memref<1x128xi32, #tpu.memory_space<vmem>> -> memref<128xi32, #tpu.memory_space<vmem>>
    %dma_start3A_48 = tpu.memref_slice %arg2[%add3A_40] : memref<327680xi32, #tpu.memory_space<hbm>> -> memref<128xi32, #tpu.memory_space<hbm>>
    tpu.enqueue_dma source(%dma_start3A_48 : memref<128xi32, #tpu.memory_space<hbm>>) target(%dma_start3A_47 : memref<128xi32, #tpu.memory_space<vmem>>) target_semaphore(%arg7 : memref<!tpu.dma_semaphore, #tpu.memory_space<semaphore_mem>>)
    %add3A_49 = arith.constant 128 : i32
    %add3A_50 = arith.addi %mul3A_38, %add3A_49 : i32
    %dma_start3A_51 = arith.constant 1 : i32
    %dma_start3A_52 = arith.constant 0 : i32
    %dma_start3A_53 = tpu.memref_slice %arg4[%dma_start3A_51, %dma_start3A_52] : memref<2x128xi32, #tpu.memory_space<vmem>> -> memref<1x128xi32, #tpu.memory_space<vmem>>
    %dma_start3A_54 = tpu.memref_squeeze %dma_start3A_53 : memref<1x128xi32, #tpu.memory_space<vmem>> -> memref<128xi32, #tpu.memory_space<vmem>>
    %dma_start3A_55 = tpu.memref_slice %arg2[%add3A_50] : memref<327680xi32, #tpu.memory_space<hbm>> -> memref<128xi32, #tpu.memory_space<hbm>>
    %dma_start3A_56 = arith.constant 0 : i32
    %dma_start3A_57 = tpu.memref_slice %arg4[%dma_start3A_51, %dma_start3A_56] : memref<2x128xi32, #tpu.memory_space<vmem>> -> memref<1x128xi32, #tpu.memory_space<vmem>>
    %dma_start3A_58 = tpu.memref_squeeze %dma_start3A_57 : memref<1x128xi32, #tpu.memory_space<vmem>> -> memref<128xi32, #tpu.memory_space<vmem>>
    %dma_start3A_59 = tpu.memref_slice %arg2[%add3A_50] : memref<327680xi32, #tpu.memory_space<hbm>> -> memref<128xi32, #tpu.memory_space<hbm>>
    tpu.enqueue_dma source(%dma_start3A_59 : memref<128xi32, #tpu.memory_space<hbm>>) target(%dma_start3A_58 : memref<128xi32, #tpu.memory_space<vmem>>) target_semaphore(%arg8 : memref<!tpu.dma_semaphore, #tpu.memory_space<semaphore_mem>>)
    %scan3A_60 = arith.constant 0 : i32
    %scan3A_61 = arith.constant 0 : i32
    %scan3A_62 = arith.constant 40 : i32
    %scan3A_63 = arith.addi %scan3A_61, %scan3A_62 : i32
    %scan3A_64 = arith.constant 1 : i32
    %scan3A_65 = scf.for %scan3A_123 = %scan3A_61 to %scan3A_63 step %scan3A_64 iter_args(%scan3A_124 = %scan3A_60) -> (i32)  : i32 {
      %mul3A_125 = arith.constant 2 : i32
      %mul3A_126 = arith.muli %scan3A_123, %mul3A_125 : i32
      %add3A_127 = arith.constant 0 : i32
      %add3A_128 = arith.addi %mul3A_126, %add3A_127 : i32
      %mul3A_129 = arith.constant 128 : i32
      %mul3A_130 = arith.muli %add3A_128, %mul3A_129 : i32
      %add3A_131 = arith.addi %mul3A_38, %mul3A_130 : i32
      %dma_wait3A = arith.constant 0 : i32
      %dma_wait3A_132 = arith.constant 0 : i32
      %dma_wait3A_133 = tpu.memref_slice %arg4[%dma_wait3A, %dma_wait3A_132] : memref<2x128xi32, #tpu.memory_space<vmem>> -> memref<1x128xi32, #tpu.memory_space<vmem>>
      %dma_wait3A_134 = tpu.memref_squeeze %dma_wait3A_133 : memref<1x128xi32, #tpu.memory_space<vmem>> -> memref<128xi32, #tpu.memory_space<vmem>>
      %dma_wait3A_135 = tpu.memref_slice %arg2[%add3A_131] : memref<327680xi32, #tpu.memory_space<hbm>> -> memref<128xi32, #tpu.memory_space<hbm>>
      %dma_wait3A_136 = arith.constant 0 : i32
      %dma_wait3A_137 = tpu.memref_slice %arg4[%dma_wait3A, %dma_wait3A_136] : memref<2x128xi32, #tpu.memory_space<vmem>> -> memref<1x128xi32, #tpu.memory_space<vmem>>
      %dma_wait3A_138 = tpu.memref_squeeze %dma_wait3A_137 : memref<1x128xi32, #tpu.memory_space<vmem>> -> memref<128xi32, #tpu.memory_space<vmem>>
      %dma_wait3A_139 = tpu.memref_slice %arg2[%add3A_131] : memref<327680xi32, #tpu.memory_space<hbm>> -> memref<128xi32, #tpu.memory_space<hbm>>
      tpu.wait_dma2 semaphore(%arg7 : memref<!tpu.dma_semaphore, #tpu.memory_space<semaphore_mem>>) src(%dma_wait3A_139 : memref<128xi32, #tpu.memory_space<hbm>>) dst(%dma_wait3A_138 : memref<128xi32, #tpu.memory_space<vmem>>)
      %run_scoped3A = arith.constant 0 : i32
      "tpu.region"() ({
        %run_scoped3A_169 = tpu.sem_alloc : memref<!tpu.dma_semaphore, #tpu.memory_space<semaphore_mem>>
        %dma_start3A_170 = arith.constant 0 : i32
        %dma_start3A_171 = tpu.memref_slice %arg4[%run_scoped3A, %dma_start3A_170] : memref<2x128xi32, #tpu.memory_space<vmem>> -> memref<1x128xi32, #tpu.memory_space<vmem>>
        %dma_start3A_172 = tpu.memref_squeeze %dma_start3A_171 : memref<1x128xi32, #tpu.memory_space<vmem>> -> memref<128xi32, #tpu.memory_space<vmem>>
        %dma_start3A_173 = arith.constant 0 : i32
        %dma_start3A_174 = arith.constant 0 : i32
        %dma_start3A_175 = tpu.memref_slice %arg6[%dma_start3A_173, %dma_start3A_174] : memref<10240x128xf32, #tpu.memory_space<vmem_shared>> -> memref<10240x128xf32, #tpu.memory_space<vmem_shared>>
        tpu.enqueue_indirect_dma source(%arg5 : memref<128x128xf32, #tpu.memory_space<vmem>>) target(%dma_start3A_175 : memref<10240x128xf32, #tpu.memory_space<vmem_shared>>) offsets(%dma_start3A_172 : memref<128xi32, #tpu.memory_space<vmem>>) semaphore(%run_scoped3A_169 : memref<!tpu.dma_semaphore, #tpu.memory_space<semaphore_mem>>) {add = true}
        %dma_wait3A_176 = arith.constant 0 : i32
        %dma_wait3A_177 = tpu.memref_slice %arg4[%run_scoped3A, %dma_wait3A_176] : memref<2x128xi32, #tpu.memory_space<vmem>> -> memref<1x128xi32, #tpu.memory_space<vmem>>
        %dma_wait3A_178 = tpu.memref_squeeze %dma_wait3A_177 : memref<1x128xi32, #tpu.memory_space<vmem>> -> memref<128xi32, #tpu.memory_space<vmem>>
        %dma_wait3A_179 = arith.constant 0 : i32
        %dma_wait3A_180 = arith.constant 0 : i32
        %dma_wait3A_181 = tpu.memref_slice %arg6[%dma_wait3A_179, %dma_wait3A_180] : memref<10240x128xf32, #tpu.memory_space<vmem_shared>> -> memref<10240x128xf32, #tpu.memory_space<vmem_shared>>
        tpu.wait_indirect_dma semaphore(%run_scoped3A_169 : memref<!tpu.dma_semaphore, #tpu.memory_space<semaphore_mem>>) src(%arg5 : memref<128x128xf32, #tpu.memory_space<vmem>>) dst(%dma_wait3A_181 : memref<10240x128xf32, #tpu.memory_space<vmem_shared>>)
        tpu.yield
      }) : () -> ()
      %add3A_140 = arith.constant 2 : i32
      %add3A_141 = arith.addi %add3A_128, %add3A_140 : i32
      %lt3A = arith.constant 80 : i32
      %lt3A_142 = arith.cmpi slt, %add3A_141, %lt3A : i32
      %convert_element_type3A = arith.extui %lt3A_142 : i1 to i32
      %cond3A = arith.constant 0 : i32
      %cond3A_143 = arith.cmpi ne, %convert_element_type3A, %cond3A : i32
      scf.if %cond3A_143 {
        %mul3A_169 = arith.constant 128 : i32
        %mul3A_170 = arith.muli %add3A_141, %mul3A_169 : i32
        %add3A_171 = arith.addi %mul3A_38, %mul3A_170 : i32
        %dma_start3A_172 = arith.constant 0 : i32
        %dma_start3A_173 = arith.constant 0 : i32
        %dma_start3A_174 = tpu.memref_slice %arg4[%dma_start3A_172, %dma_start3A_173] : memref<2x128xi32, #tpu.memory_space<vmem>> -> memref<1x128xi32, #tpu.memory_space<vmem>>
        %dma_start3A_175 = tpu.memref_squeeze %dma_start3A_174 : memref<1x128xi32, #tpu.memory_space<vmem>> -> memref<128xi32, #tpu.memory_space<vmem>>
        %dma_start3A_176 = tpu.memref_slice %arg2[%add3A_171] : memref<327680xi32, #tpu.memory_space<hbm>> -> memref<128xi32, #tpu.memory_space<hbm>>
        %dma_start3A_177 = arith.constant 0 : i32
        %dma_start3A_178 = tpu.memref_slice %arg4[%dma_start3A_172, %dma_start3A_177] : memref<2x128xi32, #tpu.memory_space<vmem>> -> memref<1x128xi32, #tpu.memory_space<vmem>>
        %dma_start3A_179 = tpu.memref_squeeze %dma_start3A_178 : memref<1x128xi32, #tpu.memory_space<vmem>> -> memref<128xi32, #tpu.memory_space<vmem>>
        %dma_start3A_180 = tpu.memref_slice %arg2[%add3A_171] : memref<327680xi32, #tpu.memory_space<hbm>> -> memref<128xi32, #tpu.memory_space<hbm>>
        tpu.enqueue_dma source(%dma_start3A_180 : memref<128xi32, #tpu.memory_space<hbm>>) target(%dma_start3A_179 : memref<128xi32, #tpu.memory_space<vmem>>) target_semaphore(%arg7 : memref<!tpu.dma_semaphore, #tpu.memory_space<semaphore_mem>>)
      } else {
      }
      %mul3A_144 = arith.constant 2 : i32
      %mul3A_145 = arith.muli %scan3A_123, %mul3A_144 : i32
      %add3A_146 = arith.constant 1 : i32
      %add3A_147 = arith.addi %mul3A_145, %add3A_146 : i32
      %mul3A_148 = arith.constant 128 : i32
      %mul3A_149 = arith.muli %add3A_147, %mul3A_148 : i32
      %add3A_150 = arith.addi %mul3A_38, %mul3A_149 : i32
      %dma_wait3A_151 = arith.constant 1 : i32
      %dma_wait3A_152 = arith.constant 0 : i32
      %dma_wait3A_153 = tpu.memref_slice %arg4[%dma_wait3A_151, %dma_wait3A_152] : memref<2x128xi32, #tpu.memory_space<vmem>> -> memref<1x128xi32, #tpu.memory_space<vmem>>
      %dma_wait3A_154 = tpu.memref_squeeze %dma_wait3A_153 : memref<1x128xi32, #tpu.memory_space<vmem>> -> memref<128xi32, #tpu.memory_space<vmem>>
      %dma_wait3A_155 = tpu.memref_slice %arg2[%add3A_150] : memref<327680xi32, #tpu.memory_space<hbm>> -> memref<128xi32, #tpu.memory_space<hbm>>
      %dma_wait3A_156 = arith.constant 0 : i32
      %dma_wait3A_157 = tpu.memref_slice %arg4[%dma_wait3A_151, %dma_wait3A_156] : memref<2x128xi32, #tpu.memory_space<vmem>> -> memref<1x128xi32, #tpu.memory_space<vmem>>
      %dma_wait3A_158 = tpu.memref_squeeze %dma_wait3A_157 : memref<1x128xi32, #tpu.memory_space<vmem>> -> memref<128xi32, #tpu.memory_space<vmem>>
      %dma_wait3A_159 = tpu.memref_slice %arg2[%add3A_150] : memref<327680xi32, #tpu.memory_space<hbm>> -> memref<128xi32, #tpu.memory_space<hbm>>
      tpu.wait_dma2 semaphore(%arg8 : memref<!tpu.dma_semaphore, #tpu.memory_space<semaphore_mem>>) src(%dma_wait3A_159 : memref<128xi32, #tpu.memory_space<hbm>>) dst(%dma_wait3A_158 : memref<128xi32, #tpu.memory_space<vmem>>)
      %run_scoped3A_160 = arith.constant 1 : i32
      "tpu.region"() ({
        %run_scoped3A_169 = tpu.sem_alloc : memref<!tpu.dma_semaphore, #tpu.memory_space<semaphore_mem>>
        %dma_start3A_170 = arith.constant 0 : i32
        %dma_start3A_171 = tpu.memref_slice %arg4[%run_scoped3A_160, %dma_start3A_170] : memref<2x128xi32, #tpu.memory_space<vmem>> -> memref<1x128xi32, #tpu.memory_space<vmem>>
        %dma_start3A_172 = tpu.memref_squeeze %dma_start3A_171 : memref<1x128xi32, #tpu.memory_space<vmem>> -> memref<128xi32, #tpu.memory_space<vmem>>
        %dma_start3A_173 = arith.constant 0 : i32
        %dma_start3A_174 = arith.constant 0 : i32
        %dma_start3A_175 = tpu.memref_slice %arg6[%dma_start3A_173, %dma_start3A_174] : memref<10240x128xf32, #tpu.memory_space<vmem_shared>> -> memref<10240x128xf32, #tpu.memory_space<vmem_shared>>
        tpu.enqueue_indirect_dma source(%arg5 : memref<128x128xf32, #tpu.memory_space<vmem>>) target(%dma_start3A_175 : memref<10240x128xf32, #tpu.memory_space<vmem_shared>>) offsets(%dma_start3A_172 : memref<128xi32, #tpu.memory_space<vmem>>) semaphore(%run_scoped3A_169 : memref<!tpu.dma_semaphore, #tpu.memory_space<semaphore_mem>>) {add = true}
        %dma_wait3A_176 = arith.constant 0 : i32
        %dma_wait3A_177 = tpu.memref_slice %arg4[%run_scoped3A_160, %dma_wait3A_176] : memref<2x128xi32, #tpu.memory_space<vmem>> -> memref<1x128xi32, #tpu.memory_space<vmem>>
        %dma_wait3A_178 = tpu.memref_squeeze %dma_wait3A_177 : memref<1x128xi32, #tpu.memory_space<vmem>> -> memref<128xi32, #tpu.memory_space<vmem>>
        %dma_wait3A_179 = arith.constant 0 : i32
        %dma_wait3A_180 = arith.constant 0 : i32
        %dma_wait3A_181 = tpu.memref_slice %arg6[%dma_wait3A_179, %dma_wait3A_180] : memref<10240x128xf32, #tpu.memory_space<vmem_shared>> -> memref<10240x128xf32, #tpu.memory_space<vmem_shared>>
        tpu.wait_indirect_dma semaphore(%run_scoped3A_169 : memref<!tpu.dma_semaphore, #tpu.memory_space<semaphore_mem>>) src(%arg5 : memref<128x128xf32, #tpu.memory_space<vmem>>) dst(%dma_wait3A_181 : memref<10240x128xf32, #tpu.memory_space<vmem_shared>>)
        tpu.yield
      }) : () -> ()
      %add3A_161 = arith.constant 2 : i32
      %add3A_162 = arith.addi %add3A_147, %add3A_161 : i32
      %lt3A_163 = arith.constant 80 : i32
      %lt3A_164 = arith.cmpi slt, %add3A_162, %lt3A_163 : i32
      %convert_element_type3A_165 = arith.extui %lt3A_164 : i1 to i32
      %cond3A_166 = arith.constant 0 : i32
      %cond3A_167 = arith.cmpi ne, %convert_element_type3A_165, %cond3A_166 : i32
      scf.if %cond3A_167 {
        %mul3A_169 = arith.constant 128 : i32
        %mul3A_170 = arith.muli %add3A_162, %mul3A_169 : i32
        %add3A_171 = arith.addi %mul3A_38, %mul3A_170 : i32
        %dma_start3A_172 = arith.constant 1 : i32
        %dma_start3A_173 = arith.constant 0 : i32
        %dma_start3A_174 = tpu.memref_slice %arg4[%dma_start3A_172, %dma_start3A_173] : memref<2x128xi32, #tpu.memory_space<vmem>> -> memref<1x128xi32, #tpu.memory_space<vmem>>
        %dma_start3A_175 = tpu.memref_squeeze %dma_start3A_174 : memref<1x128xi32, #tpu.memory_space<vmem>> -> memref<128xi32, #tpu.memory_space<vmem>>
        %dma_start3A_176 = tpu.memref_slice %arg2[%add3A_171] : memref<327680xi32, #tpu.memory_space<hbm>> -> memref<128xi32, #tpu.memory_space<hbm>>
        %dma_start3A_177 = arith.constant 0 : i32
        %dma_start3A_178 = tpu.memref_slice %arg4[%dma_start3A_172, %dma_start3A_177] : memref<2x128xi32, #tpu.memory_space<vmem>> -> memref<1x128xi32, #tpu.memory_space<vmem>>
        %dma_start3A_179 = tpu.memref_squeeze %dma_start3A_178 : memref<1x128xi32, #tpu.memory_space<vmem>> -> memref<128xi32, #tpu.memory_space<vmem>>
        %dma_start3A_180 = tpu.memref_slice %arg2[%add3A_171] : memref<327680xi32, #tpu.memory_space<hbm>> -> memref<128xi32, #tpu.memory_space<hbm>>
        tpu.enqueue_dma source(%dma_start3A_180 : memref<128xi32, #tpu.memory_space<hbm>>) target(%dma_start3A_179 : memref<128xi32, #tpu.memory_space<vmem>>) target_semaphore(%arg8 : memref<!tpu.dma_semaphore, #tpu.memory_space<semaphore_mem>>)
      } else {
      }
      %scan3A_168 = arith.constant 0 : i32
      scf.yield %scan3A_168 : i32
    }
    %scan3A_66 = arith.constant 40 : i32
    %barrier3A_67 = arith.constant 0 : index
    tpu.barrier barrier_id(%barrier3A_67)
    %mul3A_68 = arith.constant 640 : i32
    %mul3A_69 = arith.muli %arg1, %mul3A_68 : i32
    %add3A_70 = arith.constant 0 : i32
    %add3A_71 = arith.addi %mul3A_69, %add3A_70 : i32
    %mul3A_72 = arith.constant 10240 : i32
    %mul3A_73 = arith.muli %arg0, %mul3A_72 : i32
    %mul3A_74 = arith.constant 640 : i32
    %mul3A_75 = arith.muli %arg1, %mul3A_74 : i32
    %add3A_76 = arith.addi %mul3A_73, %mul3A_75 : i32
    %add3A_77 = arith.constant 0 : i32
    %add3A_78 = arith.addi %add3A_76, %add3A_77 : i32
    "tpu.region"() ({
      %run_scoped3A = tpu.sem_alloc : memref<!tpu.dma_semaphore, #tpu.memory_space<semaphore_mem>>
      %dma_start3A_123 = arith.constant 0 : i32
      %dma_start3A_124 = tpu.memref_slice %arg3[%add3A_78, %dma_start3A_123] : memref<20480x128xf32, #tpu.memory_space<hbm>> -> memref<128x128xf32, #tpu.memory_space<hbm>>
      %dma_start3A_125 = arith.constant 0 : i32
      %dma_start3A_126 = tpu.memref_slice %arg6[%add3A_71, %dma_start3A_125] : memref<10240x128xf32, #tpu.memory_space<vmem_shared>> -> memref<128x128xf32, #tpu.memory_space<vmem_shared>>
      tpu.enqueue_dma source(%dma_start3A_126 : memref<128x128xf32, #tpu.memory_space<vmem_shared>>) target(%dma_start3A_124 : memref<128x128xf32, #tpu.memory_space<hbm>>) target_semaphore(%run_scoped3A : memref<!tpu.dma_semaphore, #tpu.memory_space<semaphore_mem>>)
      %dma_wait3A = arith.constant 0 : i32
      %dma_wait3A_127 = tpu.memref_slice %arg3[%add3A_78, %dma_wait3A] : memref<20480x128xf32, #tpu.memory_space<hbm>> -> memref<128x128xf32, #tpu.memory_space<hbm>>
      %dma_wait3A_128 = arith.constant 0 : i32
      %dma_wait3A_129 = tpu.memref_slice %arg6[%add3A_71, %dma_wait3A_128] : memref<10240x128xf32, #tpu.memory_space<vmem_shared>> -> memref<128x128xf32, #tpu.memory_space<vmem_shared>>
      tpu.wait_dma2 semaphore(%run_scoped3A : memref<!tpu.dma_semaphore, #tpu.memory_space<semaphore_mem>>) src(%dma_wait3A_129 : memref<128x128xf32, #tpu.memory_space<vmem_shared>>) dst(%dma_wait3A_127 : memref<128x128xf32, #tpu.memory_space<hbm>>)
      tpu.yield
    }) : () -> ()
    %mul3A_79 = arith.constant 640 : i32
    %mul3A_80 = arith.muli %arg1, %mul3A_79 : i32
    %add3A_81 = arith.constant 128 : i32
    %add3A_82 = arith.addi %mul3A_80, %add3A_81 : i32
    %mul3A_83 = arith.constant 10240 : i32
    %mul3A_84 = arith.muli %arg0, %mul3A_83 : i32
    %mul3A_85 = arith.constant 640 : i32
    %mul3A_86 = arith.muli %arg1, %mul3A_85 : i32
    %add3A_87 = arith.addi %mul3A_84, %mul3A_86 : i32
    %add3A_88 = arith.constant 128 : i32
    %add3A_89 = arith.addi %add3A_87, %add3A_88 : i32
    "tpu.region"() ({
      %run_scoped3A = tpu.sem_alloc : memref<!tpu.dma_semaphore, #tpu.memory_space<semaphore_mem>>
      %dma_start3A_123 = arith.constant 0 : i32
      %dma_start3A_124 = tpu.memref_slice %arg3[%add3A_89, %dma_start3A_123] : memref<20480x128xf32, #tpu.memory_space<hbm>> -> memref<128x128xf32, #tpu.memory_space<hbm>>
      %dma_start3A_125 = arith.constant 0 : i32
      %dma_start3A_126 = tpu.memref_slice %arg6[%add3A_82, %dma_start3A_125] : memref<10240x128xf32, #tpu.memory_space<vmem_shared>> -> memref<128x128xf32, #tpu.memory_space<vmem_shared>>
      tpu.enqueue_dma source(%dma_start3A_126 : memref<128x128xf32, #tpu.memory_space<vmem_shared>>) target(%dma_start3A_124 : memref<128x128xf32, #tpu.memory_space<hbm>>) target_semaphore(%run_scoped3A : memref<!tpu.dma_semaphore, #tpu.memory_space<semaphore_mem>>)
      %dma_wait3A = arith.constant 0 : i32
      %dma_wait3A_127 = tpu.memref_slice %arg3[%add3A_89, %dma_wait3A] : memref<20480x128xf32, #tpu.memory_space<hbm>> -> memref<128x128xf32, #tpu.memory_space<hbm>>
      %dma_wait3A_128 = arith.constant 0 : i32
      %dma_wait3A_129 = tpu.memref_slice %arg6[%add3A_82, %dma_wait3A_128] : memref<10240x128xf32, #tpu.memory_space<vmem_shared>> -> memref<128x128xf32, #tpu.memory_space<vmem_shared>>
      tpu.wait_dma2 semaphore(%run_scoped3A : memref<!tpu.dma_semaphore, #tpu.memory_space<semaphore_mem>>) src(%dma_wait3A_129 : memref<128x128xf32, #tpu.memory_space<vmem_shared>>) dst(%dma_wait3A_127 : memref<128x128xf32, #tpu.memory_space<hbm>>)
      tpu.yield
    }) : () -> ()
    %mul3A_90 = arith.constant 640 : i32
    %mul3A_91 = arith.muli %arg1, %mul3A_90 : i32
    %add3A_92 = arith.constant 256 : i32
    %add3A_93 = arith.addi %mul3A_91, %add3A_92 : i32
    %mul3A_94 = arith.constant 10240 : i32
    %mul3A_95 = arith.muli %arg0, %mul3A_94 : i32
    %mul3A_96 = arith.constant 640 : i32
    %mul3A_97 = arith.muli %arg1, %mul3A_96 : i32
    %add3A_98 = arith.addi %mul3A_95, %mul3A_97 : i32
    %add3A_99 = arith.constant 256 : i32
    %add3A_100 = arith.addi %add3A_98, %add3A_99 : i32
    "tpu.region"() ({
      %run_scoped3A = tpu.sem_alloc : memref<!tpu.dma_semaphore, #tpu.memory_space<semaphore_mem>>
      %dma_start3A_123 = arith.constant 0 : i32
      %dma_start3A_124 = tpu.memref_slice %arg3[%add3A_100, %dma_start3A_123] : memref<20480x128xf32, #tpu.memory_space<hbm>> -> memref<128x128xf32, #tpu.memory_space<hbm>>
      %dma_start3A_125 = arith.constant 0 : i32
      %dma_start3A_126 = tpu.memref_slice %arg6[%add3A_93, %dma_start3A_125] : memref<10240x128xf32, #tpu.memory_space<vmem_shared>> -> memref<128x128xf32, #tpu.memory_space<vmem_shared>>
      tpu.enqueue_dma source(%dma_start3A_126 : memref<128x128xf32, #tpu.memory_space<vmem_shared>>) target(%dma_start3A_124 : memref<128x128xf32, #tpu.memory_space<hbm>>) target_semaphore(%run_scoped3A : memref<!tpu.dma_semaphore, #tpu.memory_space<semaphore_mem>>)
      %dma_wait3A = arith.constant 0 : i32
      %dma_wait3A_127 = tpu.memref_slice %arg3[%add3A_100, %dma_wait3A] : memref<20480x128xf32, #tpu.memory_space<hbm>> -> memref<128x128xf32, #tpu.memory_space<hbm>>
      %dma_wait3A_128 = arith.constant 0 : i32
      %dma_wait3A_129 = tpu.memref_slice %arg6[%add3A_93, %dma_wait3A_128] : memref<10240x128xf32, #tpu.memory_space<vmem_shared>> -> memref<128x128xf32, #tpu.memory_space<vmem_shared>>
      tpu.wait_dma2 semaphore(%run_scoped3A : memref<!tpu.dma_semaphore, #tpu.memory_space<semaphore_mem>>) src(%dma_wait3A_129 : memref<128x128xf32, #tpu.memory_space<vmem_shared>>) dst(%dma_wait3A_127 : memref<128x128xf32, #tpu.memory_space<hbm>>)
      tpu.yield
    }) : () -> ()
    %mul3A_101 = arith.constant 640 : i32
    %mul3A_102 = arith.muli %arg1, %mul3A_101 : i32
    %add3A_103 = arith.constant 384 : i32
    %add3A_104 = arith.addi %mul3A_102, %add3A_103 : i32
    %mul3A_105 = arith.constant 10240 : i32
    %mul3A_106 = arith.muli %arg0, %mul3A_105 : i32
    %mul3A_107 = arith.constant 640 : i32
    %mul3A_108 = arith.muli %arg1, %mul3A_107 : i32
    %add3A_109 = arith.addi %mul3A_106, %mul3A_108 : i32
    %add3A_110 = arith.constant 384 : i32
    %add3A_111 = arith.addi %add3A_109, %add3A_110 : i32
    "tpu.region"() ({
      %run_scoped3A = tpu.sem_alloc : memref<!tpu.dma_semaphore, #tpu.memory_space<semaphore_mem>>
      %dma_start3A_123 = arith.constant 0 : i32
      %dma_start3A_124 = tpu.memref_slice %arg3[%add3A_111, %dma_start3A_123] : memref<20480x128xf32, #tpu.memory_space<hbm>> -> memref<128x128xf32, #tpu.memory_space<hbm>>
      %dma_start3A_125 = arith.constant 0 : i32
      %dma_start3A_126 = tpu.memref_slice %arg6[%add3A_104, %dma_start3A_125] : memref<10240x128xf32, #tpu.memory_space<vmem_shared>> -> memref<128x128xf32, #tpu.memory_space<vmem_shared>>
      tpu.enqueue_dma source(%dma_start3A_126 : memref<128x128xf32, #tpu.memory_space<vmem_shared>>) target(%dma_start3A_124 : memref<128x128xf32, #tpu.memory_space<hbm>>) target_semaphore(%run_scoped3A : memref<!tpu.dma_semaphore, #tpu.memory_space<semaphore_mem>>)
      %dma_wait3A = arith.constant 0 : i32
      %dma_wait3A_127 = tpu.memref_slice %arg3[%add3A_111, %dma_wait3A] : memref<20480x128xf32, #tpu.memory_space<hbm>> -> memref<128x128xf32, #tpu.memory_space<hbm>>
      %dma_wait3A_128 = arith.constant 0 : i32
      %dma_wait3A_129 = tpu.memref_slice %arg6[%add3A_104, %dma_wait3A_128] : memref<10240x128xf32, #tpu.memory_space<vmem_shared>> -> memref<128x128xf32, #tpu.memory_space<vmem_shared>>
      tpu.wait_dma2 semaphore(%run_scoped3A : memref<!tpu.dma_semaphore, #tpu.memory_space<semaphore_mem>>) src(%dma_wait3A_129 : memref<128x128xf32, #tpu.memory_space<vmem_shared>>) dst(%dma_wait3A_127 : memref<128x128xf32, #tpu.memory_space<hbm>>)
      tpu.yield
    }) : () -> ()
    %mul3A_112 = arith.constant 640 : i32
    %mul3A_113 = arith.muli %arg1, %mul3A_112 : i32
    %add3A_114 = arith.constant 512 : i32
    %add3A_115 = arith.addi %mul3A_113, %add3A_114 : i32
    %mul3A_116 = arith.constant 10240 : i32
    %mul3A_117 = arith.muli %arg0, %mul3A_116 : i32
    %mul3A_118 = arith.constant 640 : i32
    %mul3A_119 = arith.muli %arg1, %mul3A_118 : i32
    %add3A_120 = arith.addi %mul3A_117, %mul3A_119 : i32
    %add3A_121 = arith.constant 512 : i32
    %add3A_122 = arith.addi %add3A_120, %add3A_121 : i32
    "tpu.region"() ({
      %run_scoped3A = tpu.sem_alloc : memref<!tpu.dma_semaphore, #tpu.memory_space<semaphore_mem>>
      %dma_start3A_123 = arith.constant 0 : i32
      %dma_start3A_124 = tpu.memref_slice %arg3[%add3A_122, %dma_start3A_123] : memref<20480x128xf32, #tpu.memory_space<hbm>> -> memref<128x128xf32, #tpu.memory_space<hbm>>
      %dma_start3A_125 = arith.constant 0 : i32
      %dma_start3A_126 = tpu.memref_slice %arg6[%add3A_115, %dma_start3A_125] : memref<10240x128xf32, #tpu.memory_space<vmem_shared>> -> memref<128x128xf32, #tpu.memory_space<vmem_shared>>
      tpu.enqueue_dma source(%dma_start3A_126 : memref<128x128xf32, #tpu.memory_space<vmem_shared>>) target(%dma_start3A_124 : memref<128x128xf32, #tpu.memory_space<hbm>>) target_semaphore(%run_scoped3A : memref<!tpu.dma_semaphore, #tpu.memory_space<semaphore_mem>>)
      %dma_wait3A = arith.constant 0 : i32
      %dma_wait3A_127 = tpu.memref_slice %arg3[%add3A_122, %dma_wait3A] : memref<20480x128xf32, #tpu.memory_space<hbm>> -> memref<128x128xf32, #tpu.memory_space<hbm>>
      %dma_wait3A_128 = arith.constant 0 : i32
      %dma_wait3A_129 = tpu.memref_slice %arg6[%add3A_115, %dma_wait3A_128] : memref<10240x128xf32, #tpu.memory_space<vmem_shared>> -> memref<128x128xf32, #tpu.memory_space<vmem_shared>>
      tpu.wait_dma2 semaphore(%run_scoped3A : memref<!tpu.dma_semaphore, #tpu.memory_space<semaphore_mem>>) src(%dma_wait3A_129 : memref<128x128xf32, #tpu.memory_space<vmem_shared>>) dst(%dma_wait3A_127 : memref<128x128xf32, #tpu.memory_space<hbm>>)
      tpu.yield
    }) : () -> ()
    return
  }
}

#map = affine_map<(d0, d1) -> (0, 0)>
#map1 = affine_map<(d0, d1) -> (0)>
module attributes {stable_mosaic.version = 14 : i64} {
  func.func @_agg_body(%arg0: i32, %arg1: i32, %arg2: memref<10000x128xf32, #tpu.memory_space<hbm>>, %arg3: memref<327680xi32, #tpu.memory_space<hbm>>, %arg4: memref<327680xi32, #tpu.memory_space<hbm>>, %arg5: memref<20480x128xf32, #tpu.memory_space<hbm>>, %arg6: memref<8x64xi32, #tpu.memory_space<vmem>>, %arg7: memref<8x64xi32, #tpu.memory_space<vmem>>, %arg8: memref<64x128xf32, #tpu.memory_space<vmem>>, %arg9: memref<64x128xf32, #tpu.memory_space<vmem>>, %arg10: memref<64x128xf32, #tpu.memory_space<vmem>>, %arg11: memref<64x128xf32, #tpu.memory_space<vmem>>, %arg12: memref<10240x128xf32, #tpu.memory_space<vmem_shared>>, %arg13: memref<!tpu.dma_semaphore, #tpu.memory_space<semaphore_mem>>, %arg14: memref<!tpu.dma_semaphore, #tpu.memory_space<semaphore_mem>>, %arg15: memref<!tpu.dma_semaphore, #tpu.memory_space<semaphore_mem>>, %arg16: memref<!tpu.dma_semaphore, #tpu.memory_space<semaphore_mem>>, %arg17: memref<!tpu.dma_semaphore, #tpu.memory_space<semaphore_mem>>, %arg18: memref<!tpu.dma_semaphore, #tpu.memory_space<semaphore_mem>>, %arg19: memref<!tpu.dma_semaphore, #tpu.memory_space<semaphore_mem>>, %arg20: memref<!tpu.dma_semaphore, #tpu.memory_space<semaphore_mem>>, %arg21: memref<!tpu.dma_semaphore, #tpu.memory_space<semaphore_mem>>, %arg22: memref<!tpu.dma_semaphore, #tpu.memory_space<semaphore_mem>>, %arg23: memref<!tpu.dma_semaphore, #tpu.memory_space<semaphore_mem>>, %arg24: memref<!tpu.dma_semaphore, #tpu.memory_space<semaphore_mem>>) attributes {dimension_semantics = [#tpu.dimension_semantics<core_parallel>, #tpu.dimension_semantics<subcore_parallel>], iteration_bounds = array<i64: 2, 16>, scalar_prefetch = 0 : i64, scratch_operands = 19 : i64, tpu.core_type = #tpu.core_type<sc_vector_subcore>, window_params = [{transform_indices = #map}, {transform_indices = #map1}, {transform_indices = #map1}, {transform_indices = #map}]} {
    %mul3A = arith.constant 16 : i32
    %mul3A_0 = arith.muli %arg0, %mul3A : i32
    %add3A = arith.addi %mul3A_0, %arg1 : i32
    %broadcast_in_dim3A = arith.constant 0.000000e+00 : f32
    %broadcast_in_dim3A_1 = vector.broadcast %broadcast_in_dim3A : f32 to vector<16xf32>
    %scan3A = arith.constant 0 : i32
    %scan3A_2 = arith.constant 0 : i32
    %scan3A_3 = arith.constant 64 : i32
    %scan3A_4 = arith.addi %scan3A_2, %scan3A_3 : i32
    %scan3A_5 = arith.constant 1 : i32
    %scan3A_6 = scf.for %scan3A_403 = %scan3A_2 to %scan3A_4 step %scan3A_5 iter_args(%scan3A_404 = %scan3A) -> (i32)  : i32 {
      %swap3A = arith.index_cast %scan3A_403 : i32 to index
      %swap3A_405 = arith.constant 0 : index
      %swap3A_406 = tpu.vector_load %arg8[%swap3A, %swap3A_405] {strides = array<i32>} : memref<64x128xf32, #tpu.memory_space<vmem>>, vector<1x16xf32>,
      %swap3A_407 = vector.shape_cast %swap3A_406 : vector<1x16xf32> to vector<16xf32>
      %swap3A_408 = vector.shape_cast %broadcast_in_dim3A_1 : vector<16xf32> to vector<1x16xf32>
      tpu.vector_store %arg8[%swap3A, %swap3A_405], %swap3A_408 {strides = array<i32>} : memref<64x128xf32, #tpu.memory_space<vmem>>, vector<1x16xf32>,
      %swap3A_409 = arith.index_cast %scan3A_403 : i32 to index
      %swap3A_410 = arith.constant 16 : index
      %swap3A_411 = tpu.vector_load %arg8[%swap3A_409, %swap3A_410] {strides = array<i32>} : memref<64x128xf32, #tpu.memory_space<vmem>>, vector<1x16xf32>,
      %swap3A_412 = vector.shape_cast %swap3A_411 : vector<1x16xf32> to vector<16xf32>
      %swap3A_413 = vector.shape_cast %broadcast_in_dim3A_1 : vector<16xf32> to vector<1x16xf32>
      tpu.vector_store %arg8[%swap3A_409, %swap3A_410], %swap3A_413 {strides = array<i32>} : memref<64x128xf32, #tpu.memory_space<vmem>>, vector<1x16xf32>,
      %swap3A_414 = arith.index_cast %scan3A_403 : i32 to index
      %swap3A_415 = arith.constant 32 : index
      %swap3A_416 = tpu.vector_load %arg8[%swap3A_414, %swap3A_415] {strides = array<i32>} : memref<64x128xf32, #tpu.memory_space<vmem>>, vector<1x16xf32>,
      %swap3A_417 = vector.shape_cast %swap3A_416 : vector<1x16xf32> to vector<16xf32>
      %swap3A_418 = vector.shape_cast %broadcast_in_dim3A_1 : vector<16xf32> to vector<1x16xf32>
      tpu.vector_store %arg8[%swap3A_414, %swap3A_415], %swap3A_418 {strides = array<i32>} : memref<64x128xf32, #tpu.memory_space<vmem>>, vector<1x16xf32>,
      %swap3A_419 = arith.index_cast %scan3A_403 : i32 to index
      %swap3A_420 = arith.constant 48 : index
      %swap3A_421 = tpu.vector_load %arg8[%swap3A_419, %swap3A_420] {strides = array<i32>} : memref<64x128xf32, #tpu.memory_space<vmem>>, vector<1x16xf32>,
      %swap3A_422 = vector.shape_cast %swap3A_421 : vector<1x16xf32> to vector<16xf32>
      %swap3A_423 = vector.shape_cast %broadcast_in_dim3A_1 : vector<16xf32> to vector<1x16xf32>
      tpu.vector_store %arg8[%swap3A_419, %swap3A_420], %swap3A_423 {strides = array<i32>} : memref<64x128xf32, #tpu.memory_space<vmem>>, vector<1x16xf32>,
      %swap3A_424 = arith.index_cast %scan3A_403 : i32 to index
      %swap3A_425 = arith.constant 64 : index
      %swap3A_426 = tpu.vector_load %arg8[%swap3A_424, %swap3A_425] {strides = array<i32>} : memref<64x128xf32, #tpu.memory_space<vmem>>, vector<1x16xf32>,
      %swap3A_427 = vector.shape_cast %swap3A_426 : vector<1x16xf32> to vector<16xf32>
      %swap3A_428 = vector.shape_cast %broadcast_in_dim3A_1 : vector<16xf32> to vector<1x16xf32>
      tpu.vector_store %arg8[%swap3A_424, %swap3A_425], %swap3A_428 {strides = array<i32>} : memref<64x128xf32, #tpu.memory_space<vmem>>, vector<1x16xf32>,
      %swap3A_429 = arith.index_cast %scan3A_403 : i32 to index
      %swap3A_430 = arith.constant 80 : index
      %swap3A_431 = tpu.vector_load %arg8[%swap3A_429, %swap3A_430] {strides = array<i32>} : memref<64x128xf32, #tpu.memory_space<vmem>>, vector<1x16xf32>,
      %swap3A_432 = vector.shape_cast %swap3A_431 : vector<1x16xf32> to vector<16xf32>
      %swap3A_433 = vector.shape_cast %broadcast_in_dim3A_1 : vector<16xf32> to vector<1x16xf32>
      tpu.vector_store %arg8[%swap3A_429, %swap3A_430], %swap3A_433 {strides = array<i32>} : memref<64x128xf32, #tpu.memory_space<vmem>>, vector<1x16xf32>,
      %swap3A_434 = arith.index_cast %scan3A_403 : i32 to index
      %swap3A_435 = arith.constant 96 : index
      %swap3A_436 = tpu.vector_load %arg8[%swap3A_434, %swap3A_435] {strides = array<i32>} : memref<64x128xf32, #tpu.memory_space<vmem>>, vector<1x16xf32>,
      %swap3A_437 = vector.shape_cast %swap3A_436 : vector<1x16xf32> to vector<16xf32>
      %swap3A_438 = vector.shape_cast %broadcast_in_dim3A_1 : vector<16xf32> to vector<1x16xf32>
      tpu.vector_store %arg8[%swap3A_434, %swap3A_435], %swap3A_438 {strides = array<i32>} : memref<64x128xf32, #tpu.memory_space<vmem>>, vector<1x16xf32>,
      %swap3A_439 = arith.index_cast %scan3A_403 : i32 to index
      %swap3A_440 = arith.constant 112 : index
      %swap3A_441 = tpu.vector_load %arg8[%swap3A_439, %swap3A_440] {strides = array<i32>} : memref<64x128xf32, #tpu.memory_space<vmem>>, vector<1x16xf32>,
      %swap3A_442 = vector.shape_cast %swap3A_441 : vector<1x16xf32> to vector<16xf32>
      %swap3A_443 = vector.shape_cast %broadcast_in_dim3A_1 : vector<16xf32> to vector<1x16xf32>
      tpu.vector_store %arg8[%swap3A_439, %swap3A_440], %swap3A_443 {strides = array<i32>} : memref<64x128xf32, #tpu.memory_space<vmem>>, vector<1x16xf32>,
      %scan3A_444 = arith.constant 0 : i32
      scf.yield %scan3A_444 : i32
    }
    %scan3A_7 = arith.constant 64 : i32
    %mul3A_8 = arith.constant 640 : i32
    %mul3A_9 = arith.muli %arg1, %mul3A_8 : i32
    %add3A_10 = arith.constant 0 : i32
    %add3A_11 = arith.addi %mul3A_9, %add3A_10 : i32
    "tpu.region"() ({
      %run_scoped3A = tpu.sem_alloc : memref<!tpu.dma_semaphore, #tpu.memory_space<semaphore_mem>>
      %dma_start3A_403 = arith.constant 0 : i32
      %dma_start3A_404 = tpu.memref_slice %arg12[%add3A_11, %dma_start3A_403] : memref<10240x128xf32, #tpu.memory_space<vmem_shared>> -> memref<64x128xf32, #tpu.memory_space<vmem_shared>>
      %dma_start3A_405 = arith.constant 0 : i32
      %dma_start3A_406 = tpu.memref_slice %arg12[%add3A_11, %dma_start3A_405] : memref<10240x128xf32, #tpu.memory_space<vmem_shared>> -> memref<64x128xf32, #tpu.memory_space<vmem_shared>>
      tpu.enqueue_dma source(%arg8 : memref<64x128xf32, #tpu.memory_space<vmem>>) target(%dma_start3A_406 : memref<64x128xf32, #tpu.memory_space<vmem_shared>>) target_semaphore(%run_scoped3A : memref<!tpu.dma_semaphore, #tpu.memory_space<semaphore_mem>>)
      %dma_wait3A_407 = arith.constant 0 : i32
      %dma_wait3A_408 = tpu.memref_slice %arg12[%add3A_11, %dma_wait3A_407] : memref<10240x128xf32, #tpu.memory_space<vmem_shared>> -> memref<64x128xf32, #tpu.memory_space<vmem_shared>>
      %dma_wait3A_409 = arith.constant 0 : i32
      %dma_wait3A_410 = tpu.memref_slice %arg12[%add3A_11, %dma_wait3A_409] : memref<10240x128xf32, #tpu.memory_space<vmem_shared>> -> memref<64x128xf32, #tpu.memory_space<vmem_shared>>
      tpu.wait_dma2 semaphore(%run_scoped3A : memref<!tpu.dma_semaphore, #tpu.memory_space<semaphore_mem>>) src(%arg8 : memref<64x128xf32, #tpu.memory_space<vmem>>) dst(%dma_wait3A_410 : memref<64x128xf32, #tpu.memory_space<vmem_shared>>)
      tpu.yield
    }) : () -> ()
    %mul3A_12 = arith.constant 640 : i32
    %mul3A_13 = arith.muli %arg1, %mul3A_12 : i32
    %add3A_14 = arith.constant 64 : i32
    %add3A_15 = arith.addi %mul3A_13, %add3A_14 : i32
    "tpu.region"() ({
      %run_scoped3A = tpu.sem_alloc : memref<!tpu.dma_semaphore, #tpu.memory_space<semaphore_mem>>
      %dma_start3A_403 = arith.constant 0 : i32
      %dma_start3A_404 = tpu.memref_slice %arg12[%add3A_15, %dma_start3A_403] : memref<10240x128xf32, #tpu.memory_space<vmem_shared>> -> memref<64x128xf32, #tpu.memory_space<vmem_shared>>
      %dma_start3A_405 = arith.constant 0 : i32
      %dma_start3A_406 = tpu.memref_slice %arg12[%add3A_15, %dma_start3A_405] : memref<10240x128xf32, #tpu.memory_space<vmem_shared>> -> memref<64x128xf32, #tpu.memory_space<vmem_shared>>
      tpu.enqueue_dma source(%arg8 : memref<64x128xf32, #tpu.memory_space<vmem>>) target(%dma_start3A_406 : memref<64x128xf32, #tpu.memory_space<vmem_shared>>) target_semaphore(%run_scoped3A : memref<!tpu.dma_semaphore, #tpu.memory_space<semaphore_mem>>)
      %dma_wait3A_407 = arith.constant 0 : i32
      %dma_wait3A_408 = tpu.memref_slice %arg12[%add3A_15, %dma_wait3A_407] : memref<10240x128xf32, #tpu.memory_space<vmem_shared>> -> memref<64x128xf32, #tpu.memory_space<vmem_shared>>
      %dma_wait3A_409 = arith.constant 0 : i32
      %dma_wait3A_410 = tpu.memref_slice %arg12[%add3A_15, %dma_wait3A_409] : memref<10240x128xf32, #tpu.memory_space<vmem_shared>> -> memref<64x128xf32, #tpu.memory_space<vmem_shared>>
      tpu.wait_dma2 semaphore(%run_scoped3A : memref<!tpu.dma_semaphore, #tpu.memory_space<semaphore_mem>>) src(%arg8 : memref<64x128xf32, #tpu.memory_space<vmem>>) dst(%dma_wait3A_410 : memref<64x128xf32, #tpu.memory_space<vmem_shared>>)
      tpu.yield
    }) : () -> ()
    %mul3A_16 = arith.constant 640 : i32
    %mul3A_17 = arith.muli %arg1, %mul3A_16 : i32
    %add3A_18 = arith.constant 128 : i32
    %add3A_19 = arith.addi %mul3A_17, %add3A_18 : i32
    "tpu.region"() ({
      %run_scoped3A = tpu.sem_alloc : memref<!tpu.dma_semaphore, #tpu.memory_space<semaphore_mem>>
      %dma_start3A_403 = arith.constant 0 : i32
      %dma_start3A_404 = tpu.memref_slice %arg12[%add3A_19, %dma_start3A_403] : memref<10240x128xf32, #tpu.memory_space<vmem_shared>> -> memref<64x128xf32, #tpu.memory_space<vmem_shared>>
      %dma_start3A_405 = arith.constant 0 : i32
      %dma_start3A_406 = tpu.memref_slice %arg12[%add3A_19, %dma_start3A_405] : memref<10240x128xf32, #tpu.memory_space<vmem_shared>> -> memref<64x128xf32, #tpu.memory_space<vmem_shared>>
      tpu.enqueue_dma source(%arg8 : memref<64x128xf32, #tpu.memory_space<vmem>>) target(%dma_start3A_406 : memref<64x128xf32, #tpu.memory_space<vmem_shared>>) target_semaphore(%run_scoped3A : memref<!tpu.dma_semaphore, #tpu.memory_space<semaphore_mem>>)
      %dma_wait3A_407 = arith.constant 0 : i32
      %dma_wait3A_408 = tpu.memref_slice %arg12[%add3A_19, %dma_wait3A_407] : memref<10240x128xf32, #tpu.memory_space<vmem_shared>> -> memref<64x128xf32, #tpu.memory_space<vmem_shared>>
      %dma_wait3A_409 = arith.constant 0 : i32
      %dma_wait3A_410 = tpu.memref_slice %arg12[%add3A_19, %dma_wait3A_409] : memref<10240x128xf32, #tpu.memory_space<vmem_shared>> -> memref<64x128xf32, #tpu.memory_space<vmem_shared>>
      tpu.wait_dma2 semaphore(%run_scoped3A : memref<!tpu.dma_semaphore, #tpu.memory_space<semaphore_mem>>) src(%arg8 : memref<64x128xf32, #tpu.memory_space<vmem>>) dst(%dma_wait3A_410 : memref<64x128xf32, #tpu.memory_space<vmem_shared>>)
      tpu.yield
    }) : () -> ()
    %mul3A_20 = arith.constant 640 : i32
    %mul3A_21 = arith.muli %arg1, %mul3A_20 : i32
    %add3A_22 = arith.constant 192 : i32
    %add3A_23 = arith.addi %mul3A_21, %add3A_22 : i32
    "tpu.region"() ({
      %run_scoped3A = tpu.sem_alloc : memref<!tpu.dma_semaphore, #tpu.memory_space<semaphore_mem>>
      %dma_start3A_403 = arith.constant 0 : i32
      %dma_start3A_404 = tpu.memref_slice %arg12[%add3A_23, %dma_start3A_403] : memref<10240x128xf32, #tpu.memory_space<vmem_shared>> -> memref<64x128xf32, #tpu.memory_space<vmem_shared>>
      %dma_start3A_405 = arith.constant 0 : i32
      %dma_start3A_406 = tpu.memref_slice %arg12[%add3A_23, %dma_start3A_405] : memref<10240x128xf32, #tpu.memory_space<vmem_shared>> -> memref<64x128xf32, #tpu.memory_space<vmem_shared>>
      tpu.enqueue_dma source(%arg8 : memref<64x128xf32, #tpu.memory_space<vmem>>) target(%dma_start3A_406 : memref<64x128xf32, #tpu.memory_space<vmem_shared>>) target_semaphore(%run_scoped3A : memref<!tpu.dma_semaphore, #tpu.memory_space<semaphore_mem>>)
      %dma_wait3A_407 = arith.constant 0 : i32
      %dma_wait3A_408 = tpu.memref_slice %arg12[%add3A_23, %dma_wait3A_407] : memref<10240x128xf32, #tpu.memory_space<vmem_shared>> -> memref<64x128xf32, #tpu.memory_space<vmem_shared>>
      %dma_wait3A_409 = arith.constant 0 : i32
      %dma_wait3A_410 = tpu.memref_slice %arg12[%add3A_23, %dma_wait3A_409] : memref<10240x128xf32, #tpu.memory_space<vmem_shared>> -> memref<64x128xf32, #tpu.memory_space<vmem_shared>>
      tpu.wait_dma2 semaphore(%run_scoped3A : memref<!tpu.dma_semaphore, #tpu.memory_space<semaphore_mem>>) src(%arg8 : memref<64x128xf32, #tpu.memory_space<vmem>>) dst(%dma_wait3A_410 : memref<64x128xf32, #tpu.memory_space<vmem_shared>>)
      tpu.yield
    }) : () -> ()
    %mul3A_24 = arith.constant 640 : i32
    %mul3A_25 = arith.muli %arg1, %mul3A_24 : i32
    %add3A_26 = arith.constant 256 : i32
    %add3A_27 = arith.addi %mul3A_25, %add3A_26 : i32
    "tpu.region"() ({
      %run_scoped3A = tpu.sem_alloc : memref<!tpu.dma_semaphore, #tpu.memory_space<semaphore_mem>>
      %dma_start3A_403 = arith.constant 0 : i32
      %dma_start3A_404 = tpu.memref_slice %arg12[%add3A_27, %dma_start3A_403] : memref<10240x128xf32, #tpu.memory_space<vmem_shared>> -> memref<64x128xf32, #tpu.memory_space<vmem_shared>>
      %dma_start3A_405 = arith.constant 0 : i32
      %dma_start3A_406 = tpu.memref_slice %arg12[%add3A_27, %dma_start3A_405] : memref<10240x128xf32, #tpu.memory_space<vmem_shared>> -> memref<64x128xf32, #tpu.memory_space<vmem_shared>>
      tpu.enqueue_dma source(%arg8 : memref<64x128xf32, #tpu.memory_space<vmem>>) target(%dma_start3A_406 : memref<64x128xf32, #tpu.memory_space<vmem_shared>>) target_semaphore(%run_scoped3A : memref<!tpu.dma_semaphore, #tpu.memory_space<semaphore_mem>>)
      %dma_wait3A_407 = arith.constant 0 : i32
      %dma_wait3A_408 = tpu.memref_slice %arg12[%add3A_27, %dma_wait3A_407] : memref<10240x128xf32, #tpu.memory_space<vmem_shared>> -> memref<64x128xf32, #tpu.memory_space<vmem_shared>>
      %dma_wait3A_409 = arith.constant 0 : i32
      %dma_wait3A_410 = tpu.memref_slice %arg12[%add3A_27, %dma_wait3A_409] : memref<10240x128xf32, #tpu.memory_space<vmem_shared>> -> memref<64x128xf32, #tpu.memory_space<vmem_shared>>
      tpu.wait_dma2 semaphore(%run_scoped3A : memref<!tpu.dma_semaphore, #tpu.memory_space<semaphore_mem>>) src(%arg8 : memref<64x128xf32, #tpu.memory_space<vmem>>) dst(%dma_wait3A_410 : memref<64x128xf32, #tpu.memory_space<vmem_shared>>)
      tpu.yield
    }) : () -> ()
    %mul3A_28 = arith.constant 640 : i32
    %mul3A_29 = arith.muli %arg1, %mul3A_28 : i32
    %add3A_30 = arith.constant 320 : i32
    %add3A_31 = arith.addi %mul3A_29, %add3A_30 : i32
    "tpu.region"() ({
      %run_scoped3A = tpu.sem_alloc : memref<!tpu.dma_semaphore, #tpu.memory_space<semaphore_mem>>
      %dma_start3A_403 = arith.constant 0 : i32
      %dma_start3A_404 = tpu.memref_slice %arg12[%add3A_31, %dma_start3A_403] : memref<10240x128xf32, #tpu.memory_space<vmem_shared>> -> memref<64x128xf32, #tpu.memory_space<vmem_shared>>
      %dma_start3A_405 = arith.constant 0 : i32
      %dma_start3A_406 = tpu.memref_slice %arg12[%add3A_31, %dma_start3A_405] : memref<10240x128xf32, #tpu.memory_space<vmem_shared>> -> memref<64x128xf32, #tpu.memory_space<vmem_shared>>
      tpu.enqueue_dma source(%arg8 : memref<64x128xf32, #tpu.memory_space<vmem>>) target(%dma_start3A_406 : memref<64x128xf32, #tpu.memory_space<vmem_shared>>) target_semaphore(%run_scoped3A : memref<!tpu.dma_semaphore, #tpu.memory_space<semaphore_mem>>)
      %dma_wait3A_407 = arith.constant 0 : i32
      %dma_wait3A_408 = tpu.memref_slice %arg12[%add3A_31, %dma_wait3A_407] : memref<10240x128xf32, #tpu.memory_space<vmem_shared>> -> memref<64x128xf32, #tpu.memory_space<vmem_shared>>
      %dma_wait3A_409 = arith.constant 0 : i32
      %dma_wait3A_410 = tpu.memref_slice %arg12[%add3A_31, %dma_wait3A_409] : memref<10240x128xf32, #tpu.memory_space<vmem_shared>> -> memref<64x128xf32, #tpu.memory_space<vmem_shared>>
      tpu.wait_dma2 semaphore(%run_scoped3A : memref<!tpu.dma_semaphore, #tpu.memory_space<semaphore_mem>>) src(%arg8 : memref<64x128xf32, #tpu.memory_space<vmem>>) dst(%dma_wait3A_410 : memref<64x128xf32, #tpu.memory_space<vmem_shared>>)
      tpu.yield
    }) : () -> ()
    %mul3A_32 = arith.constant 640 : i32
    %mul3A_33 = arith.muli %arg1, %mul3A_32 : i32
    %add3A_34 = arith.constant 384 : i32
    %add3A_35 = arith.addi %mul3A_33, %add3A_34 : i32
    "tpu.region"() ({
      %run_scoped3A = tpu.sem_alloc : memref<!tpu.dma_semaphore, #tpu.memory_space<semaphore_mem>>
      %dma_start3A_403 = arith.constant 0 : i32
      %dma_start3A_404 = tpu.memref_slice %arg12[%add3A_35, %dma_start3A_403] : memref<10240x128xf32, #tpu.memory_space<vmem_shared>> -> memref<64x128xf32, #tpu.memory_space<vmem_shared>>
      %dma_start3A_405 = arith.constant 0 : i32
      %dma_start3A_406 = tpu.memref_slice %arg12[%add3A_35, %dma_start3A_405] : memref<10240x128xf32, #tpu.memory_space<vmem_shared>> -> memref<64x128xf32, #tpu.memory_space<vmem_shared>>
      tpu.enqueue_dma source(%arg8 : memref<64x128xf32, #tpu.memory_space<vmem>>) target(%dma_start3A_406 : memref<64x128xf32, #tpu.memory_space<vmem_shared>>) target_semaphore(%run_scoped3A : memref<!tpu.dma_semaphore, #tpu.memory_space<semaphore_mem>>)
      %dma_wait3A_407 = arith.constant 0 : i32
      %dma_wait3A_408 = tpu.memref_slice %arg12[%add3A_35, %dma_wait3A_407] : memref<10240x128xf32, #tpu.memory_space<vmem_shared>> -> memref<64x128xf32, #tpu.memory_space<vmem_shared>>
      %dma_wait3A_409 = arith.constant 0 : i32
      %dma_wait3A_410 = tpu.memref_slice %arg12[%add3A_35, %dma_wait3A_409] : memref<10240x128xf32, #tpu.memory_space<vmem_shared>> -> memref<64x128xf32, #tpu.memory_space<vmem_shared>>
      tpu.wait_dma2 semaphore(%run_scoped3A : memref<!tpu.dma_semaphore, #tpu.memory_space<semaphore_mem>>) src(%arg8 : memref<64x128xf32, #tpu.memory_space<vmem>>) dst(%dma_wait3A_410 : memref<64x128xf32, #tpu.memory_space<vmem_shared>>)
      tpu.yield
    }) : () -> ()
    %mul3A_36 = arith.constant 640 : i32
    %mul3A_37 = arith.muli %arg1, %mul3A_36 : i32
    %add3A_38 = arith.constant 448 : i32
    %add3A_39 = arith.addi %mul3A_37, %add3A_38 : i32
    "tpu.region"() ({
      %run_scoped3A = tpu.sem_alloc : memref<!tpu.dma_semaphore, #tpu.memory_space<semaphore_mem>>
      %dma_start3A_403 = arith.constant 0 : i32
      %dma_start3A_404 = tpu.memref_slice %arg12[%add3A_39, %dma_start3A_403] : memref<10240x128xf32, #tpu.memory_space<vmem_shared>> -> memref<64x128xf32, #tpu.memory_space<vmem_shared>>
      %dma_start3A_405 = arith.constant 0 : i32
      %dma_start3A_406 = tpu.memref_slice %arg12[%add3A_39, %dma_start3A_405] : memref<10240x128xf32, #tpu.memory_space<vmem_shared>> -> memref<64x128xf32, #tpu.memory_space<vmem_shared>>
      tpu.enqueue_dma source(%arg8 : memref<64x128xf32, #tpu.memory_space<vmem>>) target(%dma_start3A_406 : memref<64x128xf32, #tpu.memory_space<vmem_shared>>) target_semaphore(%run_scoped3A : memref<!tpu.dma_semaphore, #tpu.memory_space<semaphore_mem>>)
      %dma_wait3A_407 = arith.constant 0 : i32
      %dma_wait3A_408 = tpu.memref_slice %arg12[%add3A_39, %dma_wait3A_407] : memref<10240x128xf32, #tpu.memory_space<vmem_shared>> -> memref<64x128xf32, #tpu.memory_space<vmem_shared>>
      %dma_wait3A_409 = arith.constant 0 : i32
      %dma_wait3A_410 = tpu.memref_slice %arg12[%add3A_39, %dma_wait3A_409] : memref<10240x128xf32, #tpu.memory_space<vmem_shared>> -> memref<64x128xf32, #tpu.memory_space<vmem_shared>>
      tpu.wait_dma2 semaphore(%run_scoped3A : memref<!tpu.dma_semaphore, #tpu.memory_space<semaphore_mem>>) src(%arg8 : memref<64x128xf32, #tpu.memory_space<vmem>>) dst(%dma_wait3A_410 : memref<64x128xf32, #tpu.memory_space<vmem_shared>>)
      tpu.yield
    }) : () -> ()
    %mul3A_40 = arith.constant 640 : i32
    %mul3A_41 = arith.muli %arg1, %mul3A_40 : i32
    %add3A_42 = arith.constant 512 : i32
    %add3A_43 = arith.addi %mul3A_41, %add3A_42 : i32
    "tpu.region"() ({
      %run_scoped3A = tpu.sem_alloc : memref<!tpu.dma_semaphore, #tpu.memory_space<semaphore_mem>>
      %dma_start3A_403 = arith.constant 0 : i32
      %dma_start3A_404 = tpu.memref_slice %arg12[%add3A_43, %dma_start3A_403] : memref<10240x128xf32, #tpu.memory_space<vmem_shared>> -> memref<64x128xf32, #tpu.memory_space<vmem_shared>>
      %dma_start3A_405 = arith.constant 0 : i32
      %dma_start3A_406 = tpu.memref_slice %arg12[%add3A_43, %dma_start3A_405] : memref<10240x128xf32, #tpu.memory_space<vmem_shared>> -> memref<64x128xf32, #tpu.memory_space<vmem_shared>>
      tpu.enqueue_dma source(%arg8 : memref<64x128xf32, #tpu.memory_space<vmem>>) target(%dma_start3A_406 : memref<64x128xf32, #tpu.memory_space<vmem_shared>>) target_semaphore(%run_scoped3A : memref<!tpu.dma_semaphore, #tpu.memory_space<semaphore_mem>>)
      %dma_wait3A_407 = arith.constant 0 : i32
      %dma_wait3A_408 = tpu.memref_slice %arg12[%add3A_43, %dma_wait3A_407] : memref<10240x128xf32, #tpu.memory_space<vmem_shared>> -> memref<64x128xf32, #tpu.memory_space<vmem_shared>>
      %dma_wait3A_409 = arith.constant 0 : i32
      %dma_wait3A_410 = tpu.memref_slice %arg12[%add3A_43, %dma_wait3A_409] : memref<10240x128xf32, #tpu.memory_space<vmem_shared>> -> memref<64x128xf32, #tpu.memory_space<vmem_shared>>
      tpu.wait_dma2 semaphore(%run_scoped3A : memref<!tpu.dma_semaphore, #tpu.memory_space<semaphore_mem>>) src(%arg8 : memref<64x128xf32, #tpu.memory_space<vmem>>) dst(%dma_wait3A_410 : memref<64x128xf32, #tpu.memory_space<vmem_shared>>)
      tpu.yield
    }) : () -> ()
    %mul3A_44 = arith.constant 640 : i32
    %mul3A_45 = arith.muli %arg1, %mul3A_44 : i32
    %add3A_46 = arith.constant 576 : i32
    %add3A_47 = arith.addi %mul3A_45, %add3A_46 : i32
    "tpu.region"() ({
      %run_scoped3A = tpu.sem_alloc : memref<!tpu.dma_semaphore, #tpu.memory_space<semaphore_mem>>
      %dma_start3A_403 = arith.constant 0 : i32
      %dma_start3A_404 = tpu.memref_slice %arg12[%add3A_47, %dma_start3A_403] : memref<10240x128xf32, #tpu.memory_space<vmem_shared>> -> memref<64x128xf32, #tpu.memory_space<vmem_shared>>
      %dma_start3A_405 = arith.constant 0 : i32
      %dma_start3A_406 = tpu.memref_slice %arg12[%add3A_47, %dma_start3A_405] : memref<10240x128xf32, #tpu.memory_space<vmem_shared>> -> memref<64x128xf32, #tpu.memory_space<vmem_shared>>
      tpu.enqueue_dma source(%arg8 : memref<64x128xf32, #tpu.memory_space<vmem>>) target(%dma_start3A_406 : memref<64x128xf32, #tpu.memory_space<vmem_shared>>) target_semaphore(%run_scoped3A : memref<!tpu.dma_semaphore, #tpu.memory_space<semaphore_mem>>)
      %dma_wait3A_407 = arith.constant 0 : i32
      %dma_wait3A_408 = tpu.memref_slice %arg12[%add3A_47, %dma_wait3A_407] : memref<10240x128xf32, #tpu.memory_space<vmem_shared>> -> memref<64x128xf32, #tpu.memory_space<vmem_shared>>
      %dma_wait3A_409 = arith.constant 0 : i32
      %dma_wait3A_410 = tpu.memref_slice %arg12[%add3A_47, %dma_wait3A_409] : memref<10240x128xf32, #tpu.memory_space<vmem_shared>> -> memref<64x128xf32, #tpu.memory_space<vmem_shared>>
      tpu.wait_dma2 semaphore(%run_scoped3A : memref<!tpu.dma_semaphore, #tpu.memory_space<semaphore_mem>>) src(%arg8 : memref<64x128xf32, #tpu.memory_space<vmem>>) dst(%dma_wait3A_410 : memref<64x128xf32, #tpu.memory_space<vmem_shared>>)
      tpu.yield
    }) : () -> ()
    %barrier3A = arith.constant 0 : index
    tpu.barrier barrier_id(%barrier3A)
    %mul3A_48 = arith.constant 10240 : i32
    %mul3A_49 = arith.muli %add3A, %mul3A_48 : i32
    %add3A_50 = arith.constant 0 : i32
    %add3A_51 = arith.addi %mul3A_49, %add3A_50 : i32
    %dma_start3A = arith.constant 0 : i32
    %dma_start3A_52 = arith.constant 0 : i32
    %dma_start3A_53 = tpu.memref_slice %arg6[%dma_start3A, %dma_start3A_52] : memref<8x64xi32, #tpu.memory_space<vmem>> -> memref<1x64xi32, #tpu.memory_space<vmem>>
    %dma_start3A_54 = tpu.memref_squeeze %dma_start3A_53 : memref<1x64xi32, #tpu.memory_space<vmem>> -> memref<64xi32, #tpu.memory_space<vmem>>
    %dma_start3A_55 = tpu.memref_slice %arg3[%add3A_51] : memref<327680xi32, #tpu.memory_space<hbm>> -> memref<64xi32, #tpu.memory_space<hbm>>
    %dma_start3A_56 = arith.constant 0 : i32
    %dma_start3A_57 = tpu.memref_slice %arg6[%dma_start3A, %dma_start3A_56] : memref<8x64xi32, #tpu.memory_space<vmem>> -> memref<1x64xi32, #tpu.memory_space<vmem>>
    %dma_start3A_58 = tpu.memref_squeeze %dma_start3A_57 : memref<1x64xi32, #tpu.memory_space<vmem>> -> memref<64xi32, #tpu.memory_space<vmem>>
    %dma_start3A_59 = tpu.memref_slice %arg3[%add3A_51] : memref<327680xi32, #tpu.memory_space<hbm>> -> memref<64xi32, #tpu.memory_space<hbm>>
    tpu.enqueue_dma source(%dma_start3A_59 : memref<64xi32, #tpu.memory_space<hbm>>) target(%dma_start3A_58 : memref<64xi32, #tpu.memory_space<vmem>>) target_semaphore(%arg13 : memref<!tpu.dma_semaphore, #tpu.memory_space<semaphore_mem>>)
    %add3A_60 = arith.constant 0 : i32
    %add3A_61 = arith.addi %mul3A_49, %add3A_60 : i32
    %dma_start3A_62 = arith.constant 0 : i32
    %dma_start3A_63 = arith.constant 0 : i32
    %dma_start3A_64 = tpu.memref_slice %arg7[%dma_start3A_62, %dma_start3A_63] : memref<8x64xi32, #tpu.memory_space<vmem>> -> memref<1x64xi32, #tpu.memory_space<vmem>>
    %dma_start3A_65 = tpu.memref_squeeze %dma_start3A_64 : memref<1x64xi32, #tpu.memory_space<vmem>> -> memref<64xi32, #tpu.memory_space<vmem>>
    %dma_start3A_66 = tpu.memref_slice %arg4[%add3A_61] : memref<327680xi32, #tpu.memory_space<hbm>> -> memref<64xi32, #tpu.memory_space<hbm>>
    %dma_start3A_67 = arith.constant 0 : i32
    %dma_start3A_68 = tpu.memref_slice %arg7[%dma_start3A_62, %dma_start3A_67] : memref<8x64xi32, #tpu.memory_space<vmem>> -> memref<1x64xi32, #tpu.memory_space<vmem>>
    %dma_start3A_69 = tpu.memref_squeeze %dma_start3A_68 : memref<1x64xi32, #tpu.memory_space<vmem>> -> memref<64xi32, #tpu.memory_space<vmem>>
    %dma_start3A_70 = tpu.memref_slice %arg4[%add3A_61] : memref<327680xi32, #tpu.memory_space<hbm>> -> memref<64xi32, #tpu.memory_space<hbm>>
    tpu.enqueue_dma source(%dma_start3A_70 : memref<64xi32, #tpu.memory_space<hbm>>) target(%dma_start3A_69 : memref<64xi32, #tpu.memory_space<vmem>>) target_semaphore(%arg13 : memref<!tpu.dma_semaphore, #tpu.memory_space<semaphore_mem>>)
    %add3A_71 = arith.constant 64 : i32
    %add3A_72 = arith.addi %mul3A_49, %add3A_71 : i32
    %dma_start3A_73 = arith.constant 1 : i32
    %dma_start3A_74 = arith.constant 0 : i32
    %dma_start3A_75 = tpu.memref_slice %arg6[%dma_start3A_73, %dma_start3A_74] : memref<8x64xi32, #tpu.memory_space<vmem>> -> memref<1x64xi32, #tpu.memory_space<vmem>>
    %dma_start3A_76 = tpu.memref_squeeze %dma_start3A_75 : memref<1x64xi32, #tpu.memory_space<vmem>> -> memref<64xi32, #tpu.memory_space<vmem>>
    %dma_start3A_77 = tpu.memref_slice %arg3[%add3A_72] : memref<327680xi32, #tpu.memory_space<hbm>> -> memref<64xi32, #tpu.memory_space<hbm>>
    %dma_start3A_78 = arith.constant 0 : i32
    %dma_start3A_79 = tpu.memref_slice %arg6[%dma_start3A_73, %dma_start3A_78] : memref<8x64xi32, #tpu.memory_space<vmem>> -> memref<1x64xi32, #tpu.memory_space<vmem>>
    %dma_start3A_80 = tpu.memref_squeeze %dma_start3A_79 : memref<1x64xi32, #tpu.memory_space<vmem>> -> memref<64xi32, #tpu.memory_space<vmem>>
    %dma_start3A_81 = tpu.memref_slice %arg3[%add3A_72] : memref<327680xi32, #tpu.memory_space<hbm>> -> memref<64xi32, #tpu.memory_space<hbm>>
    tpu.enqueue_dma source(%dma_start3A_81 : memref<64xi32, #tpu.memory_space<hbm>>) target(%dma_start3A_80 : memref<64xi32, #tpu.memory_space<vmem>>) target_semaphore(%arg14 : memref<!tpu.dma_semaphore, #tpu.memory_space<semaphore_mem>>)
    %add3A_82 = arith.constant 64 : i32
    %add3A_83 = arith.addi %mul3A_49, %add3A_82 : i32
    %dma_start3A_84 = arith.constant 1 : i32
    %dma_start3A_85 = arith.constant 0 : i32
    %dma_start3A_86 = tpu.memref_slice %arg7[%dma_start3A_84, %dma_start3A_85] : memref<8x64xi32, #tpu.memory_space<vmem>> -> memref<1x64xi32, #tpu.memory_space<vmem>>
    %dma_start3A_87 = tpu.memref_squeeze %dma_start3A_86 : memref<1x64xi32, #tpu.memory_space<vmem>> -> memref<64xi32, #tpu.memory_space<vmem>>
    %dma_start3A_88 = tpu.memref_slice %arg4[%add3A_83] : memref<327680xi32, #tpu.memory_space<hbm>> -> memref<64xi32, #tpu.memory_space<hbm>>
    %dma_start3A_89 = arith.constant 0 : i32
    %dma_start3A_90 = tpu.memref_slice %arg7[%dma_start3A_84, %dma_start3A_89] : memref<8x64xi32, #tpu.memory_space<vmem>> -> memref<1x64xi32, #tpu.memory_space<vmem>>
    %dma_start3A_91 = tpu.memref_squeeze %dma_start3A_90 : memref<1x64xi32, #tpu.memory_space<vmem>> -> memref<64xi32, #tpu.memory_space<vmem>>
    %dma_start3A_92 = tpu.memref_slice %arg4[%add3A_83] : memref<327680xi32, #tpu.memory_space<hbm>> -> memref<64xi32, #tpu.memory_space<hbm>>
    tpu.enqueue_dma source(%dma_start3A_92 : memref<64xi32, #tpu.memory_space<hbm>>) target(%dma_start3A_91 : memref<64xi32, #tpu.memory_space<vmem>>) target_semaphore(%arg14 : memref<!tpu.dma_semaphore, #tpu.memory_space<semaphore_mem>>)
    %add3A_93 = arith.constant 128 : i32
    %add3A_94 = arith.addi %mul3A_49, %add3A_93 : i32
    %dma_start3A_95 = arith.constant 2 : i32
    %dma_start3A_96 = arith.constant 0 : i32
    %dma_start3A_97 = tpu.memref_slice %arg6[%dma_start3A_95, %dma_start3A_96] : memref<8x64xi32, #tpu.memory_space<vmem>> -> memref<1x64xi32, #tpu.memory_space<vmem>>
    %dma_start3A_98 = tpu.memref_squeeze %dma_start3A_97 : memref<1x64xi32, #tpu.memory_space<vmem>> -> memref<64xi32, #tpu.memory_space<vmem>>
    %dma_start3A_99 = tpu.memref_slice %arg3[%add3A_94] : memref<327680xi32, #tpu.memory_space<hbm>> -> memref<64xi32, #tpu.memory_space<hbm>>
    %dma_start3A_100 = arith.constant 0 : i32
    %dma_start3A_101 = tpu.memref_slice %arg6[%dma_start3A_95, %dma_start3A_100] : memref<8x64xi32, #tpu.memory_space<vmem>> -> memref<1x64xi32, #tpu.memory_space<vmem>>
    %dma_start3A_102 = tpu.memref_squeeze %dma_start3A_101 : memref<1x64xi32, #tpu.memory_space<vmem>> -> memref<64xi32, #tpu.memory_space<vmem>>
    %dma_start3A_103 = tpu.memref_slice %arg3[%add3A_94] : memref<327680xi32, #tpu.memory_space<hbm>> -> memref<64xi32, #tpu.memory_space<hbm>>
    tpu.enqueue_dma source(%dma_start3A_103 : memref<64xi32, #tpu.memory_space<hbm>>) target(%dma_start3A_102 : memref<64xi32, #tpu.memory_space<vmem>>) target_semaphore(%arg15 : memref<!tpu.dma_semaphore, #tpu.memory_space<semaphore_mem>>)
    %add3A_104 = arith.constant 128 : i32
    %add3A_105 = arith.addi %mul3A_49, %add3A_104 : i32
    %dma_start3A_106 = arith.constant 2 : i32
    %dma_start3A_107 = arith.constant 0 : i32
    %dma_start3A_108 = tpu.memref_slice %arg7[%dma_start3A_106, %dma_start3A_107] : memref<8x64xi32, #tpu.memory_space<vmem>> -> memref<1x64xi32, #tpu.memory_space<vmem>>
    %dma_start3A_109 = tpu.memref_squeeze %dma_start3A_108 : memref<1x64xi32, #tpu.memory_space<vmem>> -> memref<64xi32, #tpu.memory_space<vmem>>
    %dma_start3A_110 = tpu.memref_slice %arg4[%add3A_105] : memref<327680xi32, #tpu.memory_space<hbm>> -> memref<64xi32, #tpu.memory_space<hbm>>
    %dma_start3A_111 = arith.constant 0 : i32
    %dma_start3A_112 = tpu.memref_slice %arg7[%dma_start3A_106, %dma_start3A_111] : memref<8x64xi32, #tpu.memory_space<vmem>> -> memref<1x64xi32, #tpu.memory_space<vmem>>
    %dma_start3A_113 = tpu.memref_squeeze %dma_start3A_112 : memref<1x64xi32, #tpu.memory_space<vmem>> -> memref<64xi32, #tpu.memory_space<vmem>>
    %dma_start3A_114 = tpu.memref_slice %arg4[%add3A_105] : memref<327680xi32, #tpu.memory_space<hbm>> -> memref<64xi32, #tpu.memory_space<hbm>>
    tpu.enqueue_dma source(%dma_start3A_114 : memref<64xi32, #tpu.memory_space<hbm>>) target(%dma_start3A_113 : memref<64xi32, #tpu.memory_space<vmem>>) target_semaphore(%arg15 : memref<!tpu.dma_semaphore, #tpu.memory_space<semaphore_mem>>)
    %add3A_115 = arith.constant 192 : i32
    %add3A_116 = arith.addi %mul3A_49, %add3A_115 : i32
    %dma_start3A_117 = arith.constant 3 : i32
    %dma_start3A_118 = arith.constant 0 : i32
    %dma_start3A_119 = tpu.memref_slice %arg6[%dma_start3A_117, %dma_start3A_118] : memref<8x64xi32, #tpu.memory_space<vmem>> -> memref<1x64xi32, #tpu.memory_space<vmem>>
    %dma_start3A_120 = tpu.memref_squeeze %dma_start3A_119 : memref<1x64xi32, #tpu.memory_space<vmem>> -> memref<64xi32, #tpu.memory_space<vmem>>
    %dma_start3A_121 = tpu.memref_slice %arg3[%add3A_116] : memref<327680xi32, #tpu.memory_space<hbm>> -> memref<64xi32, #tpu.memory_space<hbm>>
    %dma_start3A_122 = arith.constant 0 : i32
    %dma_start3A_123 = tpu.memref_slice %arg6[%dma_start3A_117, %dma_start3A_122] : memref<8x64xi32, #tpu.memory_space<vmem>> -> memref<1x64xi32, #tpu.memory_space<vmem>>
    %dma_start3A_124 = tpu.memref_squeeze %dma_start3A_123 : memref<1x64xi32, #tpu.memory_space<vmem>> -> memref<64xi32, #tpu.memory_space<vmem>>
    %dma_start3A_125 = tpu.memref_slice %arg3[%add3A_116] : memref<327680xi32, #tpu.memory_space<hbm>> -> memref<64xi32, #tpu.memory_space<hbm>>
    tpu.enqueue_dma source(%dma_start3A_125 : memref<64xi32, #tpu.memory_space<hbm>>) target(%dma_start3A_124 : memref<64xi32, #tpu.memory_space<vmem>>) target_semaphore(%arg16 : memref<!tpu.dma_semaphore, #tpu.memory_space<semaphore_mem>>)
    %add3A_126 = arith.constant 192 : i32
    %add3A_127 = arith.addi %mul3A_49, %add3A_126 : i32
    %dma_start3A_128 = arith.constant 3 : i32
    %dma_start3A_129 = arith.constant 0 : i32
    %dma_start3A_130 = tpu.memref_slice %arg7[%dma_start3A_128, %dma_start3A_129] : memref<8x64xi32, #tpu.memory_space<vmem>> -> memref<1x64xi32, #tpu.memory_space<vmem>>
    %dma_start3A_131 = tpu.memref_squeeze %dma_start3A_130 : memref<1x64xi32, #tpu.memory_space<vmem>> -> memref<64xi32, #tpu.memory_space<vmem>>
    %dma_start3A_132 = tpu.memref_slice %arg4[%add3A_127] : memref<327680xi32, #tpu.memory_space<hbm>> -> memref<64xi32, #tpu.memory_space<hbm>>
    %dma_start3A_133 = arith.constant 0 : i32
    %dma_start3A_134 = tpu.memref_slice %arg7[%dma_start3A_128, %dma_start3A_133] : memref<8x64xi32, #tpu.memory_space<vmem>> -> memref<1x64xi32, #tpu.memory_space<vmem>>
    %dma_start3A_135 = tpu.memref_squeeze %dma_start3A_134 : memref<1x64xi32, #tpu.memory_space<vmem>> -> memref<64xi32, #tpu.memory_space<vmem>>
    %dma_start3A_136 = tpu.memref_slice %arg4[%add3A_127] : memref<327680xi32, #tpu.memory_space<hbm>> -> memref<64xi32, #tpu.memory_space<hbm>>
    tpu.enqueue_dma source(%dma_start3A_136 : memref<64xi32, #tpu.memory_space<hbm>>) target(%dma_start3A_135 : memref<64xi32, #tpu.memory_space<vmem>>) target_semaphore(%arg16 : memref<!tpu.dma_semaphore, #tpu.memory_space<semaphore_mem>>)
    %add3A_137 = arith.constant 256 : i32
    %add3A_138 = arith.addi %mul3A_49, %add3A_137 : i32
    %dma_start3A_139 = arith.constant 4 : i32
    %dma_start3A_140 = arith.constant 0 : i32
    %dma_start3A_141 = tpu.memref_slice %arg6[%dma_start3A_139, %dma_start3A_140] : memref<8x64xi32, #tpu.memory_space<vmem>> -> memref<1x64xi32, #tpu.memory_space<vmem>>
    %dma_start3A_142 = tpu.memref_squeeze %dma_start3A_141 : memref<1x64xi32, #tpu.memory_space<vmem>> -> memref<64xi32, #tpu.memory_space<vmem>>
    %dma_start3A_143 = tpu.memref_slice %arg3[%add3A_138] : memref<327680xi32, #tpu.memory_space<hbm>> -> memref<64xi32, #tpu.memory_space<hbm>>
    %dma_start3A_144 = arith.constant 0 : i32
    %dma_start3A_145 = tpu.memref_slice %arg6[%dma_start3A_139, %dma_start3A_144] : memref<8x64xi32, #tpu.memory_space<vmem>> -> memref<1x64xi32, #tpu.memory_space<vmem>>
    %dma_start3A_146 = tpu.memref_squeeze %dma_start3A_145 : memref<1x64xi32, #tpu.memory_space<vmem>> -> memref<64xi32, #tpu.memory_space<vmem>>
    %dma_start3A_147 = tpu.memref_slice %arg3[%add3A_138] : memref<327680xi32, #tpu.memory_space<hbm>> -> memref<64xi32, #tpu.memory_space<hbm>>
    tpu.enqueue_dma source(%dma_start3A_147 : memref<64xi32, #tpu.memory_space<hbm>>) target(%dma_start3A_146 : memref<64xi32, #tpu.memory_space<vmem>>) target_semaphore(%arg17 : memref<!tpu.dma_semaphore, #tpu.memory_space<semaphore_mem>>)
    %add3A_148 = arith.constant 256 : i32
    %add3A_149 = arith.addi %mul3A_49, %add3A_148 : i32
    %dma_start3A_150 = arith.constant 4 : i32
    %dma_start3A_151 = arith.constant 0 : i32
    %dma_start3A_152 = tpu.memref_slice %arg7[%dma_start3A_150, %dma_start3A_151] : memref<8x64xi32, #tpu.memory_space<vmem>> -> memref<1x64xi32, #tpu.memory_space<vmem>>
    %dma_start3A_153 = tpu.memref_squeeze %dma_start3A_152 : memref<1x64xi32, #tpu.memory_space<vmem>> -> memref<64xi32, #tpu.memory_space<vmem>>
    %dma_start3A_154 = tpu.memref_slice %arg4[%add3A_149] : memref<327680xi32, #tpu.memory_space<hbm>> -> memref<64xi32, #tpu.memory_space<hbm>>
    %dma_start3A_155 = arith.constant 0 : i32
    %dma_start3A_156 = tpu.memref_slice %arg7[%dma_start3A_150, %dma_start3A_155] : memref<8x64xi32, #tpu.memory_space<vmem>> -> memref<1x64xi32, #tpu.memory_space<vmem>>
    %dma_start3A_157 = tpu.memref_squeeze %dma_start3A_156 : memref<1x64xi32, #tpu.memory_space<vmem>> -> memref<64xi32, #tpu.memory_space<vmem>>
    %dma_start3A_158 = tpu.memref_slice %arg4[%add3A_149] : memref<327680xi32, #tpu.memory_space<hbm>> -> memref<64xi32, #tpu.memory_space<hbm>>
    tpu.enqueue_dma source(%dma_start3A_158 : memref<64xi32, #tpu.memory_space<hbm>>) target(%dma_start3A_157 : memref<64xi32, #tpu.memory_space<vmem>>) target_semaphore(%arg17 : memref<!tpu.dma_semaphore, #tpu.memory_space<semaphore_mem>>)
    %add3A_159 = arith.constant 320 : i32
    %add3A_160 = arith.addi %mul3A_49, %add3A_159 : i32
    %dma_start3A_161 = arith.constant 5 : i32
    %dma_start3A_162 = arith.constant 0 : i32
    %dma_start3A_163 = tpu.memref_slice %arg6[%dma_start3A_161, %dma_start3A_162] : memref<8x64xi32, #tpu.memory_space<vmem>> -> memref<1x64xi32, #tpu.memory_space<vmem>>
    %dma_start3A_164 = tpu.memref_squeeze %dma_start3A_163 : memref<1x64xi32, #tpu.memory_space<vmem>> -> memref<64xi32, #tpu.memory_space<vmem>>
    %dma_start3A_165 = tpu.memref_slice %arg3[%add3A_160] : memref<327680xi32, #tpu.memory_space<hbm>> -> memref<64xi32, #tpu.memory_space<hbm>>
    %dma_start3A_166 = arith.constant 0 : i32
    %dma_start3A_167 = tpu.memref_slice %arg6[%dma_start3A_161, %dma_start3A_166] : memref<8x64xi32, #tpu.memory_space<vmem>> -> memref<1x64xi32, #tpu.memory_space<vmem>>
    %dma_start3A_168 = tpu.memref_squeeze %dma_start3A_167 : memref<1x64xi32, #tpu.memory_space<vmem>> -> memref<64xi32, #tpu.memory_space<vmem>>
    %dma_start3A_169 = tpu.memref_slice %arg3[%add3A_160] : memref<327680xi32, #tpu.memory_space<hbm>> -> memref<64xi32, #tpu.memory_space<hbm>>
    tpu.enqueue_dma source(%dma_start3A_169 : memref<64xi32, #tpu.memory_space<hbm>>) target(%dma_start3A_168 : memref<64xi32, #tpu.memory_space<vmem>>) target_semaphore(%arg18 : memref<!tpu.dma_semaphore, #tpu.memory_space<semaphore_mem>>)
    %add3A_170 = arith.constant 320 : i32
    %add3A_171 = arith.addi %mul3A_49, %add3A_170 : i32
    %dma_start3A_172 = arith.constant 5 : i32
    %dma_start3A_173 = arith.constant 0 : i32
    %dma_start3A_174 = tpu.memref_slice %arg7[%dma_start3A_172, %dma_start3A_173] : memref<8x64xi32, #tpu.memory_space<vmem>> -> memref<1x64xi32, #tpu.memory_space<vmem>>
    %dma_start3A_175 = tpu.memref_squeeze %dma_start3A_174 : memref<1x64xi32, #tpu.memory_space<vmem>> -> memref<64xi32, #tpu.memory_space<vmem>>
    %dma_start3A_176 = tpu.memref_slice %arg4[%add3A_171] : memref<327680xi32, #tpu.memory_space<hbm>> -> memref<64xi32, #tpu.memory_space<hbm>>
    %dma_start3A_177 = arith.constant 0 : i32
    %dma_start3A_178 = tpu.memref_slice %arg7[%dma_start3A_172, %dma_start3A_177] : memref<8x64xi32, #tpu.memory_space<vmem>> -> memref<1x64xi32, #tpu.memory_space<vmem>>
    %dma_start3A_179 = tpu.memref_squeeze %dma_start3A_178 : memref<1x64xi32, #tpu.memory_space<vmem>> -> memref<64xi32, #tpu.memory_space<vmem>>
    %dma_start3A_180 = tpu.memref_slice %arg4[%add3A_171] : memref<327680xi32, #tpu.memory_space<hbm>> -> memref<64xi32, #tpu.memory_space<hbm>>
    tpu.enqueue_dma source(%dma_start3A_180 : memref<64xi32, #tpu.memory_space<hbm>>) target(%dma_start3A_179 : memref<64xi32, #tpu.memory_space<vmem>>) target_semaphore(%arg18 : memref<!tpu.dma_semaphore, #tpu.memory_space<semaphore_mem>>)
    %add3A_181 = arith.constant 384 : i32
    %add3A_182 = arith.addi %mul3A_49, %add3A_181 : i32
    %dma_start3A_183 = arith.constant 6 : i32
    %dma_start3A_184 = arith.constant 0 : i32
    %dma_start3A_185 = tpu.memref_slice %arg6[%dma_start3A_183, %dma_start3A_184] : memref<8x64xi32, #tpu.memory_space<vmem>> -> memref<1x64xi32, #tpu.memory_space<vmem>>
    %dma_start3A_186 = tpu.memref_squeeze %dma_start3A_185 : memref<1x64xi32, #tpu.memory_space<vmem>> -> memref<64xi32, #tpu.memory_space<vmem>>
    %dma_start3A_187 = tpu.memref_slice %arg3[%add3A_182] : memref<327680xi32, #tpu.memory_space<hbm>> -> memref<64xi32, #tpu.memory_space<hbm>>
    %dma_start3A_188 = arith.constant 0 : i32
    %dma_start3A_189 = tpu.memref_slice %arg6[%dma_start3A_183, %dma_start3A_188] : memref<8x64xi32, #tpu.memory_space<vmem>> -> memref<1x64xi32, #tpu.memory_space<vmem>>
    %dma_start3A_190 = tpu.memref_squeeze %dma_start3A_189 : memref<1x64xi32, #tpu.memory_space<vmem>> -> memref<64xi32, #tpu.memory_space<vmem>>
    %dma_start3A_191 = tpu.memref_slice %arg3[%add3A_182] : memref<327680xi32, #tpu.memory_space<hbm>> -> memref<64xi32, #tpu.memory_space<hbm>>
    tpu.enqueue_dma source(%dma_start3A_191 : memref<64xi32, #tpu.memory_space<hbm>>) target(%dma_start3A_190 : memref<64xi32, #tpu.memory_space<vmem>>) target_semaphore(%arg19 : memref<!tpu.dma_semaphore, #tpu.memory_space<semaphore_mem>>)
    %add3A_192 = arith.constant 384 : i32
    %add3A_193 = arith.addi %mul3A_49, %add3A_192 : i32
    %dma_start3A_194 = arith.constant 6 : i32
    %dma_start3A_195 = arith.constant 0 : i32
    %dma_start3A_196 = tpu.memref_slice %arg7[%dma_start3A_194, %dma_start3A_195] : memref<8x64xi32, #tpu.memory_space<vmem>> -> memref<1x64xi32, #tpu.memory_space<vmem>>
    %dma_start3A_197 = tpu.memref_squeeze %dma_start3A_196 : memref<1x64xi32, #tpu.memory_space<vmem>> -> memref<64xi32, #tpu.memory_space<vmem>>
    %dma_start3A_198 = tpu.memref_slice %arg4[%add3A_193] : memref<327680xi32, #tpu.memory_space<hbm>> -> memref<64xi32, #tpu.memory_space<hbm>>
    %dma_start3A_199 = arith.constant 0 : i32
    %dma_start3A_200 = tpu.memref_slice %arg7[%dma_start3A_194, %dma_start3A_199] : memref<8x64xi32, #tpu.memory_space<vmem>> -> memref<1x64xi32, #tpu.memory_space<vmem>>
    %dma_start3A_201 = tpu.memref_squeeze %dma_start3A_200 : memref<1x64xi32, #tpu.memory_space<vmem>> -> memref<64xi32, #tpu.memory_space<vmem>>
    %dma_start3A_202 = tpu.memref_slice %arg4[%add3A_193] : memref<327680xi32, #tpu.memory_space<hbm>> -> memref<64xi32, #tpu.memory_space<hbm>>
    tpu.enqueue_dma source(%dma_start3A_202 : memref<64xi32, #tpu.memory_space<hbm>>) target(%dma_start3A_201 : memref<64xi32, #tpu.memory_space<vmem>>) target_semaphore(%arg19 : memref<!tpu.dma_semaphore, #tpu.memory_space<semaphore_mem>>)
    %add3A_203 = arith.constant 448 : i32
    %add3A_204 = arith.addi %mul3A_49, %add3A_203 : i32
    %dma_start3A_205 = arith.constant 7 : i32
    %dma_start3A_206 = arith.constant 0 : i32
    %dma_start3A_207 = tpu.memref_slice %arg6[%dma_start3A_205, %dma_start3A_206] : memref<8x64xi32, #tpu.memory_space<vmem>> -> memref<1x64xi32, #tpu.memory_space<vmem>>
    %dma_start3A_208 = tpu.memref_squeeze %dma_start3A_207 : memref<1x64xi32, #tpu.memory_space<vmem>> -> memref<64xi32, #tpu.memory_space<vmem>>
    %dma_start3A_209 = tpu.memref_slice %arg3[%add3A_204] : memref<327680xi32, #tpu.memory_space<hbm>> -> memref<64xi32, #tpu.memory_space<hbm>>
    %dma_start3A_210 = arith.constant 0 : i32
    %dma_start3A_211 = tpu.memref_slice %arg6[%dma_start3A_205, %dma_start3A_210] : memref<8x64xi32, #tpu.memory_space<vmem>> -> memref<1x64xi32, #tpu.memory_space<vmem>>
    %dma_start3A_212 = tpu.memref_squeeze %dma_start3A_211 : memref<1x64xi32, #tpu.memory_space<vmem>> -> memref<64xi32, #tpu.memory_space<vmem>>
    %dma_start3A_213 = tpu.memref_slice %arg3[%add3A_204] : memref<327680xi32, #tpu.memory_space<hbm>> -> memref<64xi32, #tpu.memory_space<hbm>>
    tpu.enqueue_dma source(%dma_start3A_213 : memref<64xi32, #tpu.memory_space<hbm>>) target(%dma_start3A_212 : memref<64xi32, #tpu.memory_space<vmem>>) target_semaphore(%arg20 : memref<!tpu.dma_semaphore, #tpu.memory_space<semaphore_mem>>)
    %add3A_214 = arith.constant 448 : i32
    %add3A_215 = arith.addi %mul3A_49, %add3A_214 : i32
    %dma_start3A_216 = arith.constant 7 : i32
    %dma_start3A_217 = arith.constant 0 : i32
    %dma_start3A_218 = tpu.memref_slice %arg7[%dma_start3A_216, %dma_start3A_217] : memref<8x64xi32, #tpu.memory_space<vmem>> -> memref<1x64xi32, #tpu.memory_space<vmem>>
    %dma_start3A_219 = tpu.memref_squeeze %dma_start3A_218 : memref<1x64xi32, #tpu.memory_space<vmem>> -> memref<64xi32, #tpu.memory_space<vmem>>
    %dma_start3A_220 = tpu.memref_slice %arg4[%add3A_215] : memref<327680xi32, #tpu.memory_space<hbm>> -> memref<64xi32, #tpu.memory_space<hbm>>
    %dma_start3A_221 = arith.constant 0 : i32
    %dma_start3A_222 = tpu.memref_slice %arg7[%dma_start3A_216, %dma_start3A_221] : memref<8x64xi32, #tpu.memory_space<vmem>> -> memref<1x64xi32, #tpu.memory_space<vmem>>
    %dma_start3A_223 = tpu.memref_squeeze %dma_start3A_222 : memref<1x64xi32, #tpu.memory_space<vmem>> -> memref<64xi32, #tpu.memory_space<vmem>>
    %dma_start3A_224 = tpu.memref_slice %arg4[%add3A_215] : memref<327680xi32, #tpu.memory_space<hbm>> -> memref<64xi32, #tpu.memory_space<hbm>>
    tpu.enqueue_dma source(%dma_start3A_224 : memref<64xi32, #tpu.memory_space<hbm>>) target(%dma_start3A_223 : memref<64xi32, #tpu.memory_space<vmem>>) target_semaphore(%arg20 : memref<!tpu.dma_semaphore, #tpu.memory_space<semaphore_mem>>)
    %add3A_225 = arith.constant 0 : i32
    %add3A_226 = arith.addi %mul3A_49, %add3A_225 : i32
    %dma_wait3A = arith.constant 0 : i32
    %dma_wait3A_227 = arith.constant 0 : i32
    %dma_wait3A_228 = tpu.memref_slice %arg6[%dma_wait3A, %dma_wait3A_227] : memref<8x64xi32, #tpu.memory_space<vmem>> -> memref<1x64xi32, #tpu.memory_space<vmem>>
    %dma_wait3A_229 = tpu.memref_squeeze %dma_wait3A_228 : memref<1x64xi32, #tpu.memory_space<vmem>> -> memref<64xi32, #tpu.memory_space<vmem>>
    %dma_wait3A_230 = tpu.memref_slice %arg3[%add3A_226] : memref<327680xi32, #tpu.memory_space<hbm>> -> memref<64xi32, #tpu.memory_space<hbm>>
    %dma_wait3A_231 = arith.constant 0 : i32
    %dma_wait3A_232 = tpu.memref_slice %arg6[%dma_wait3A, %dma_wait3A_231] : memref<8x64xi32, #tpu.memory_space<vmem>> -> memref<1x64xi32, #tpu.memory_space<vmem>>
    %dma_wait3A_233 = tpu.memref_squeeze %dma_wait3A_232 : memref<1x64xi32, #tpu.memory_space<vmem>> -> memref<64xi32, #tpu.memory_space<vmem>>
    %dma_wait3A_234 = tpu.memref_slice %arg3[%add3A_226] : memref<327680xi32, #tpu.memory_space<hbm>> -> memref<64xi32, #tpu.memory_space<hbm>>
    tpu.wait_dma2 semaphore(%arg13 : memref<!tpu.dma_semaphore, #tpu.memory_space<semaphore_mem>>) src(%dma_wait3A_234 : memref<64xi32, #tpu.memory_space<hbm>>) dst(%dma_wait3A_233 : memref<64xi32, #tpu.memory_space<vmem>>)
    %add3A_235 = arith.constant 0 : i32
    %add3A_236 = arith.addi %mul3A_49, %add3A_235 : i32
    %dma_wait3A_237 = arith.constant 0 : i32
    %dma_wait3A_238 = arith.constant 0 : i32
    %dma_wait3A_239 = tpu.memref_slice %arg7[%dma_wait3A_237, %dma_wait3A_238] : memref<8x64xi32, #tpu.memory_space<vmem>> -> memref<1x64xi32, #tpu.memory_space<vmem>>
    %dma_wait3A_240 = tpu.memref_squeeze %dma_wait3A_239 : memref<1x64xi32, #tpu.memory_space<vmem>> -> memref<64xi32, #tpu.memory_space<vmem>>
    %dma_wait3A_241 = tpu.memref_slice %arg4[%add3A_236] : memref<327680xi32, #tpu.memory_space<hbm>> -> memref<64xi32, #tpu.memory_space<hbm>>
    %dma_wait3A_242 = arith.constant 0 : i32
    %dma_wait3A_243 = tpu.memref_slice %arg7[%dma_wait3A_237, %dma_wait3A_242] : memref<8x64xi32, #tpu.memory_space<vmem>> -> memref<1x64xi32, #tpu.memory_space<vmem>>
    %dma_wait3A_244 = tpu.memref_squeeze %dma_wait3A_243 : memref<1x64xi32, #tpu.memory_space<vmem>> -> memref<64xi32, #tpu.memory_space<vmem>>
    %dma_wait3A_245 = tpu.memref_slice %arg4[%add3A_236] : memref<327680xi32, #tpu.memory_space<hbm>> -> memref<64xi32, #tpu.memory_space<hbm>>
    tpu.wait_dma2 semaphore(%arg13 : memref<!tpu.dma_semaphore, #tpu.memory_space<semaphore_mem>>) src(%dma_wait3A_245 : memref<64xi32, #tpu.memory_space<hbm>>) dst(%dma_wait3A_244 : memref<64xi32, #tpu.memory_space<vmem>>)
    %dma_start3A_246 = arith.constant 0 : i32
    %dma_start3A_247 = arith.constant 0 : i32
    %dma_start3A_248 = tpu.memref_slice %arg6[%dma_start3A_246, %dma_start3A_247] : memref<8x64xi32, #tpu.memory_space<vmem>> -> memref<1x64xi32, #tpu.memory_space<vmem>>
    %dma_start3A_249 = tpu.memref_squeeze %dma_start3A_248 : memref<1x64xi32, #tpu.memory_space<vmem>> -> memref<64xi32, #tpu.memory_space<vmem>>
    %dma_start3A_250 = arith.constant 0 : i32
    %dma_start3A_251 = arith.constant 0 : i32
    %dma_start3A_252 = tpu.memref_slice %arg2[%dma_start3A_250, %dma_start3A_251] : memref<10000x128xf32, #tpu.memory_space<hbm>> -> memref<10000x128xf32, #tpu.memory_space<hbm>>
    tpu.enqueue_indirect_dma source(%dma_start3A_252 : memref<10000x128xf32, #tpu.memory_space<hbm>>) target(%arg8 : memref<64x128xf32, #tpu.memory_space<vmem>>) offsets(%dma_start3A_249 : memref<64xi32, #tpu.memory_space<vmem>>) semaphore(%arg21 : memref<!tpu.dma_semaphore, #tpu.memory_space<semaphore_mem>>)
    %add3A_253 = arith.constant 64 : i32
    %add3A_254 = arith.addi %mul3A_49, %add3A_253 : i32
    %dma_wait3A_255 = arith.constant 1 : i32
    %dma_wait3A_256 = arith.constant 0 : i32
    %dma_wait3A_257 = tpu.memref_slice %arg6[%dma_wait3A_255, %dma_wait3A_256] : memref<8x64xi32, #tpu.memory_space<vmem>> -> memref<1x64xi32, #tpu.memory_space<vmem>>
    %dma_wait3A_258 = tpu.memref_squeeze %dma_wait3A_257 : memref<1x64xi32, #tpu.memory_space<vmem>> -> memref<64xi32, #tpu.memory_space<vmem>>
    %dma_wait3A_259 = tpu.memref_slice %arg3[%add3A_254] : memref<327680xi32, #tpu.memory_space<hbm>> -> memref<64xi32, #tpu.memory_space<hbm>>
    %dma_wait3A_260 = arith.constant 0 : i32
    %dma_wait3A_261 = tpu.memref_slice %arg6[%dma_wait3A_255, %dma_wait3A_260] : memref<8x64xi32, #tpu.memory_space<vmem>> -> memref<1x64xi32, #tpu.memory_space<vmem>>
    %dma_wait3A_262 = tpu.memref_squeeze %dma_wait3A_261 : memref<1x64xi32, #tpu.memory_space<vmem>> -> memref<64xi32, #tpu.memory_space<vmem>>
    %dma_wait3A_263 = tpu.memref_slice %arg3[%add3A_254] : memref<327680xi32, #tpu.memory_space<hbm>> -> memref<64xi32, #tpu.memory_space<hbm>>
    tpu.wait_dma2 semaphore(%arg14 : memref<!tpu.dma_semaphore, #tpu.memory_space<semaphore_mem>>) src(%dma_wait3A_263 : memref<64xi32, #tpu.memory_space<hbm>>) dst(%dma_wait3A_262 : memref<64xi32, #tpu.memory_space<vmem>>)
    %add3A_264 = arith.constant 64 : i32
    %add3A_265 = arith.addi %mul3A_49, %add3A_264 : i32
    %dma_wait3A_266 = arith.constant 1 : i32
    %dma_wait3A_267 = arith.constant 0 : i32
    %dma_wait3A_268 = tpu.memref_slice %arg7[%dma_wait3A_266, %dma_wait3A_267] : memref<8x64xi32, #tpu.memory_space<vmem>> -> memref<1x64xi32, #tpu.memory_space<vmem>>
    %dma_wait3A_269 = tpu.memref_squeeze %dma_wait3A_268 : memref<1x64xi32, #tpu.memory_space<vmem>> -> memref<64xi32, #tpu.memory_space<vmem>>
    %dma_wait3A_270 = tpu.memref_slice %arg4[%add3A_265] : memref<327680xi32, #tpu.memory_space<hbm>> -> memref<64xi32, #tpu.memory_space<hbm>>
    %dma_wait3A_271 = arith.constant 0 : i32
    %dma_wait3A_272 = tpu.memref_slice %arg7[%dma_wait3A_266, %dma_wait3A_271] : memref<8x64xi32, #tpu.memory_space<vmem>> -> memref<1x64xi32, #tpu.memory_space<vmem>>
    %dma_wait3A_273 = tpu.memref_squeeze %dma_wait3A_272 : memref<1x64xi32, #tpu.memory_space<vmem>> -> memref<64xi32, #tpu.memory_space<vmem>>
    %dma_wait3A_274 = tpu.memref_slice %arg4[%add3A_265] : memref<327680xi32, #tpu.memory_space<hbm>> -> memref<64xi32, #tpu.memory_space<hbm>>
    tpu.wait_dma2 semaphore(%arg14 : memref<!tpu.dma_semaphore, #tpu.memory_space<semaphore_mem>>) src(%dma_wait3A_274 : memref<64xi32, #tpu.memory_space<hbm>>) dst(%dma_wait3A_273 : memref<64xi32, #tpu.memory_space<vmem>>)
    %dma_start3A_275 = arith.constant 1 : i32
    %dma_start3A_276 = arith.constant 0 : i32
    %dma_start3A_277 = tpu.memref_slice %arg6[%dma_start3A_275, %dma_start3A_276] : memref<8x64xi32, #tpu.memory_space<vmem>> -> memref<1x64xi32, #tpu.memory_space<vmem>>
    %dma_start3A_278 = tpu.memref_squeeze %dma_start3A_277 : memref<1x64xi32, #tpu.memory_space<vmem>> -> memref<64xi32, #tpu.memory_space<vmem>>
    %dma_start3A_279 = arith.constant 0 : i32
    %dma_start3A_280 = arith.constant 0 : i32
    %dma_start3A_281 = tpu.memref_slice %arg2[%dma_start3A_279, %dma_start3A_280] : memref<10000x128xf32, #tpu.memory_space<hbm>> -> memref<10000x128xf32, #tpu.memory_space<hbm>>
    tpu.enqueue_indirect_dma source(%dma_start3A_281 : memref<10000x128xf32, #tpu.memory_space<hbm>>) target(%arg9 : memref<64x128xf32, #tpu.memory_space<vmem>>) offsets(%dma_start3A_278 : memref<64xi32, #tpu.memory_space<vmem>>) semaphore(%arg22 : memref<!tpu.dma_semaphore, #tpu.memory_space<semaphore_mem>>)
    %add3A_282 = arith.constant 128 : i32
    %add3A_283 = arith.addi %mul3A_49, %add3A_282 : i32
    %dma_wait3A_284 = arith.constant 2 : i32
    %dma_wait3A_285 = arith.constant 0 : i32
    %dma_wait3A_286 = tpu.memref_slice %arg6[%dma_wait3A_284, %dma_wait3A_285] : memref<8x64xi32, #tpu.memory_space<vmem>> -> memref<1x64xi32, #tpu.memory_space<vmem>>
    %dma_wait3A_287 = tpu.memref_squeeze %dma_wait3A_286 : memref<1x64xi32, #tpu.memory_space<vmem>> -> memref<64xi32, #tpu.memory_space<vmem>>
    %dma_wait3A_288 = tpu.memref_slice %arg3[%add3A_283] : memref<327680xi32, #tpu.memory_space<hbm>> -> memref<64xi32, #tpu.memory_space<hbm>>
    %dma_wait3A_289 = arith.constant 0 : i32
    %dma_wait3A_290 = tpu.memref_slice %arg6[%dma_wait3A_284, %dma_wait3A_289] : memref<8x64xi32, #tpu.memory_space<vmem>> -> memref<1x64xi32, #tpu.memory_space<vmem>>
    %dma_wait3A_291 = tpu.memref_squeeze %dma_wait3A_290 : memref<1x64xi32, #tpu.memory_space<vmem>> -> memref<64xi32, #tpu.memory_space<vmem>>
    %dma_wait3A_292 = tpu.memref_slice %arg3[%add3A_283] : memref<327680xi32, #tpu.memory_space<hbm>> -> memref<64xi32, #tpu.memory_space<hbm>>
    tpu.wait_dma2 semaphore(%arg15 : memref<!tpu.dma_semaphore, #tpu.memory_space<semaphore_mem>>) src(%dma_wait3A_292 : memref<64xi32, #tpu.memory_space<hbm>>) dst(%dma_wait3A_291 : memref<64xi32, #tpu.memory_space<vmem>>)
    %add3A_293 = arith.constant 128 : i32
    %add3A_294 = arith.addi %mul3A_49, %add3A_293 : i32
    %dma_wait3A_295 = arith.constant 2 : i32
    %dma_wait3A_296 = arith.constant 0 : i32
    %dma_wait3A_297 = tpu.memref_slice %arg7[%dma_wait3A_295, %dma_wait3A_296] : memref<8x64xi32, #tpu.memory_space<vmem>> -> memref<1x64xi32, #tpu.memory_space<vmem>>
    %dma_wait3A_298 = tpu.memref_squeeze %dma_wait3A_297 : memref<1x64xi32, #tpu.memory_space<vmem>> -> memref<64xi32, #tpu.memory_space<vmem>>
    %dma_wait3A_299 = tpu.memref_slice %arg4[%add3A_294] : memref<327680xi32, #tpu.memory_space<hbm>> -> memref<64xi32, #tpu.memory_space<hbm>>
    %dma_wait3A_300 = arith.constant 0 : i32
    %dma_wait3A_301 = tpu.memref_slice %arg7[%dma_wait3A_295, %dma_wait3A_300] : memref<8x64xi32, #tpu.memory_space<vmem>> -> memref<1x64xi32, #tpu.memory_space<vmem>>
    %dma_wait3A_302 = tpu.memref_squeeze %dma_wait3A_301 : memref<1x64xi32, #tpu.memory_space<vmem>> -> memref<64xi32, #tpu.memory_space<vmem>>
    %dma_wait3A_303 = tpu.memref_slice %arg4[%add3A_294] : memref<327680xi32, #tpu.memory_space<hbm>> -> memref<64xi32, #tpu.memory_space<hbm>>
    tpu.wait_dma2 semaphore(%arg15 : memref<!tpu.dma_semaphore, #tpu.memory_space<semaphore_mem>>) src(%dma_wait3A_303 : memref<64xi32, #tpu.memory_space<hbm>>) dst(%dma_wait3A_302 : memref<64xi32, #tpu.memory_space<vmem>>)
    %dma_start3A_304 = arith.constant 2 : i32
    %dma_start3A_305 = arith.constant 0 : i32
    %dma_start3A_306 = tpu.memref_slice %arg6[%dma_start3A_304, %dma_start3A_305] : memref<8x64xi32, #tpu.memory_space<vmem>> -> memref<1x64xi32, #tpu.memory_space<vmem>>
    %dma_start3A_307 = tpu.memref_squeeze %dma_start3A_306 : memref<1x64xi32, #tpu.memory_space<vmem>> -> memref<64xi32, #tpu.memory_space<vmem>>
    %dma_start3A_308 = arith.constant 0 : i32
    %dma_start3A_309 = arith.constant 0 : i32
    %dma_start3A_310 = tpu.memref_slice %arg2[%dma_start3A_308, %dma_start3A_309] : memref<10000x128xf32, #tpu.memory_space<hbm>> -> memref<10000x128xf32, #tpu.memory_space<hbm>>
    tpu.enqueue_indirect_dma source(%dma_start3A_310 : memref<10000x128xf32, #tpu.memory_space<hbm>>) target(%arg10 : memref<64x128xf32, #tpu.memory_space<vmem>>) offsets(%dma_start3A_307 : memref<64xi32, #tpu.memory_space<vmem>>) semaphore(%arg23 : memref<!tpu.dma_semaphore, #tpu.memory_space<semaphore_mem>>)
    %add3A_311 = arith.constant 192 : i32
    %add3A_312 = arith.addi %mul3A_49, %add3A_311 : i32
    %dma_wait3A_313 = arith.constant 3 : i32
    %dma_wait3A_314 = arith.constant 0 : i32
    %dma_wait3A_315 = tpu.memref_slice %arg6[%dma_wait3A_313, %dma_wait3A_314] : memref<8x64xi32, #tpu.memory_space<vmem>> -> memref<1x64xi32, #tpu.memory_space<vmem>>
    %dma_wait3A_316 = tpu.memref_squeeze %dma_wait3A_315 : memref<1x64xi32, #tpu.memory_space<vmem>> -> memref<64xi32, #tpu.memory_space<vmem>>
    %dma_wait3A_317 = tpu.memref_slice %arg3[%add3A_312] : memref<327680xi32, #tpu.memory_space<hbm>> -> memref<64xi32, #tpu.memory_space<hbm>>
    %dma_wait3A_318 = arith.constant 0 : i32
    %dma_wait3A_319 = tpu.memref_slice %arg6[%dma_wait3A_313, %dma_wait3A_318] : memref<8x64xi32, #tpu.memory_space<vmem>> -> memref<1x64xi32, #tpu.memory_space<vmem>>
    %dma_wait3A_320 = tpu.memref_squeeze %dma_wait3A_319 : memref<1x64xi32, #tpu.memory_space<vmem>> -> memref<64xi32, #tpu.memory_space<vmem>>
    %dma_wait3A_321 = tpu.memref_slice %arg3[%add3A_312] : memref<327680xi32, #tpu.memory_space<hbm>> -> memref<64xi32, #tpu.memory_space<hbm>>
    tpu.wait_dma2 semaphore(%arg16 : memref<!tpu.dma_semaphore, #tpu.memory_space<semaphore_mem>>) src(%dma_wait3A_321 : memref<64xi32, #tpu.memory_space<hbm>>) dst(%dma_wait3A_320 : memref<64xi32, #tpu.memory_space<vmem>>)
    %add3A_322 = arith.constant 192 : i32
    %add3A_323 = arith.addi %mul3A_49, %add3A_322 : i32
    %dma_wait3A_324 = arith.constant 3 : i32
    %dma_wait3A_325 = arith.constant 0 : i32
    %dma_wait3A_326 = tpu.memref_slice %arg7[%dma_wait3A_324, %dma_wait3A_325] : memref<8x64xi32, #tpu.memory_space<vmem>> -> memref<1x64xi32, #tpu.memory_space<vmem>>
    %dma_wait3A_327 = tpu.memref_squeeze %dma_wait3A_326 : memref<1x64xi32, #tpu.memory_space<vmem>> -> memref<64xi32, #tpu.memory_space<vmem>>
    %dma_wait3A_328 = tpu.memref_slice %arg4[%add3A_323] : memref<327680xi32, #tpu.memory_space<hbm>> -> memref<64xi32, #tpu.memory_space<hbm>>
    %dma_wait3A_329 = arith.constant 0 : i32
    %dma_wait3A_330 = tpu.memref_slice %arg7[%dma_wait3A_324, %dma_wait3A_329] : memref<8x64xi32, #tpu.memory_space<vmem>> -> memref<1x64xi32, #tpu.memory_space<vmem>>
    %dma_wait3A_331 = tpu.memref_squeeze %dma_wait3A_330 : memref<1x64xi32, #tpu.memory_space<vmem>> -> memref<64xi32, #tpu.memory_space<vmem>>
    %dma_wait3A_332 = tpu.memref_slice %arg4[%add3A_323] : memref<327680xi32, #tpu.memory_space<hbm>> -> memref<64xi32, #tpu.memory_space<hbm>>
    tpu.wait_dma2 semaphore(%arg16 : memref<!tpu.dma_semaphore, #tpu.memory_space<semaphore_mem>>) src(%dma_wait3A_332 : memref<64xi32, #tpu.memory_space<hbm>>) dst(%dma_wait3A_331 : memref<64xi32, #tpu.memory_space<vmem>>)
    %dma_start3A_333 = arith.constant 3 : i32
    %dma_start3A_334 = arith.constant 0 : i32
    %dma_start3A_335 = tpu.memref_slice %arg6[%dma_start3A_333, %dma_start3A_334] : memref<8x64xi32, #tpu.memory_space<vmem>> -> memref<1x64xi32, #tpu.memory_space<vmem>>
    %dma_start3A_336 = tpu.memref_squeeze %dma_start3A_335 : memref<1x64xi32, #tpu.memory_space<vmem>> -> memref<64xi32, #tpu.memory_space<vmem>>
    %dma_start3A_337 = arith.constant 0 : i32
    %dma_start3A_338 = arith.constant 0 : i32
    %dma_start3A_339 = tpu.memref_slice %arg2[%dma_start3A_337, %dma_start3A_338] : memref<10000x128xf32, #tpu.memory_space<hbm>> -> memref<10000x128xf32, #tpu.memory_space<hbm>>
    tpu.enqueue_indirect_dma source(%dma_start3A_339 : memref<10000x128xf32, #tpu.memory_space<hbm>>) target(%arg11 : memref<64x128xf32, #tpu.memory_space<vmem>>) offsets(%dma_start3A_336 : memref<64xi32, #tpu.memory_space<vmem>>) semaphore(%arg24 : memref<!tpu.dma_semaphore, #tpu.memory_space<semaphore_mem>>)
    %scan3A_340 = arith.constant 0 : i32
    %scan3A_341 = arith.constant 0 : i32
    %scan3A_342 = arith.constant 20 : i32
    %scan3A_343 = arith.addi %scan3A_341, %scan3A_342 : i32
    %scan3A_344 = arith.constant 1 : i32
    %scan3A_345 = scf.for %scan3A_403 = %scan3A_341 to %scan3A_343 step %scan3A_344 iter_args(%scan3A_404 = %scan3A_340) -> (i32)  : i32 {
      %mul3A_405 = arith.constant 8 : i32
      %mul3A_406 = arith.muli %scan3A_403, %mul3A_405 : i32
      %add3A_407 = arith.constant 0 : i32
      %add3A_408 = arith.addi %mul3A_406, %add3A_407 : i32
      %dma_wait3A_409 = arith.constant 0 : i32
      %dma_wait3A_410 = arith.constant 0 : i32
      %dma_wait3A_411 = tpu.memref_slice %arg6[%dma_wait3A_409, %dma_wait3A_410] : memref<8x64xi32, #tpu.memory_space<vmem>> -> memref<1x64xi32, #tpu.memory_space<vmem>>
      %dma_wait3A_412 = tpu.memref_squeeze %dma_wait3A_411 : memref<1x64xi32, #tpu.memory_space<vmem>> -> memref<64xi32, #tpu.memory_space<vmem>>
      %dma_wait3A_413 = arith.constant 0 : i32
      %dma_wait3A_414 = arith.constant 0 : i32
      %dma_wait3A_415 = tpu.memref_slice %arg2[%dma_wait3A_413, %dma_wait3A_414] : memref<10000x128xf32, #tpu.memory_space<hbm>> -> memref<10000x128xf32, #tpu.memory_space<hbm>>
      tpu.wait_indirect_dma semaphore(%arg21 : memref<!tpu.dma_semaphore, #tpu.memory_space<semaphore_mem>>) src(%dma_wait3A_415 : memref<10000x128xf32, #tpu.memory_space<hbm>>) dst(%arg8 : memref<64x128xf32, #tpu.memory_space<vmem>>)
      %run_scoped3A = arith.constant 0 : i32
      "tpu.region"() ({
        %run_scoped3A_610 = tpu.sem_alloc : memref<!tpu.dma_semaphore, #tpu.memory_space<semaphore_mem>>
        %dma_start3A_611 = arith.constant 0 : i32
        %dma_start3A_612 = tpu.memref_slice %arg7[%run_scoped3A, %dma_start3A_611] : memref<8x64xi32, #tpu.memory_space<vmem>> -> memref<1x64xi32, #tpu.memory_space<vmem>>
        %dma_start3A_613 = tpu.memref_squeeze %dma_start3A_612 : memref<1x64xi32, #tpu.memory_space<vmem>> -> memref<64xi32, #tpu.memory_space<vmem>>
        %dma_start3A_614 = arith.constant 0 : i32
        %dma_start3A_615 = arith.constant 0 : i32
        %dma_start3A_616 = tpu.memref_slice %arg12[%dma_start3A_614, %dma_start3A_615] : memref<10240x128xf32, #tpu.memory_space<vmem_shared>> -> memref<10240x128xf32, #tpu.memory_space<vmem_shared>>
        tpu.enqueue_indirect_dma source(%arg8 : memref<64x128xf32, #tpu.memory_space<vmem>>) target(%dma_start3A_616 : memref<10240x128xf32, #tpu.memory_space<vmem_shared>>) offsets(%dma_start3A_613 : memref<64xi32, #tpu.memory_space<vmem>>) semaphore(%run_scoped3A_610 : memref<!tpu.dma_semaphore, #tpu.memory_space<semaphore_mem>>) {add = true}
        %dma_wait3A_617 = arith.constant 0 : i32
        %dma_wait3A_618 = tpu.memref_slice %arg7[%run_scoped3A, %dma_wait3A_617] : memref<8x64xi32, #tpu.memory_space<vmem>> -> memref<1x64xi32, #tpu.memory_space<vmem>>
        %dma_wait3A_619 = tpu.memref_squeeze %dma_wait3A_618 : memref<1x64xi32, #tpu.memory_space<vmem>> -> memref<64xi32, #tpu.memory_space<vmem>>
        %dma_wait3A_620 = arith.constant 0 : i32
        %dma_wait3A_621 = arith.constant 0 : i32
        %dma_wait3A_622 = tpu.memref_slice %arg12[%dma_wait3A_620, %dma_wait3A_621] : memref<10240x128xf32, #tpu.memory_space<vmem_shared>> -> memref<10240x128xf32, #tpu.memory_space<vmem_shared>>
        tpu.wait_indirect_dma semaphore(%run_scoped3A_610 : memref<!tpu.dma_semaphore, #tpu.memory_space<semaphore_mem>>) src(%arg8 : memref<64x128xf32, #tpu.memory_space<vmem>>) dst(%dma_wait3A_622 : memref<10240x128xf32, #tpu.memory_space<vmem_shared>>)
        tpu.yield
      }) : () -> ()
      %add3A_416 = arith.constant 8 : i32
      %add3A_417 = arith.addi %add3A_408, %add3A_416 : i32
      %lt3A = arith.constant 160 : i32
      %lt3A_418 = arith.cmpi slt, %add3A_417, %lt3A : i32
      %convert_element_type3A = arith.extui %lt3A_418 : i1 to i32
      %cond3A = arith.constant 0 : i32
      %cond3A_419 = arith.cmpi ne, %convert_element_type3A, %cond3A : i32
      scf.if %cond3A_419 {
        %mul3A_610 = arith.constant 64 : i32
        %mul3A_611 = arith.muli %add3A_417, %mul3A_610 : i32
        %add3A_612 = arith.addi %mul3A_49, %mul3A_611 : i32
        %dma_start3A_613 = arith.constant 0 : i32
        %dma_start3A_614 = arith.constant 0 : i32
        %dma_start3A_615 = tpu.memref_slice %arg6[%dma_start3A_613, %dma_start3A_614] : memref<8x64xi32, #tpu.memory_space<vmem>> -> memref<1x64xi32, #tpu.memory_space<vmem>>
        %dma_start3A_616 = tpu.memref_squeeze %dma_start3A_615 : memref<1x64xi32, #tpu.memory_space<vmem>> -> memref<64xi32, #tpu.memory_space<vmem>>
        %dma_start3A_617 = tpu.memref_slice %arg3[%add3A_612] : memref<327680xi32, #tpu.memory_space<hbm>> -> memref<64xi32, #tpu.memory_space<hbm>>
        %dma_start3A_618 = arith.constant 0 : i32
        %dma_start3A_619 = tpu.memref_slice %arg6[%dma_start3A_613, %dma_start3A_618] : memref<8x64xi32, #tpu.memory_space<vmem>> -> memref<1x64xi32, #tpu.memory_space<vmem>>
        %dma_start3A_620 = tpu.memref_squeeze %dma_start3A_619 : memref<1x64xi32, #tpu.memory_space<vmem>> -> memref<64xi32, #tpu.memory_space<vmem>>
        %dma_start3A_621 = tpu.memref_slice %arg3[%add3A_612] : memref<327680xi32, #tpu.memory_space<hbm>> -> memref<64xi32, #tpu.memory_space<hbm>>
        tpu.enqueue_dma source(%dma_start3A_621 : memref<64xi32, #tpu.memory_space<hbm>>) target(%dma_start3A_620 : memref<64xi32, #tpu.memory_space<vmem>>) target_semaphore(%arg13 : memref<!tpu.dma_semaphore, #tpu.memory_space<semaphore_mem>>)
        %mul3A_622 = arith.constant 64 : i32
        %mul3A_623 = arith.muli %add3A_417, %mul3A_622 : i32
        %add3A_624 = arith.addi %mul3A_49, %mul3A_623 : i32
        %dma_start3A_625 = arith.constant 0 : i32
        %dma_start3A_626 = arith.constant 0 : i32
        %dma_start3A_627 = tpu.memref_slice %arg7[%dma_start3A_625, %dma_start3A_626] : memref<8x64xi32, #tpu.memory_space<vmem>> -> memref<1x64xi32, #tpu.memory_space<vmem>>
        %dma_start3A_628 = tpu.memref_squeeze %dma_start3A_627 : memref<1x64xi32, #tpu.memory_space<vmem>> -> memref<64xi32, #tpu.memory_space<vmem>>
        %dma_start3A_629 = tpu.memref_slice %arg4[%add3A_624] : memref<327680xi32, #tpu.memory_space<hbm>> -> memref<64xi32, #tpu.memory_space<hbm>>
        %dma_start3A_630 = arith.constant 0 : i32
        %dma_start3A_631 = tpu.memref_slice %arg7[%dma_start3A_625, %dma_start3A_630] : memref<8x64xi32, #tpu.memory_space<vmem>> -> memref<1x64xi32, #tpu.memory_space<vmem>>
        %dma_start3A_632 = tpu.memref_squeeze %dma_start3A_631 : memref<1x64xi32, #tpu.memory_space<vmem>> -> memref<64xi32, #tpu.memory_space<vmem>>
        %dma_start3A_633 = tpu.memref_slice %arg4[%add3A_624] : memref<327680xi32, #tpu.memory_space<hbm>> -> memref<64xi32, #tpu.memory_space<hbm>>
        tpu.enqueue_dma source(%dma_start3A_633 : memref<64xi32, #tpu.memory_space<hbm>>) target(%dma_start3A_632 : memref<64xi32, #tpu.memory_space<vmem>>) target_semaphore(%arg13 : memref<!tpu.dma_semaphore, #tpu.memory_space<semaphore_mem>>)
      } else {
      }
      %add3A_420 = arith.constant 4 : i32
      %add3A_421 = arith.addi %add3A_408, %add3A_420 : i32
      %lt3A_422 = arith.constant 160 : i32
      %lt3A_423 = arith.cmpi slt, %add3A_421, %lt3A_422 : i32
      %convert_element_type3A_424 = arith.extui %lt3A_423 : i1 to i32
      %cond3A_425 = arith.constant 0 : i32
      %cond3A_426 = arith.cmpi ne, %convert_element_type3A_424, %cond3A_425 : i32
      scf.if %cond3A_426 {
        %mul3A_610 = arith.constant 64 : i32
        %mul3A_611 = arith.muli %add3A_421, %mul3A_610 : i32
        %add3A_612 = arith.addi %mul3A_49, %mul3A_611 : i32
        %dma_wait3A_613 = arith.constant 4 : i32
        %dma_wait3A_614 = arith.constant 0 : i32
        %dma_wait3A_615 = tpu.memref_slice %arg6[%dma_wait3A_613, %dma_wait3A_614] : memref<8x64xi32, #tpu.memory_space<vmem>> -> memref<1x64xi32, #tpu.memory_space<vmem>>
        %dma_wait3A_616 = tpu.memref_squeeze %dma_wait3A_615 : memref<1x64xi32, #tpu.memory_space<vmem>> -> memref<64xi32, #tpu.memory_space<vmem>>
        %dma_wait3A_617 = tpu.memref_slice %arg3[%add3A_612] : memref<327680xi32, #tpu.memory_space<hbm>> -> memref<64xi32, #tpu.memory_space<hbm>>
        %dma_wait3A_618 = arith.constant 0 : i32
        %dma_wait3A_619 = tpu.memref_slice %arg6[%dma_wait3A_613, %dma_wait3A_618] : memref<8x64xi32, #tpu.memory_space<vmem>> -> memref<1x64xi32, #tpu.memory_space<vmem>>
        %dma_wait3A_620 = tpu.memref_squeeze %dma_wait3A_619 : memref<1x64xi32, #tpu.memory_space<vmem>> -> memref<64xi32, #tpu.memory_space<vmem>>
        %dma_wait3A_621 = tpu.memref_slice %arg3[%add3A_612] : memref<327680xi32, #tpu.memory_space<hbm>> -> memref<64xi32, #tpu.memory_space<hbm>>
        tpu.wait_dma2 semaphore(%arg17 : memref<!tpu.dma_semaphore, #tpu.memory_space<semaphore_mem>>) src(%dma_wait3A_621 : memref<64xi32, #tpu.memory_space<hbm>>) dst(%dma_wait3A_620 : memref<64xi32, #tpu.memory_space<vmem>>)
        %mul3A_622 = arith.constant 64 : i32
        %mul3A_623 = arith.muli %add3A_421, %mul3A_622 : i32
        %add3A_624 = arith.addi %mul3A_49, %mul3A_623 : i32
        %dma_wait3A_625 = arith.constant 4 : i32
        %dma_wait3A_626 = arith.constant 0 : i32
        %dma_wait3A_627 = tpu.memref_slice %arg7[%dma_wait3A_625, %dma_wait3A_626] : memref<8x64xi32, #tpu.memory_space<vmem>> -> memref<1x64xi32, #tpu.memory_space<vmem>>
        %dma_wait3A_628 = tpu.memref_squeeze %dma_wait3A_627 : memref<1x64xi32, #tpu.memory_space<vmem>> -> memref<64xi32, #tpu.memory_space<vmem>>
        %dma_wait3A_629 = tpu.memref_slice %arg4[%add3A_624] : memref<327680xi32, #tpu.memory_space<hbm>> -> memref<64xi32, #tpu.memory_space<hbm>>
        %dma_wait3A_630 = arith.constant 0 : i32
        %dma_wait3A_631 = tpu.memref_slice %arg7[%dma_wait3A_625, %dma_wait3A_630] : memref<8x64xi32, #tpu.memory_space<vmem>> -> memref<1x64xi32, #tpu.memory_space<vmem>>
        %dma_wait3A_632 = tpu.memref_squeeze %dma_wait3A_631 : memref<1x64xi32, #tpu.memory_space<vmem>> -> memref<64xi32, #tpu.memory_space<vmem>>
        %dma_wait3A_633 = tpu.memref_slice %arg4[%add3A_624] : memref<327680xi32, #tpu.memory_space<hbm>> -> memref<64xi32, #tpu.memory_space<hbm>>
        tpu.wait_dma2 semaphore(%arg17 : memref<!tpu.dma_semaphore, #tpu.memory_space<semaphore_mem>>) src(%dma_wait3A_633 : memref<64xi32, #tpu.memory_space<hbm>>) dst(%dma_wait3A_632 : memref<64xi32, #tpu.memory_space<vmem>>)
        %dma_start3A_634 = arith.constant 4 : i32
        %dma_start3A_635 = arith.constant 0 : i32
        %dma_start3A_636 = tpu.memref_slice %arg6[%dma_start3A_634, %dma_start3A_635] : memref<8x64xi32, #tpu.memory_space<vmem>> -> memref<1x64xi32, #tpu.memory_space<vmem>>
        %dma_start3A_637 = tpu.memref_squeeze %dma_start3A_636 : memref<1x64xi32, #tpu.memory_space<vmem>> -> memref<64xi32, #tpu.memory_space<vmem>>
        %dma_start3A_638 = arith.constant 0 : i32
        %dma_start3A_639 = arith.constant 0 : i32
        %dma_start3A_640 = tpu.memref_slice %arg2[%dma_start3A_638, %dma_start3A_639] : memref<10000x128xf32, #tpu.memory_space<hbm>> -> memref<10000x128xf32, #tpu.memory_space<hbm>>
        tpu.enqueue_indirect_dma source(%dma_start3A_640 : memref<10000x128xf32, #tpu.memory_space<hbm>>) target(%arg8 : memref<64x128xf32, #tpu.memory_space<vmem>>) offsets(%dma_start3A_637 : memref<64xi32, #tpu.memory_space<vmem>>) semaphore(%arg21 : memref<!tpu.dma_semaphore, #tpu.memory_space<semaphore_mem>>)
      } else {
      }
      %mul3A_427 = arith.constant 8 : i32
      %mul3A_428 = arith.muli %scan3A_403, %mul3A_427 : i32
      %add3A_429 = arith.constant 1 : i32
      %add3A_430 = arith.addi %mul3A_428, %add3A_429 : i32
      %dma_wait3A_431 = arith.constant 1 : i32
      %dma_wait3A_432 = arith.constant 0 : i32
      %dma_wait3A_433 = tpu.memref_slice %arg6[%dma_wait3A_431, %dma_wait3A_432] : memref<8x64xi32, #tpu.memory_space<vmem>> -> memref<1x64xi32, #tpu.memory_space<vmem>>
      %dma_wait3A_434 = tpu.memref_squeeze %dma_wait3A_433 : memref<1x64xi32, #tpu.memory_space<vmem>> -> memref<64xi32, #tpu.memory_space<vmem>>
      %dma_wait3A_435 = arith.constant 0 : i32
      %dma_wait3A_436 = arith.constant 0 : i32
      %dma_wait3A_437 = tpu.memref_slice %arg2[%dma_wait3A_435, %dma_wait3A_436] : memref<10000x128xf32, #tpu.memory_space<hbm>> -> memref<10000x128xf32, #tpu.memory_space<hbm>>
      tpu.wait_indirect_dma semaphore(%arg22 : memref<!tpu.dma_semaphore, #tpu.memory_space<semaphore_mem>>) src(%dma_wait3A_437 : memref<10000x128xf32, #tpu.memory_space<hbm>>) dst(%arg9 : memref<64x128xf32, #tpu.memory_space<vmem>>)
      %run_scoped3A_438 = arith.constant 1 : i32
      "tpu.region"() ({
        %run_scoped3A_610 = tpu.sem_alloc : memref<!tpu.dma_semaphore, #tpu.memory_space<semaphore_mem>>
        %dma_start3A_611 = arith.constant 0 : i32
        %dma_start3A_612 = tpu.memref_slice %arg7[%run_scoped3A_438, %dma_start3A_611] : memref<8x64xi32, #tpu.memory_space<vmem>> -> memref<1x64xi32, #tpu.memory_space<vmem>>
        %dma_start3A_613 = tpu.memref_squeeze %dma_start3A_612 : memref<1x64xi32, #tpu.memory_space<vmem>> -> memref<64xi32, #tpu.memory_space<vmem>>
        %dma_start3A_614 = arith.constant 0 : i32
        %dma_start3A_615 = arith.constant 0 : i32
        %dma_start3A_616 = tpu.memref_slice %arg12[%dma_start3A_614, %dma_start3A_615] : memref<10240x128xf32, #tpu.memory_space<vmem_shared>> -> memref<10240x128xf32, #tpu.memory_space<vmem_shared>>
        tpu.enqueue_indirect_dma source(%arg9 : memref<64x128xf32, #tpu.memory_space<vmem>>) target(%dma_start3A_616 : memref<10240x128xf32, #tpu.memory_space<vmem_shared>>) offsets(%dma_start3A_613 : memref<64xi32, #tpu.memory_space<vmem>>) semaphore(%run_scoped3A_610 : memref<!tpu.dma_semaphore, #tpu.memory_space<semaphore_mem>>) {add = true}
        %dma_wait3A_617 = arith.constant 0 : i32
        %dma_wait3A_618 = tpu.memref_slice %arg7[%run_scoped3A_438, %dma_wait3A_617] : memref<8x64xi32, #tpu.memory_space<vmem>> -> memref<1x64xi32, #tpu.memory_space<vmem>>
        %dma_wait3A_619 = tpu.memref_squeeze %dma_wait3A_618 : memref<1x64xi32, #tpu.memory_space<vmem>> -> memref<64xi32, #tpu.memory_space<vmem>>
        %dma_wait3A_620 = arith.constant 0 : i32
        %dma_wait3A_621 = arith.constant 0 : i32
        %dma_wait3A_622 = tpu.memref_slice %arg12[%dma_wait3A_620, %dma_wait3A_621] : memref<10240x128xf32, #tpu.memory_space<vmem_shared>> -> memref<10240x128xf32, #tpu.memory_space<vmem_shared>>
        tpu.wait_indirect_dma semaphore(%run_scoped3A_610 : memref<!tpu.dma_semaphore, #tpu.memory_space<semaphore_mem>>) src(%arg9 : memref<64x128xf32, #tpu.memory_space<vmem>>) dst(%dma_wait3A_622 : memref<10240x128xf32, #tpu.memory_space<vmem_shared>>)
        tpu.yield
      }) : () -> ()
      %add3A_439 = arith.constant 8 : i32
      %add3A_440 = arith.addi %add3A_430, %add3A_439 : i32
      %lt3A_441 = arith.constant 160 : i32
      %lt3A_442 = arith.cmpi slt, %add3A_440, %lt3A_441 : i32
      %convert_element_type3A_443 = arith.extui %lt3A_442 : i1 to i32
      %cond3A_444 = arith.constant 0 : i32
      %cond3A_445 = arith.cmpi ne, %convert_element_type3A_443, %cond3A_444 : i32
      scf.if %cond3A_445 {
        %mul3A_610 = arith.constant 64 : i32
        %mul3A_611 = arith.muli %add3A_440, %mul3A_610 : i32
        %add3A_612 = arith.addi %mul3A_49, %mul3A_611 : i32
        %dma_start3A_613 = arith.constant 1 : i32
        %dma_start3A_614 = arith.constant 0 : i32
        %dma_start3A_615 = tpu.memref_slice %arg6[%dma_start3A_613, %dma_start3A_614] : memref<8x64xi32, #tpu.memory_space<vmem>> -> memref<1x64xi32, #tpu.memory_space<vmem>>
        %dma_start3A_616 = tpu.memref_squeeze %dma_start3A_615 : memref<1x64xi32, #tpu.memory_space<vmem>> -> memref<64xi32, #tpu.memory_space<vmem>>
        %dma_start3A_617 = tpu.memref_slice %arg3[%add3A_612] : memref<327680xi32, #tpu.memory_space<hbm>> -> memref<64xi32, #tpu.memory_space<hbm>>
        %dma_start3A_618 = arith.constant 0 : i32
        %dma_start3A_619 = tpu.memref_slice %arg6[%dma_start3A_613, %dma_start3A_618] : memref<8x64xi32, #tpu.memory_space<vmem>> -> memref<1x64xi32, #tpu.memory_space<vmem>>
        %dma_start3A_620 = tpu.memref_squeeze %dma_start3A_619 : memref<1x64xi32, #tpu.memory_space<vmem>> -> memref<64xi32, #tpu.memory_space<vmem>>
        %dma_start3A_621 = tpu.memref_slice %arg3[%add3A_612] : memref<327680xi32, #tpu.memory_space<hbm>> -> memref<64xi32, #tpu.memory_space<hbm>>
        tpu.enqueue_dma source(%dma_start3A_621 : memref<64xi32, #tpu.memory_space<hbm>>) target(%dma_start3A_620 : memref<64xi32, #tpu.memory_space<vmem>>) target_semaphore(%arg14 : memref<!tpu.dma_semaphore, #tpu.memory_space<semaphore_mem>>)
        %mul3A_622 = arith.constant 64 : i32
        %mul3A_623 = arith.muli %add3A_440, %mul3A_622 : i32
        %add3A_624 = arith.addi %mul3A_49, %mul3A_623 : i32
        %dma_start3A_625 = arith.constant 1 : i32
        %dma_start3A_626 = arith.constant 0 : i32
        %dma_start3A_627 = tpu.memref_slice %arg7[%dma_start3A_625, %dma_start3A_626] : memref<8x64xi32, #tpu.memory_space<vmem>> -> memref<1x64xi32, #tpu.memory_space<vmem>>
        %dma_start3A_628 = tpu.memref_squeeze %dma_start3A_627 : memref<1x64xi32, #tpu.memory_space<vmem>> -> memref<64xi32, #tpu.memory_space<vmem>>
        %dma_start3A_629 = tpu.memref_slice %arg4[%add3A_624] : memref<327680xi32, #tpu.memory_space<hbm>> -> memref<64xi32, #tpu.memory_space<hbm>>
        %dma_start3A_630 = arith.constant 0 : i32
        %dma_start3A_631 = tpu.memref_slice %arg7[%dma_start3A_625, %dma_start3A_630] : memref<8x64xi32, #tpu.memory_space<vmem>> -> memref<1x64xi32, #tpu.memory_space<vmem>>
        %dma_start3A_632 = tpu.memref_squeeze %dma_start3A_631 : memref<1x64xi32, #tpu.memory_space<vmem>> -> memref<64xi32, #tpu.memory_space<vmem>>
        %dma_start3A_633 = tpu.memref_slice %arg4[%add3A_624] : memref<327680xi32, #tpu.memory_space<hbm>> -> memref<64xi32, #tpu.memory_space<hbm>>
        tpu.enqueue_dma source(%dma_start3A_633 : memref<64xi32, #tpu.memory_space<hbm>>) target(%dma_start3A_632 : memref<64xi32, #tpu.memory_space<vmem>>) target_semaphore(%arg14 : memref<!tpu.dma_semaphore, #tpu.memory_space<semaphore_mem>>)
      } else {
      }
      %add3A_446 = arith.constant 4 : i32
      %add3A_447 = arith.addi %add3A_430, %add3A_446 : i32
      %lt3A_448 = arith.constant 160 : i32
      %lt3A_449 = arith.cmpi slt, %add3A_447, %lt3A_448 : i32
      %convert_element_type3A_450 = arith.extui %lt3A_449 : i1 to i32
      %cond3A_451 = arith.constant 0 : i32
      %cond3A_452 = arith.cmpi ne, %convert_element_type3A_450, %cond3A_451 : i32
      scf.if %cond3A_452 {
        %mul3A_610 = arith.constant 64 : i32
        %mul3A_611 = arith.muli %add3A_447, %mul3A_610 : i32
        %add3A_612 = arith.addi %mul3A_49, %mul3A_611 : i32
        %dma_wait3A_613 = arith.constant 5 : i32
        %dma_wait3A_614 = arith.constant 0 : i32
        %dma_wait3A_615 = tpu.memref_slice %arg6[%dma_wait3A_613, %dma_wait3A_614] : memref<8x64xi32, #tpu.memory_space<vmem>> -> memref<1x64xi32, #tpu.memory_space<vmem>>
        %dma_wait3A_616 = tpu.memref_squeeze %dma_wait3A_615 : memref<1x64xi32, #tpu.memory_space<vmem>> -> memref<64xi32, #tpu.memory_space<vmem>>
        %dma_wait3A_617 = tpu.memref_slice %arg3[%add3A_612] : memref<327680xi32, #tpu.memory_space<hbm>> -> memref<64xi32, #tpu.memory_space<hbm>>
        %dma_wait3A_618 = arith.constant 0 : i32
        %dma_wait3A_619 = tpu.memref_slice %arg6[%dma_wait3A_613, %dma_wait3A_618] : memref<8x64xi32, #tpu.memory_space<vmem>> -> memref<1x64xi32, #tpu.memory_space<vmem>>
        %dma_wait3A_620 = tpu.memref_squeeze %dma_wait3A_619 : memref<1x64xi32, #tpu.memory_space<vmem>> -> memref<64xi32, #tpu.memory_space<vmem>>
        %dma_wait3A_621 = tpu.memref_slice %arg3[%add3A_612] : memref<327680xi32, #tpu.memory_space<hbm>> -> memref<64xi32, #tpu.memory_space<hbm>>
        tpu.wait_dma2 semaphore(%arg18 : memref<!tpu.dma_semaphore, #tpu.memory_space<semaphore_mem>>) src(%dma_wait3A_621 : memref<64xi32, #tpu.memory_space<hbm>>) dst(%dma_wait3A_620 : memref<64xi32, #tpu.memory_space<vmem>>)
        %mul3A_622 = arith.constant 64 : i32
        %mul3A_623 = arith.muli %add3A_447, %mul3A_622 : i32
        %add3A_624 = arith.addi %mul3A_49, %mul3A_623 : i32
        %dma_wait3A_625 = arith.constant 5 : i32
        %dma_wait3A_626 = arith.constant 0 : i32
        %dma_wait3A_627 = tpu.memref_slice %arg7[%dma_wait3A_625, %dma_wait3A_626] : memref<8x64xi32, #tpu.memory_space<vmem>> -> memref<1x64xi32, #tpu.memory_space<vmem>>
        %dma_wait3A_628 = tpu.memref_squeeze %dma_wait3A_627 : memref<1x64xi32, #tpu.memory_space<vmem>> -> memref<64xi32, #tpu.memory_space<vmem>>
        %dma_wait3A_629 = tpu.memref_slice %arg4[%add3A_624] : memref<327680xi32, #tpu.memory_space<hbm>> -> memref<64xi32, #tpu.memory_space<hbm>>
        %dma_wait3A_630 = arith.constant 0 : i32
        %dma_wait3A_631 = tpu.memref_slice %arg7[%dma_wait3A_625, %dma_wait3A_630] : memref<8x64xi32, #tpu.memory_space<vmem>> -> memref<1x64xi32, #tpu.memory_space<vmem>>
        %dma_wait3A_632 = tpu.memref_squeeze %dma_wait3A_631 : memref<1x64xi32, #tpu.memory_space<vmem>> -> memref<64xi32, #tpu.memory_space<vmem>>
        %dma_wait3A_633 = tpu.memref_slice %arg4[%add3A_624] : memref<327680xi32, #tpu.memory_space<hbm>> -> memref<64xi32, #tpu.memory_space<hbm>>
        tpu.wait_dma2 semaphore(%arg18 : memref<!tpu.dma_semaphore, #tpu.memory_space<semaphore_mem>>) src(%dma_wait3A_633 : memref<64xi32, #tpu.memory_space<hbm>>) dst(%dma_wait3A_632 : memref<64xi32, #tpu.memory_space<vmem>>)
        %dma_start3A_634 = arith.constant 5 : i32
        %dma_start3A_635 = arith.constant 0 : i32
        %dma_start3A_636 = tpu.memref_slice %arg6[%dma_start3A_634, %dma_start3A_635] : memref<8x64xi32, #tpu.memory_space<vmem>> -> memref<1x64xi32, #tpu.memory_space<vmem>>
        %dma_start3A_637 = tpu.memref_squeeze %dma_start3A_636 : memref<1x64xi32, #tpu.memory_space<vmem>> -> memref<64xi32, #tpu.memory_space<vmem>>
        %dma_start3A_638 = arith.constant 0 : i32
        %dma_start3A_639 = arith.constant 0 : i32
        %dma_start3A_640 = tpu.memref_slice %arg2[%dma_start3A_638, %dma_start3A_639] : memref<10000x128xf32, #tpu.memory_space<hbm>> -> memref<10000x128xf32, #tpu.memory_space<hbm>>
        tpu.enqueue_indirect_dma source(%dma_start3A_640 : memref<10000x128xf32, #tpu.memory_space<hbm>>) target(%arg9 : memref<64x128xf32, #tpu.memory_space<vmem>>) offsets(%dma_start3A_637 : memref<64xi32, #tpu.memory_space<vmem>>) semaphore(%arg22 : memref<!tpu.dma_semaphore, #tpu.memory_space<semaphore_mem>>)
      } else {
      }
      %mul3A_453 = arith.constant 8 : i32
      %mul3A_454 = arith.muli %scan3A_403, %mul3A_453 : i32
      %add3A_455 = arith.constant 2 : i32
      %add3A_456 = arith.addi %mul3A_454, %add3A_455 : i32
      %dma_wait3A_457 = arith.constant 2 : i32
      %dma_wait3A_458 = arith.constant 0 : i32
      %dma_wait3A_459 = tpu.memref_slice %arg6[%dma_wait3A_457, %dma_wait3A_458] : memref<8x64xi32, #tpu.memory_space<vmem>> -> memref<1x64xi32, #tpu.memory_space<vmem>>
      %dma_wait3A_460 = tpu.memref_squeeze %dma_wait3A_459 : memref<1x64xi32, #tpu.memory_space<vmem>> -> memref<64xi32, #tpu.memory_space<vmem>>
      %dma_wait3A_461 = arith.constant 0 : i32
      %dma_wait3A_462 = arith.constant 0 : i32
      %dma_wait3A_463 = tpu.memref_slice %arg2[%dma_wait3A_461, %dma_wait3A_462] : memref<10000x128xf32, #tpu.memory_space<hbm>> -> memref<10000x128xf32, #tpu.memory_space<hbm>>
      tpu.wait_indirect_dma semaphore(%arg23 : memref<!tpu.dma_semaphore, #tpu.memory_space<semaphore_mem>>) src(%dma_wait3A_463 : memref<10000x128xf32, #tpu.memory_space<hbm>>) dst(%arg10 : memref<64x128xf32, #tpu.memory_space<vmem>>)
      %run_scoped3A_464 = arith.constant 2 : i32
      "tpu.region"() ({
        %run_scoped3A_610 = tpu.sem_alloc : memref<!tpu.dma_semaphore, #tpu.memory_space<semaphore_mem>>
        %dma_start3A_611 = arith.constant 0 : i32
        %dma_start3A_612 = tpu.memref_slice %arg7[%run_scoped3A_464, %dma_start3A_611] : memref<8x64xi32, #tpu.memory_space<vmem>> -> memref<1x64xi32, #tpu.memory_space<vmem>>
        %dma_start3A_613 = tpu.memref_squeeze %dma_start3A_612 : memref<1x64xi32, #tpu.memory_space<vmem>> -> memref<64xi32, #tpu.memory_space<vmem>>
        %dma_start3A_614 = arith.constant 0 : i32
        %dma_start3A_615 = arith.constant 0 : i32
        %dma_start3A_616 = tpu.memref_slice %arg12[%dma_start3A_614, %dma_start3A_615] : memref<10240x128xf32, #tpu.memory_space<vmem_shared>> -> memref<10240x128xf32, #tpu.memory_space<vmem_shared>>
        tpu.enqueue_indirect_dma source(%arg10 : memref<64x128xf32, #tpu.memory_space<vmem>>) target(%dma_start3A_616 : memref<10240x128xf32, #tpu.memory_space<vmem_shared>>) offsets(%dma_start3A_613 : memref<64xi32, #tpu.memory_space<vmem>>) semaphore(%run_scoped3A_610 : memref<!tpu.dma_semaphore, #tpu.memory_space<semaphore_mem>>) {add = true}
        %dma_wait3A_617 = arith.constant 0 : i32
        %dma_wait3A_618 = tpu.memref_slice %arg7[%run_scoped3A_464, %dma_wait3A_617] : memref<8x64xi32, #tpu.memory_space<vmem>> -> memref<1x64xi32, #tpu.memory_space<vmem>>
        %dma_wait3A_619 = tpu.memref_squeeze %dma_wait3A_618 : memref<1x64xi32, #tpu.memory_space<vmem>> -> memref<64xi32, #tpu.memory_space<vmem>>
        %dma_wait3A_620 = arith.constant 0 : i32
        %dma_wait3A_621 = arith.constant 0 : i32
        %dma_wait3A_622 = tpu.memref_slice %arg12[%dma_wait3A_620, %dma_wait3A_621] : memref<10240x128xf32, #tpu.memory_space<vmem_shared>> -> memref<10240x128xf32, #tpu.memory_space<vmem_shared>>
        tpu.wait_indirect_dma semaphore(%run_scoped3A_610 : memref<!tpu.dma_semaphore, #tpu.memory_space<semaphore_mem>>) src(%arg10 : memref<64x128xf32, #tpu.memory_space<vmem>>) dst(%dma_wait3A_622 : memref<10240x128xf32, #tpu.memory_space<vmem_shared>>)
        tpu.yield
      }) : () -> ()
      %add3A_465 = arith.constant 8 : i32
      %add3A_466 = arith.addi %add3A_456, %add3A_465 : i32
      %lt3A_467 = arith.constant 160 : i32
      %lt3A_468 = arith.cmpi slt, %add3A_466, %lt3A_467 : i32
      %convert_element_type3A_469 = arith.extui %lt3A_468 : i1 to i32
      %cond3A_470 = arith.constant 0 : i32
      %cond3A_471 = arith.cmpi ne, %convert_element_type3A_469, %cond3A_470 : i32
      scf.if %cond3A_471 {
        %mul3A_610 = arith.constant 64 : i32
        %mul3A_611 = arith.muli %add3A_466, %mul3A_610 : i32
        %add3A_612 = arith.addi %mul3A_49, %mul3A_611 : i32
        %dma_start3A_613 = arith.constant 2 : i32
        %dma_start3A_614 = arith.constant 0 : i32
        %dma_start3A_615 = tpu.memref_slice %arg6[%dma_start3A_613, %dma_start3A_614] : memref<8x64xi32, #tpu.memory_space<vmem>> -> memref<1x64xi32, #tpu.memory_space<vmem>>
        %dma_start3A_616 = tpu.memref_squeeze %dma_start3A_615 : memref<1x64xi32, #tpu.memory_space<vmem>> -> memref<64xi32, #tpu.memory_space<vmem>>
        %dma_start3A_617 = tpu.memref_slice %arg3[%add3A_612] : memref<327680xi32, #tpu.memory_space<hbm>> -> memref<64xi32, #tpu.memory_space<hbm>>
        %dma_start3A_618 = arith.constant 0 : i32
        %dma_start3A_619 = tpu.memref_slice %arg6[%dma_start3A_613, %dma_start3A_618] : memref<8x64xi32, #tpu.memory_space<vmem>> -> memref<1x64xi32, #tpu.memory_space<vmem>>
        %dma_start3A_620 = tpu.memref_squeeze %dma_start3A_619 : memref<1x64xi32, #tpu.memory_space<vmem>> -> memref<64xi32, #tpu.memory_space<vmem>>
        %dma_start3A_621 = tpu.memref_slice %arg3[%add3A_612] : memref<327680xi32, #tpu.memory_space<hbm>> -> memref<64xi32, #tpu.memory_space<hbm>>
        tpu.enqueue_dma source(%dma_start3A_621 : memref<64xi32, #tpu.memory_space<hbm>>) target(%dma_start3A_620 : memref<64xi32, #tpu.memory_space<vmem>>) target_semaphore(%arg15 : memref<!tpu.dma_semaphore, #tpu.memory_space<semaphore_mem>>)
        %mul3A_622 = arith.constant 64 : i32
        %mul3A_623 = arith.muli %add3A_466, %mul3A_622 : i32
        %add3A_624 = arith.addi %mul3A_49, %mul3A_623 : i32
        %dma_start3A_625 = arith.constant 2 : i32
        %dma_start3A_626 = arith.constant 0 : i32
        %dma_start3A_627 = tpu.memref_slice %arg7[%dma_start3A_625, %dma_start3A_626] : memref<8x64xi32, #tpu.memory_space<vmem>> -> memref<1x64xi32, #tpu.memory_space<vmem>>
        %dma_start3A_628 = tpu.memref_squeeze %dma_start3A_627 : memref<1x64xi32, #tpu.memory_space<vmem>> -> memref<64xi32, #tpu.memory_space<vmem>>
        %dma_start3A_629 = tpu.memref_slice %arg4[%add3A_624] : memref<327680xi32, #tpu.memory_space<hbm>> -> memref<64xi32, #tpu.memory_space<hbm>>
        %dma_start3A_630 = arith.constant 0 : i32
        %dma_start3A_631 = tpu.memref_slice %arg7[%dma_start3A_625, %dma_start3A_630] : memref<8x64xi32, #tpu.memory_space<vmem>> -> memref<1x64xi32, #tpu.memory_space<vmem>>
        %dma_start3A_632 = tpu.memref_squeeze %dma_start3A_631 : memref<1x64xi32, #tpu.memory_space<vmem>> -> memref<64xi32, #tpu.memory_space<vmem>>
        %dma_start3A_633 = tpu.memref_slice %arg4[%add3A_624] : memref<327680xi32, #tpu.memory_space<hbm>> -> memref<64xi32, #tpu.memory_space<hbm>>
        tpu.enqueue_dma source(%dma_start3A_633 : memref<64xi32, #tpu.memory_space<hbm>>) target(%dma_start3A_632 : memref<64xi32, #tpu.memory_space<vmem>>) target_semaphore(%arg15 : memref<!tpu.dma_semaphore, #tpu.memory_space<semaphore_mem>>)
      } else {
      }
      %add3A_472 = arith.constant 4 : i32
      %add3A_473 = arith.addi %add3A_456, %add3A_472 : i32
      %lt3A_474 = arith.constant 160 : i32
      %lt3A_475 = arith.cmpi slt, %add3A_473, %lt3A_474 : i32
      %convert_element_type3A_476 = arith.extui %lt3A_475 : i1 to i32
      %cond3A_477 = arith.constant 0 : i32
      %cond3A_478 = arith.cmpi ne, %convert_element_type3A_476, %cond3A_477 : i32
      scf.if %cond3A_478 {
        %mul3A_610 = arith.constant 64 : i32
        %mul3A_611 = arith.muli %add3A_473, %mul3A_610 : i32
        %add3A_612 = arith.addi %mul3A_49, %mul3A_611 : i32
        %dma_wait3A_613 = arith.constant 6 : i32
        %dma_wait3A_614 = arith.constant 0 : i32
        %dma_wait3A_615 = tpu.memref_slice %arg6[%dma_wait3A_613, %dma_wait3A_614] : memref<8x64xi32, #tpu.memory_space<vmem>> -> memref<1x64xi32, #tpu.memory_space<vmem>>
        %dma_wait3A_616 = tpu.memref_squeeze %dma_wait3A_615 : memref<1x64xi32, #tpu.memory_space<vmem>> -> memref<64xi32, #tpu.memory_space<vmem>>
        %dma_wait3A_617 = tpu.memref_slice %arg3[%add3A_612] : memref<327680xi32, #tpu.memory_space<hbm>> -> memref<64xi32, #tpu.memory_space<hbm>>
        %dma_wait3A_618 = arith.constant 0 : i32
        %dma_wait3A_619 = tpu.memref_slice %arg6[%dma_wait3A_613, %dma_wait3A_618] : memref<8x64xi32, #tpu.memory_space<vmem>> -> memref<1x64xi32, #tpu.memory_space<vmem>>
        %dma_wait3A_620 = tpu.memref_squeeze %dma_wait3A_619 : memref<1x64xi32, #tpu.memory_space<vmem>> -> memref<64xi32, #tpu.memory_space<vmem>>
        %dma_wait3A_621 = tpu.memref_slice %arg3[%add3A_612] : memref<327680xi32, #tpu.memory_space<hbm>> -> memref<64xi32, #tpu.memory_space<hbm>>
        tpu.wait_dma2 semaphore(%arg19 : memref<!tpu.dma_semaphore, #tpu.memory_space<semaphore_mem>>) src(%dma_wait3A_621 : memref<64xi32, #tpu.memory_space<hbm>>) dst(%dma_wait3A_620 : memref<64xi32, #tpu.memory_space<vmem>>)
        %mul3A_622 = arith.constant 64 : i32
        %mul3A_623 = arith.muli %add3A_473, %mul3A_622 : i32
        %add3A_624 = arith.addi %mul3A_49, %mul3A_623 : i32
        %dma_wait3A_625 = arith.constant 6 : i32
        %dma_wait3A_626 = arith.constant 0 : i32
        %dma_wait3A_627 = tpu.memref_slice %arg7[%dma_wait3A_625, %dma_wait3A_626] : memref<8x64xi32, #tpu.memory_space<vmem>> -> memref<1x64xi32, #tpu.memory_space<vmem>>
        %dma_wait3A_628 = tpu.memref_squeeze %dma_wait3A_627 : memref<1x64xi32, #tpu.memory_space<vmem>> -> memref<64xi32, #tpu.memory_space<vmem>>
        %dma_wait3A_629 = tpu.memref_slice %arg4[%add3A_624] : memref<327680xi32, #tpu.memory_space<hbm>> -> memref<64xi32, #tpu.memory_space<hbm>>
        %dma_wait3A_630 = arith.constant 0 : i32
        %dma_wait3A_631 = tpu.memref_slice %arg7[%dma_wait3A_625, %dma_wait3A_630] : memref<8x64xi32, #tpu.memory_space<vmem>> -> memref<1x64xi32, #tpu.memory_space<vmem>>
        %dma_wait3A_632 = tpu.memref_squeeze %dma_wait3A_631 : memref<1x64xi32, #tpu.memory_space<vmem>> -> memref<64xi32, #tpu.memory_space<vmem>>
        %dma_wait3A_633 = tpu.memref_slice %arg4[%add3A_624] : memref<327680xi32, #tpu.memory_space<hbm>> -> memref<64xi32, #tpu.memory_space<hbm>>
        tpu.wait_dma2 semaphore(%arg19 : memref<!tpu.dma_semaphore, #tpu.memory_space<semaphore_mem>>) src(%dma_wait3A_633 : memref<64xi32, #tpu.memory_space<hbm>>) dst(%dma_wait3A_632 : memref<64xi32, #tpu.memory_space<vmem>>)
        %dma_start3A_634 = arith.constant 6 : i32
        %dma_start3A_635 = arith.constant 0 : i32
        %dma_start3A_636 = tpu.memref_slice %arg6[%dma_start3A_634, %dma_start3A_635] : memref<8x64xi32, #tpu.memory_space<vmem>> -> memref<1x64xi32, #tpu.memory_space<vmem>>
        %dma_start3A_637 = tpu.memref_squeeze %dma_start3A_636 : memref<1x64xi32, #tpu.memory_space<vmem>> -> memref<64xi32, #tpu.memory_space<vmem>>
        %dma_start3A_638 = arith.constant 0 : i32
        %dma_start3A_639 = arith.constant 0 : i32
        %dma_start3A_640 = tpu.memref_slice %arg2[%dma_start3A_638, %dma_start3A_639] : memref<10000x128xf32, #tpu.memory_space<hbm>> -> memref<10000x128xf32, #tpu.memory_space<hbm>>
        tpu.enqueue_indirect_dma source(%dma_start3A_640 : memref<10000x128xf32, #tpu.memory_space<hbm>>) target(%arg10 : memref<64x128xf32, #tpu.memory_space<vmem>>) offsets(%dma_start3A_637 : memref<64xi32, #tpu.memory_space<vmem>>) semaphore(%arg23 : memref<!tpu.dma_semaphore, #tpu.memory_space<semaphore_mem>>)
      } else {
      }
      %mul3A_479 = arith.constant 8 : i32
      %mul3A_480 = arith.muli %scan3A_403, %mul3A_479 : i32
      %add3A_481 = arith.constant 3 : i32
      %add3A_482 = arith.addi %mul3A_480, %add3A_481 : i32
      %dma_wait3A_483 = arith.constant 3 : i32
      %dma_wait3A_484 = arith.constant 0 : i32
      %dma_wait3A_485 = tpu.memref_slice %arg6[%dma_wait3A_483, %dma_wait3A_484] : memref<8x64xi32, #tpu.memory_space<vmem>> -> memref<1x64xi32, #tpu.memory_space<vmem>>
      %dma_wait3A_486 = tpu.memref_squeeze %dma_wait3A_485 : memref<1x64xi32, #tpu.memory_space<vmem>> -> memref<64xi32, #tpu.memory_space<vmem>>
      %dma_wait3A_487 = arith.constant 0 : i32
      %dma_wait3A_488 = arith.constant 0 : i32
      %dma_wait3A_489 = tpu.memref_slice %arg2[%dma_wait3A_487, %dma_wait3A_488] : memref<10000x128xf32, #tpu.memory_space<hbm>> -> memref<10000x128xf32, #tpu.memory_space<hbm>>
      tpu.wait_indirect_dma semaphore(%arg24 : memref<!tpu.dma_semaphore, #tpu.memory_space<semaphore_mem>>) src(%dma_wait3A_489 : memref<10000x128xf32, #tpu.memory_space<hbm>>) dst(%arg11 : memref<64x128xf32, #tpu.memory_space<vmem>>)
      %run_scoped3A_490 = arith.constant 3 : i32
      "tpu.region"() ({
        %run_scoped3A_610 = tpu.sem_alloc : memref<!tpu.dma_semaphore, #tpu.memory_space<semaphore_mem>>
        %dma_start3A_611 = arith.constant 0 : i32
        %dma_start3A_612 = tpu.memref_slice %arg7[%run_scoped3A_490, %dma_start3A_611] : memref<8x64xi32, #tpu.memory_space<vmem>> -> memref<1x64xi32, #tpu.memory_space<vmem>>
        %dma_start3A_613 = tpu.memref_squeeze %dma_start3A_612 : memref<1x64xi32, #tpu.memory_space<vmem>> -> memref<64xi32, #tpu.memory_space<vmem>>
        %dma_start3A_614 = arith.constant 0 : i32
        %dma_start3A_615 = arith.constant 0 : i32
        %dma_start3A_616 = tpu.memref_slice %arg12[%dma_start3A_614, %dma_start3A_615] : memref<10240x128xf32, #tpu.memory_space<vmem_shared>> -> memref<10240x128xf32, #tpu.memory_space<vmem_shared>>
        tpu.enqueue_indirect_dma source(%arg11 : memref<64x128xf32, #tpu.memory_space<vmem>>) target(%dma_start3A_616 : memref<10240x128xf32, #tpu.memory_space<vmem_shared>>) offsets(%dma_start3A_613 : memref<64xi32, #tpu.memory_space<vmem>>) semaphore(%run_scoped3A_610 : memref<!tpu.dma_semaphore, #tpu.memory_space<semaphore_mem>>) {add = true}
        %dma_wait3A_617 = arith.constant 0 : i32
        %dma_wait3A_618 = tpu.memref_slice %arg7[%run_scoped3A_490, %dma_wait3A_617] : memref<8x64xi32, #tpu.memory_space<vmem>> -> memref<1x64xi32, #tpu.memory_space<vmem>>
        %dma_wait3A_619 = tpu.memref_squeeze %dma_wait3A_618 : memref<1x64xi32, #tpu.memory_space<vmem>> -> memref<64xi32, #tpu.memory_space<vmem>>
        %dma_wait3A_620 = arith.constant 0 : i32
        %dma_wait3A_621 = arith.constant 0 : i32
        %dma_wait3A_622 = tpu.memref_slice %arg12[%dma_wait3A_620, %dma_wait3A_621] : memref<10240x128xf32, #tpu.memory_space<vmem_shared>> -> memref<10240x128xf32, #tpu.memory_space<vmem_shared>>
        tpu.wait_indirect_dma semaphore(%run_scoped3A_610 : memref<!tpu.dma_semaphore, #tpu.memory_space<semaphore_mem>>) src(%arg11 : memref<64x128xf32, #tpu.memory_space<vmem>>) dst(%dma_wait3A_622 : memref<10240x128xf32, #tpu.memory_space<vmem_shared>>)
        tpu.yield
      }) : () -> ()
      %add3A_491 = arith.constant 8 : i32
      %add3A_492 = arith.addi %add3A_482, %add3A_491 : i32
      %lt3A_493 = arith.constant 160 : i32
      %lt3A_494 = arith.cmpi slt, %add3A_492, %lt3A_493 : i32
      %convert_element_type3A_495 = arith.extui %lt3A_494 : i1 to i32
      %cond3A_496 = arith.constant 0 : i32
      %cond3A_497 = arith.cmpi ne, %convert_element_type3A_495, %cond3A_496 : i32
      scf.if %cond3A_497 {
        %mul3A_610 = arith.constant 64 : i32
        %mul3A_611 = arith.muli %add3A_492, %mul3A_610 : i32
        %add3A_612 = arith.addi %mul3A_49, %mul3A_611 : i32
        %dma_start3A_613 = arith.constant 3 : i32
        %dma_start3A_614 = arith.constant 0 : i32
        %dma_start3A_615 = tpu.memref_slice %arg6[%dma_start3A_613, %dma_start3A_614] : memref<8x64xi32, #tpu.memory_space<vmem>> -> memref<1x64xi32, #tpu.memory_space<vmem>>
        %dma_start3A_616 = tpu.memref_squeeze %dma_start3A_615 : memref<1x64xi32, #tpu.memory_space<vmem>> -> memref<64xi32, #tpu.memory_space<vmem>>
        %dma_start3A_617 = tpu.memref_slice %arg3[%add3A_612] : memref<327680xi32, #tpu.memory_space<hbm>> -> memref<64xi32, #tpu.memory_space<hbm>>
        %dma_start3A_618 = arith.constant 0 : i32
        %dma_start3A_619 = tpu.memref_slice %arg6[%dma_start3A_613, %dma_start3A_618] : memref<8x64xi32, #tpu.memory_space<vmem>> -> memref<1x64xi32, #tpu.memory_space<vmem>>
        %dma_start3A_620 = tpu.memref_squeeze %dma_start3A_619 : memref<1x64xi32, #tpu.memory_space<vmem>> -> memref<64xi32, #tpu.memory_space<vmem>>
        %dma_start3A_621 = tpu.memref_slice %arg3[%add3A_612] : memref<327680xi32, #tpu.memory_space<hbm>> -> memref<64xi32, #tpu.memory_space<hbm>>
        tpu.enqueue_dma source(%dma_start3A_621 : memref<64xi32, #tpu.memory_space<hbm>>) target(%dma_start3A_620 : memref<64xi32, #tpu.memory_space<vmem>>) target_semaphore(%arg16 : memref<!tpu.dma_semaphore, #tpu.memory_space<semaphore_mem>>)
        %mul3A_622 = arith.constant 64 : i32
        %mul3A_623 = arith.muli %add3A_492, %mul3A_622 : i32
        %add3A_624 = arith.addi %mul3A_49, %mul3A_623 : i32
        %dma_start3A_625 = arith.constant 3 : i32
        %dma_start3A_626 = arith.constant 0 : i32
        %dma_start3A_627 = tpu.memref_slice %arg7[%dma_start3A_625, %dma_start3A_626] : memref<8x64xi32, #tpu.memory_space<vmem>> -> memref<1x64xi32, #tpu.memory_space<vmem>>
        %dma_start3A_628 = tpu.memref_squeeze %dma_start3A_627 : memref<1x64xi32, #tpu.memory_space<vmem>> -> memref<64xi32, #tpu.memory_space<vmem>>
        %dma_start3A_629 = tpu.memref_slice %arg4[%add3A_624] : memref<327680xi32, #tpu.memory_space<hbm>> -> memref<64xi32, #tpu.memory_space<hbm>>
        %dma_start3A_630 = arith.constant 0 : i32
        %dma_start3A_631 = tpu.memref_slice %arg7[%dma_start3A_625, %dma_start3A_630] : memref<8x64xi32, #tpu.memory_space<vmem>> -> memref<1x64xi32, #tpu.memory_space<vmem>>
        %dma_start3A_632 = tpu.memref_squeeze %dma_start3A_631 : memref<1x64xi32, #tpu.memory_space<vmem>> -> memref<64xi32, #tpu.memory_space<vmem>>
        %dma_start3A_633 = tpu.memref_slice %arg4[%add3A_624] : memref<327680xi32, #tpu.memory_space<hbm>> -> memref<64xi32, #tpu.memory_space<hbm>>
        tpu.enqueue_dma source(%dma_start3A_633 : memref<64xi32, #tpu.memory_space<hbm>>) target(%dma_start3A_632 : memref<64xi32, #tpu.memory_space<vmem>>) target_semaphore(%arg16 : memref<!tpu.dma_semaphore, #tpu.memory_space<semaphore_mem>>)
      } else {
      }
      %add3A_498 = arith.constant 4 : i32
      %add3A_499 = arith.addi %add3A_482, %add3A_498 : i32
      %lt3A_500 = arith.constant 160 : i32
      %lt3A_501 = arith.cmpi slt, %add3A_499, %lt3A_500 : i32
      %convert_element_type3A_502 = arith.extui %lt3A_501 : i1 to i32
      %cond3A_503 = arith.constant 0 : i32
      %cond3A_504 = arith.cmpi ne, %convert_element_type3A_502, %cond3A_503 : i32
      scf.if %cond3A_504 {
        %mul3A_610 = arith.constant 64 : i32
        %mul3A_611 = arith.muli %add3A_499, %mul3A_610 : i32
        %add3A_612 = arith.addi %mul3A_49, %mul3A_611 : i32
        %dma_wait3A_613 = arith.constant 7 : i32
        %dma_wait3A_614 = arith.constant 0 : i32
        %dma_wait3A_615 = tpu.memref_slice %arg6[%dma_wait3A_613, %dma_wait3A_614] : memref<8x64xi32, #tpu.memory_space<vmem>> -> memref<1x64xi32, #tpu.memory_space<vmem>>
        %dma_wait3A_616 = tpu.memref_squeeze %dma_wait3A_615 : memref<1x64xi32, #tpu.memory_space<vmem>> -> memref<64xi32, #tpu.memory_space<vmem>>
        %dma_wait3A_617 = tpu.memref_slice %arg3[%add3A_612] : memref<327680xi32, #tpu.memory_space<hbm>> -> memref<64xi32, #tpu.memory_space<hbm>>
        %dma_wait3A_618 = arith.constant 0 : i32
        %dma_wait3A_619 = tpu.memref_slice %arg6[%dma_wait3A_613, %dma_wait3A_618] : memref<8x64xi32, #tpu.memory_space<vmem>> -> memref<1x64xi32, #tpu.memory_space<vmem>>
        %dma_wait3A_620 = tpu.memref_squeeze %dma_wait3A_619 : memref<1x64xi32, #tpu.memory_space<vmem>> -> memref<64xi32, #tpu.memory_space<vmem>>
        %dma_wait3A_621 = tpu.memref_slice %arg3[%add3A_612] : memref<327680xi32, #tpu.memory_space<hbm>> -> memref<64xi32, #tpu.memory_space<hbm>>
        tpu.wait_dma2 semaphore(%arg20 : memref<!tpu.dma_semaphore, #tpu.memory_space<semaphore_mem>>) src(%dma_wait3A_621 : memref<64xi32, #tpu.memory_space<hbm>>) dst(%dma_wait3A_620 : memref<64xi32, #tpu.memory_space<vmem>>)
        %mul3A_622 = arith.constant 64 : i32
        %mul3A_623 = arith.muli %add3A_499, %mul3A_622 : i32
        %add3A_624 = arith.addi %mul3A_49, %mul3A_623 : i32
        %dma_wait3A_625 = arith.constant 7 : i32
        %dma_wait3A_626 = arith.constant 0 : i32
        %dma_wait3A_627 = tpu.memref_slice %arg7[%dma_wait3A_625, %dma_wait3A_626] : memref<8x64xi32, #tpu.memory_space<vmem>> -> memref<1x64xi32, #tpu.memory_space<vmem>>
        %dma_wait3A_628 = tpu.memref_squeeze %dma_wait3A_627 : memref<1x64xi32, #tpu.memory_space<vmem>> -> memref<64xi32, #tpu.memory_space<vmem>>
        %dma_wait3A_629 = tpu.memref_slice %arg4[%add3A_624] : memref<327680xi32, #tpu.memory_space<hbm>> -> memref<64xi32, #tpu.memory_space<hbm>>
        %dma_wait3A_630 = arith.constant 0 : i32
        %dma_wait3A_631 = tpu.memref_slice %arg7[%dma_wait3A_625, %dma_wait3A_630] : memref<8x64xi32, #tpu.memory_space<vmem>> -> memref<1x64xi32, #tpu.memory_space<vmem>>
        %dma_wait3A_632 = tpu.memref_squeeze %dma_wait3A_631 : memref<1x64xi32, #tpu.memory_space<vmem>> -> memref<64xi32, #tpu.memory_space<vmem>>
        %dma_wait3A_633 = tpu.memref_slice %arg4[%add3A_624] : memref<327680xi32, #tpu.memory_space<hbm>> -> memref<64xi32, #tpu.memory_space<hbm>>
        tpu.wait_dma2 semaphore(%arg20 : memref<!tpu.dma_semaphore, #tpu.memory_space<semaphore_mem>>) src(%dma_wait3A_633 : memref<64xi32, #tpu.memory_space<hbm>>) dst(%dma_wait3A_632 : memref<64xi32, #tpu.memory_space<vmem>>)
        %dma_start3A_634 = arith.constant 7 : i32
        %dma_start3A_635 = arith.constant 0 : i32
        %dma_start3A_636 = tpu.memref_slice %arg6[%dma_start3A_634, %dma_start3A_635] : memref<8x64xi32, #tpu.memory_space<vmem>> -> memref<1x64xi32, #tpu.memory_space<vmem>>
        %dma_start3A_637 = tpu.memref_squeeze %dma_start3A_636 : memref<1x64xi32, #tpu.memory_space<vmem>> -> memref<64xi32, #tpu.memory_space<vmem>>
        %dma_start3A_638 = arith.constant 0 : i32
        %dma_start3A_639 = arith.constant 0 : i32
        %dma_start3A_640 = tpu.memref_slice %arg2[%dma_start3A_638, %dma_start3A_639] : memref<10000x128xf32, #tpu.memory_space<hbm>> -> memref<10000x128xf32, #tpu.memory_space<hbm>>
        tpu.enqueue_indirect_dma source(%dma_start3A_640 : memref<10000x128xf32, #tpu.memory_space<hbm>>) target(%arg11 : memref<64x128xf32, #tpu.memory_space<vmem>>) offsets(%dma_start3A_637 : memref<64xi32, #tpu.memory_space<vmem>>) semaphore(%arg24 : memref<!tpu.dma_semaphore, #tpu.memory_space<semaphore_mem>>)
      } else {
      }
      %mul3A_505 = arith.constant 8 : i32
      %mul3A_506 = arith.muli %scan3A_403, %mul3A_505 : i32
      %add3A_507 = arith.constant 4 : i32
      %add3A_508 = arith.addi %mul3A_506, %add3A_507 : i32
      %dma_wait3A_509 = arith.constant 4 : i32
      %dma_wait3A_510 = arith.constant 0 : i32
      %dma_wait3A_511 = tpu.memref_slice %arg6[%dma_wait3A_509, %dma_wait3A_510] : memref<8x64xi32, #tpu.memory_space<vmem>> -> memref<1x64xi32, #tpu.memory_space<vmem>>
      %dma_wait3A_512 = tpu.memref_squeeze %dma_wait3A_511 : memref<1x64xi32, #tpu.memory_space<vmem>> -> memref<64xi32, #tpu.memory_space<vmem>>
      %dma_wait3A_513 = arith.constant 0 : i32
      %dma_wait3A_514 = arith.constant 0 : i32
      %dma_wait3A_515 = tpu.memref_slice %arg2[%dma_wait3A_513, %dma_wait3A_514] : memref<10000x128xf32, #tpu.memory_space<hbm>> -> memref<10000x128xf32, #tpu.memory_space<hbm>>
      tpu.wait_indirect_dma semaphore(%arg21 : memref<!tpu.dma_semaphore, #tpu.memory_space<semaphore_mem>>) src(%dma_wait3A_515 : memref<10000x128xf32, #tpu.memory_space<hbm>>) dst(%arg8 : memref<64x128xf32, #tpu.memory_space<vmem>>)
      %run_scoped3A_516 = arith.constant 4 : i32
      "tpu.region"() ({
        %run_scoped3A_610 = tpu.sem_alloc : memref<!tpu.dma_semaphore, #tpu.memory_space<semaphore_mem>>
        %dma_start3A_611 = arith.constant 0 : i32
        %dma_start3A_612 = tpu.memref_slice %arg7[%run_scoped3A_516, %dma_start3A_611] : memref<8x64xi32, #tpu.memory_space<vmem>> -> memref<1x64xi32, #tpu.memory_space<vmem>>
        %dma_start3A_613 = tpu.memref_squeeze %dma_start3A_612 : memref<1x64xi32, #tpu.memory_space<vmem>> -> memref<64xi32, #tpu.memory_space<vmem>>
        %dma_start3A_614 = arith.constant 0 : i32
        %dma_start3A_615 = arith.constant 0 : i32
        %dma_start3A_616 = tpu.memref_slice %arg12[%dma_start3A_614, %dma_start3A_615] : memref<10240x128xf32, #tpu.memory_space<vmem_shared>> -> memref<10240x128xf32, #tpu.memory_space<vmem_shared>>
        tpu.enqueue_indirect_dma source(%arg8 : memref<64x128xf32, #tpu.memory_space<vmem>>) target(%dma_start3A_616 : memref<10240x128xf32, #tpu.memory_space<vmem_shared>>) offsets(%dma_start3A_613 : memref<64xi32, #tpu.memory_space<vmem>>) semaphore(%run_scoped3A_610 : memref<!tpu.dma_semaphore, #tpu.memory_space<semaphore_mem>>) {add = true}
        %dma_wait3A_617 = arith.constant 0 : i32
        %dma_wait3A_618 = tpu.memref_slice %arg7[%run_scoped3A_516, %dma_wait3A_617] : memref<8x64xi32, #tpu.memory_space<vmem>> -> memref<1x64xi32, #tpu.memory_space<vmem>>
        %dma_wait3A_619 = tpu.memref_squeeze %dma_wait3A_618 : memref<1x64xi32, #tpu.memory_space<vmem>> -> memref<64xi32, #tpu.memory_space<vmem>>
        %dma_wait3A_620 = arith.constant 0 : i32
        %dma_wait3A_621 = arith.constant 0 : i32
        %dma_wait3A_622 = tpu.memref_slice %arg12[%dma_wait3A_620, %dma_wait3A_621] : memref<10240x128xf32, #tpu.memory_space<vmem_shared>> -> memref<10240x128xf32, #tpu.memory_space<vmem_shared>>
        tpu.wait_indirect_dma semaphore(%run_scoped3A_610 : memref<!tpu.dma_semaphore, #tpu.memory_space<semaphore_mem>>) src(%arg8 : memref<64x128xf32, #tpu.memory_space<vmem>>) dst(%dma_wait3A_622 : memref<10240x128xf32, #tpu.memory_space<vmem_shared>>)
        tpu.yield
      }) : () -> ()
      %add3A_517 = arith.constant 8 : i32
      %add3A_518 = arith.addi %add3A_508, %add3A_517 : i32
      %lt3A_519 = arith.constant 160 : i32
      %lt3A_520 = arith.cmpi slt, %add3A_518, %lt3A_519 : i32
      %convert_element_type3A_521 = arith.extui %lt3A_520 : i1 to i32
      %cond3A_522 = arith.constant 0 : i32
      %cond3A_523 = arith.cmpi ne, %convert_element_type3A_521, %cond3A_522 : i32
      scf.if %cond3A_523 {
        %mul3A_610 = arith.constant 64 : i32
        %mul3A_611 = arith.muli %add3A_518, %mul3A_610 : i32
        %add3A_612 = arith.addi %mul3A_49, %mul3A_611 : i32
        %dma_start3A_613 = arith.constant 4 : i32
        %dma_start3A_614 = arith.constant 0 : i32
        %dma_start3A_615 = tpu.memref_slice %arg6[%dma_start3A_613, %dma_start3A_614] : memref<8x64xi32, #tpu.memory_space<vmem>> -> memref<1x64xi32, #tpu.memory_space<vmem>>
        %dma_start3A_616 = tpu.memref_squeeze %dma_start3A_615 : memref<1x64xi32, #tpu.memory_space<vmem>> -> memref<64xi32, #tpu.memory_space<vmem>>
        %dma_start3A_617 = tpu.memref_slice %arg3[%add3A_612] : memref<327680xi32, #tpu.memory_space<hbm>> -> memref<64xi32, #tpu.memory_space<hbm>>
        %dma_start3A_618 = arith.constant 0 : i32
        %dma_start3A_619 = tpu.memref_slice %arg6[%dma_start3A_613, %dma_start3A_618] : memref<8x64xi32, #tpu.memory_space<vmem>> -> memref<1x64xi32, #tpu.memory_space<vmem>>
        %dma_start3A_620 = tpu.memref_squeeze %dma_start3A_619 : memref<1x64xi32, #tpu.memory_space<vmem>> -> memref<64xi32, #tpu.memory_space<vmem>>
        %dma_start3A_621 = tpu.memref_slice %arg3[%add3A_612] : memref<327680xi32, #tpu.memory_space<hbm>> -> memref<64xi32, #tpu.memory_space<hbm>>
        tpu.enqueue_dma source(%dma_start3A_621 : memref<64xi32, #tpu.memory_space<hbm>>) target(%dma_start3A_620 : memref<64xi32, #tpu.memory_space<vmem>>) target_semaphore(%arg17 : memref<!tpu.dma_semaphore, #tpu.memory_space<semaphore_mem>>)
        %mul3A_622 = arith.constant 64 : i32
        %mul3A_623 = arith.muli %add3A_518, %mul3A_622 : i32
        %add3A_624 = arith.addi %mul3A_49, %mul3A_623 : i32
        %dma_start3A_625 = arith.constant 4 : i32
        %dma_start3A_626 = arith.constant 0 : i32
        %dma_start3A_627 = tpu.memref_slice %arg7[%dma_start3A_625, %dma_start3A_626] : memref<8x64xi32, #tpu.memory_space<vmem>> -> memref<1x64xi32, #tpu.memory_space<vmem>>
        %dma_start3A_628 = tpu.memref_squeeze %dma_start3A_627 : memref<1x64xi32, #tpu.memory_space<vmem>> -> memref<64xi32, #tpu.memory_space<vmem>>
        %dma_start3A_629 = tpu.memref_slice %arg4[%add3A_624] : memref<327680xi32, #tpu.memory_space<hbm>> -> memref<64xi32, #tpu.memory_space<hbm>>
        %dma_start3A_630 = arith.constant 0 : i32
        %dma_start3A_631 = tpu.memref_slice %arg7[%dma_start3A_625, %dma_start3A_630] : memref<8x64xi32, #tpu.memory_space<vmem>> -> memref<1x64xi32, #tpu.memory_space<vmem>>
        %dma_start3A_632 = tpu.memref_squeeze %dma_start3A_631 : memref<1x64xi32, #tpu.memory_space<vmem>> -> memref<64xi32, #tpu.memory_space<vmem>>
        %dma_start3A_633 = tpu.memref_slice %arg4[%add3A_624] : memref<327680xi32, #tpu.memory_space<hbm>> -> memref<64xi32, #tpu.memory_space<hbm>>
        tpu.enqueue_dma source(%dma_start3A_633 : memref<64xi32, #tpu.memory_space<hbm>>) target(%dma_start3A_632 : memref<64xi32, #tpu.memory_space<vmem>>) target_semaphore(%arg17 : memref<!tpu.dma_semaphore, #tpu.memory_space<semaphore_mem>>)
      } else {
      }
      %add3A_524 = arith.constant 4 : i32
      %add3A_525 = arith.addi %add3A_508, %add3A_524 : i32
      %lt3A_526 = arith.constant 160 : i32
      %lt3A_527 = arith.cmpi slt, %add3A_525, %lt3A_526 : i32
      %convert_element_type3A_528 = arith.extui %lt3A_527 : i1 to i32
      %cond3A_529 = arith.constant 0 : i32
      %cond3A_530 = arith.cmpi ne, %convert_element_type3A_528, %cond3A_529 : i32
      scf.if %cond3A_530 {
        %mul3A_610 = arith.constant 64 : i32
        %mul3A_611 = arith.muli %add3A_525, %mul3A_610 : i32
        %add3A_612 = arith.addi %mul3A_49, %mul3A_611 : i32
        %dma_wait3A_613 = arith.constant 0 : i32
        %dma_wait3A_614 = arith.constant 0 : i32
        %dma_wait3A_615 = tpu.memref_slice %arg6[%dma_wait3A_613, %dma_wait3A_614] : memref<8x64xi32, #tpu.memory_space<vmem>> -> memref<1x64xi32, #tpu.memory_space<vmem>>
        %dma_wait3A_616 = tpu.memref_squeeze %dma_wait3A_615 : memref<1x64xi32, #tpu.memory_space<vmem>> -> memref<64xi32, #tpu.memory_space<vmem>>
        %dma_wait3A_617 = tpu.memref_slice %arg3[%add3A_612] : memref<327680xi32, #tpu.memory_space<hbm>> -> memref<64xi32, #tpu.memory_space<hbm>>
        %dma_wait3A_618 = arith.constant 0 : i32
        %dma_wait3A_619 = tpu.memref_slice %arg6[%dma_wait3A_613, %dma_wait3A_618] : memref<8x64xi32, #tpu.memory_space<vmem>> -> memref<1x64xi32, #tpu.memory_space<vmem>>
        %dma_wait3A_620 = tpu.memref_squeeze %dma_wait3A_619 : memref<1x64xi32, #tpu.memory_space<vmem>> -> memref<64xi32, #tpu.memory_space<vmem>>
        %dma_wait3A_621 = tpu.memref_slice %arg3[%add3A_612] : memref<327680xi32, #tpu.memory_space<hbm>> -> memref<64xi32, #tpu.memory_space<hbm>>
        tpu.wait_dma2 semaphore(%arg13 : memref<!tpu.dma_semaphore, #tpu.memory_space<semaphore_mem>>) src(%dma_wait3A_621 : memref<64xi32, #tpu.memory_space<hbm>>) dst(%dma_wait3A_620 : memref<64xi32, #tpu.memory_space<vmem>>)
        %mul3A_622 = arith.constant 64 : i32
        %mul3A_623 = arith.muli %add3A_525, %mul3A_622 : i32
        %add3A_624 = arith.addi %mul3A_49, %mul3A_623 : i32
        %dma_wait3A_625 = arith.constant 0 : i32
        %dma_wait3A_626 = arith.constant 0 : i32
        %dma_wait3A_627 = tpu.memref_slice %arg7[%dma_wait3A_625, %dma_wait3A_626] : memref<8x64xi32, #tpu.memory_space<vmem>> -> memref<1x64xi32, #tpu.memory_space<vmem>>
        %dma_wait3A_628 = tpu.memref_squeeze %dma_wait3A_627 : memref<1x64xi32, #tpu.memory_space<vmem>> -> memref<64xi32, #tpu.memory_space<vmem>>
        %dma_wait3A_629 = tpu.memref_slice %arg4[%add3A_624] : memref<327680xi32, #tpu.memory_space<hbm>> -> memref<64xi32, #tpu.memory_space<hbm>>
        %dma_wait3A_630 = arith.constant 0 : i32
        %dma_wait3A_631 = tpu.memref_slice %arg7[%dma_wait3A_625, %dma_wait3A_630] : memref<8x64xi32, #tpu.memory_space<vmem>> -> memref<1x64xi32, #tpu.memory_space<vmem>>
        %dma_wait3A_632 = tpu.memref_squeeze %dma_wait3A_631 : memref<1x64xi32, #tpu.memory_space<vmem>> -> memref<64xi32, #tpu.memory_space<vmem>>
        %dma_wait3A_633 = tpu.memref_slice %arg4[%add3A_624] : memref<327680xi32, #tpu.memory_space<hbm>> -> memref<64xi32, #tpu.memory_space<hbm>>
        tpu.wait_dma2 semaphore(%arg13 : memref<!tpu.dma_semaphore, #tpu.memory_space<semaphore_mem>>) src(%dma_wait3A_633 : memref<64xi32, #tpu.memory_space<hbm>>) dst(%dma_wait3A_632 : memref<64xi32, #tpu.memory_space<vmem>>)
        %dma_start3A_634 = arith.constant 0 : i32
        %dma_start3A_635 = arith.constant 0 : i32
        %dma_start3A_636 = tpu.memref_slice %arg6[%dma_start3A_634, %dma_start3A_635] : memref<8x64xi32, #tpu.memory_space<vmem>> -> memref<1x64xi32, #tpu.memory_space<vmem>>
        %dma_start3A_637 = tpu.memref_squeeze %dma_start3A_636 : memref<1x64xi32, #tpu.memory_space<vmem>> -> memref<64xi32, #tpu.memory_space<vmem>>
        %dma_start3A_638 = arith.constant 0 : i32
        %dma_start3A_639 = arith.constant 0 : i32
        %dma_start3A_640 = tpu.memref_slice %arg2[%dma_start3A_638, %dma_start3A_639] : memref<10000x128xf32, #tpu.memory_space<hbm>> -> memref<10000x128xf32, #tpu.memory_space<hbm>>
        tpu.enqueue_indirect_dma source(%dma_start3A_640 : memref<10000x128xf32, #tpu.memory_space<hbm>>) target(%arg8 : memref<64x128xf32, #tpu.memory_space<vmem>>) offsets(%dma_start3A_637 : memref<64xi32, #tpu.memory_space<vmem>>) semaphore(%arg21 : memref<!tpu.dma_semaphore, #tpu.memory_space<semaphore_mem>>)
      } else {
      }
      %mul3A_531 = arith.constant 8 : i32
      %mul3A_532 = arith.muli %scan3A_403, %mul3A_531 : i32
      %add3A_533 = arith.constant 5 : i32
      %add3A_534 = arith.addi %mul3A_532, %add3A_533 : i32
      %dma_wait3A_535 = arith.constant 5 : i32
      %dma_wait3A_536 = arith.constant 0 : i32
      %dma_wait3A_537 = tpu.memref_slice %arg6[%dma_wait3A_535, %dma_wait3A_536] : memref<8x64xi32, #tpu.memory_space<vmem>> -> memref<1x64xi32, #tpu.memory_space<vmem>>
      %dma_wait3A_538 = tpu.memref_squeeze %dma_wait3A_537 : memref<1x64xi32, #tpu.memory_space<vmem>> -> memref<64xi32, #tpu.memory_space<vmem>>
      %dma_wait3A_539 = arith.constant 0 : i32
      %dma_wait3A_540 = arith.constant 0 : i32
      %dma_wait3A_541 = tpu.memref_slice %arg2[%dma_wait3A_539, %dma_wait3A_540] : memref<10000x128xf32, #tpu.memory_space<hbm>> -> memref<10000x128xf32, #tpu.memory_space<hbm>>
      tpu.wait_indirect_dma semaphore(%arg22 : memref<!tpu.dma_semaphore, #tpu.memory_space<semaphore_mem>>) src(%dma_wait3A_541 : memref<10000x128xf32, #tpu.memory_space<hbm>>) dst(%arg9 : memref<64x128xf32, #tpu.memory_space<vmem>>)
      %run_scoped3A_542 = arith.constant 5 : i32
      "tpu.region"() ({
        %run_scoped3A_610 = tpu.sem_alloc : memref<!tpu.dma_semaphore, #tpu.memory_space<semaphore_mem>>
        %dma_start3A_611 = arith.constant 0 : i32
        %dma_start3A_612 = tpu.memref_slice %arg7[%run_scoped3A_542, %dma_start3A_611] : memref<8x64xi32, #tpu.memory_space<vmem>> -> memref<1x64xi32, #tpu.memory_space<vmem>>
        %dma_start3A_613 = tpu.memref_squeeze %dma_start3A_612 : memref<1x64xi32, #tpu.memory_space<vmem>> -> memref<64xi32, #tpu.memory_space<vmem>>
        %dma_start3A_614 = arith.constant 0 : i32
        %dma_start3A_615 = arith.constant 0 : i32
        %dma_start3A_616 = tpu.memref_slice %arg12[%dma_start3A_614, %dma_start3A_615] : memref<10240x128xf32, #tpu.memory_space<vmem_shared>> -> memref<10240x128xf32, #tpu.memory_space<vmem_shared>>
        tpu.enqueue_indirect_dma source(%arg9 : memref<64x128xf32, #tpu.memory_space<vmem>>) target(%dma_start3A_616 : memref<10240x128xf32, #tpu.memory_space<vmem_shared>>) offsets(%dma_start3A_613 : memref<64xi32, #tpu.memory_space<vmem>>) semaphore(%run_scoped3A_610 : memref<!tpu.dma_semaphore, #tpu.memory_space<semaphore_mem>>) {add = true}
        %dma_wait3A_617 = arith.constant 0 : i32
        %dma_wait3A_618 = tpu.memref_slice %arg7[%run_scoped3A_542, %dma_wait3A_617] : memref<8x64xi32, #tpu.memory_space<vmem>> -> memref<1x64xi32, #tpu.memory_space<vmem>>
        %dma_wait3A_619 = tpu.memref_squeeze %dma_wait3A_618 : memref<1x64xi32, #tpu.memory_space<vmem>> -> memref<64xi32, #tpu.memory_space<vmem>>
        %dma_wait3A_620 = arith.constant 0 : i32
        %dma_wait3A_621 = arith.constant 0 : i32
        %dma_wait3A_622 = tpu.memref_slice %arg12[%dma_wait3A_620, %dma_wait3A_621] : memref<10240x128xf32, #tpu.memory_space<vmem_shared>> -> memref<10240x128xf32, #tpu.memory_space<vmem_shared>>
        tpu.wait_indirect_dma semaphore(%run_scoped3A_610 : memref<!tpu.dma_semaphore, #tpu.memory_space<semaphore_mem>>) src(%arg9 : memref<64x128xf32, #tpu.memory_space<vmem>>) dst(%dma_wait3A_622 : memref<10240x128xf32, #tpu.memory_space<vmem_shared>>)
        tpu.yield
      }) : () -> ()
      %add3A_543 = arith.constant 8 : i32
      %add3A_544 = arith.addi %add3A_534, %add3A_543 : i32
      %lt3A_545 = arith.constant 160 : i32
      %lt3A_546 = arith.cmpi slt, %add3A_544, %lt3A_545 : i32
      %convert_element_type3A_547 = arith.extui %lt3A_546 : i1 to i32
      %cond3A_548 = arith.constant 0 : i32
      %cond3A_549 = arith.cmpi ne, %convert_element_type3A_547, %cond3A_548 : i32
      scf.if %cond3A_549 {
        %mul3A_610 = arith.constant 64 : i32
        %mul3A_611 = arith.muli %add3A_544, %mul3A_610 : i32
        %add3A_612 = arith.addi %mul3A_49, %mul3A_611 : i32
        %dma_start3A_613 = arith.constant 5 : i32
        %dma_start3A_614 = arith.constant 0 : i32
        %dma_start3A_615 = tpu.memref_slice %arg6[%dma_start3A_613, %dma_start3A_614] : memref<8x64xi32, #tpu.memory_space<vmem>> -> memref<1x64xi32, #tpu.memory_space<vmem>>
        %dma_start3A_616 = tpu.memref_squeeze %dma_start3A_615 : memref<1x64xi32, #tpu.memory_space<vmem>> -> memref<64xi32, #tpu.memory_space<vmem>>
        %dma_start3A_617 = tpu.memref_slice %arg3[%add3A_612] : memref<327680xi32, #tpu.memory_space<hbm>> -> memref<64xi32, #tpu.memory_space<hbm>>
        %dma_start3A_618 = arith.constant 0 : i32
        %dma_start3A_619 = tpu.memref_slice %arg6[%dma_start3A_613, %dma_start3A_618] : memref<8x64xi32, #tpu.memory_space<vmem>> -> memref<1x64xi32, #tpu.memory_space<vmem>>
        %dma_start3A_620 = tpu.memref_squeeze %dma_start3A_619 : memref<1x64xi32, #tpu.memory_space<vmem>> -> memref<64xi32, #tpu.memory_space<vmem>>
        %dma_start3A_621 = tpu.memref_slice %arg3[%add3A_612] : memref<327680xi32, #tpu.memory_space<hbm>> -> memref<64xi32, #tpu.memory_space<hbm>>
        tpu.enqueue_dma source(%dma_start3A_621 : memref<64xi32, #tpu.memory_space<hbm>>) target(%dma_start3A_620 : memref<64xi32, #tpu.memory_space<vmem>>) target_semaphore(%arg18 : memref<!tpu.dma_semaphore, #tpu.memory_space<semaphore_mem>>)
        %mul3A_622 = arith.constant 64 : i32
        %mul3A_623 = arith.muli %add3A_544, %mul3A_622 : i32
        %add3A_624 = arith.addi %mul3A_49, %mul3A_623 : i32
        %dma_start3A_625 = arith.constant 5 : i32
        %dma_start3A_626 = arith.constant 0 : i32
        %dma_start3A_627 = tpu.memref_slice %arg7[%dma_start3A_625, %dma_start3A_626] : memref<8x64xi32, #tpu.memory_space<vmem>> -> memref<1x64xi32, #tpu.memory_space<vmem>>
        %dma_start3A_628 = tpu.memref_squeeze %dma_start3A_627 : memref<1x64xi32, #tpu.memory_space<vmem>> -> memref<64xi32, #tpu.memory_space<vmem>>
        %dma_start3A_629 = tpu.memref_slice %arg4[%add3A_624] : memref<327680xi32, #tpu.memory_space<hbm>> -> memref<64xi32, #tpu.memory_space<hbm>>
        %dma_start3A_630 = arith.constant 0 : i32
        %dma_start3A_631 = tpu.memref_slice %arg7[%dma_start3A_625, %dma_start3A_630] : memref<8x64xi32, #tpu.memory_space<vmem>> -> memref<1x64xi32, #tpu.memory_space<vmem>>
        %dma_start3A_632 = tpu.memref_squeeze %dma_start3A_631 : memref<1x64xi32, #tpu.memory_space<vmem>> -> memref<64xi32, #tpu.memory_space<vmem>>
        %dma_start3A_633 = tpu.memref_slice %arg4[%add3A_624] : memref<327680xi32, #tpu.memory_space<hbm>> -> memref<64xi32, #tpu.memory_space<hbm>>
        tpu.enqueue_dma source(%dma_start3A_633 : memref<64xi32, #tpu.memory_space<hbm>>) target(%dma_start3A_632 : memref<64xi32, #tpu.memory_space<vmem>>) target_semaphore(%arg18 : memref<!tpu.dma_semaphore, #tpu.memory_space<semaphore_mem>>)
      } else {
      }
      %add3A_550 = arith.constant 4 : i32
      %add3A_551 = arith.addi %add3A_534, %add3A_550 : i32
      %lt3A_552 = arith.constant 160 : i32
      %lt3A_553 = arith.cmpi slt, %add3A_551, %lt3A_552 : i32
      %convert_element_type3A_554 = arith.extui %lt3A_553 : i1 to i32
      %cond3A_555 = arith.constant 0 : i32
      %cond3A_556 = arith.cmpi ne, %convert_element_type3A_554, %cond3A_555 : i32
      scf.if %cond3A_556 {
        %mul3A_610 = arith.constant 64 : i32
        %mul3A_611 = arith.muli %add3A_551, %mul3A_610 : i32
        %add3A_612 = arith.addi %mul3A_49, %mul3A_611 : i32
        %dma_wait3A_613 = arith.constant 1 : i32
        %dma_wait3A_614 = arith.constant 0 : i32
        %dma_wait3A_615 = tpu.memref_slice %arg6[%dma_wait3A_613, %dma_wait3A_614] : memref<8x64xi32, #tpu.memory_space<vmem>> -> memref<1x64xi32, #tpu.memory_space<vmem>>
        %dma_wait3A_616 = tpu.memref_squeeze %dma_wait3A_615 : memref<1x64xi32, #tpu.memory_space<vmem>> -> memref<64xi32, #tpu.memory_space<vmem>>
        %dma_wait3A_617 = tpu.memref_slice %arg3[%add3A_612] : memref<327680xi32, #tpu.memory_space<hbm>> -> memref<64xi32, #tpu.memory_space<hbm>>
        %dma_wait3A_618 = arith.constant 0 : i32
        %dma_wait3A_619 = tpu.memref_slice %arg6[%dma_wait3A_613, %dma_wait3A_618] : memref<8x64xi32, #tpu.memory_space<vmem>> -> memref<1x64xi32, #tpu.memory_space<vmem>>
        %dma_wait3A_620 = tpu.memref_squeeze %dma_wait3A_619 : memref<1x64xi32, #tpu.memory_space<vmem>> -> memref<64xi32, #tpu.memory_space<vmem>>
        %dma_wait3A_621 = tpu.memref_slice %arg3[%add3A_612] : memref<327680xi32, #tpu.memory_space<hbm>> -> memref<64xi32, #tpu.memory_space<hbm>>
        tpu.wait_dma2 semaphore(%arg14 : memref<!tpu.dma_semaphore, #tpu.memory_space<semaphore_mem>>) src(%dma_wait3A_621 : memref<64xi32, #tpu.memory_space<hbm>>) dst(%dma_wait3A_620 : memref<64xi32, #tpu.memory_space<vmem>>)
        %mul3A_622 = arith.constant 64 : i32
        %mul3A_623 = arith.muli %add3A_551, %mul3A_622 : i32
        %add3A_624 = arith.addi %mul3A_49, %mul3A_623 : i32
        %dma_wait3A_625 = arith.constant 1 : i32
        %dma_wait3A_626 = arith.constant 0 : i32
        %dma_wait3A_627 = tpu.memref_slice %arg7[%dma_wait3A_625, %dma_wait3A_626] : memref<8x64xi32, #tpu.memory_space<vmem>> -> memref<1x64xi32, #tpu.memory_space<vmem>>
        %dma_wait3A_628 = tpu.memref_squeeze %dma_wait3A_627 : memref<1x64xi32, #tpu.memory_space<vmem>> -> memref<64xi32, #tpu.memory_space<vmem>>
        %dma_wait3A_629 = tpu.memref_slice %arg4[%add3A_624] : memref<327680xi32, #tpu.memory_space<hbm>> -> memref<64xi32, #tpu.memory_space<hbm>>
        %dma_wait3A_630 = arith.constant 0 : i32
        %dma_wait3A_631 = tpu.memref_slice %arg7[%dma_wait3A_625, %dma_wait3A_630] : memref<8x64xi32, #tpu.memory_space<vmem>> -> memref<1x64xi32, #tpu.memory_space<vmem>>
        %dma_wait3A_632 = tpu.memref_squeeze %dma_wait3A_631 : memref<1x64xi32, #tpu.memory_space<vmem>> -> memref<64xi32, #tpu.memory_space<vmem>>
        %dma_wait3A_633 = tpu.memref_slice %arg4[%add3A_624] : memref<327680xi32, #tpu.memory_space<hbm>> -> memref<64xi32, #tpu.memory_space<hbm>>
        tpu.wait_dma2 semaphore(%arg14 : memref<!tpu.dma_semaphore, #tpu.memory_space<semaphore_mem>>) src(%dma_wait3A_633 : memref<64xi32, #tpu.memory_space<hbm>>) dst(%dma_wait3A_632 : memref<64xi32, #tpu.memory_space<vmem>>)
        %dma_start3A_634 = arith.constant 1 : i32
        %dma_start3A_635 = arith.constant 0 : i32
        %dma_start3A_636 = tpu.memref_slice %arg6[%dma_start3A_634, %dma_start3A_635] : memref<8x64xi32, #tpu.memory_space<vmem>> -> memref<1x64xi32, #tpu.memory_space<vmem>>
        %dma_start3A_637 = tpu.memref_squeeze %dma_start3A_636 : memref<1x64xi32, #tpu.memory_space<vmem>> -> memref<64xi32, #tpu.memory_space<vmem>>
        %dma_start3A_638 = arith.constant 0 : i32
        %dma_start3A_639 = arith.constant 0 : i32
        %dma_start3A_640 = tpu.memref_slice %arg2[%dma_start3A_638, %dma_start3A_639] : memref<10000x128xf32, #tpu.memory_space<hbm>> -> memref<10000x128xf32, #tpu.memory_space<hbm>>
        tpu.enqueue_indirect_dma source(%dma_start3A_640 : memref<10000x128xf32, #tpu.memory_space<hbm>>) target(%arg9 : memref<64x128xf32, #tpu.memory_space<vmem>>) offsets(%dma_start3A_637 : memref<64xi32, #tpu.memory_space<vmem>>) semaphore(%arg22 : memref<!tpu.dma_semaphore, #tpu.memory_space<semaphore_mem>>)
      } else {
      }
      %mul3A_557 = arith.constant 8 : i32
      %mul3A_558 = arith.muli %scan3A_403, %mul3A_557 : i32
      %add3A_559 = arith.constant 6 : i32
      %add3A_560 = arith.addi %mul3A_558, %add3A_559 : i32
      %dma_wait3A_561 = arith.constant 6 : i32
      %dma_wait3A_562 = arith.constant 0 : i32
      %dma_wait3A_563 = tpu.memref_slice %arg6[%dma_wait3A_561, %dma_wait3A_562] : memref<8x64xi32, #tpu.memory_space<vmem>> -> memref<1x64xi32, #tpu.memory_space<vmem>>
      %dma_wait3A_564 = tpu.memref_squeeze %dma_wait3A_563 : memref<1x64xi32, #tpu.memory_space<vmem>> -> memref<64xi32, #tpu.memory_space<vmem>>
      %dma_wait3A_565 = arith.constant 0 : i32
      %dma_wait3A_566 = arith.constant 0 : i32
      %dma_wait3A_567 = tpu.memref_slice %arg2[%dma_wait3A_565, %dma_wait3A_566] : memref<10000x128xf32, #tpu.memory_space<hbm>> -> memref<10000x128xf32, #tpu.memory_space<hbm>>
      tpu.wait_indirect_dma semaphore(%arg23 : memref<!tpu.dma_semaphore, #tpu.memory_space<semaphore_mem>>) src(%dma_wait3A_567 : memref<10000x128xf32, #tpu.memory_space<hbm>>) dst(%arg10 : memref<64x128xf32, #tpu.memory_space<vmem>>)
      %run_scoped3A_568 = arith.constant 6 : i32
      "tpu.region"() ({
        %run_scoped3A_610 = tpu.sem_alloc : memref<!tpu.dma_semaphore, #tpu.memory_space<semaphore_mem>>
        %dma_start3A_611 = arith.constant 0 : i32
        %dma_start3A_612 = tpu.memref_slice %arg7[%run_scoped3A_568, %dma_start3A_611] : memref<8x64xi32, #tpu.memory_space<vmem>> -> memref<1x64xi32, #tpu.memory_space<vmem>>
        %dma_start3A_613 = tpu.memref_squeeze %dma_start3A_612 : memref<1x64xi32, #tpu.memory_space<vmem>> -> memref<64xi32, #tpu.memory_space<vmem>>
        %dma_start3A_614 = arith.constant 0 : i32
        %dma_start3A_615 = arith.constant 0 : i32
        %dma_start3A_616 = tpu.memref_slice %arg12[%dma_start3A_614, %dma_start3A_615] : memref<10240x128xf32, #tpu.memory_space<vmem_shared>> -> memref<10240x128xf32, #tpu.memory_space<vmem_shared>>
        tpu.enqueue_indirect_dma source(%arg10 : memref<64x128xf32, #tpu.memory_space<vmem>>) target(%dma_start3A_616 : memref<10240x128xf32, #tpu.memory_space<vmem_shared>>) offsets(%dma_start3A_613 : memref<64xi32, #tpu.memory_space<vmem>>) semaphore(%run_scoped3A_610 : memref<!tpu.dma_semaphore, #tpu.memory_space<semaphore_mem>>) {add = true}
        %dma_wait3A_617 = arith.constant 0 : i32
        %dma_wait3A_618 = tpu.memref_slice %arg7[%run_scoped3A_568, %dma_wait3A_617] : memref<8x64xi32, #tpu.memory_space<vmem>> -> memref<1x64xi32, #tpu.memory_space<vmem>>
        %dma_wait3A_619 = tpu.memref_squeeze %dma_wait3A_618 : memref<1x64xi32, #tpu.memory_space<vmem>> -> memref<64xi32, #tpu.memory_space<vmem>>
        %dma_wait3A_620 = arith.constant 0 : i32
        %dma_wait3A_621 = arith.constant 0 : i32
        %dma_wait3A_622 = tpu.memref_slice %arg12[%dma_wait3A_620, %dma_wait3A_621] : memref<10240x128xf32, #tpu.memory_space<vmem_shared>> -> memref<10240x128xf32, #tpu.memory_space<vmem_shared>>
        tpu.wait_indirect_dma semaphore(%run_scoped3A_610 : memref<!tpu.dma_semaphore, #tpu.memory_space<semaphore_mem>>) src(%arg10 : memref<64x128xf32, #tpu.memory_space<vmem>>) dst(%dma_wait3A_622 : memref<10240x128xf32, #tpu.memory_space<vmem_shared>>)
        tpu.yield
      }) : () -> ()
      %add3A_569 = arith.constant 8 : i32
      %add3A_570 = arith.addi %add3A_560, %add3A_569 : i32
      %lt3A_571 = arith.constant 160 : i32
      %lt3A_572 = arith.cmpi slt, %add3A_570, %lt3A_571 : i32
      %convert_element_type3A_573 = arith.extui %lt3A_572 : i1 to i32
      %cond3A_574 = arith.constant 0 : i32
      %cond3A_575 = arith.cmpi ne, %convert_element_type3A_573, %cond3A_574 : i32
      scf.if %cond3A_575 {
        %mul3A_610 = arith.constant 64 : i32
        %mul3A_611 = arith.muli %add3A_570, %mul3A_610 : i32
        %add3A_612 = arith.addi %mul3A_49, %mul3A_611 : i32
        %dma_start3A_613 = arith.constant 6 : i32
        %dma_start3A_614 = arith.constant 0 : i32
        %dma_start3A_615 = tpu.memref_slice %arg6[%dma_start3A_613, %dma_start3A_614] : memref<8x64xi32, #tpu.memory_space<vmem>> -> memref<1x64xi32, #tpu.memory_space<vmem>>
        %dma_start3A_616 = tpu.memref_squeeze %dma_start3A_615 : memref<1x64xi32, #tpu.memory_space<vmem>> -> memref<64xi32, #tpu.memory_space<vmem>>
        %dma_start3A_617 = tpu.memref_slice %arg3[%add3A_612] : memref<327680xi32, #tpu.memory_space<hbm>> -> memref<64xi32, #tpu.memory_space<hbm>>
        %dma_start3A_618 = arith.constant 0 : i32
        %dma_start3A_619 = tpu.memref_slice %arg6[%dma_start3A_613, %dma_start3A_618] : memref<8x64xi32, #tpu.memory_space<vmem>> -> memref<1x64xi32, #tpu.memory_space<vmem>>
        %dma_start3A_620 = tpu.memref_squeeze %dma_start3A_619 : memref<1x64xi32, #tpu.memory_space<vmem>> -> memref<64xi32, #tpu.memory_space<vmem>>
        %dma_start3A_621 = tpu.memref_slice %arg3[%add3A_612] : memref<327680xi32, #tpu.memory_space<hbm>> -> memref<64xi32, #tpu.memory_space<hbm>>
        tpu.enqueue_dma source(%dma_start3A_621 : memref<64xi32, #tpu.memory_space<hbm>>) target(%dma_start3A_620 : memref<64xi32, #tpu.memory_space<vmem>>) target_semaphore(%arg19 : memref<!tpu.dma_semaphore, #tpu.memory_space<semaphore_mem>>)
        %mul3A_622 = arith.constant 64 : i32
        %mul3A_623 = arith.muli %add3A_570, %mul3A_622 : i32
        %add3A_624 = arith.addi %mul3A_49, %mul3A_623 : i32
        %dma_start3A_625 = arith.constant 6 : i32
        %dma_start3A_626 = arith.constant 0 : i32
        %dma_start3A_627 = tpu.memref_slice %arg7[%dma_start3A_625, %dma_start3A_626] : memref<8x64xi32, #tpu.memory_space<vmem>> -> memref<1x64xi32, #tpu.memory_space<vmem>>
        %dma_start3A_628 = tpu.memref_squeeze %dma_start3A_627 : memref<1x64xi32, #tpu.memory_space<vmem>> -> memref<64xi32, #tpu.memory_space<vmem>>
        %dma_start3A_629 = tpu.memref_slice %arg4[%add3A_624] : memref<327680xi32, #tpu.memory_space<hbm>> -> memref<64xi32, #tpu.memory_space<hbm>>
        %dma_start3A_630 = arith.constant 0 : i32
        %dma_start3A_631 = tpu.memref_slice %arg7[%dma_start3A_625, %dma_start3A_630] : memref<8x64xi32, #tpu.memory_space<vmem>> -> memref<1x64xi32, #tpu.memory_space<vmem>>
        %dma_start3A_632 = tpu.memref_squeeze %dma_start3A_631 : memref<1x64xi32, #tpu.memory_space<vmem>> -> memref<64xi32, #tpu.memory_space<vmem>>
        %dma_start3A_633 = tpu.memref_slice %arg4[%add3A_624] : memref<327680xi32, #tpu.memory_space<hbm>> -> memref<64xi32, #tpu.memory_space<hbm>>
        tpu.enqueue_dma source(%dma_start3A_633 : memref<64xi32, #tpu.memory_space<hbm>>) target(%dma_start3A_632 : memref<64xi32, #tpu.memory_space<vmem>>) target_semaphore(%arg19 : memref<!tpu.dma_semaphore, #tpu.memory_space<semaphore_mem>>)
      } else {
      }
      %add3A_576 = arith.constant 4 : i32
      %add3A_577 = arith.addi %add3A_560, %add3A_576 : i32
      %lt3A_578 = arith.constant 160 : i32
      %lt3A_579 = arith.cmpi slt, %add3A_577, %lt3A_578 : i32
      %convert_element_type3A_580 = arith.extui %lt3A_579 : i1 to i32
      %cond3A_581 = arith.constant 0 : i32
      %cond3A_582 = arith.cmpi ne, %convert_element_type3A_580, %cond3A_581 : i32
      scf.if %cond3A_582 {
        %mul3A_610 = arith.constant 64 : i32
        %mul3A_611 = arith.muli %add3A_577, %mul3A_610 : i32
        %add3A_612 = arith.addi %mul3A_49, %mul3A_611 : i32
        %dma_wait3A_613 = arith.constant 2 : i32
        %dma_wait3A_614 = arith.constant 0 : i32
        %dma_wait3A_615 = tpu.memref_slice %arg6[%dma_wait3A_613, %dma_wait3A_614] : memref<8x64xi32, #tpu.memory_space<vmem>> -> memref<1x64xi32, #tpu.memory_space<vmem>>
        %dma_wait3A_616 = tpu.memref_squeeze %dma_wait3A_615 : memref<1x64xi32, #tpu.memory_space<vmem>> -> memref<64xi32, #tpu.memory_space<vmem>>
        %dma_wait3A_617 = tpu.memref_slice %arg3[%add3A_612] : memref<327680xi32, #tpu.memory_space<hbm>> -> memref<64xi32, #tpu.memory_space<hbm>>
        %dma_wait3A_618 = arith.constant 0 : i32
        %dma_wait3A_619 = tpu.memref_slice %arg6[%dma_wait3A_613, %dma_wait3A_618] : memref<8x64xi32, #tpu.memory_space<vmem>> -> memref<1x64xi32, #tpu.memory_space<vmem>>
        %dma_wait3A_620 = tpu.memref_squeeze %dma_wait3A_619 : memref<1x64xi32, #tpu.memory_space<vmem>> -> memref<64xi32, #tpu.memory_space<vmem>>
        %dma_wait3A_621 = tpu.memref_slice %arg3[%add3A_612] : memref<327680xi32, #tpu.memory_space<hbm>> -> memref<64xi32, #tpu.memory_space<hbm>>
        tpu.wait_dma2 semaphore(%arg15 : memref<!tpu.dma_semaphore, #tpu.memory_space<semaphore_mem>>) src(%dma_wait3A_621 : memref<64xi32, #tpu.memory_space<hbm>>) dst(%dma_wait3A_620 : memref<64xi32, #tpu.memory_space<vmem>>)
        %mul3A_622 = arith.constant 64 : i32
        %mul3A_623 = arith.muli %add3A_577, %mul3A_622 : i32
        %add3A_624 = arith.addi %mul3A_49, %mul3A_623 : i32
        %dma_wait3A_625 = arith.constant 2 : i32
        %dma_wait3A_626 = arith.constant 0 : i32
        %dma_wait3A_627 = tpu.memref_slice %arg7[%dma_wait3A_625, %dma_wait3A_626] : memref<8x64xi32, #tpu.memory_space<vmem>> -> memref<1x64xi32, #tpu.memory_space<vmem>>
        %dma_wait3A_628 = tpu.memref_squeeze %dma_wait3A_627 : memref<1x64xi32, #tpu.memory_space<vmem>> -> memref<64xi32, #tpu.memory_space<vmem>>
        %dma_wait3A_629 = tpu.memref_slice %arg4[%add3A_624] : memref<327680xi32, #tpu.memory_space<hbm>> -> memref<64xi32, #tpu.memory_space<hbm>>
        %dma_wait3A_630 = arith.constant 0 : i32
        %dma_wait3A_631 = tpu.memref_slice %arg7[%dma_wait3A_625, %dma_wait3A_630] : memref<8x64xi32, #tpu.memory_space<vmem>> -> memref<1x64xi32, #tpu.memory_space<vmem>>
        %dma_wait3A_632 = tpu.memref_squeeze %dma_wait3A_631 : memref<1x64xi32, #tpu.memory_space<vmem>> -> memref<64xi32, #tpu.memory_space<vmem>>
        %dma_wait3A_633 = tpu.memref_slice %arg4[%add3A_624] : memref<327680xi32, #tpu.memory_space<hbm>> -> memref<64xi32, #tpu.memory_space<hbm>>
        tpu.wait_dma2 semaphore(%arg15 : memref<!tpu.dma_semaphore, #tpu.memory_space<semaphore_mem>>) src(%dma_wait3A_633 : memref<64xi32, #tpu.memory_space<hbm>>) dst(%dma_wait3A_632 : memref<64xi32, #tpu.memory_space<vmem>>)
        %dma_start3A_634 = arith.constant 2 : i32
        %dma_start3A_635 = arith.constant 0 : i32
        %dma_start3A_636 = tpu.memref_slice %arg6[%dma_start3A_634, %dma_start3A_635] : memref<8x64xi32, #tpu.memory_space<vmem>> -> memref<1x64xi32, #tpu.memory_space<vmem>>
        %dma_start3A_637 = tpu.memref_squeeze %dma_start3A_636 : memref<1x64xi32, #tpu.memory_space<vmem>> -> memref<64xi32, #tpu.memory_space<vmem>>
        %dma_start3A_638 = arith.constant 0 : i32
        %dma_start3A_639 = arith.constant 0 : i32
        %dma_start3A_640 = tpu.memref_slice %arg2[%dma_start3A_638, %dma_start3A_639] : memref<10000x128xf32, #tpu.memory_space<hbm>> -> memref<10000x128xf32, #tpu.memory_space<hbm>>
        tpu.enqueue_indirect_dma source(%dma_start3A_640 : memref<10000x128xf32, #tpu.memory_space<hbm>>) target(%arg10 : memref<64x128xf32, #tpu.memory_space<vmem>>) offsets(%dma_start3A_637 : memref<64xi32, #tpu.memory_space<vmem>>) semaphore(%arg23 : memref<!tpu.dma_semaphore, #tpu.memory_space<semaphore_mem>>)
      } else {
      }
      %mul3A_583 = arith.constant 8 : i32
      %mul3A_584 = arith.muli %scan3A_403, %mul3A_583 : i32
      %add3A_585 = arith.constant 7 : i32
      %add3A_586 = arith.addi %mul3A_584, %add3A_585 : i32
      %dma_wait3A_587 = arith.constant 7 : i32
      %dma_wait3A_588 = arith.constant 0 : i32
      %dma_wait3A_589 = tpu.memref_slice %arg6[%dma_wait3A_587, %dma_wait3A_588] : memref<8x64xi32, #tpu.memory_space<vmem>> -> memref<1x64xi32, #tpu.memory_space<vmem>>
      %dma_wait3A_590 = tpu.memref_squeeze %dma_wait3A_589 : memref<1x64xi32, #tpu.memory_space<vmem>> -> memref<64xi32, #tpu.memory_space<vmem>>
      %dma_wait3A_591 = arith.constant 0 : i32
      %dma_wait3A_592 = arith.constant 0 : i32
      %dma_wait3A_593 = tpu.memref_slice %arg2[%dma_wait3A_591, %dma_wait3A_592] : memref<10000x128xf32, #tpu.memory_space<hbm>> -> memref<10000x128xf32, #tpu.memory_space<hbm>>
      tpu.wait_indirect_dma semaphore(%arg24 : memref<!tpu.dma_semaphore, #tpu.memory_space<semaphore_mem>>) src(%dma_wait3A_593 : memref<10000x128xf32, #tpu.memory_space<hbm>>) dst(%arg11 : memref<64x128xf32, #tpu.memory_space<vmem>>)
      %run_scoped3A_594 = arith.constant 7 : i32
      "tpu.region"() ({
        %run_scoped3A_610 = tpu.sem_alloc : memref<!tpu.dma_semaphore, #tpu.memory_space<semaphore_mem>>
        %dma_start3A_611 = arith.constant 0 : i32
        %dma_start3A_612 = tpu.memref_slice %arg7[%run_scoped3A_594, %dma_start3A_611] : memref<8x64xi32, #tpu.memory_space<vmem>> -> memref<1x64xi32, #tpu.memory_space<vmem>>
        %dma_start3A_613 = tpu.memref_squeeze %dma_start3A_612 : memref<1x64xi32, #tpu.memory_space<vmem>> -> memref<64xi32, #tpu.memory_space<vmem>>
        %dma_start3A_614 = arith.constant 0 : i32
        %dma_start3A_615 = arith.constant 0 : i32
        %dma_start3A_616 = tpu.memref_slice %arg12[%dma_start3A_614, %dma_start3A_615] : memref<10240x128xf32, #tpu.memory_space<vmem_shared>> -> memref<10240x128xf32, #tpu.memory_space<vmem_shared>>
        tpu.enqueue_indirect_dma source(%arg11 : memref<64x128xf32, #tpu.memory_space<vmem>>) target(%dma_start3A_616 : memref<10240x128xf32, #tpu.memory_space<vmem_shared>>) offsets(%dma_start3A_613 : memref<64xi32, #tpu.memory_space<vmem>>) semaphore(%run_scoped3A_610 : memref<!tpu.dma_semaphore, #tpu.memory_space<semaphore_mem>>) {add = true}
        %dma_wait3A_617 = arith.constant 0 : i32
        %dma_wait3A_618 = tpu.memref_slice %arg7[%run_scoped3A_594, %dma_wait3A_617] : memref<8x64xi32, #tpu.memory_space<vmem>> -> memref<1x64xi32, #tpu.memory_space<vmem>>
        %dma_wait3A_619 = tpu.memref_squeeze %dma_wait3A_618 : memref<1x64xi32, #tpu.memory_space<vmem>> -> memref<64xi32, #tpu.memory_space<vmem>>
        %dma_wait3A_620 = arith.constant 0 : i32
        %dma_wait3A_621 = arith.constant 0 : i32
        %dma_wait3A_622 = tpu.memref_slice %arg12[%dma_wait3A_620, %dma_wait3A_621] : memref<10240x128xf32, #tpu.memory_space<vmem_shared>> -> memref<10240x128xf32, #tpu.memory_space<vmem_shared>>
        tpu.wait_indirect_dma semaphore(%run_scoped3A_610 : memref<!tpu.dma_semaphore, #tpu.memory_space<semaphore_mem>>) src(%arg11 : memref<64x128xf32, #tpu.memory_space<vmem>>) dst(%dma_wait3A_622 : memref<10240x128xf32, #tpu.memory_space<vmem_shared>>)
        tpu.yield
      }) : () -> ()
      %add3A_595 = arith.constant 8 : i32
      %add3A_596 = arith.addi %add3A_586, %add3A_595 : i32
      %lt3A_597 = arith.constant 160 : i32
      %lt3A_598 = arith.cmpi slt, %add3A_596, %lt3A_597 : i32
      %convert_element_type3A_599 = arith.extui %lt3A_598 : i1 to i32
      %cond3A_600 = arith.constant 0 : i32
      %cond3A_601 = arith.cmpi ne, %convert_element_type3A_599, %cond3A_600 : i32
      scf.if %cond3A_601 {
        %mul3A_610 = arith.constant 64 : i32
        %mul3A_611 = arith.muli %add3A_596, %mul3A_610 : i32
        %add3A_612 = arith.addi %mul3A_49, %mul3A_611 : i32
        %dma_start3A_613 = arith.constant 7 : i32
        %dma_start3A_614 = arith.constant 0 : i32
        %dma_start3A_615 = tpu.memref_slice %arg6[%dma_start3A_613, %dma_start3A_614] : memref<8x64xi32, #tpu.memory_space<vmem>> -> memref<1x64xi32, #tpu.memory_space<vmem>>
        %dma_start3A_616 = tpu.memref_squeeze %dma_start3A_615 : memref<1x64xi32, #tpu.memory_space<vmem>> -> memref<64xi32, #tpu.memory_space<vmem>>
        %dma_start3A_617 = tpu.memref_slice %arg3[%add3A_612] : memref<327680xi32, #tpu.memory_space<hbm>> -> memref<64xi32, #tpu.memory_space<hbm>>
        %dma_start3A_618 = arith.constant 0 : i32
        %dma_start3A_619 = tpu.memref_slice %arg6[%dma_start3A_613, %dma_start3A_618] : memref<8x64xi32, #tpu.memory_space<vmem>> -> memref<1x64xi32, #tpu.memory_space<vmem>>
        %dma_start3A_620 = tpu.memref_squeeze %dma_start3A_619 : memref<1x64xi32, #tpu.memory_space<vmem>> -> memref<64xi32, #tpu.memory_space<vmem>>
        %dma_start3A_621 = tpu.memref_slice %arg3[%add3A_612] : memref<327680xi32, #tpu.memory_space<hbm>> -> memref<64xi32, #tpu.memory_space<hbm>>
        tpu.enqueue_dma source(%dma_start3A_621 : memref<64xi32, #tpu.memory_space<hbm>>) target(%dma_start3A_620 : memref<64xi32, #tpu.memory_space<vmem>>) target_semaphore(%arg20 : memref<!tpu.dma_semaphore, #tpu.memory_space<semaphore_mem>>)
        %mul3A_622 = arith.constant 64 : i32
        %mul3A_623 = arith.muli %add3A_596, %mul3A_622 : i32
        %add3A_624 = arith.addi %mul3A_49, %mul3A_623 : i32
        %dma_start3A_625 = arith.constant 7 : i32
        %dma_start3A_626 = arith.constant 0 : i32
        %dma_start3A_627 = tpu.memref_slice %arg7[%dma_start3A_625, %dma_start3A_626] : memref<8x64xi32, #tpu.memory_space<vmem>> -> memref<1x64xi32, #tpu.memory_space<vmem>>
        %dma_start3A_628 = tpu.memref_squeeze %dma_start3A_627 : memref<1x64xi32, #tpu.memory_space<vmem>> -> memref<64xi32, #tpu.memory_space<vmem>>
        %dma_start3A_629 = tpu.memref_slice %arg4[%add3A_624] : memref<327680xi32, #tpu.memory_space<hbm>> -> memref<64xi32, #tpu.memory_space<hbm>>
        %dma_start3A_630 = arith.constant 0 : i32
        %dma_start3A_631 = tpu.memref_slice %arg7[%dma_start3A_625, %dma_start3A_630] : memref<8x64xi32, #tpu.memory_space<vmem>> -> memref<1x64xi32, #tpu.memory_space<vmem>>
        %dma_start3A_632 = tpu.memref_squeeze %dma_start3A_631 : memref<1x64xi32, #tpu.memory_space<vmem>> -> memref<64xi32, #tpu.memory_space<vmem>>
        %dma_start3A_633 = tpu.memref_slice %arg4[%add3A_624] : memref<327680xi32, #tpu.memory_space<hbm>> -> memref<64xi32, #tpu.memory_space<hbm>>
        tpu.enqueue_dma source(%dma_start3A_633 : memref<64xi32, #tpu.memory_space<hbm>>) target(%dma_start3A_632 : memref<64xi32, #tpu.memory_space<vmem>>) target_semaphore(%arg20 : memref<!tpu.dma_semaphore, #tpu.memory_space<semaphore_mem>>)
      } else {
      }
      %add3A_602 = arith.constant 4 : i32
      %add3A_603 = arith.addi %add3A_586, %add3A_602 : i32
      %lt3A_604 = arith.constant 160 : i32
      %lt3A_605 = arith.cmpi slt, %add3A_603, %lt3A_604 : i32
      %convert_element_type3A_606 = arith.extui %lt3A_605 : i1 to i32
      %cond3A_607 = arith.constant 0 : i32
      %cond3A_608 = arith.cmpi ne, %convert_element_type3A_606, %cond3A_607 : i32
      scf.if %cond3A_608 {
        %mul3A_610 = arith.constant 64 : i32
        %mul3A_611 = arith.muli %add3A_603, %mul3A_610 : i32
        %add3A_612 = arith.addi %mul3A_49, %mul3A_611 : i32
        %dma_wait3A_613 = arith.constant 3 : i32
        %dma_wait3A_614 = arith.constant 0 : i32
        %dma_wait3A_615 = tpu.memref_slice %arg6[%dma_wait3A_613, %dma_wait3A_614] : memref<8x64xi32, #tpu.memory_space<vmem>> -> memref<1x64xi32, #tpu.memory_space<vmem>>
        %dma_wait3A_616 = tpu.memref_squeeze %dma_wait3A_615 : memref<1x64xi32, #tpu.memory_space<vmem>> -> memref<64xi32, #tpu.memory_space<vmem>>
        %dma_wait3A_617 = tpu.memref_slice %arg3[%add3A_612] : memref<327680xi32, #tpu.memory_space<hbm>> -> memref<64xi32, #tpu.memory_space<hbm>>
        %dma_wait3A_618 = arith.constant 0 : i32
        %dma_wait3A_619 = tpu.memref_slice %arg6[%dma_wait3A_613, %dma_wait3A_618] : memref<8x64xi32, #tpu.memory_space<vmem>> -> memref<1x64xi32, #tpu.memory_space<vmem>>
        %dma_wait3A_620 = tpu.memref_squeeze %dma_wait3A_619 : memref<1x64xi32, #tpu.memory_space<vmem>> -> memref<64xi32, #tpu.memory_space<vmem>>
        %dma_wait3A_621 = tpu.memref_slice %arg3[%add3A_612] : memref<327680xi32, #tpu.memory_space<hbm>> -> memref<64xi32, #tpu.memory_space<hbm>>
        tpu.wait_dma2 semaphore(%arg16 : memref<!tpu.dma_semaphore, #tpu.memory_space<semaphore_mem>>) src(%dma_wait3A_621 : memref<64xi32, #tpu.memory_space<hbm>>) dst(%dma_wait3A_620 : memref<64xi32, #tpu.memory_space<vmem>>)
        %mul3A_622 = arith.constant 64 : i32
        %mul3A_623 = arith.muli %add3A_603, %mul3A_622 : i32
        %add3A_624 = arith.addi %mul3A_49, %mul3A_623 : i32
        %dma_wait3A_625 = arith.constant 3 : i32
        %dma_wait3A_626 = arith.constant 0 : i32
        %dma_wait3A_627 = tpu.memref_slice %arg7[%dma_wait3A_625, %dma_wait3A_626] : memref<8x64xi32, #tpu.memory_space<vmem>> -> memref<1x64xi32, #tpu.memory_space<vmem>>
        %dma_wait3A_628 = tpu.memref_squeeze %dma_wait3A_627 : memref<1x64xi32, #tpu.memory_space<vmem>> -> memref<64xi32, #tpu.memory_space<vmem>>
        %dma_wait3A_629 = tpu.memref_slice %arg4[%add3A_624] : memref<327680xi32, #tpu.memory_space<hbm>> -> memref<64xi32, #tpu.memory_space<hbm>>
        %dma_wait3A_630 = arith.constant 0 : i32
        %dma_wait3A_631 = tpu.memref_slice %arg7[%dma_wait3A_625, %dma_wait3A_630] : memref<8x64xi32, #tpu.memory_space<vmem>> -> memref<1x64xi32, #tpu.memory_space<vmem>>
        %dma_wait3A_632 = tpu.memref_squeeze %dma_wait3A_631 : memref<1x64xi32, #tpu.memory_space<vmem>> -> memref<64xi32, #tpu.memory_space<vmem>>
        %dma_wait3A_633 = tpu.memref_slice %arg4[%add3A_624] : memref<327680xi32, #tpu.memory_space<hbm>> -> memref<64xi32, #tpu.memory_space<hbm>>
        tpu.wait_dma2 semaphore(%arg16 : memref<!tpu.dma_semaphore, #tpu.memory_space<semaphore_mem>>) src(%dma_wait3A_633 : memref<64xi32, #tpu.memory_space<hbm>>) dst(%dma_wait3A_632 : memref<64xi32, #tpu.memory_space<vmem>>)
        %dma_start3A_634 = arith.constant 3 : i32
        %dma_start3A_635 = arith.constant 0 : i32
        %dma_start3A_636 = tpu.memref_slice %arg6[%dma_start3A_634, %dma_start3A_635] : memref<8x64xi32, #tpu.memory_space<vmem>> -> memref<1x64xi32, #tpu.memory_space<vmem>>
        %dma_start3A_637 = tpu.memref_squeeze %dma_start3A_636 : memref<1x64xi32, #tpu.memory_space<vmem>> -> memref<64xi32, #tpu.memory_space<vmem>>
        %dma_start3A_638 = arith.constant 0 : i32
        %dma_start3A_639 = arith.constant 0 : i32
        %dma_start3A_640 = tpu.memref_slice %arg2[%dma_start3A_638, %dma_start3A_639] : memref<10000x128xf32, #tpu.memory_space<hbm>> -> memref<10000x128xf32, #tpu.memory_space<hbm>>
        tpu.enqueue_indirect_dma source(%dma_start3A_640 : memref<10000x128xf32, #tpu.memory_space<hbm>>) target(%arg11 : memref<64x128xf32, #tpu.memory_space<vmem>>) offsets(%dma_start3A_637 : memref<64xi32, #tpu.memory_space<vmem>>) semaphore(%arg24 : memref<!tpu.dma_semaphore, #tpu.memory_space<semaphore_mem>>)
      } else {
      }
      %scan3A_609 = arith.constant 0 : i32
      scf.yield %scan3A_609 : i32
    }
    %scan3A_346 = arith.constant 20 : i32
    %barrier3A_347 = arith.constant 0 : index
    tpu.barrier barrier_id(%barrier3A_347)
    %mul3A_348 = arith.constant 640 : i32
    %mul3A_349 = arith.muli %arg1, %mul3A_348 : i32
    %add3A_350 = arith.constant 0 : i32
    %add3A_351 = arith.addi %mul3A_349, %add3A_350 : i32
    %mul3A_352 = arith.constant 10240 : i32
    %mul3A_353 = arith.muli %arg0, %mul3A_352 : i32
    %mul3A_354 = arith.constant 640 : i32
    %mul3A_355 = arith.muli %arg1, %mul3A_354 : i32
    %add3A_356 = arith.addi %mul3A_353, %mul3A_355 : i32
    %add3A_357 = arith.constant 0 : i32
    %add3A_358 = arith.addi %add3A_356, %add3A_357 : i32
    "tpu.region"() ({
      %run_scoped3A = tpu.sem_alloc : memref<!tpu.dma_semaphore, #tpu.memory_space<semaphore_mem>>
      %dma_start3A_403 = arith.constant 0 : i32
      %dma_start3A_404 = tpu.memref_slice %arg5[%add3A_358, %dma_start3A_403] : memref<20480x128xf32, #tpu.memory_space<hbm>> -> memref<128x128xf32, #tpu.memory_space<hbm>>
      %dma_start3A_405 = arith.constant 0 : i32
      %dma_start3A_406 = tpu.memref_slice %arg12[%add3A_351, %dma_start3A_405] : memref<10240x128xf32, #tpu.memory_space<vmem_shared>> -> memref<128x128xf32, #tpu.memory_space<vmem_shared>>
      tpu.enqueue_dma source(%dma_start3A_406 : memref<128x128xf32, #tpu.memory_space<vmem_shared>>) target(%dma_start3A_404 : memref<128x128xf32, #tpu.memory_space<hbm>>) target_semaphore(%run_scoped3A : memref<!tpu.dma_semaphore, #tpu.memory_space<semaphore_mem>>)
      %dma_wait3A_407 = arith.constant 0 : i32
      %dma_wait3A_408 = tpu.memref_slice %arg5[%add3A_358, %dma_wait3A_407] : memref<20480x128xf32, #tpu.memory_space<hbm>> -> memref<128x128xf32, #tpu.memory_space<hbm>>
      %dma_wait3A_409 = arith.constant 0 : i32
      %dma_wait3A_410 = tpu.memref_slice %arg12[%add3A_351, %dma_wait3A_409] : memref<10240x128xf32, #tpu.memory_space<vmem_shared>> -> memref<128x128xf32, #tpu.memory_space<vmem_shared>>
      tpu.wait_dma2 semaphore(%run_scoped3A : memref<!tpu.dma_semaphore, #tpu.memory_space<semaphore_mem>>) src(%dma_wait3A_410 : memref<128x128xf32, #tpu.memory_space<vmem_shared>>) dst(%dma_wait3A_408 : memref<128x128xf32, #tpu.memory_space<hbm>>)
      tpu.yield
    }) : () -> ()
    %mul3A_359 = arith.constant 640 : i32
    %mul3A_360 = arith.muli %arg1, %mul3A_359 : i32
    %add3A_361 = arith.constant 128 : i32
    %add3A_362 = arith.addi %mul3A_360, %add3A_361 : i32
    %mul3A_363 = arith.constant 10240 : i32
    %mul3A_364 = arith.muli %arg0, %mul3A_363 : i32
    %mul3A_365 = arith.constant 640 : i32
    %mul3A_366 = arith.muli %arg1, %mul3A_365 : i32
    %add3A_367 = arith.addi %mul3A_364, %mul3A_366 : i32
    %add3A_368 = arith.constant 128 : i32
    %add3A_369 = arith.addi %add3A_367, %add3A_368 : i32
    "tpu.region"() ({
      %run_scoped3A = tpu.sem_alloc : memref<!tpu.dma_semaphore, #tpu.memory_space<semaphore_mem>>
      %dma_start3A_403 = arith.constant 0 : i32
      %dma_start3A_404 = tpu.memref_slice %arg5[%add3A_369, %dma_start3A_403] : memref<20480x128xf32, #tpu.memory_space<hbm>> -> memref<128x128xf32, #tpu.memory_space<hbm>>
      %dma_start3A_405 = arith.constant 0 : i32
      %dma_start3A_406 = tpu.memref_slice %arg12[%add3A_362, %dma_start3A_405] : memref<10240x128xf32, #tpu.memory_space<vmem_shared>> -> memref<128x128xf32, #tpu.memory_space<vmem_shared>>
      tpu.enqueue_dma source(%dma_start3A_406 : memref<128x128xf32, #tpu.memory_space<vmem_shared>>) target(%dma_start3A_404 : memref<128x128xf32, #tpu.memory_space<hbm>>) target_semaphore(%run_scoped3A : memref<!tpu.dma_semaphore, #tpu.memory_space<semaphore_mem>>)
      %dma_wait3A_407 = arith.constant 0 : i32
      %dma_wait3A_408 = tpu.memref_slice %arg5[%add3A_369, %dma_wait3A_407] : memref<20480x128xf32, #tpu.memory_space<hbm>> -> memref<128x128xf32, #tpu.memory_space<hbm>>
      %dma_wait3A_409 = arith.constant 0 : i32
      %dma_wait3A_410 = tpu.memref_slice %arg12[%add3A_362, %dma_wait3A_409] : memref<10240x128xf32, #tpu.memory_space<vmem_shared>> -> memref<128x128xf32, #tpu.memory_space<vmem_shared>>
      tpu.wait_dma2 semaphore(%run_scoped3A : memref<!tpu.dma_semaphore, #tpu.memory_space<semaphore_mem>>) src(%dma_wait3A_410 : memref<128x128xf32, #tpu.memory_space<vmem_shared>>) dst(%dma_wait3A_408 : memref<128x128xf32, #tpu.memory_space<hbm>>)
      tpu.yield
    }) : () -> ()
    %mul3A_370 = arith.constant 640 : i32
    %mul3A_371 = arith.muli %arg1, %mul3A_370 : i32
    %add3A_372 = arith.constant 256 : i32
    %add3A_373 = arith.addi %mul3A_371, %add3A_372 : i32
    %mul3A_374 = arith.constant 10240 : i32
    %mul3A_375 = arith.muli %arg0, %mul3A_374 : i32
    %mul3A_376 = arith.constant 640 : i32
    %mul3A_377 = arith.muli %arg1, %mul3A_376 : i32
    %add3A_378 = arith.addi %mul3A_375, %mul3A_377 : i32
    %add3A_379 = arith.constant 256 : i32
    %add3A_380 = arith.addi %add3A_378, %add3A_379 : i32
    "tpu.region"() ({
      %run_scoped3A = tpu.sem_alloc : memref<!tpu.dma_semaphore, #tpu.memory_space<semaphore_mem>>
      %dma_start3A_403 = arith.constant 0 : i32
      %dma_start3A_404 = tpu.memref_slice %arg5[%add3A_380, %dma_start3A_403] : memref<20480x128xf32, #tpu.memory_space<hbm>> -> memref<128x128xf32, #tpu.memory_space<hbm>>
      %dma_start3A_405 = arith.constant 0 : i32
      %dma_start3A_406 = tpu.memref_slice %arg12[%add3A_373, %dma_start3A_405] : memref<10240x128xf32, #tpu.memory_space<vmem_shared>> -> memref<128x128xf32, #tpu.memory_space<vmem_shared>>
      tpu.enqueue_dma source(%dma_start3A_406 : memref<128x128xf32, #tpu.memory_space<vmem_shared>>) target(%dma_start3A_404 : memref<128x128xf32, #tpu.memory_space<hbm>>) target_semaphore(%run_scoped3A : memref<!tpu.dma_semaphore, #tpu.memory_space<semaphore_mem>>)
      %dma_wait3A_407 = arith.constant 0 : i32
      %dma_wait3A_408 = tpu.memref_slice %arg5[%add3A_380, %dma_wait3A_407] : memref<20480x128xf32, #tpu.memory_space<hbm>> -> memref<128x128xf32, #tpu.memory_space<hbm>>
      %dma_wait3A_409 = arith.constant 0 : i32
      %dma_wait3A_410 = tpu.memref_slice %arg12[%add3A_373, %dma_wait3A_409] : memref<10240x128xf32, #tpu.memory_space<vmem_shared>> -> memref<128x128xf32, #tpu.memory_space<vmem_shared>>
      tpu.wait_dma2 semaphore(%run_scoped3A : memref<!tpu.dma_semaphore, #tpu.memory_space<semaphore_mem>>) src(%dma_wait3A_410 : memref<128x128xf32, #tpu.memory_space<vmem_shared>>) dst(%dma_wait3A_408 : memref<128x128xf32, #tpu.memory_space<hbm>>)
      tpu.yield
    }) : () -> ()
    %mul3A_381 = arith.constant 640 : i32
    %mul3A_382 = arith.muli %arg1, %mul3A_381 : i32
    %add3A_383 = arith.constant 384 : i32
    %add3A_384 = arith.addi %mul3A_382, %add3A_383 : i32
    %mul3A_385 = arith.constant 10240 : i32
    %mul3A_386 = arith.muli %arg0, %mul3A_385 : i32
    %mul3A_387 = arith.constant 640 : i32
    %mul3A_388 = arith.muli %arg1, %mul3A_387 : i32
    %add3A_389 = arith.addi %mul3A_386, %mul3A_388 : i32
    %add3A_390 = arith.constant 384 : i32
    %add3A_391 = arith.addi %add3A_389, %add3A_390 : i32
    "tpu.region"() ({
      %run_scoped3A = tpu.sem_alloc : memref<!tpu.dma_semaphore, #tpu.memory_space<semaphore_mem>>
      %dma_start3A_403 = arith.constant 0 : i32
      %dma_start3A_404 = tpu.memref_slice %arg5[%add3A_391, %dma_start3A_403] : memref<20480x128xf32, #tpu.memory_space<hbm>> -> memref<128x128xf32, #tpu.memory_space<hbm>>
      %dma_start3A_405 = arith.constant 0 : i32
      %dma_start3A_406 = tpu.memref_slice %arg12[%add3A_384, %dma_start3A_405] : memref<10240x128xf32, #tpu.memory_space<vmem_shared>> -> memref<128x128xf32, #tpu.memory_space<vmem_shared>>
      tpu.enqueue_dma source(%dma_start3A_406 : memref<128x128xf32, #tpu.memory_space<vmem_shared>>) target(%dma_start3A_404 : memref<128x128xf32, #tpu.memory_space<hbm>>) target_semaphore(%run_scoped3A : memref<!tpu.dma_semaphore, #tpu.memory_space<semaphore_mem>>)
      %dma_wait3A_407 = arith.constant 0 : i32
      %dma_wait3A_408 = tpu.memref_slice %arg5[%add3A_391, %dma_wait3A_407] : memref<20480x128xf32, #tpu.memory_space<hbm>> -> memref<128x128xf32, #tpu.memory_space<hbm>>
      %dma_wait3A_409 = arith.constant 0 : i32
      %dma_wait3A_410 = tpu.memref_slice %arg12[%add3A_384, %dma_wait3A_409] : memref<10240x128xf32, #tpu.memory_space<vmem_shared>> -> memref<128x128xf32, #tpu.memory_space<vmem_shared>>
      tpu.wait_dma2 semaphore(%run_scoped3A : memref<!tpu.dma_semaphore, #tpu.memory_space<semaphore_mem>>) src(%dma_wait3A_410 : memref<128x128xf32, #tpu.memory_space<vmem_shared>>) dst(%dma_wait3A_408 : memref<128x128xf32, #tpu.memory_space<hbm>>)
      tpu.yield
    }) : () -> ()
    %mul3A_392 = arith.constant 640 : i32
    %mul3A_393 = arith.muli %arg1, %mul3A_392 : i32
    %add3A_394 = arith.constant 512 : i32
    %add3A_395 = arith.addi %mul3A_393, %add3A_394 : i32
    %mul3A_396 = arith.constant 10240 : i32
    %mul3A_397 = arith.muli %arg0, %mul3A_396 : i32
    %mul3A_398 = arith.constant 640 : i32
    %mul3A_399 = arith.muli %arg1, %mul3A_398 : i32
    %add3A_400 = arith.addi %mul3A_397, %mul3A_399 : i32
    %add3A_401 = arith.constant 512 : i32
    %add3A_402 = arith.addi %add3A_400, %add3A_401 : i32
    "tpu.region"() ({
      %run_scoped3A = tpu.sem_alloc : memref<!tpu.dma_semaphore, #tpu.memory_space<semaphore_mem>>
      %dma_start3A_403 = arith.constant 0 : i32
      %dma_start3A_404 = tpu.memref_slice %arg5[%add3A_402, %dma_start3A_403] : memref<20480x128xf32, #tpu.memory_space<hbm>> -> memref<128x128xf32, #tpu.memory_space<hbm>>
      %dma_start3A_405 = arith.constant 0 : i32
      %dma_start3A_406 = tpu.memref_slice %arg12[%add3A_395, %dma_start3A_405] : memref<10240x128xf32, #tpu.memory_space<vmem_shared>> -> memref<128x128xf32, #tpu.memory_space<vmem_shared>>
      tpu.enqueue_dma source(%dma_start3A_406 : memref<128x128xf32, #tpu.memory_space<vmem_shared>>) target(%dma_start3A_404 : memref<128x128xf32, #tpu.memory_space<hbm>>) target_semaphore(%run_scoped3A : memref<!tpu.dma_semaphore, #tpu.memory_space<semaphore_mem>>)
      %dma_wait3A_407 = arith.constant 0 : i32
      %dma_wait3A_408 = tpu.memref_slice %arg5[%add3A_402, %dma_wait3A_407] : memref<20480x128xf32, #tpu.memory_space<hbm>> -> memref<128x128xf32, #tpu.memory_space<hbm>>
      %dma_wait3A_409 = arith.constant 0 : i32
      %dma_wait3A_410 = tpu.memref_slice %arg12[%add3A_395, %dma_wait3A_409] : memref<10240x128xf32, #tpu.memory_space<vmem_shared>> -> memref<128x128xf32, #tpu.memory_space<vmem_shared>>
      tpu.wait_dma2 semaphore(%run_scoped3A : memref<!tpu.dma_semaphore, #tpu.memory_space<semaphore_mem>>) src(%dma_wait3A_410 : memref<128x128xf32, #tpu.memory_space<vmem_shared>>) dst(%dma_wait3A_408 : memref<128x128xf32, #tpu.memory_space<hbm>>)
      tpu.yield
    }) : () -> ()
    return
  }
}

#map = affine_map<(d0, d1) -> (0, 0)>
#map1 = affine_map<(d0, d1) -> (0)>
module attributes {stable_mosaic.version = 14 : i64} {
  func.func @_agg_body(%arg0: i32, %arg1: i32, %arg2: memref<10000x128xf32, #tpu.memory_space<hbm>>, %arg3: memref<327680xi32, #tpu.memory_space<hbm>>, %arg4: memref<327680xi32, #tpu.memory_space<hbm>>, %arg5: memref<20480x128xf32, #tpu.memory_space<hbm>>, %arg6: memref<8x64xi32, #tpu.memory_space<vmem>>, %arg7: memref<8x64xi32, #tpu.memory_space<vmem>>, %arg8: memref<64x128xf32, #tpu.memory_space<vmem>>, %arg9: memref<64x128xf32, #tpu.memory_space<vmem>>, %arg10: memref<64x128xf32, #tpu.memory_space<vmem>>, %arg11: memref<64x128xf32, #tpu.memory_space<vmem>>, %arg12: memref<10240x128xf32, #tpu.memory_space<vmem_shared>>, %arg13: memref<!tpu.dma_semaphore, #tpu.memory_space<semaphore_mem>>, %arg14: memref<!tpu.dma_semaphore, #tpu.memory_space<semaphore_mem>>, %arg15: memref<!tpu.dma_semaphore, #tpu.memory_space<semaphore_mem>>, %arg16: memref<!tpu.dma_semaphore, #tpu.memory_space<semaphore_mem>>, %arg17: memref<!tpu.dma_semaphore, #tpu.memory_space<semaphore_mem>>, %arg18: memref<!tpu.dma_semaphore, #tpu.memory_space<semaphore_mem>>, %arg19: memref<!tpu.dma_semaphore, #tpu.memory_space<semaphore_mem>>, %arg20: memref<!tpu.dma_semaphore, #tpu.memory_space<semaphore_mem>>, %arg21: memref<!tpu.dma_semaphore, #tpu.memory_space<semaphore_mem>>, %arg22: memref<!tpu.dma_semaphore, #tpu.memory_space<semaphore_mem>>, %arg23: memref<!tpu.dma_semaphore, #tpu.memory_space<semaphore_mem>>, %arg24: memref<!tpu.dma_semaphore, #tpu.memory_space<semaphore_mem>>) attributes {dimension_semantics = [#tpu.dimension_semantics<core_parallel>, #tpu.dimension_semantics<subcore_parallel>], iteration_bounds = array<i64: 2, 16>, scalar_prefetch = 0 : i64, scratch_operands = 19 : i64, tpu.core_type = #tpu.core_type<sc_vector_subcore>, window_params = [{transform_indices = #map}, {transform_indices = #map1}, {transform_indices = #map1}, {transform_indices = #map}]} {
    %mul3A = arith.constant 16 : i32
    %mul3A_0 = arith.muli %arg0, %mul3A : i32
    %add3A = arith.addi %mul3A_0, %arg1 : i32
    %broadcast_in_dim3A = arith.constant 0.000000e+00 : f32
    %broadcast_in_dim3A_1 = vector.broadcast %broadcast_in_dim3A : f32 to vector<16xf32>
    %scan3A = arith.constant 0 : i32
    %scan3A_2 = arith.constant 0 : i32
    %scan3A_3 = arith.constant 64 : i32
    %scan3A_4 = arith.addi %scan3A_2, %scan3A_3 : i32
    %scan3A_5 = arith.constant 1 : i32
    %scan3A_6 = scf.for %scan3A_403 = %scan3A_2 to %scan3A_4 step %scan3A_5 iter_args(%scan3A_404 = %scan3A) -> (i32)  : i32 {
      %swap3A = arith.index_cast %scan3A_403 : i32 to index
      %swap3A_405 = arith.constant 0 : index
      %swap3A_406 = tpu.vector_load %arg8[%swap3A, %swap3A_405] {strides = array<i32>} : memref<64x128xf32, #tpu.memory_space<vmem>>, vector<1x16xf32>,
      %swap3A_407 = vector.shape_cast %swap3A_406 : vector<1x16xf32> to vector<16xf32>
      %swap3A_408 = vector.shape_cast %broadcast_in_dim3A_1 : vector<16xf32> to vector<1x16xf32>
      tpu.vector_store %arg8[%swap3A, %swap3A_405], %swap3A_408 {strides = array<i32>} : memref<64x128xf32, #tpu.memory_space<vmem>>, vector<1x16xf32>,
      %swap3A_409 = arith.index_cast %scan3A_403 : i32 to index
      %swap3A_410 = arith.constant 16 : index
      %swap3A_411 = tpu.vector_load %arg8[%swap3A_409, %swap3A_410] {strides = array<i32>} : memref<64x128xf32, #tpu.memory_space<vmem>>, vector<1x16xf32>,
      %swap3A_412 = vector.shape_cast %swap3A_411 : vector<1x16xf32> to vector<16xf32>
      %swap3A_413 = vector.shape_cast %broadcast_in_dim3A_1 : vector<16xf32> to vector<1x16xf32>
      tpu.vector_store %arg8[%swap3A_409, %swap3A_410], %swap3A_413 {strides = array<i32>} : memref<64x128xf32, #tpu.memory_space<vmem>>, vector<1x16xf32>,
      %swap3A_414 = arith.index_cast %scan3A_403 : i32 to index
      %swap3A_415 = arith.constant 32 : index
      %swap3A_416 = tpu.vector_load %arg8[%swap3A_414, %swap3A_415] {strides = array<i32>} : memref<64x128xf32, #tpu.memory_space<vmem>>, vector<1x16xf32>,
      %swap3A_417 = vector.shape_cast %swap3A_416 : vector<1x16xf32> to vector<16xf32>
      %swap3A_418 = vector.shape_cast %broadcast_in_dim3A_1 : vector<16xf32> to vector<1x16xf32>
      tpu.vector_store %arg8[%swap3A_414, %swap3A_415], %swap3A_418 {strides = array<i32>} : memref<64x128xf32, #tpu.memory_space<vmem>>, vector<1x16xf32>,
      %swap3A_419 = arith.index_cast %scan3A_403 : i32 to index
      %swap3A_420 = arith.constant 48 : index
      %swap3A_421 = tpu.vector_load %arg8[%swap3A_419, %swap3A_420] {strides = array<i32>} : memref<64x128xf32, #tpu.memory_space<vmem>>, vector<1x16xf32>,
      %swap3A_422 = vector.shape_cast %swap3A_421 : vector<1x16xf32> to vector<16xf32>
      %swap3A_423 = vector.shape_cast %broadcast_in_dim3A_1 : vector<16xf32> to vector<1x16xf32>
      tpu.vector_store %arg8[%swap3A_419, %swap3A_420], %swap3A_423 {strides = array<i32>} : memref<64x128xf32, #tpu.memory_space<vmem>>, vector<1x16xf32>,
      %swap3A_424 = arith.index_cast %scan3A_403 : i32 to index
      %swap3A_425 = arith.constant 64 : index
      %swap3A_426 = tpu.vector_load %arg8[%swap3A_424, %swap3A_425] {strides = array<i32>} : memref<64x128xf32, #tpu.memory_space<vmem>>, vector<1x16xf32>,
      %swap3A_427 = vector.shape_cast %swap3A_426 : vector<1x16xf32> to vector<16xf32>
      %swap3A_428 = vector.shape_cast %broadcast_in_dim3A_1 : vector<16xf32> to vector<1x16xf32>
      tpu.vector_store %arg8[%swap3A_424, %swap3A_425], %swap3A_428 {strides = array<i32>} : memref<64x128xf32, #tpu.memory_space<vmem>>, vector<1x16xf32>,
      %swap3A_429 = arith.index_cast %scan3A_403 : i32 to index
      %swap3A_430 = arith.constant 80 : index
      %swap3A_431 = tpu.vector_load %arg8[%swap3A_429, %swap3A_430] {strides = array<i32>} : memref<64x128xf32, #tpu.memory_space<vmem>>, vector<1x16xf32>,
      %swap3A_432 = vector.shape_cast %swap3A_431 : vector<1x16xf32> to vector<16xf32>
      %swap3A_433 = vector.shape_cast %broadcast_in_dim3A_1 : vector<16xf32> to vector<1x16xf32>
      tpu.vector_store %arg8[%swap3A_429, %swap3A_430], %swap3A_433 {strides = array<i32>} : memref<64x128xf32, #tpu.memory_space<vmem>>, vector<1x16xf32>,
      %swap3A_434 = arith.index_cast %scan3A_403 : i32 to index
      %swap3A_435 = arith.constant 96 : index
      %swap3A_436 = tpu.vector_load %arg8[%swap3A_434, %swap3A_435] {strides = array<i32>} : memref<64x128xf32, #tpu.memory_space<vmem>>, vector<1x16xf32>,
      %swap3A_437 = vector.shape_cast %swap3A_436 : vector<1x16xf32> to vector<16xf32>
      %swap3A_438 = vector.shape_cast %broadcast_in_dim3A_1 : vector<16xf32> to vector<1x16xf32>
      tpu.vector_store %arg8[%swap3A_434, %swap3A_435], %swap3A_438 {strides = array<i32>} : memref<64x128xf32, #tpu.memory_space<vmem>>, vector<1x16xf32>,
      %swap3A_439 = arith.index_cast %scan3A_403 : i32 to index
      %swap3A_440 = arith.constant 112 : index
      %swap3A_441 = tpu.vector_load %arg8[%swap3A_439, %swap3A_440] {strides = array<i32>} : memref<64x128xf32, #tpu.memory_space<vmem>>, vector<1x16xf32>,
      %swap3A_442 = vector.shape_cast %swap3A_441 : vector<1x16xf32> to vector<16xf32>
      %swap3A_443 = vector.shape_cast %broadcast_in_dim3A_1 : vector<16xf32> to vector<1x16xf32>
      tpu.vector_store %arg8[%swap3A_439, %swap3A_440], %swap3A_443 {strides = array<i32>} : memref<64x128xf32, #tpu.memory_space<vmem>>, vector<1x16xf32>,
      %scan3A_444 = arith.constant 0 : i32
      scf.yield %scan3A_444 : i32
    }
    %scan3A_7 = arith.constant 64 : i32
    %mul3A_8 = arith.constant 640 : i32
    %mul3A_9 = arith.muli %arg1, %mul3A_8 : i32
    %add3A_10 = arith.constant 0 : i32
    %add3A_11 = arith.addi %mul3A_9, %add3A_10 : i32
    "tpu.region"() ({
      %run_scoped3A = tpu.sem_alloc : memref<!tpu.dma_semaphore, #tpu.memory_space<semaphore_mem>>
      %dma_start3A_403 = arith.constant 0 : i32
      %dma_start3A_404 = tpu.memref_slice %arg12[%add3A_11, %dma_start3A_403] : memref<10240x128xf32, #tpu.memory_space<vmem_shared>> -> memref<64x128xf32, #tpu.memory_space<vmem_shared>>
      %dma_start3A_405 = arith.constant 0 : i32
      %dma_start3A_406 = tpu.memref_slice %arg12[%add3A_11, %dma_start3A_405] : memref<10240x128xf32, #tpu.memory_space<vmem_shared>> -> memref<64x128xf32, #tpu.memory_space<vmem_shared>>
      tpu.enqueue_dma source(%arg8 : memref<64x128xf32, #tpu.memory_space<vmem>>) target(%dma_start3A_406 : memref<64x128xf32, #tpu.memory_space<vmem_shared>>) target_semaphore(%run_scoped3A : memref<!tpu.dma_semaphore, #tpu.memory_space<semaphore_mem>>)
      %dma_wait3A_407 = arith.constant 0 : i32
      %dma_wait3A_408 = tpu.memref_slice %arg12[%add3A_11, %dma_wait3A_407] : memref<10240x128xf32, #tpu.memory_space<vmem_shared>> -> memref<64x128xf32, #tpu.memory_space<vmem_shared>>
      %dma_wait3A_409 = arith.constant 0 : i32
      %dma_wait3A_410 = tpu.memref_slice %arg12[%add3A_11, %dma_wait3A_409] : memref<10240x128xf32, #tpu.memory_space<vmem_shared>> -> memref<64x128xf32, #tpu.memory_space<vmem_shared>>
      tpu.wait_dma2 semaphore(%run_scoped3A : memref<!tpu.dma_semaphore, #tpu.memory_space<semaphore_mem>>) src(%arg8 : memref<64x128xf32, #tpu.memory_space<vmem>>) dst(%dma_wait3A_410 : memref<64x128xf32, #tpu.memory_space<vmem_shared>>)
      tpu.yield
    }) : () -> ()
    %mul3A_12 = arith.constant 640 : i32
    %mul3A_13 = arith.muli %arg1, %mul3A_12 : i32
    %add3A_14 = arith.constant 64 : i32
    %add3A_15 = arith.addi %mul3A_13, %add3A_14 : i32
    "tpu.region"() ({
      %run_scoped3A = tpu.sem_alloc : memref<!tpu.dma_semaphore, #tpu.memory_space<semaphore_mem>>
      %dma_start3A_403 = arith.constant 0 : i32
      %dma_start3A_404 = tpu.memref_slice %arg12[%add3A_15, %dma_start3A_403] : memref<10240x128xf32, #tpu.memory_space<vmem_shared>> -> memref<64x128xf32, #tpu.memory_space<vmem_shared>>
      %dma_start3A_405 = arith.constant 0 : i32
      %dma_start3A_406 = tpu.memref_slice %arg12[%add3A_15, %dma_start3A_405] : memref<10240x128xf32, #tpu.memory_space<vmem_shared>> -> memref<64x128xf32, #tpu.memory_space<vmem_shared>>
      tpu.enqueue_dma source(%arg8 : memref<64x128xf32, #tpu.memory_space<vmem>>) target(%dma_start3A_406 : memref<64x128xf32, #tpu.memory_space<vmem_shared>>) target_semaphore(%run_scoped3A : memref<!tpu.dma_semaphore, #tpu.memory_space<semaphore_mem>>)
      %dma_wait3A_407 = arith.constant 0 : i32
      %dma_wait3A_408 = tpu.memref_slice %arg12[%add3A_15, %dma_wait3A_407] : memref<10240x128xf32, #tpu.memory_space<vmem_shared>> -> memref<64x128xf32, #tpu.memory_space<vmem_shared>>
      %dma_wait3A_409 = arith.constant 0 : i32
      %dma_wait3A_410 = tpu.memref_slice %arg12[%add3A_15, %dma_wait3A_409] : memref<10240x128xf32, #tpu.memory_space<vmem_shared>> -> memref<64x128xf32, #tpu.memory_space<vmem_shared>>
      tpu.wait_dma2 semaphore(%run_scoped3A : memref<!tpu.dma_semaphore, #tpu.memory_space<semaphore_mem>>) src(%arg8 : memref<64x128xf32, #tpu.memory_space<vmem>>) dst(%dma_wait3A_410 : memref<64x128xf32, #tpu.memory_space<vmem_shared>>)
      tpu.yield
    }) : () -> ()
    %mul3A_16 = arith.constant 640 : i32
    %mul3A_17 = arith.muli %arg1, %mul3A_16 : i32
    %add3A_18 = arith.constant 128 : i32
    %add3A_19 = arith.addi %mul3A_17, %add3A_18 : i32
    "tpu.region"() ({
      %run_scoped3A = tpu.sem_alloc : memref<!tpu.dma_semaphore, #tpu.memory_space<semaphore_mem>>
      %dma_start3A_403 = arith.constant 0 : i32
      %dma_start3A_404 = tpu.memref_slice %arg12[%add3A_19, %dma_start3A_403] : memref<10240x128xf32, #tpu.memory_space<vmem_shared>> -> memref<64x128xf32, #tpu.memory_space<vmem_shared>>
      %dma_start3A_405 = arith.constant 0 : i32
      %dma_start3A_406 = tpu.memref_slice %arg12[%add3A_19, %dma_start3A_405] : memref<10240x128xf32, #tpu.memory_space<vmem_shared>> -> memref<64x128xf32, #tpu.memory_space<vmem_shared>>
      tpu.enqueue_dma source(%arg8 : memref<64x128xf32, #tpu.memory_space<vmem>>) target(%dma_start3A_406 : memref<64x128xf32, #tpu.memory_space<vmem_shared>>) target_semaphore(%run_scoped3A : memref<!tpu.dma_semaphore, #tpu.memory_space<semaphore_mem>>)
      %dma_wait3A_407 = arith.constant 0 : i32
      %dma_wait3A_408 = tpu.memref_slice %arg12[%add3A_19, %dma_wait3A_407] : memref<10240x128xf32, #tpu.memory_space<vmem_shared>> -> memref<64x128xf32, #tpu.memory_space<vmem_shared>>
      %dma_wait3A_409 = arith.constant 0 : i32
      %dma_wait3A_410 = tpu.memref_slice %arg12[%add3A_19, %dma_wait3A_409] : memref<10240x128xf32, #tpu.memory_space<vmem_shared>> -> memref<64x128xf32, #tpu.memory_space<vmem_shared>>
      tpu.wait_dma2 semaphore(%run_scoped3A : memref<!tpu.dma_semaphore, #tpu.memory_space<semaphore_mem>>) src(%arg8 : memref<64x128xf32, #tpu.memory_space<vmem>>) dst(%dma_wait3A_410 : memref<64x128xf32, #tpu.memory_space<vmem_shared>>)
      tpu.yield
    }) : () -> ()
    %mul3A_20 = arith.constant 640 : i32
    %mul3A_21 = arith.muli %arg1, %mul3A_20 : i32
    %add3A_22 = arith.constant 192 : i32
    %add3A_23 = arith.addi %mul3A_21, %add3A_22 : i32
    "tpu.region"() ({
      %run_scoped3A = tpu.sem_alloc : memref<!tpu.dma_semaphore, #tpu.memory_space<semaphore_mem>>
      %dma_start3A_403 = arith.constant 0 : i32
      %dma_start3A_404 = tpu.memref_slice %arg12[%add3A_23, %dma_start3A_403] : memref<10240x128xf32, #tpu.memory_space<vmem_shared>> -> memref<64x128xf32, #tpu.memory_space<vmem_shared>>
      %dma_start3A_405 = arith.constant 0 : i32
      %dma_start3A_406 = tpu.memref_slice %arg12[%add3A_23, %dma_start3A_405] : memref<10240x128xf32, #tpu.memory_space<vmem_shared>> -> memref<64x128xf32, #tpu.memory_space<vmem_shared>>
      tpu.enqueue_dma source(%arg8 : memref<64x128xf32, #tpu.memory_space<vmem>>) target(%dma_start3A_406 : memref<64x128xf32, #tpu.memory_space<vmem_shared>>) target_semaphore(%run_scoped3A : memref<!tpu.dma_semaphore, #tpu.memory_space<semaphore_mem>>)
      %dma_wait3A_407 = arith.constant 0 : i32
      %dma_wait3A_408 = tpu.memref_slice %arg12[%add3A_23, %dma_wait3A_407] : memref<10240x128xf32, #tpu.memory_space<vmem_shared>> -> memref<64x128xf32, #tpu.memory_space<vmem_shared>>
      %dma_wait3A_409 = arith.constant 0 : i32
      %dma_wait3A_410 = tpu.memref_slice %arg12[%add3A_23, %dma_wait3A_409] : memref<10240x128xf32, #tpu.memory_space<vmem_shared>> -> memref<64x128xf32, #tpu.memory_space<vmem_shared>>
      tpu.wait_dma2 semaphore(%run_scoped3A : memref<!tpu.dma_semaphore, #tpu.memory_space<semaphore_mem>>) src(%arg8 : memref<64x128xf32, #tpu.memory_space<vmem>>) dst(%dma_wait3A_410 : memref<64x128xf32, #tpu.memory_space<vmem_shared>>)
      tpu.yield
    }) : () -> ()
    %mul3A_24 = arith.constant 640 : i32
    %mul3A_25 = arith.muli %arg1, %mul3A_24 : i32
    %add3A_26 = arith.constant 256 : i32
    %add3A_27 = arith.addi %mul3A_25, %add3A_26 : i32
    "tpu.region"() ({
      %run_scoped3A = tpu.sem_alloc : memref<!tpu.dma_semaphore, #tpu.memory_space<semaphore_mem>>
      %dma_start3A_403 = arith.constant 0 : i32
      %dma_start3A_404 = tpu.memref_slice %arg12[%add3A_27, %dma_start3A_403] : memref<10240x128xf32, #tpu.memory_space<vmem_shared>> -> memref<64x128xf32, #tpu.memory_space<vmem_shared>>
      %dma_start3A_405 = arith.constant 0 : i32
      %dma_start3A_406 = tpu.memref_slice %arg12[%add3A_27, %dma_start3A_405] : memref<10240x128xf32, #tpu.memory_space<vmem_shared>> -> memref<64x128xf32, #tpu.memory_space<vmem_shared>>
      tpu.enqueue_dma source(%arg8 : memref<64x128xf32, #tpu.memory_space<vmem>>) target(%dma_start3A_406 : memref<64x128xf32, #tpu.memory_space<vmem_shared>>) target_semaphore(%run_scoped3A : memref<!tpu.dma_semaphore, #tpu.memory_space<semaphore_mem>>)
      %dma_wait3A_407 = arith.constant 0 : i32
      %dma_wait3A_408 = tpu.memref_slice %arg12[%add3A_27, %dma_wait3A_407] : memref<10240x128xf32, #tpu.memory_space<vmem_shared>> -> memref<64x128xf32, #tpu.memory_space<vmem_shared>>
      %dma_wait3A_409 = arith.constant 0 : i32
      %dma_wait3A_410 = tpu.memref_slice %arg12[%add3A_27, %dma_wait3A_409] : memref<10240x128xf32, #tpu.memory_space<vmem_shared>> -> memref<64x128xf32, #tpu.memory_space<vmem_shared>>
      tpu.wait_dma2 semaphore(%run_scoped3A : memref<!tpu.dma_semaphore, #tpu.memory_space<semaphore_mem>>) src(%arg8 : memref<64x128xf32, #tpu.memory_space<vmem>>) dst(%dma_wait3A_410 : memref<64x128xf32, #tpu.memory_space<vmem_shared>>)
      tpu.yield
    }) : () -> ()
    %mul3A_28 = arith.constant 640 : i32
    %mul3A_29 = arith.muli %arg1, %mul3A_28 : i32
    %add3A_30 = arith.constant 320 : i32
    %add3A_31 = arith.addi %mul3A_29, %add3A_30 : i32
    "tpu.region"() ({
      %run_scoped3A = tpu.sem_alloc : memref<!tpu.dma_semaphore, #tpu.memory_space<semaphore_mem>>
      %dma_start3A_403 = arith.constant 0 : i32
      %dma_start3A_404 = tpu.memref_slice %arg12[%add3A_31, %dma_start3A_403] : memref<10240x128xf32, #tpu.memory_space<vmem_shared>> -> memref<64x128xf32, #tpu.memory_space<vmem_shared>>
      %dma_start3A_405 = arith.constant 0 : i32
      %dma_start3A_406 = tpu.memref_slice %arg12[%add3A_31, %dma_start3A_405] : memref<10240x128xf32, #tpu.memory_space<vmem_shared>> -> memref<64x128xf32, #tpu.memory_space<vmem_shared>>
      tpu.enqueue_dma source(%arg8 : memref<64x128xf32, #tpu.memory_space<vmem>>) target(%dma_start3A_406 : memref<64x128xf32, #tpu.memory_space<vmem_shared>>) target_semaphore(%run_scoped3A : memref<!tpu.dma_semaphore, #tpu.memory_space<semaphore_mem>>)
      %dma_wait3A_407 = arith.constant 0 : i32
      %dma_wait3A_408 = tpu.memref_slice %arg12[%add3A_31, %dma_wait3A_407] : memref<10240x128xf32, #tpu.memory_space<vmem_shared>> -> memref<64x128xf32, #tpu.memory_space<vmem_shared>>
      %dma_wait3A_409 = arith.constant 0 : i32
      %dma_wait3A_410 = tpu.memref_slice %arg12[%add3A_31, %dma_wait3A_409] : memref<10240x128xf32, #tpu.memory_space<vmem_shared>> -> memref<64x128xf32, #tpu.memory_space<vmem_shared>>
      tpu.wait_dma2 semaphore(%run_scoped3A : memref<!tpu.dma_semaphore, #tpu.memory_space<semaphore_mem>>) src(%arg8 : memref<64x128xf32, #tpu.memory_space<vmem>>) dst(%dma_wait3A_410 : memref<64x128xf32, #tpu.memory_space<vmem_shared>>)
      tpu.yield
    }) : () -> ()
    %mul3A_32 = arith.constant 640 : i32
    %mul3A_33 = arith.muli %arg1, %mul3A_32 : i32
    %add3A_34 = arith.constant 384 : i32
    %add3A_35 = arith.addi %mul3A_33, %add3A_34 : i32
    "tpu.region"() ({
      %run_scoped3A = tpu.sem_alloc : memref<!tpu.dma_semaphore, #tpu.memory_space<semaphore_mem>>
      %dma_start3A_403 = arith.constant 0 : i32
      %dma_start3A_404 = tpu.memref_slice %arg12[%add3A_35, %dma_start3A_403] : memref<10240x128xf32, #tpu.memory_space<vmem_shared>> -> memref<64x128xf32, #tpu.memory_space<vmem_shared>>
      %dma_start3A_405 = arith.constant 0 : i32
      %dma_start3A_406 = tpu.memref_slice %arg12[%add3A_35, %dma_start3A_405] : memref<10240x128xf32, #tpu.memory_space<vmem_shared>> -> memref<64x128xf32, #tpu.memory_space<vmem_shared>>
      tpu.enqueue_dma source(%arg8 : memref<64x128xf32, #tpu.memory_space<vmem>>) target(%dma_start3A_406 : memref<64x128xf32, #tpu.memory_space<vmem_shared>>) target_semaphore(%run_scoped3A : memref<!tpu.dma_semaphore, #tpu.memory_space<semaphore_mem>>)
      %dma_wait3A_407 = arith.constant 0 : i32
      %dma_wait3A_408 = tpu.memref_slice %arg12[%add3A_35, %dma_wait3A_407] : memref<10240x128xf32, #tpu.memory_space<vmem_shared>> -> memref<64x128xf32, #tpu.memory_space<vmem_shared>>
      %dma_wait3A_409 = arith.constant 0 : i32
      %dma_wait3A_410 = tpu.memref_slice %arg12[%add3A_35, %dma_wait3A_409] : memref<10240x128xf32, #tpu.memory_space<vmem_shared>> -> memref<64x128xf32, #tpu.memory_space<vmem_shared>>
      tpu.wait_dma2 semaphore(%run_scoped3A : memref<!tpu.dma_semaphore, #tpu.memory_space<semaphore_mem>>) src(%arg8 : memref<64x128xf32, #tpu.memory_space<vmem>>) dst(%dma_wait3A_410 : memref<64x128xf32, #tpu.memory_space<vmem_shared>>)
      tpu.yield
    }) : () -> ()
    %mul3A_36 = arith.constant 640 : i32
    %mul3A_37 = arith.muli %arg1, %mul3A_36 : i32
    %add3A_38 = arith.constant 448 : i32
    %add3A_39 = arith.addi %mul3A_37, %add3A_38 : i32
    "tpu.region"() ({
      %run_scoped3A = tpu.sem_alloc : memref<!tpu.dma_semaphore, #tpu.memory_space<semaphore_mem>>
      %dma_start3A_403 = arith.constant 0 : i32
      %dma_start3A_404 = tpu.memref_slice %arg12[%add3A_39, %dma_start3A_403] : memref<10240x128xf32, #tpu.memory_space<vmem_shared>> -> memref<64x128xf32, #tpu.memory_space<vmem_shared>>
      %dma_start3A_405 = arith.constant 0 : i32
      %dma_start3A_406 = tpu.memref_slice %arg12[%add3A_39, %dma_start3A_405] : memref<10240x128xf32, #tpu.memory_space<vmem_shared>> -> memref<64x128xf32, #tpu.memory_space<vmem_shared>>
      tpu.enqueue_dma source(%arg8 : memref<64x128xf32, #tpu.memory_space<vmem>>) target(%dma_start3A_406 : memref<64x128xf32, #tpu.memory_space<vmem_shared>>) target_semaphore(%run_scoped3A : memref<!tpu.dma_semaphore, #tpu.memory_space<semaphore_mem>>)
      %dma_wait3A_407 = arith.constant 0 : i32
      %dma_wait3A_408 = tpu.memref_slice %arg12[%add3A_39, %dma_wait3A_407] : memref<10240x128xf32, #tpu.memory_space<vmem_shared>> -> memref<64x128xf32, #tpu.memory_space<vmem_shared>>
      %dma_wait3A_409 = arith.constant 0 : i32
      %dma_wait3A_410 = tpu.memref_slice %arg12[%add3A_39, %dma_wait3A_409] : memref<10240x128xf32, #tpu.memory_space<vmem_shared>> -> memref<64x128xf32, #tpu.memory_space<vmem_shared>>
      tpu.wait_dma2 semaphore(%run_scoped3A : memref<!tpu.dma_semaphore, #tpu.memory_space<semaphore_mem>>) src(%arg8 : memref<64x128xf32, #tpu.memory_space<vmem>>) dst(%dma_wait3A_410 : memref<64x128xf32, #tpu.memory_space<vmem_shared>>)
      tpu.yield
    }) : () -> ()
    %mul3A_40 = arith.constant 640 : i32
    %mul3A_41 = arith.muli %arg1, %mul3A_40 : i32
    %add3A_42 = arith.constant 512 : i32
    %add3A_43 = arith.addi %mul3A_41, %add3A_42 : i32
    "tpu.region"() ({
      %run_scoped3A = tpu.sem_alloc : memref<!tpu.dma_semaphore, #tpu.memory_space<semaphore_mem>>
      %dma_start3A_403 = arith.constant 0 : i32
      %dma_start3A_404 = tpu.memref_slice %arg12[%add3A_43, %dma_start3A_403] : memref<10240x128xf32, #tpu.memory_space<vmem_shared>> -> memref<64x128xf32, #tpu.memory_space<vmem_shared>>
      %dma_start3A_405 = arith.constant 0 : i32
      %dma_start3A_406 = tpu.memref_slice %arg12[%add3A_43, %dma_start3A_405] : memref<10240x128xf32, #tpu.memory_space<vmem_shared>> -> memref<64x128xf32, #tpu.memory_space<vmem_shared>>
      tpu.enqueue_dma source(%arg8 : memref<64x128xf32, #tpu.memory_space<vmem>>) target(%dma_start3A_406 : memref<64x128xf32, #tpu.memory_space<vmem_shared>>) target_semaphore(%run_scoped3A : memref<!tpu.dma_semaphore, #tpu.memory_space<semaphore_mem>>)
      %dma_wait3A_407 = arith.constant 0 : i32
      %dma_wait3A_408 = tpu.memref_slice %arg12[%add3A_43, %dma_wait3A_407] : memref<10240x128xf32, #tpu.memory_space<vmem_shared>> -> memref<64x128xf32, #tpu.memory_space<vmem_shared>>
      %dma_wait3A_409 = arith.constant 0 : i32
      %dma_wait3A_410 = tpu.memref_slice %arg12[%add3A_43, %dma_wait3A_409] : memref<10240x128xf32, #tpu.memory_space<vmem_shared>> -> memref<64x128xf32, #tpu.memory_space<vmem_shared>>
      tpu.wait_dma2 semaphore(%run_scoped3A : memref<!tpu.dma_semaphore, #tpu.memory_space<semaphore_mem>>) src(%arg8 : memref<64x128xf32, #tpu.memory_space<vmem>>) dst(%dma_wait3A_410 : memref<64x128xf32, #tpu.memory_space<vmem_shared>>)
      tpu.yield
    }) : () -> ()
    %mul3A_44 = arith.constant 640 : i32
    %mul3A_45 = arith.muli %arg1, %mul3A_44 : i32
    %add3A_46 = arith.constant 576 : i32
    %add3A_47 = arith.addi %mul3A_45, %add3A_46 : i32
    "tpu.region"() ({
      %run_scoped3A = tpu.sem_alloc : memref<!tpu.dma_semaphore, #tpu.memory_space<semaphore_mem>>
      %dma_start3A_403 = arith.constant 0 : i32
      %dma_start3A_404 = tpu.memref_slice %arg12[%add3A_47, %dma_start3A_403] : memref<10240x128xf32, #tpu.memory_space<vmem_shared>> -> memref<64x128xf32, #tpu.memory_space<vmem_shared>>
      %dma_start3A_405 = arith.constant 0 : i32
      %dma_start3A_406 = tpu.memref_slice %arg12[%add3A_47, %dma_start3A_405] : memref<10240x128xf32, #tpu.memory_space<vmem_shared>> -> memref<64x128xf32, #tpu.memory_space<vmem_shared>>
      tpu.enqueue_dma source(%arg8 : memref<64x128xf32, #tpu.memory_space<vmem>>) target(%dma_start3A_406 : memref<64x128xf32, #tpu.memory_space<vmem_shared>>) target_semaphore(%run_scoped3A : memref<!tpu.dma_semaphore, #tpu.memory_space<semaphore_mem>>)
      %dma_wait3A_407 = arith.constant 0 : i32
      %dma_wait3A_408 = tpu.memref_slice %arg12[%add3A_47, %dma_wait3A_407] : memref<10240x128xf32, #tpu.memory_space<vmem_shared>> -> memref<64x128xf32, #tpu.memory_space<vmem_shared>>
      %dma_wait3A_409 = arith.constant 0 : i32
      %dma_wait3A_410 = tpu.memref_slice %arg12[%add3A_47, %dma_wait3A_409] : memref<10240x128xf32, #tpu.memory_space<vmem_shared>> -> memref<64x128xf32, #tpu.memory_space<vmem_shared>>
      tpu.wait_dma2 semaphore(%run_scoped3A : memref<!tpu.dma_semaphore, #tpu.memory_space<semaphore_mem>>) src(%arg8 : memref<64x128xf32, #tpu.memory_space<vmem>>) dst(%dma_wait3A_410 : memref<64x128xf32, #tpu.memory_space<vmem_shared>>)
      tpu.yield
    }) : () -> ()
    %barrier3A = arith.constant 0 : index
    tpu.barrier barrier_id(%barrier3A)
    %mul3A_48 = arith.constant 10240 : i32
    %mul3A_49 = arith.muli %add3A, %mul3A_48 : i32
    %add3A_50 = arith.constant 0 : i32
    %add3A_51 = arith.addi %mul3A_49, %add3A_50 : i32
    %dma_start3A = arith.constant 0 : i32
    %dma_start3A_52 = arith.constant 0 : i32
    %dma_start3A_53 = tpu.memref_slice %arg6[%dma_start3A, %dma_start3A_52] : memref<8x64xi32, #tpu.memory_space<vmem>> -> memref<1x64xi32, #tpu.memory_space<vmem>>
    %dma_start3A_54 = tpu.memref_squeeze %dma_start3A_53 : memref<1x64xi32, #tpu.memory_space<vmem>> -> memref<64xi32, #tpu.memory_space<vmem>>
    %dma_start3A_55 = tpu.memref_slice %arg3[%add3A_51] : memref<327680xi32, #tpu.memory_space<hbm>> -> memref<64xi32, #tpu.memory_space<hbm>>
    %dma_start3A_56 = arith.constant 0 : i32
    %dma_start3A_57 = tpu.memref_slice %arg6[%dma_start3A, %dma_start3A_56] : memref<8x64xi32, #tpu.memory_space<vmem>> -> memref<1x64xi32, #tpu.memory_space<vmem>>
    %dma_start3A_58 = tpu.memref_squeeze %dma_start3A_57 : memref<1x64xi32, #tpu.memory_space<vmem>> -> memref<64xi32, #tpu.memory_space<vmem>>
    %dma_start3A_59 = tpu.memref_slice %arg3[%add3A_51] : memref<327680xi32, #tpu.memory_space<hbm>> -> memref<64xi32, #tpu.memory_space<hbm>>
    tpu.enqueue_dma source(%dma_start3A_59 : memref<64xi32, #tpu.memory_space<hbm>>) target(%dma_start3A_58 : memref<64xi32, #tpu.memory_space<vmem>>) target_semaphore(%arg13 : memref<!tpu.dma_semaphore, #tpu.memory_space<semaphore_mem>>)
    %add3A_60 = arith.constant 0 : i32
    %add3A_61 = arith.addi %mul3A_49, %add3A_60 : i32
    %dma_start3A_62 = arith.constant 0 : i32
    %dma_start3A_63 = arith.constant 0 : i32
    %dma_start3A_64 = tpu.memref_slice %arg7[%dma_start3A_62, %dma_start3A_63] : memref<8x64xi32, #tpu.memory_space<vmem>> -> memref<1x64xi32, #tpu.memory_space<vmem>>
    %dma_start3A_65 = tpu.memref_squeeze %dma_start3A_64 : memref<1x64xi32, #tpu.memory_space<vmem>> -> memref<64xi32, #tpu.memory_space<vmem>>
    %dma_start3A_66 = tpu.memref_slice %arg4[%add3A_61] : memref<327680xi32, #tpu.memory_space<hbm>> -> memref<64xi32, #tpu.memory_space<hbm>>
    %dma_start3A_67 = arith.constant 0 : i32
    %dma_start3A_68 = tpu.memref_slice %arg7[%dma_start3A_62, %dma_start3A_67] : memref<8x64xi32, #tpu.memory_space<vmem>> -> memref<1x64xi32, #tpu.memory_space<vmem>>
    %dma_start3A_69 = tpu.memref_squeeze %dma_start3A_68 : memref<1x64xi32, #tpu.memory_space<vmem>> -> memref<64xi32, #tpu.memory_space<vmem>>
    %dma_start3A_70 = tpu.memref_slice %arg4[%add3A_61] : memref<327680xi32, #tpu.memory_space<hbm>> -> memref<64xi32, #tpu.memory_space<hbm>>
    tpu.enqueue_dma source(%dma_start3A_70 : memref<64xi32, #tpu.memory_space<hbm>>) target(%dma_start3A_69 : memref<64xi32, #tpu.memory_space<vmem>>) target_semaphore(%arg13 : memref<!tpu.dma_semaphore, #tpu.memory_space<semaphore_mem>>)
    %add3A_71 = arith.constant 64 : i32
    %add3A_72 = arith.addi %mul3A_49, %add3A_71 : i32
    %dma_start3A_73 = arith.constant 1 : i32
    %dma_start3A_74 = arith.constant 0 : i32
    %dma_start3A_75 = tpu.memref_slice %arg6[%dma_start3A_73, %dma_start3A_74] : memref<8x64xi32, #tpu.memory_space<vmem>> -> memref<1x64xi32, #tpu.memory_space<vmem>>
    %dma_start3A_76 = tpu.memref_squeeze %dma_start3A_75 : memref<1x64xi32, #tpu.memory_space<vmem>> -> memref<64xi32, #tpu.memory_space<vmem>>
    %dma_start3A_77 = tpu.memref_slice %arg3[%add3A_72] : memref<327680xi32, #tpu.memory_space<hbm>> -> memref<64xi32, #tpu.memory_space<hbm>>
    %dma_start3A_78 = arith.constant 0 : i32
    %dma_start3A_79 = tpu.memref_slice %arg6[%dma_start3A_73, %dma_start3A_78] : memref<8x64xi32, #tpu.memory_space<vmem>> -> memref<1x64xi32, #tpu.memory_space<vmem>>
    %dma_start3A_80 = tpu.memref_squeeze %dma_start3A_79 : memref<1x64xi32, #tpu.memory_space<vmem>> -> memref<64xi32, #tpu.memory_space<vmem>>
    %dma_start3A_81 = tpu.memref_slice %arg3[%add3A_72] : memref<327680xi32, #tpu.memory_space<hbm>> -> memref<64xi32, #tpu.memory_space<hbm>>
    tpu.enqueue_dma source(%dma_start3A_81 : memref<64xi32, #tpu.memory_space<hbm>>) target(%dma_start3A_80 : memref<64xi32, #tpu.memory_space<vmem>>) target_semaphore(%arg14 : memref<!tpu.dma_semaphore, #tpu.memory_space<semaphore_mem>>)
    %add3A_82 = arith.constant 64 : i32
    %add3A_83 = arith.addi %mul3A_49, %add3A_82 : i32
    %dma_start3A_84 = arith.constant 1 : i32
    %dma_start3A_85 = arith.constant 0 : i32
    %dma_start3A_86 = tpu.memref_slice %arg7[%dma_start3A_84, %dma_start3A_85] : memref<8x64xi32, #tpu.memory_space<vmem>> -> memref<1x64xi32, #tpu.memory_space<vmem>>
    %dma_start3A_87 = tpu.memref_squeeze %dma_start3A_86 : memref<1x64xi32, #tpu.memory_space<vmem>> -> memref<64xi32, #tpu.memory_space<vmem>>
    %dma_start3A_88 = tpu.memref_slice %arg4[%add3A_83] : memref<327680xi32, #tpu.memory_space<hbm>> -> memref<64xi32, #tpu.memory_space<hbm>>
    %dma_start3A_89 = arith.constant 0 : i32
    %dma_start3A_90 = tpu.memref_slice %arg7[%dma_start3A_84, %dma_start3A_89] : memref<8x64xi32, #tpu.memory_space<vmem>> -> memref<1x64xi32, #tpu.memory_space<vmem>>
    %dma_start3A_91 = tpu.memref_squeeze %dma_start3A_90 : memref<1x64xi32, #tpu.memory_space<vmem>> -> memref<64xi32, #tpu.memory_space<vmem>>
    %dma_start3A_92 = tpu.memref_slice %arg4[%add3A_83] : memref<327680xi32, #tpu.memory_space<hbm>> -> memref<64xi32, #tpu.memory_space<hbm>>
    tpu.enqueue_dma source(%dma_start3A_92 : memref<64xi32, #tpu.memory_space<hbm>>) target(%dma_start3A_91 : memref<64xi32, #tpu.memory_space<vmem>>) target_semaphore(%arg14 : memref<!tpu.dma_semaphore, #tpu.memory_space<semaphore_mem>>)
    %add3A_93 = arith.constant 128 : i32
    %add3A_94 = arith.addi %mul3A_49, %add3A_93 : i32
    %dma_start3A_95 = arith.constant 2 : i32
    %dma_start3A_96 = arith.constant 0 : i32
    %dma_start3A_97 = tpu.memref_slice %arg6[%dma_start3A_95, %dma_start3A_96] : memref<8x64xi32, #tpu.memory_space<vmem>> -> memref<1x64xi32, #tpu.memory_space<vmem>>
    %dma_start3A_98 = tpu.memref_squeeze %dma_start3A_97 : memref<1x64xi32, #tpu.memory_space<vmem>> -> memref<64xi32, #tpu.memory_space<vmem>>
    %dma_start3A_99 = tpu.memref_slice %arg3[%add3A_94] : memref<327680xi32, #tpu.memory_space<hbm>> -> memref<64xi32, #tpu.memory_space<hbm>>
    %dma_start3A_100 = arith.constant 0 : i32
    %dma_start3A_101 = tpu.memref_slice %arg6[%dma_start3A_95, %dma_start3A_100] : memref<8x64xi32, #tpu.memory_space<vmem>> -> memref<1x64xi32, #tpu.memory_space<vmem>>
    %dma_start3A_102 = tpu.memref_squeeze %dma_start3A_101 : memref<1x64xi32, #tpu.memory_space<vmem>> -> memref<64xi32, #tpu.memory_space<vmem>>
    %dma_start3A_103 = tpu.memref_slice %arg3[%add3A_94] : memref<327680xi32, #tpu.memory_space<hbm>> -> memref<64xi32, #tpu.memory_space<hbm>>
    tpu.enqueue_dma source(%dma_start3A_103 : memref<64xi32, #tpu.memory_space<hbm>>) target(%dma_start3A_102 : memref<64xi32, #tpu.memory_space<vmem>>) target_semaphore(%arg15 : memref<!tpu.dma_semaphore, #tpu.memory_space<semaphore_mem>>)
    %add3A_104 = arith.constant 128 : i32
    %add3A_105 = arith.addi %mul3A_49, %add3A_104 : i32
    %dma_start3A_106 = arith.constant 2 : i32
    %dma_start3A_107 = arith.constant 0 : i32
    %dma_start3A_108 = tpu.memref_slice %arg7[%dma_start3A_106, %dma_start3A_107] : memref<8x64xi32, #tpu.memory_space<vmem>> -> memref<1x64xi32, #tpu.memory_space<vmem>>
    %dma_start3A_109 = tpu.memref_squeeze %dma_start3A_108 : memref<1x64xi32, #tpu.memory_space<vmem>> -> memref<64xi32, #tpu.memory_space<vmem>>
    %dma_start3A_110 = tpu.memref_slice %arg4[%add3A_105] : memref<327680xi32, #tpu.memory_space<hbm>> -> memref<64xi32, #tpu.memory_space<hbm>>
    %dma_start3A_111 = arith.constant 0 : i32
    %dma_start3A_112 = tpu.memref_slice %arg7[%dma_start3A_106, %dma_start3A_111] : memref<8x64xi32, #tpu.memory_space<vmem>> -> memref<1x64xi32, #tpu.memory_space<vmem>>
    %dma_start3A_113 = tpu.memref_squeeze %dma_start3A_112 : memref<1x64xi32, #tpu.memory_space<vmem>> -> memref<64xi32, #tpu.memory_space<vmem>>
    %dma_start3A_114 = tpu.memref_slice %arg4[%add3A_105] : memref<327680xi32, #tpu.memory_space<hbm>> -> memref<64xi32, #tpu.memory_space<hbm>>
    tpu.enqueue_dma source(%dma_start3A_114 : memref<64xi32, #tpu.memory_space<hbm>>) target(%dma_start3A_113 : memref<64xi32, #tpu.memory_space<vmem>>) target_semaphore(%arg15 : memref<!tpu.dma_semaphore, #tpu.memory_space<semaphore_mem>>)
    %add3A_115 = arith.constant 192 : i32
    %add3A_116 = arith.addi %mul3A_49, %add3A_115 : i32
    %dma_start3A_117 = arith.constant 3 : i32
    %dma_start3A_118 = arith.constant 0 : i32
    %dma_start3A_119 = tpu.memref_slice %arg6[%dma_start3A_117, %dma_start3A_118] : memref<8x64xi32, #tpu.memory_space<vmem>> -> memref<1x64xi32, #tpu.memory_space<vmem>>
    %dma_start3A_120 = tpu.memref_squeeze %dma_start3A_119 : memref<1x64xi32, #tpu.memory_space<vmem>> -> memref<64xi32, #tpu.memory_space<vmem>>
    %dma_start3A_121 = tpu.memref_slice %arg3[%add3A_116] : memref<327680xi32, #tpu.memory_space<hbm>> -> memref<64xi32, #tpu.memory_space<hbm>>
    %dma_start3A_122 = arith.constant 0 : i32
    %dma_start3A_123 = tpu.memref_slice %arg6[%dma_start3A_117, %dma_start3A_122] : memref<8x64xi32, #tpu.memory_space<vmem>> -> memref<1x64xi32, #tpu.memory_space<vmem>>
    %dma_start3A_124 = tpu.memref_squeeze %dma_start3A_123 : memref<1x64xi32, #tpu.memory_space<vmem>> -> memref<64xi32, #tpu.memory_space<vmem>>
    %dma_start3A_125 = tpu.memref_slice %arg3[%add3A_116] : memref<327680xi32, #tpu.memory_space<hbm>> -> memref<64xi32, #tpu.memory_space<hbm>>
    tpu.enqueue_dma source(%dma_start3A_125 : memref<64xi32, #tpu.memory_space<hbm>>) target(%dma_start3A_124 : memref<64xi32, #tpu.memory_space<vmem>>) target_semaphore(%arg16 : memref<!tpu.dma_semaphore, #tpu.memory_space<semaphore_mem>>)
    %add3A_126 = arith.constant 192 : i32
    %add3A_127 = arith.addi %mul3A_49, %add3A_126 : i32
    %dma_start3A_128 = arith.constant 3 : i32
    %dma_start3A_129 = arith.constant 0 : i32
    %dma_start3A_130 = tpu.memref_slice %arg7[%dma_start3A_128, %dma_start3A_129] : memref<8x64xi32, #tpu.memory_space<vmem>> -> memref<1x64xi32, #tpu.memory_space<vmem>>
    %dma_start3A_131 = tpu.memref_squeeze %dma_start3A_130 : memref<1x64xi32, #tpu.memory_space<vmem>> -> memref<64xi32, #tpu.memory_space<vmem>>
    %dma_start3A_132 = tpu.memref_slice %arg4[%add3A_127] : memref<327680xi32, #tpu.memory_space<hbm>> -> memref<64xi32, #tpu.memory_space<hbm>>
    %dma_start3A_133 = arith.constant 0 : i32
    %dma_start3A_134 = tpu.memref_slice %arg7[%dma_start3A_128, %dma_start3A_133] : memref<8x64xi32, #tpu.memory_space<vmem>> -> memref<1x64xi32, #tpu.memory_space<vmem>>
    %dma_start3A_135 = tpu.memref_squeeze %dma_start3A_134 : memref<1x64xi32, #tpu.memory_space<vmem>> -> memref<64xi32, #tpu.memory_space<vmem>>
    %dma_start3A_136 = tpu.memref_slice %arg4[%add3A_127] : memref<327680xi32, #tpu.memory_space<hbm>> -> memref<64xi32, #tpu.memory_space<hbm>>
    tpu.enqueue_dma source(%dma_start3A_136 : memref<64xi32, #tpu.memory_space<hbm>>) target(%dma_start3A_135 : memref<64xi32, #tpu.memory_space<vmem>>) target_semaphore(%arg16 : memref<!tpu.dma_semaphore, #tpu.memory_space<semaphore_mem>>)
    %add3A_137 = arith.constant 256 : i32
    %add3A_138 = arith.addi %mul3A_49, %add3A_137 : i32
    %dma_start3A_139 = arith.constant 4 : i32
    %dma_start3A_140 = arith.constant 0 : i32
    %dma_start3A_141 = tpu.memref_slice %arg6[%dma_start3A_139, %dma_start3A_140] : memref<8x64xi32, #tpu.memory_space<vmem>> -> memref<1x64xi32, #tpu.memory_space<vmem>>
    %dma_start3A_142 = tpu.memref_squeeze %dma_start3A_141 : memref<1x64xi32, #tpu.memory_space<vmem>> -> memref<64xi32, #tpu.memory_space<vmem>>
    %dma_start3A_143 = tpu.memref_slice %arg3[%add3A_138] : memref<327680xi32, #tpu.memory_space<hbm>> -> memref<64xi32, #tpu.memory_space<hbm>>
    %dma_start3A_144 = arith.constant 0 : i32
    %dma_start3A_145 = tpu.memref_slice %arg6[%dma_start3A_139, %dma_start3A_144] : memref<8x64xi32, #tpu.memory_space<vmem>> -> memref<1x64xi32, #tpu.memory_space<vmem>>
    %dma_start3A_146 = tpu.memref_squeeze %dma_start3A_145 : memref<1x64xi32, #tpu.memory_space<vmem>> -> memref<64xi32, #tpu.memory_space<vmem>>
    %dma_start3A_147 = tpu.memref_slice %arg3[%add3A_138] : memref<327680xi32, #tpu.memory_space<hbm>> -> memref<64xi32, #tpu.memory_space<hbm>>
    tpu.enqueue_dma source(%dma_start3A_147 : memref<64xi32, #tpu.memory_space<hbm>>) target(%dma_start3A_146 : memref<64xi32, #tpu.memory_space<vmem>>) target_semaphore(%arg17 : memref<!tpu.dma_semaphore, #tpu.memory_space<semaphore_mem>>)
    %add3A_148 = arith.constant 256 : i32
    %add3A_149 = arith.addi %mul3A_49, %add3A_148 : i32
    %dma_start3A_150 = arith.constant 4 : i32
    %dma_start3A_151 = arith.constant 0 : i32
    %dma_start3A_152 = tpu.memref_slice %arg7[%dma_start3A_150, %dma_start3A_151] : memref<8x64xi32, #tpu.memory_space<vmem>> -> memref<1x64xi32, #tpu.memory_space<vmem>>
    %dma_start3A_153 = tpu.memref_squeeze %dma_start3A_152 : memref<1x64xi32, #tpu.memory_space<vmem>> -> memref<64xi32, #tpu.memory_space<vmem>>
    %dma_start3A_154 = tpu.memref_slice %arg4[%add3A_149] : memref<327680xi32, #tpu.memory_space<hbm>> -> memref<64xi32, #tpu.memory_space<hbm>>
    %dma_start3A_155 = arith.constant 0 : i32
    %dma_start3A_156 = tpu.memref_slice %arg7[%dma_start3A_150, %dma_start3A_155] : memref<8x64xi32, #tpu.memory_space<vmem>> -> memref<1x64xi32, #tpu.memory_space<vmem>>
    %dma_start3A_157 = tpu.memref_squeeze %dma_start3A_156 : memref<1x64xi32, #tpu.memory_space<vmem>> -> memref<64xi32, #tpu.memory_space<vmem>>
    %dma_start3A_158 = tpu.memref_slice %arg4[%add3A_149] : memref<327680xi32, #tpu.memory_space<hbm>> -> memref<64xi32, #tpu.memory_space<hbm>>
    tpu.enqueue_dma source(%dma_start3A_158 : memref<64xi32, #tpu.memory_space<hbm>>) target(%dma_start3A_157 : memref<64xi32, #tpu.memory_space<vmem>>) target_semaphore(%arg17 : memref<!tpu.dma_semaphore, #tpu.memory_space<semaphore_mem>>)
    %add3A_159 = arith.constant 320 : i32
    %add3A_160 = arith.addi %mul3A_49, %add3A_159 : i32
    %dma_start3A_161 = arith.constant 5 : i32
    %dma_start3A_162 = arith.constant 0 : i32
    %dma_start3A_163 = tpu.memref_slice %arg6[%dma_start3A_161, %dma_start3A_162] : memref<8x64xi32, #tpu.memory_space<vmem>> -> memref<1x64xi32, #tpu.memory_space<vmem>>
    %dma_start3A_164 = tpu.memref_squeeze %dma_start3A_163 : memref<1x64xi32, #tpu.memory_space<vmem>> -> memref<64xi32, #tpu.memory_space<vmem>>
    %dma_start3A_165 = tpu.memref_slice %arg3[%add3A_160] : memref<327680xi32, #tpu.memory_space<hbm>> -> memref<64xi32, #tpu.memory_space<hbm>>
    %dma_start3A_166 = arith.constant 0 : i32
    %dma_start3A_167 = tpu.memref_slice %arg6[%dma_start3A_161, %dma_start3A_166] : memref<8x64xi32, #tpu.memory_space<vmem>> -> memref<1x64xi32, #tpu.memory_space<vmem>>
    %dma_start3A_168 = tpu.memref_squeeze %dma_start3A_167 : memref<1x64xi32, #tpu.memory_space<vmem>> -> memref<64xi32, #tpu.memory_space<vmem>>
    %dma_start3A_169 = tpu.memref_slice %arg3[%add3A_160] : memref<327680xi32, #tpu.memory_space<hbm>> -> memref<64xi32, #tpu.memory_space<hbm>>
    tpu.enqueue_dma source(%dma_start3A_169 : memref<64xi32, #tpu.memory_space<hbm>>) target(%dma_start3A_168 : memref<64xi32, #tpu.memory_space<vmem>>) target_semaphore(%arg18 : memref<!tpu.dma_semaphore, #tpu.memory_space<semaphore_mem>>)
    %add3A_170 = arith.constant 320 : i32
    %add3A_171 = arith.addi %mul3A_49, %add3A_170 : i32
    %dma_start3A_172 = arith.constant 5 : i32
    %dma_start3A_173 = arith.constant 0 : i32
    %dma_start3A_174 = tpu.memref_slice %arg7[%dma_start3A_172, %dma_start3A_173] : memref<8x64xi32, #tpu.memory_space<vmem>> -> memref<1x64xi32, #tpu.memory_space<vmem>>
    %dma_start3A_175 = tpu.memref_squeeze %dma_start3A_174 : memref<1x64xi32, #tpu.memory_space<vmem>> -> memref<64xi32, #tpu.memory_space<vmem>>
    %dma_start3A_176 = tpu.memref_slice %arg4[%add3A_171] : memref<327680xi32, #tpu.memory_space<hbm>> -> memref<64xi32, #tpu.memory_space<hbm>>
    %dma_start3A_177 = arith.constant 0 : i32
    %dma_start3A_178 = tpu.memref_slice %arg7[%dma_start3A_172, %dma_start3A_177] : memref<8x64xi32, #tpu.memory_space<vmem>> -> memref<1x64xi32, #tpu.memory_space<vmem>>
    %dma_start3A_179 = tpu.memref_squeeze %dma_start3A_178 : memref<1x64xi32, #tpu.memory_space<vmem>> -> memref<64xi32, #tpu.memory_space<vmem>>
    %dma_start3A_180 = tpu.memref_slice %arg4[%add3A_171] : memref<327680xi32, #tpu.memory_space<hbm>> -> memref<64xi32, #tpu.memory_space<hbm>>
    tpu.enqueue_dma source(%dma_start3A_180 : memref<64xi32, #tpu.memory_space<hbm>>) target(%dma_start3A_179 : memref<64xi32, #tpu.memory_space<vmem>>) target_semaphore(%arg18 : memref<!tpu.dma_semaphore, #tpu.memory_space<semaphore_mem>>)
    %add3A_181 = arith.constant 384 : i32
    %add3A_182 = arith.addi %mul3A_49, %add3A_181 : i32
    %dma_start3A_183 = arith.constant 6 : i32
    %dma_start3A_184 = arith.constant 0 : i32
    %dma_start3A_185 = tpu.memref_slice %arg6[%dma_start3A_183, %dma_start3A_184] : memref<8x64xi32, #tpu.memory_space<vmem>> -> memref<1x64xi32, #tpu.memory_space<vmem>>
    %dma_start3A_186 = tpu.memref_squeeze %dma_start3A_185 : memref<1x64xi32, #tpu.memory_space<vmem>> -> memref<64xi32, #tpu.memory_space<vmem>>
    %dma_start3A_187 = tpu.memref_slice %arg3[%add3A_182] : memref<327680xi32, #tpu.memory_space<hbm>> -> memref<64xi32, #tpu.memory_space<hbm>>
    %dma_start3A_188 = arith.constant 0 : i32
    %dma_start3A_189 = tpu.memref_slice %arg6[%dma_start3A_183, %dma_start3A_188] : memref<8x64xi32, #tpu.memory_space<vmem>> -> memref<1x64xi32, #tpu.memory_space<vmem>>
    %dma_start3A_190 = tpu.memref_squeeze %dma_start3A_189 : memref<1x64xi32, #tpu.memory_space<vmem>> -> memref<64xi32, #tpu.memory_space<vmem>>
    %dma_start3A_191 = tpu.memref_slice %arg3[%add3A_182] : memref<327680xi32, #tpu.memory_space<hbm>> -> memref<64xi32, #tpu.memory_space<hbm>>
    tpu.enqueue_dma source(%dma_start3A_191 : memref<64xi32, #tpu.memory_space<hbm>>) target(%dma_start3A_190 : memref<64xi32, #tpu.memory_space<vmem>>) target_semaphore(%arg19 : memref<!tpu.dma_semaphore, #tpu.memory_space<semaphore_mem>>)
    %add3A_192 = arith.constant 384 : i32
    %add3A_193 = arith.addi %mul3A_49, %add3A_192 : i32
    %dma_start3A_194 = arith.constant 6 : i32
    %dma_start3A_195 = arith.constant 0 : i32
    %dma_start3A_196 = tpu.memref_slice %arg7[%dma_start3A_194, %dma_start3A_195] : memref<8x64xi32, #tpu.memory_space<vmem>> -> memref<1x64xi32, #tpu.memory_space<vmem>>
    %dma_start3A_197 = tpu.memref_squeeze %dma_start3A_196 : memref<1x64xi32, #tpu.memory_space<vmem>> -> memref<64xi32, #tpu.memory_space<vmem>>
    %dma_start3A_198 = tpu.memref_slice %arg4[%add3A_193] : memref<327680xi32, #tpu.memory_space<hbm>> -> memref<64xi32, #tpu.memory_space<hbm>>
    %dma_start3A_199 = arith.constant 0 : i32
    %dma_start3A_200 = tpu.memref_slice %arg7[%dma_start3A_194, %dma_start3A_199] : memref<8x64xi32, #tpu.memory_space<vmem>> -> memref<1x64xi32, #tpu.memory_space<vmem>>
    %dma_start3A_201 = tpu.memref_squeeze %dma_start3A_200 : memref<1x64xi32, #tpu.memory_space<vmem>> -> memref<64xi32, #tpu.memory_space<vmem>>
    %dma_start3A_202 = tpu.memref_slice %arg4[%add3A_193] : memref<327680xi32, #tpu.memory_space<hbm>> -> memref<64xi32, #tpu.memory_space<hbm>>
    tpu.enqueue_dma source(%dma_start3A_202 : memref<64xi32, #tpu.memory_space<hbm>>) target(%dma_start3A_201 : memref<64xi32, #tpu.memory_space<vmem>>) target_semaphore(%arg19 : memref<!tpu.dma_semaphore, #tpu.memory_space<semaphore_mem>>)
    %add3A_203 = arith.constant 448 : i32
    %add3A_204 = arith.addi %mul3A_49, %add3A_203 : i32
    %dma_start3A_205 = arith.constant 7 : i32
    %dma_start3A_206 = arith.constant 0 : i32
    %dma_start3A_207 = tpu.memref_slice %arg6[%dma_start3A_205, %dma_start3A_206] : memref<8x64xi32, #tpu.memory_space<vmem>> -> memref<1x64xi32, #tpu.memory_space<vmem>>
    %dma_start3A_208 = tpu.memref_squeeze %dma_start3A_207 : memref<1x64xi32, #tpu.memory_space<vmem>> -> memref<64xi32, #tpu.memory_space<vmem>>
    %dma_start3A_209 = tpu.memref_slice %arg3[%add3A_204] : memref<327680xi32, #tpu.memory_space<hbm>> -> memref<64xi32, #tpu.memory_space<hbm>>
    %dma_start3A_210 = arith.constant 0 : i32
    %dma_start3A_211 = tpu.memref_slice %arg6[%dma_start3A_205, %dma_start3A_210] : memref<8x64xi32, #tpu.memory_space<vmem>> -> memref<1x64xi32, #tpu.memory_space<vmem>>
    %dma_start3A_212 = tpu.memref_squeeze %dma_start3A_211 : memref<1x64xi32, #tpu.memory_space<vmem>> -> memref<64xi32, #tpu.memory_space<vmem>>
    %dma_start3A_213 = tpu.memref_slice %arg3[%add3A_204] : memref<327680xi32, #tpu.memory_space<hbm>> -> memref<64xi32, #tpu.memory_space<hbm>>
    tpu.enqueue_dma source(%dma_start3A_213 : memref<64xi32, #tpu.memory_space<hbm>>) target(%dma_start3A_212 : memref<64xi32, #tpu.memory_space<vmem>>) target_semaphore(%arg20 : memref<!tpu.dma_semaphore, #tpu.memory_space<semaphore_mem>>)
    %add3A_214 = arith.constant 448 : i32
    %add3A_215 = arith.addi %mul3A_49, %add3A_214 : i32
    %dma_start3A_216 = arith.constant 7 : i32
    %dma_start3A_217 = arith.constant 0 : i32
    %dma_start3A_218 = tpu.memref_slice %arg7[%dma_start3A_216, %dma_start3A_217] : memref<8x64xi32, #tpu.memory_space<vmem>> -> memref<1x64xi32, #tpu.memory_space<vmem>>
    %dma_start3A_219 = tpu.memref_squeeze %dma_start3A_218 : memref<1x64xi32, #tpu.memory_space<vmem>> -> memref<64xi32, #tpu.memory_space<vmem>>
    %dma_start3A_220 = tpu.memref_slice %arg4[%add3A_215] : memref<327680xi32, #tpu.memory_space<hbm>> -> memref<64xi32, #tpu.memory_space<hbm>>
    %dma_start3A_221 = arith.constant 0 : i32
    %dma_start3A_222 = tpu.memref_slice %arg7[%dma_start3A_216, %dma_start3A_221] : memref<8x64xi32, #tpu.memory_space<vmem>> -> memref<1x64xi32, #tpu.memory_space<vmem>>
    %dma_start3A_223 = tpu.memref_squeeze %dma_start3A_222 : memref<1x64xi32, #tpu.memory_space<vmem>> -> memref<64xi32, #tpu.memory_space<vmem>>
    %dma_start3A_224 = tpu.memref_slice %arg4[%add3A_215] : memref<327680xi32, #tpu.memory_space<hbm>> -> memref<64xi32, #tpu.memory_space<hbm>>
    tpu.enqueue_dma source(%dma_start3A_224 : memref<64xi32, #tpu.memory_space<hbm>>) target(%dma_start3A_223 : memref<64xi32, #tpu.memory_space<vmem>>) target_semaphore(%arg20 : memref<!tpu.dma_semaphore, #tpu.memory_space<semaphore_mem>>)
    %add3A_225 = arith.constant 0 : i32
    %add3A_226 = arith.addi %mul3A_49, %add3A_225 : i32
    %dma_wait3A = arith.constant 0 : i32
    %dma_wait3A_227 = arith.constant 0 : i32
    %dma_wait3A_228 = tpu.memref_slice %arg6[%dma_wait3A, %dma_wait3A_227] : memref<8x64xi32, #tpu.memory_space<vmem>> -> memref<1x64xi32, #tpu.memory_space<vmem>>
    %dma_wait3A_229 = tpu.memref_squeeze %dma_wait3A_228 : memref<1x64xi32, #tpu.memory_space<vmem>> -> memref<64xi32, #tpu.memory_space<vmem>>
    %dma_wait3A_230 = tpu.memref_slice %arg3[%add3A_226] : memref<327680xi32, #tpu.memory_space<hbm>> -> memref<64xi32, #tpu.memory_space<hbm>>
    %dma_wait3A_231 = arith.constant 0 : i32
    %dma_wait3A_232 = tpu.memref_slice %arg6[%dma_wait3A, %dma_wait3A_231] : memref<8x64xi32, #tpu.memory_space<vmem>> -> memref<1x64xi32, #tpu.memory_space<vmem>>
    %dma_wait3A_233 = tpu.memref_squeeze %dma_wait3A_232 : memref<1x64xi32, #tpu.memory_space<vmem>> -> memref<64xi32, #tpu.memory_space<vmem>>
    %dma_wait3A_234 = tpu.memref_slice %arg3[%add3A_226] : memref<327680xi32, #tpu.memory_space<hbm>> -> memref<64xi32, #tpu.memory_space<hbm>>
    tpu.wait_dma2 semaphore(%arg13 : memref<!tpu.dma_semaphore, #tpu.memory_space<semaphore_mem>>) src(%dma_wait3A_234 : memref<64xi32, #tpu.memory_space<hbm>>) dst(%dma_wait3A_233 : memref<64xi32, #tpu.memory_space<vmem>>)
    %add3A_235 = arith.constant 0 : i32
    %add3A_236 = arith.addi %mul3A_49, %add3A_235 : i32
    %dma_wait3A_237 = arith.constant 0 : i32
    %dma_wait3A_238 = arith.constant 0 : i32
    %dma_wait3A_239 = tpu.memref_slice %arg7[%dma_wait3A_237, %dma_wait3A_238] : memref<8x64xi32, #tpu.memory_space<vmem>> -> memref<1x64xi32, #tpu.memory_space<vmem>>
    %dma_wait3A_240 = tpu.memref_squeeze %dma_wait3A_239 : memref<1x64xi32, #tpu.memory_space<vmem>> -> memref<64xi32, #tpu.memory_space<vmem>>
    %dma_wait3A_241 = tpu.memref_slice %arg4[%add3A_236] : memref<327680xi32, #tpu.memory_space<hbm>> -> memref<64xi32, #tpu.memory_space<hbm>>
    %dma_wait3A_242 = arith.constant 0 : i32
    %dma_wait3A_243 = tpu.memref_slice %arg7[%dma_wait3A_237, %dma_wait3A_242] : memref<8x64xi32, #tpu.memory_space<vmem>> -> memref<1x64xi32, #tpu.memory_space<vmem>>
    %dma_wait3A_244 = tpu.memref_squeeze %dma_wait3A_243 : memref<1x64xi32, #tpu.memory_space<vmem>> -> memref<64xi32, #tpu.memory_space<vmem>>
    %dma_wait3A_245 = tpu.memref_slice %arg4[%add3A_236] : memref<327680xi32, #tpu.memory_space<hbm>> -> memref<64xi32, #tpu.memory_space<hbm>>
    tpu.wait_dma2 semaphore(%arg13 : memref<!tpu.dma_semaphore, #tpu.memory_space<semaphore_mem>>) src(%dma_wait3A_245 : memref<64xi32, #tpu.memory_space<hbm>>) dst(%dma_wait3A_244 : memref<64xi32, #tpu.memory_space<vmem>>)
    %dma_start3A_246 = arith.constant 0 : i32
    %dma_start3A_247 = arith.constant 0 : i32
    %dma_start3A_248 = tpu.memref_slice %arg6[%dma_start3A_246, %dma_start3A_247] : memref<8x64xi32, #tpu.memory_space<vmem>> -> memref<1x64xi32, #tpu.memory_space<vmem>>
    %dma_start3A_249 = tpu.memref_squeeze %dma_start3A_248 : memref<1x64xi32, #tpu.memory_space<vmem>> -> memref<64xi32, #tpu.memory_space<vmem>>
    %dma_start3A_250 = arith.constant 0 : i32
    %dma_start3A_251 = arith.constant 0 : i32
    %dma_start3A_252 = tpu.memref_slice %arg2[%dma_start3A_250, %dma_start3A_251] : memref<10000x128xf32, #tpu.memory_space<hbm>> -> memref<10000x128xf32, #tpu.memory_space<hbm>>
    tpu.enqueue_indirect_dma source(%dma_start3A_252 : memref<10000x128xf32, #tpu.memory_space<hbm>>) target(%arg8 : memref<64x128xf32, #tpu.memory_space<vmem>>) offsets(%dma_start3A_249 : memref<64xi32, #tpu.memory_space<vmem>>) semaphore(%arg21 : memref<!tpu.dma_semaphore, #tpu.memory_space<semaphore_mem>>)
    %add3A_253 = arith.constant 64 : i32
    %add3A_254 = arith.addi %mul3A_49, %add3A_253 : i32
    %dma_wait3A_255 = arith.constant 1 : i32
    %dma_wait3A_256 = arith.constant 0 : i32
    %dma_wait3A_257 = tpu.memref_slice %arg6[%dma_wait3A_255, %dma_wait3A_256] : memref<8x64xi32, #tpu.memory_space<vmem>> -> memref<1x64xi32, #tpu.memory_space<vmem>>
    %dma_wait3A_258 = tpu.memref_squeeze %dma_wait3A_257 : memref<1x64xi32, #tpu.memory_space<vmem>> -> memref<64xi32, #tpu.memory_space<vmem>>
    %dma_wait3A_259 = tpu.memref_slice %arg3[%add3A_254] : memref<327680xi32, #tpu.memory_space<hbm>> -> memref<64xi32, #tpu.memory_space<hbm>>
    %dma_wait3A_260 = arith.constant 0 : i32
    %dma_wait3A_261 = tpu.memref_slice %arg6[%dma_wait3A_255, %dma_wait3A_260] : memref<8x64xi32, #tpu.memory_space<vmem>> -> memref<1x64xi32, #tpu.memory_space<vmem>>
    %dma_wait3A_262 = tpu.memref_squeeze %dma_wait3A_261 : memref<1x64xi32, #tpu.memory_space<vmem>> -> memref<64xi32, #tpu.memory_space<vmem>>
    %dma_wait3A_263 = tpu.memref_slice %arg3[%add3A_254] : memref<327680xi32, #tpu.memory_space<hbm>> -> memref<64xi32, #tpu.memory_space<hbm>>
    tpu.wait_dma2 semaphore(%arg14 : memref<!tpu.dma_semaphore, #tpu.memory_space<semaphore_mem>>) src(%dma_wait3A_263 : memref<64xi32, #tpu.memory_space<hbm>>) dst(%dma_wait3A_262 : memref<64xi32, #tpu.memory_space<vmem>>)
    %add3A_264 = arith.constant 64 : i32
    %add3A_265 = arith.addi %mul3A_49, %add3A_264 : i32
    %dma_wait3A_266 = arith.constant 1 : i32
    %dma_wait3A_267 = arith.constant 0 : i32
    %dma_wait3A_268 = tpu.memref_slice %arg7[%dma_wait3A_266, %dma_wait3A_267] : memref<8x64xi32, #tpu.memory_space<vmem>> -> memref<1x64xi32, #tpu.memory_space<vmem>>
    %dma_wait3A_269 = tpu.memref_squeeze %dma_wait3A_268 : memref<1x64xi32, #tpu.memory_space<vmem>> -> memref<64xi32, #tpu.memory_space<vmem>>
    %dma_wait3A_270 = tpu.memref_slice %arg4[%add3A_265] : memref<327680xi32, #tpu.memory_space<hbm>> -> memref<64xi32, #tpu.memory_space<hbm>>
    %dma_wait3A_271 = arith.constant 0 : i32
    %dma_wait3A_272 = tpu.memref_slice %arg7[%dma_wait3A_266, %dma_wait3A_271] : memref<8x64xi32, #tpu.memory_space<vmem>> -> memref<1x64xi32, #tpu.memory_space<vmem>>
    %dma_wait3A_273 = tpu.memref_squeeze %dma_wait3A_272 : memref<1x64xi32, #tpu.memory_space<vmem>> -> memref<64xi32, #tpu.memory_space<vmem>>
    %dma_wait3A_274 = tpu.memref_slice %arg4[%add3A_265] : memref<327680xi32, #tpu.memory_space<hbm>> -> memref<64xi32, #tpu.memory_space<hbm>>
    tpu.wait_dma2 semaphore(%arg14 : memref<!tpu.dma_semaphore, #tpu.memory_space<semaphore_mem>>) src(%dma_wait3A_274 : memref<64xi32, #tpu.memory_space<hbm>>) dst(%dma_wait3A_273 : memref<64xi32, #tpu.memory_space<vmem>>)
    %dma_start3A_275 = arith.constant 1 : i32
    %dma_start3A_276 = arith.constant 0 : i32
    %dma_start3A_277 = tpu.memref_slice %arg6[%dma_start3A_275, %dma_start3A_276] : memref<8x64xi32, #tpu.memory_space<vmem>> -> memref<1x64xi32, #tpu.memory_space<vmem>>
    %dma_start3A_278 = tpu.memref_squeeze %dma_start3A_277 : memref<1x64xi32, #tpu.memory_space<vmem>> -> memref<64xi32, #tpu.memory_space<vmem>>
    %dma_start3A_279 = arith.constant 0 : i32
    %dma_start3A_280 = arith.constant 0 : i32
    %dma_start3A_281 = tpu.memref_slice %arg2[%dma_start3A_279, %dma_start3A_280] : memref<10000x128xf32, #tpu.memory_space<hbm>> -> memref<10000x128xf32, #tpu.memory_space<hbm>>
    tpu.enqueue_indirect_dma source(%dma_start3A_281 : memref<10000x128xf32, #tpu.memory_space<hbm>>) target(%arg9 : memref<64x128xf32, #tpu.memory_space<vmem>>) offsets(%dma_start3A_278 : memref<64xi32, #tpu.memory_space<vmem>>) semaphore(%arg22 : memref<!tpu.dma_semaphore, #tpu.memory_space<semaphore_mem>>)
    %add3A_282 = arith.constant 128 : i32
    %add3A_283 = arith.addi %mul3A_49, %add3A_282 : i32
    %dma_wait3A_284 = arith.constant 2 : i32
    %dma_wait3A_285 = arith.constant 0 : i32
    %dma_wait3A_286 = tpu.memref_slice %arg6[%dma_wait3A_284, %dma_wait3A_285] : memref<8x64xi32, #tpu.memory_space<vmem>> -> memref<1x64xi32, #tpu.memory_space<vmem>>
    %dma_wait3A_287 = tpu.memref_squeeze %dma_wait3A_286 : memref<1x64xi32, #tpu.memory_space<vmem>> -> memref<64xi32, #tpu.memory_space<vmem>>
    %dma_wait3A_288 = tpu.memref_slice %arg3[%add3A_283] : memref<327680xi32, #tpu.memory_space<hbm>> -> memref<64xi32, #tpu.memory_space<hbm>>
    %dma_wait3A_289 = arith.constant 0 : i32
    %dma_wait3A_290 = tpu.memref_slice %arg6[%dma_wait3A_284, %dma_wait3A_289] : memref<8x64xi32, #tpu.memory_space<vmem>> -> memref<1x64xi32, #tpu.memory_space<vmem>>
    %dma_wait3A_291 = tpu.memref_squeeze %dma_wait3A_290 : memref<1x64xi32, #tpu.memory_space<vmem>> -> memref<64xi32, #tpu.memory_space<vmem>>
    %dma_wait3A_292 = tpu.memref_slice %arg3[%add3A_283] : memref<327680xi32, #tpu.memory_space<hbm>> -> memref<64xi32, #tpu.memory_space<hbm>>
    tpu.wait_dma2 semaphore(%arg15 : memref<!tpu.dma_semaphore, #tpu.memory_space<semaphore_mem>>) src(%dma_wait3A_292 : memref<64xi32, #tpu.memory_space<hbm>>) dst(%dma_wait3A_291 : memref<64xi32, #tpu.memory_space<vmem>>)
    %add3A_293 = arith.constant 128 : i32
    %add3A_294 = arith.addi %mul3A_49, %add3A_293 : i32
    %dma_wait3A_295 = arith.constant 2 : i32
    %dma_wait3A_296 = arith.constant 0 : i32
    %dma_wait3A_297 = tpu.memref_slice %arg7[%dma_wait3A_295, %dma_wait3A_296] : memref<8x64xi32, #tpu.memory_space<vmem>> -> memref<1x64xi32, #tpu.memory_space<vmem>>
    %dma_wait3A_298 = tpu.memref_squeeze %dma_wait3A_297 : memref<1x64xi32, #tpu.memory_space<vmem>> -> memref<64xi32, #tpu.memory_space<vmem>>
    %dma_wait3A_299 = tpu.memref_slice %arg4[%add3A_294] : memref<327680xi32, #tpu.memory_space<hbm>> -> memref<64xi32, #tpu.memory_space<hbm>>
    %dma_wait3A_300 = arith.constant 0 : i32
    %dma_wait3A_301 = tpu.memref_slice %arg7[%dma_wait3A_295, %dma_wait3A_300] : memref<8x64xi32, #tpu.memory_space<vmem>> -> memref<1x64xi32, #tpu.memory_space<vmem>>
    %dma_wait3A_302 = tpu.memref_squeeze %dma_wait3A_301 : memref<1x64xi32, #tpu.memory_space<vmem>> -> memref<64xi32, #tpu.memory_space<vmem>>
    %dma_wait3A_303 = tpu.memref_slice %arg4[%add3A_294] : memref<327680xi32, #tpu.memory_space<hbm>> -> memref<64xi32, #tpu.memory_space<hbm>>
    tpu.wait_dma2 semaphore(%arg15 : memref<!tpu.dma_semaphore, #tpu.memory_space<semaphore_mem>>) src(%dma_wait3A_303 : memref<64xi32, #tpu.memory_space<hbm>>) dst(%dma_wait3A_302 : memref<64xi32, #tpu.memory_space<vmem>>)
    %dma_start3A_304 = arith.constant 2 : i32
    %dma_start3A_305 = arith.constant 0 : i32
    %dma_start3A_306 = tpu.memref_slice %arg6[%dma_start3A_304, %dma_start3A_305] : memref<8x64xi32, #tpu.memory_space<vmem>> -> memref<1x64xi32, #tpu.memory_space<vmem>>
    %dma_start3A_307 = tpu.memref_squeeze %dma_start3A_306 : memref<1x64xi32, #tpu.memory_space<vmem>> -> memref<64xi32, #tpu.memory_space<vmem>>
    %dma_start3A_308 = arith.constant 0 : i32
    %dma_start3A_309 = arith.constant 0 : i32
    %dma_start3A_310 = tpu.memref_slice %arg2[%dma_start3A_308, %dma_start3A_309] : memref<10000x128xf32, #tpu.memory_space<hbm>> -> memref<10000x128xf32, #tpu.memory_space<hbm>>
    tpu.enqueue_indirect_dma source(%dma_start3A_310 : memref<10000x128xf32, #tpu.memory_space<hbm>>) target(%arg10 : memref<64x128xf32, #tpu.memory_space<vmem>>) offsets(%dma_start3A_307 : memref<64xi32, #tpu.memory_space<vmem>>) semaphore(%arg23 : memref<!tpu.dma_semaphore, #tpu.memory_space<semaphore_mem>>)
    %add3A_311 = arith.constant 192 : i32
    %add3A_312 = arith.addi %mul3A_49, %add3A_311 : i32
    %dma_wait3A_313 = arith.constant 3 : i32
    %dma_wait3A_314 = arith.constant 0 : i32
    %dma_wait3A_315 = tpu.memref_slice %arg6[%dma_wait3A_313, %dma_wait3A_314] : memref<8x64xi32, #tpu.memory_space<vmem>> -> memref<1x64xi32, #tpu.memory_space<vmem>>
    %dma_wait3A_316 = tpu.memref_squeeze %dma_wait3A_315 : memref<1x64xi32, #tpu.memory_space<vmem>> -> memref<64xi32, #tpu.memory_space<vmem>>
    %dma_wait3A_317 = tpu.memref_slice %arg3[%add3A_312] : memref<327680xi32, #tpu.memory_space<hbm>> -> memref<64xi32, #tpu.memory_space<hbm>>
    %dma_wait3A_318 = arith.constant 0 : i32
    %dma_wait3A_319 = tpu.memref_slice %arg6[%dma_wait3A_313, %dma_wait3A_318] : memref<8x64xi32, #tpu.memory_space<vmem>> -> memref<1x64xi32, #tpu.memory_space<vmem>>
    %dma_wait3A_320 = tpu.memref_squeeze %dma_wait3A_319 : memref<1x64xi32, #tpu.memory_space<vmem>> -> memref<64xi32, #tpu.memory_space<vmem>>
    %dma_wait3A_321 = tpu.memref_slice %arg3[%add3A_312] : memref<327680xi32, #tpu.memory_space<hbm>> -> memref<64xi32, #tpu.memory_space<hbm>>
    tpu.wait_dma2 semaphore(%arg16 : memref<!tpu.dma_semaphore, #tpu.memory_space<semaphore_mem>>) src(%dma_wait3A_321 : memref<64xi32, #tpu.memory_space<hbm>>) dst(%dma_wait3A_320 : memref<64xi32, #tpu.memory_space<vmem>>)
    %add3A_322 = arith.constant 192 : i32
    %add3A_323 = arith.addi %mul3A_49, %add3A_322 : i32
    %dma_wait3A_324 = arith.constant 3 : i32
    %dma_wait3A_325 = arith.constant 0 : i32
    %dma_wait3A_326 = tpu.memref_slice %arg7[%dma_wait3A_324, %dma_wait3A_325] : memref<8x64xi32, #tpu.memory_space<vmem>> -> memref<1x64xi32, #tpu.memory_space<vmem>>
    %dma_wait3A_327 = tpu.memref_squeeze %dma_wait3A_326 : memref<1x64xi32, #tpu.memory_space<vmem>> -> memref<64xi32, #tpu.memory_space<vmem>>
    %dma_wait3A_328 = tpu.memref_slice %arg4[%add3A_323] : memref<327680xi32, #tpu.memory_space<hbm>> -> memref<64xi32, #tpu.memory_space<hbm>>
    %dma_wait3A_329 = arith.constant 0 : i32
    %dma_wait3A_330 = tpu.memref_slice %arg7[%dma_wait3A_324, %dma_wait3A_329] : memref<8x64xi32, #tpu.memory_space<vmem>> -> memref<1x64xi32, #tpu.memory_space<vmem>>
    %dma_wait3A_331 = tpu.memref_squeeze %dma_wait3A_330 : memref<1x64xi32, #tpu.memory_space<vmem>> -> memref<64xi32, #tpu.memory_space<vmem>>
    %dma_wait3A_332 = tpu.memref_slice %arg4[%add3A_323] : memref<327680xi32, #tpu.memory_space<hbm>> -> memref<64xi32, #tpu.memory_space<hbm>>
    tpu.wait_dma2 semaphore(%arg16 : memref<!tpu.dma_semaphore, #tpu.memory_space<semaphore_mem>>) src(%dma_wait3A_332 : memref<64xi32, #tpu.memory_space<hbm>>) dst(%dma_wait3A_331 : memref<64xi32, #tpu.memory_space<vmem>>)
    %dma_start3A_333 = arith.constant 3 : i32
    %dma_start3A_334 = arith.constant 0 : i32
    %dma_start3A_335 = tpu.memref_slice %arg6[%dma_start3A_333, %dma_start3A_334] : memref<8x64xi32, #tpu.memory_space<vmem>> -> memref<1x64xi32, #tpu.memory_space<vmem>>
    %dma_start3A_336 = tpu.memref_squeeze %dma_start3A_335 : memref<1x64xi32, #tpu.memory_space<vmem>> -> memref<64xi32, #tpu.memory_space<vmem>>
    %dma_start3A_337 = arith.constant 0 : i32
    %dma_start3A_338 = arith.constant 0 : i32
    %dma_start3A_339 = tpu.memref_slice %arg2[%dma_start3A_337, %dma_start3A_338] : memref<10000x128xf32, #tpu.memory_space<hbm>> -> memref<10000x128xf32, #tpu.memory_space<hbm>>
    tpu.enqueue_indirect_dma source(%dma_start3A_339 : memref<10000x128xf32, #tpu.memory_space<hbm>>) target(%arg11 : memref<64x128xf32, #tpu.memory_space<vmem>>) offsets(%dma_start3A_336 : memref<64xi32, #tpu.memory_space<vmem>>) semaphore(%arg24 : memref<!tpu.dma_semaphore, #tpu.memory_space<semaphore_mem>>)
    %scan3A_340 = arith.constant 0 : i32
    %scan3A_341 = arith.constant 0 : i32
    %scan3A_342 = arith.constant 20 : i32
    %scan3A_343 = arith.addi %scan3A_341, %scan3A_342 : i32
    %scan3A_344 = arith.constant 1 : i32
    %scan3A_345 = scf.for %scan3A_403 = %scan3A_341 to %scan3A_343 step %scan3A_344 iter_args(%scan3A_404 = %scan3A_340) -> (i32)  : i32 {
      %mul3A_405 = arith.constant 8 : i32
      %mul3A_406 = arith.muli %scan3A_403, %mul3A_405 : i32
      %add3A_407 = arith.constant 0 : i32
      %add3A_408 = arith.addi %mul3A_406, %add3A_407 : i32
      %dma_wait3A_409 = arith.constant 0 : i32
      %dma_wait3A_410 = arith.constant 0 : i32
      %dma_wait3A_411 = tpu.memref_slice %arg6[%dma_wait3A_409, %dma_wait3A_410] : memref<8x64xi32, #tpu.memory_space<vmem>> -> memref<1x64xi32, #tpu.memory_space<vmem>>
      %dma_wait3A_412 = tpu.memref_squeeze %dma_wait3A_411 : memref<1x64xi32, #tpu.memory_space<vmem>> -> memref<64xi32, #tpu.memory_space<vmem>>
      %dma_wait3A_413 = arith.constant 0 : i32
      %dma_wait3A_414 = arith.constant 0 : i32
      %dma_wait3A_415 = tpu.memref_slice %arg2[%dma_wait3A_413, %dma_wait3A_414] : memref<10000x128xf32, #tpu.memory_space<hbm>> -> memref<10000x128xf32, #tpu.memory_space<hbm>>
      tpu.wait_indirect_dma semaphore(%arg21 : memref<!tpu.dma_semaphore, #tpu.memory_space<semaphore_mem>>) src(%dma_wait3A_415 : memref<10000x128xf32, #tpu.memory_space<hbm>>) dst(%arg8 : memref<64x128xf32, #tpu.memory_space<vmem>>)
      %run_scoped3A = arith.constant 0 : i32
      "tpu.region"() ({
        %run_scoped3A_610 = tpu.sem_alloc : memref<!tpu.dma_semaphore, #tpu.memory_space<semaphore_mem>>
        %dma_start3A_611 = arith.constant 0 : i32
        %dma_start3A_612 = tpu.memref_slice %arg7[%run_scoped3A, %dma_start3A_611] : memref<8x64xi32, #tpu.memory_space<vmem>> -> memref<1x64xi32, #tpu.memory_space<vmem>>
        %dma_start3A_613 = tpu.memref_squeeze %dma_start3A_612 : memref<1x64xi32, #tpu.memory_space<vmem>> -> memref<64xi32, #tpu.memory_space<vmem>>
        %dma_start3A_614 = arith.constant 0 : i32
        %dma_start3A_615 = arith.constant 0 : i32
        %dma_start3A_616 = tpu.memref_slice %arg12[%dma_start3A_614, %dma_start3A_615] : memref<10240x128xf32, #tpu.memory_space<vmem_shared>> -> memref<10240x128xf32, #tpu.memory_space<vmem_shared>>
        tpu.enqueue_indirect_dma source(%arg8 : memref<64x128xf32, #tpu.memory_space<vmem>>) target(%dma_start3A_616 : memref<10240x128xf32, #tpu.memory_space<vmem_shared>>) offsets(%dma_start3A_613 : memref<64xi32, #tpu.memory_space<vmem>>) semaphore(%run_scoped3A_610 : memref<!tpu.dma_semaphore, #tpu.memory_space<semaphore_mem>>) {add = true}
        %dma_wait3A_617 = arith.constant 0 : i32
        %dma_wait3A_618 = tpu.memref_slice %arg7[%run_scoped3A, %dma_wait3A_617] : memref<8x64xi32, #tpu.memory_space<vmem>> -> memref<1x64xi32, #tpu.memory_space<vmem>>
        %dma_wait3A_619 = tpu.memref_squeeze %dma_wait3A_618 : memref<1x64xi32, #tpu.memory_space<vmem>> -> memref<64xi32, #tpu.memory_space<vmem>>
        %dma_wait3A_620 = arith.constant 0 : i32
        %dma_wait3A_621 = arith.constant 0 : i32
        %dma_wait3A_622 = tpu.memref_slice %arg12[%dma_wait3A_620, %dma_wait3A_621] : memref<10240x128xf32, #tpu.memory_space<vmem_shared>> -> memref<10240x128xf32, #tpu.memory_space<vmem_shared>>
        tpu.wait_indirect_dma semaphore(%run_scoped3A_610 : memref<!tpu.dma_semaphore, #tpu.memory_space<semaphore_mem>>) src(%arg8 : memref<64x128xf32, #tpu.memory_space<vmem>>) dst(%dma_wait3A_622 : memref<10240x128xf32, #tpu.memory_space<vmem_shared>>)
        tpu.yield
      }) : () -> ()
      %add3A_416 = arith.constant 8 : i32
      %add3A_417 = arith.addi %add3A_408, %add3A_416 : i32
      %lt3A = arith.constant 160 : i32
      %lt3A_418 = arith.cmpi slt, %add3A_417, %lt3A : i32
      %convert_element_type3A = arith.extui %lt3A_418 : i1 to i32
      %cond3A = arith.constant 0 : i32
      %cond3A_419 = arith.cmpi ne, %convert_element_type3A, %cond3A : i32
      scf.if %cond3A_419 {
        %mul3A_610 = arith.constant 64 : i32
        %mul3A_611 = arith.muli %add3A_417, %mul3A_610 : i32
        %add3A_612 = arith.addi %mul3A_49, %mul3A_611 : i32
        %dma_start3A_613 = arith.constant 0 : i32
        %dma_start3A_614 = arith.constant 0 : i32
        %dma_start3A_615 = tpu.memref_slice %arg6[%dma_start3A_613, %dma_start3A_614] : memref<8x64xi32, #tpu.memory_space<vmem>> -> memref<1x64xi32, #tpu.memory_space<vmem>>
        %dma_start3A_616 = tpu.memref_squeeze %dma_start3A_615 : memref<1x64xi32, #tpu.memory_space<vmem>> -> memref<64xi32, #tpu.memory_space<vmem>>
        %dma_start3A_617 = tpu.memref_slice %arg3[%add3A_612] : memref<327680xi32, #tpu.memory_space<hbm>> -> memref<64xi32, #tpu.memory_space<hbm>>
        %dma_start3A_618 = arith.constant 0 : i32
        %dma_start3A_619 = tpu.memref_slice %arg6[%dma_start3A_613, %dma_start3A_618] : memref<8x64xi32, #tpu.memory_space<vmem>> -> memref<1x64xi32, #tpu.memory_space<vmem>>
        %dma_start3A_620 = tpu.memref_squeeze %dma_start3A_619 : memref<1x64xi32, #tpu.memory_space<vmem>> -> memref<64xi32, #tpu.memory_space<vmem>>
        %dma_start3A_621 = tpu.memref_slice %arg3[%add3A_612] : memref<327680xi32, #tpu.memory_space<hbm>> -> memref<64xi32, #tpu.memory_space<hbm>>
        tpu.enqueue_dma source(%dma_start3A_621 : memref<64xi32, #tpu.memory_space<hbm>>) target(%dma_start3A_620 : memref<64xi32, #tpu.memory_space<vmem>>) target_semaphore(%arg13 : memref<!tpu.dma_semaphore, #tpu.memory_space<semaphore_mem>>)
        %mul3A_622 = arith.constant 64 : i32
        %mul3A_623 = arith.muli %add3A_417, %mul3A_622 : i32
        %add3A_624 = arith.addi %mul3A_49, %mul3A_623 : i32
        %dma_start3A_625 = arith.constant 0 : i32
        %dma_start3A_626 = arith.constant 0 : i32
        %dma_start3A_627 = tpu.memref_slice %arg7[%dma_start3A_625, %dma_start3A_626] : memref<8x64xi32, #tpu.memory_space<vmem>> -> memref<1x64xi32, #tpu.memory_space<vmem>>
        %dma_start3A_628 = tpu.memref_squeeze %dma_start3A_627 : memref<1x64xi32, #tpu.memory_space<vmem>> -> memref<64xi32, #tpu.memory_space<vmem>>
        %dma_start3A_629 = tpu.memref_slice %arg4[%add3A_624] : memref<327680xi32, #tpu.memory_space<hbm>> -> memref<64xi32, #tpu.memory_space<hbm>>
        %dma_start3A_630 = arith.constant 0 : i32
        %dma_start3A_631 = tpu.memref_slice %arg7[%dma_start3A_625, %dma_start3A_630] : memref<8x64xi32, #tpu.memory_space<vmem>> -> memref<1x64xi32, #tpu.memory_space<vmem>>
        %dma_start3A_632 = tpu.memref_squeeze %dma_start3A_631 : memref<1x64xi32, #tpu.memory_space<vmem>> -> memref<64xi32, #tpu.memory_space<vmem>>
        %dma_start3A_633 = tpu.memref_slice %arg4[%add3A_624] : memref<327680xi32, #tpu.memory_space<hbm>> -> memref<64xi32, #tpu.memory_space<hbm>>
        tpu.enqueue_dma source(%dma_start3A_633 : memref<64xi32, #tpu.memory_space<hbm>>) target(%dma_start3A_632 : memref<64xi32, #tpu.memory_space<vmem>>) target_semaphore(%arg13 : memref<!tpu.dma_semaphore, #tpu.memory_space<semaphore_mem>>)
      } else {
      }
      %add3A_420 = arith.constant 4 : i32
      %add3A_421 = arith.addi %add3A_408, %add3A_420 : i32
      %lt3A_422 = arith.constant 160 : i32
      %lt3A_423 = arith.cmpi slt, %add3A_421, %lt3A_422 : i32
      %convert_element_type3A_424 = arith.extui %lt3A_423 : i1 to i32
      %cond3A_425 = arith.constant 0 : i32
      %cond3A_426 = arith.cmpi ne, %convert_element_type3A_424, %cond3A_425 : i32
      scf.if %cond3A_426 {
        %mul3A_610 = arith.constant 64 : i32
        %mul3A_611 = arith.muli %add3A_421, %mul3A_610 : i32
        %add3A_612 = arith.addi %mul3A_49, %mul3A_611 : i32
        %dma_wait3A_613 = arith.constant 4 : i32
        %dma_wait3A_614 = arith.constant 0 : i32
        %dma_wait3A_615 = tpu.memref_slice %arg6[%dma_wait3A_613, %dma_wait3A_614] : memref<8x64xi32, #tpu.memory_space<vmem>> -> memref<1x64xi32, #tpu.memory_space<vmem>>
        %dma_wait3A_616 = tpu.memref_squeeze %dma_wait3A_615 : memref<1x64xi32, #tpu.memory_space<vmem>> -> memref<64xi32, #tpu.memory_space<vmem>>
        %dma_wait3A_617 = tpu.memref_slice %arg3[%add3A_612] : memref<327680xi32, #tpu.memory_space<hbm>> -> memref<64xi32, #tpu.memory_space<hbm>>
        %dma_wait3A_618 = arith.constant 0 : i32
        %dma_wait3A_619 = tpu.memref_slice %arg6[%dma_wait3A_613, %dma_wait3A_618] : memref<8x64xi32, #tpu.memory_space<vmem>> -> memref<1x64xi32, #tpu.memory_space<vmem>>
        %dma_wait3A_620 = tpu.memref_squeeze %dma_wait3A_619 : memref<1x64xi32, #tpu.memory_space<vmem>> -> memref<64xi32, #tpu.memory_space<vmem>>
        %dma_wait3A_621 = tpu.memref_slice %arg3[%add3A_612] : memref<327680xi32, #tpu.memory_space<hbm>> -> memref<64xi32, #tpu.memory_space<hbm>>
        tpu.wait_dma2 semaphore(%arg17 : memref<!tpu.dma_semaphore, #tpu.memory_space<semaphore_mem>>) src(%dma_wait3A_621 : memref<64xi32, #tpu.memory_space<hbm>>) dst(%dma_wait3A_620 : memref<64xi32, #tpu.memory_space<vmem>>)
        %mul3A_622 = arith.constant 64 : i32
        %mul3A_623 = arith.muli %add3A_421, %mul3A_622 : i32
        %add3A_624 = arith.addi %mul3A_49, %mul3A_623 : i32
        %dma_wait3A_625 = arith.constant 4 : i32
        %dma_wait3A_626 = arith.constant 0 : i32
        %dma_wait3A_627 = tpu.memref_slice %arg7[%dma_wait3A_625, %dma_wait3A_626] : memref<8x64xi32, #tpu.memory_space<vmem>> -> memref<1x64xi32, #tpu.memory_space<vmem>>
        %dma_wait3A_628 = tpu.memref_squeeze %dma_wait3A_627 : memref<1x64xi32, #tpu.memory_space<vmem>> -> memref<64xi32, #tpu.memory_space<vmem>>
        %dma_wait3A_629 = tpu.memref_slice %arg4[%add3A_624] : memref<327680xi32, #tpu.memory_space<hbm>> -> memref<64xi32, #tpu.memory_space<hbm>>
        %dma_wait3A_630 = arith.constant 0 : i32
        %dma_wait3A_631 = tpu.memref_slice %arg7[%dma_wait3A_625, %dma_wait3A_630] : memref<8x64xi32, #tpu.memory_space<vmem>> -> memref<1x64xi32, #tpu.memory_space<vmem>>
        %dma_wait3A_632 = tpu.memref_squeeze %dma_wait3A_631 : memref<1x64xi32, #tpu.memory_space<vmem>> -> memref<64xi32, #tpu.memory_space<vmem>>
        %dma_wait3A_633 = tpu.memref_slice %arg4[%add3A_624] : memref<327680xi32, #tpu.memory_space<hbm>> -> memref<64xi32, #tpu.memory_space<hbm>>
        tpu.wait_dma2 semaphore(%arg17 : memref<!tpu.dma_semaphore, #tpu.memory_space<semaphore_mem>>) src(%dma_wait3A_633 : memref<64xi32, #tpu.memory_space<hbm>>) dst(%dma_wait3A_632 : memref<64xi32, #tpu.memory_space<vmem>>)
        %dma_start3A_634 = arith.constant 4 : i32
        %dma_start3A_635 = arith.constant 0 : i32
        %dma_start3A_636 = tpu.memref_slice %arg6[%dma_start3A_634, %dma_start3A_635] : memref<8x64xi32, #tpu.memory_space<vmem>> -> memref<1x64xi32, #tpu.memory_space<vmem>>
        %dma_start3A_637 = tpu.memref_squeeze %dma_start3A_636 : memref<1x64xi32, #tpu.memory_space<vmem>> -> memref<64xi32, #tpu.memory_space<vmem>>
        %dma_start3A_638 = arith.constant 0 : i32
        %dma_start3A_639 = arith.constant 0 : i32
        %dma_start3A_640 = tpu.memref_slice %arg2[%dma_start3A_638, %dma_start3A_639] : memref<10000x128xf32, #tpu.memory_space<hbm>> -> memref<10000x128xf32, #tpu.memory_space<hbm>>
        tpu.enqueue_indirect_dma source(%dma_start3A_640 : memref<10000x128xf32, #tpu.memory_space<hbm>>) target(%arg8 : memref<64x128xf32, #tpu.memory_space<vmem>>) offsets(%dma_start3A_637 : memref<64xi32, #tpu.memory_space<vmem>>) semaphore(%arg21 : memref<!tpu.dma_semaphore, #tpu.memory_space<semaphore_mem>>)
      } else {
      }
      %mul3A_427 = arith.constant 8 : i32
      %mul3A_428 = arith.muli %scan3A_403, %mul3A_427 : i32
      %add3A_429 = arith.constant 1 : i32
      %add3A_430 = arith.addi %mul3A_428, %add3A_429 : i32
      %dma_wait3A_431 = arith.constant 1 : i32
      %dma_wait3A_432 = arith.constant 0 : i32
      %dma_wait3A_433 = tpu.memref_slice %arg6[%dma_wait3A_431, %dma_wait3A_432] : memref<8x64xi32, #tpu.memory_space<vmem>> -> memref<1x64xi32, #tpu.memory_space<vmem>>
      %dma_wait3A_434 = tpu.memref_squeeze %dma_wait3A_433 : memref<1x64xi32, #tpu.memory_space<vmem>> -> memref<64xi32, #tpu.memory_space<vmem>>
      %dma_wait3A_435 = arith.constant 0 : i32
      %dma_wait3A_436 = arith.constant 0 : i32
      %dma_wait3A_437 = tpu.memref_slice %arg2[%dma_wait3A_435, %dma_wait3A_436] : memref<10000x128xf32, #tpu.memory_space<hbm>> -> memref<10000x128xf32, #tpu.memory_space<hbm>>
      tpu.wait_indirect_dma semaphore(%arg22 : memref<!tpu.dma_semaphore, #tpu.memory_space<semaphore_mem>>) src(%dma_wait3A_437 : memref<10000x128xf32, #tpu.memory_space<hbm>>) dst(%arg9 : memref<64x128xf32, #tpu.memory_space<vmem>>)
      %run_scoped3A_438 = arith.constant 1 : i32
      "tpu.region"() ({
        %run_scoped3A_610 = tpu.sem_alloc : memref<!tpu.dma_semaphore, #tpu.memory_space<semaphore_mem>>
        %dma_start3A_611 = arith.constant 0 : i32
        %dma_start3A_612 = tpu.memref_slice %arg7[%run_scoped3A_438, %dma_start3A_611] : memref<8x64xi32, #tpu.memory_space<vmem>> -> memref<1x64xi32, #tpu.memory_space<vmem>>
        %dma_start3A_613 = tpu.memref_squeeze %dma_start3A_612 : memref<1x64xi32, #tpu.memory_space<vmem>> -> memref<64xi32, #tpu.memory_space<vmem>>
        %dma_start3A_614 = arith.constant 0 : i32
        %dma_start3A_615 = arith.constant 0 : i32
        %dma_start3A_616 = tpu.memref_slice %arg12[%dma_start3A_614, %dma_start3A_615] : memref<10240x128xf32, #tpu.memory_space<vmem_shared>> -> memref<10240x128xf32, #tpu.memory_space<vmem_shared>>
        tpu.enqueue_indirect_dma source(%arg9 : memref<64x128xf32, #tpu.memory_space<vmem>>) target(%dma_start3A_616 : memref<10240x128xf32, #tpu.memory_space<vmem_shared>>) offsets(%dma_start3A_613 : memref<64xi32, #tpu.memory_space<vmem>>) semaphore(%run_scoped3A_610 : memref<!tpu.dma_semaphore, #tpu.memory_space<semaphore_mem>>) {add = true}
        %dma_wait3A_617 = arith.constant 0 : i32
        %dma_wait3A_618 = tpu.memref_slice %arg7[%run_scoped3A_438, %dma_wait3A_617] : memref<8x64xi32, #tpu.memory_space<vmem>> -> memref<1x64xi32, #tpu.memory_space<vmem>>
        %dma_wait3A_619 = tpu.memref_squeeze %dma_wait3A_618 : memref<1x64xi32, #tpu.memory_space<vmem>> -> memref<64xi32, #tpu.memory_space<vmem>>
        %dma_wait3A_620 = arith.constant 0 : i32
        %dma_wait3A_621 = arith.constant 0 : i32
        %dma_wait3A_622 = tpu.memref_slice %arg12[%dma_wait3A_620, %dma_wait3A_621] : memref<10240x128xf32, #tpu.memory_space<vmem_shared>> -> memref<10240x128xf32, #tpu.memory_space<vmem_shared>>
        tpu.wait_indirect_dma semaphore(%run_scoped3A_610 : memref<!tpu.dma_semaphore, #tpu.memory_space<semaphore_mem>>) src(%arg9 : memref<64x128xf32, #tpu.memory_space<vmem>>) dst(%dma_wait3A_622 : memref<10240x128xf32, #tpu.memory_space<vmem_shared>>)
        tpu.yield
      }) : () -> ()
      %add3A_439 = arith.constant 8 : i32
      %add3A_440 = arith.addi %add3A_430, %add3A_439 : i32
      %lt3A_441 = arith.constant 160 : i32
      %lt3A_442 = arith.cmpi slt, %add3A_440, %lt3A_441 : i32
      %convert_element_type3A_443 = arith.extui %lt3A_442 : i1 to i32
      %cond3A_444 = arith.constant 0 : i32
      %cond3A_445 = arith.cmpi ne, %convert_element_type3A_443, %cond3A_444 : i32
      scf.if %cond3A_445 {
        %mul3A_610 = arith.constant 64 : i32
        %mul3A_611 = arith.muli %add3A_440, %mul3A_610 : i32
        %add3A_612 = arith.addi %mul3A_49, %mul3A_611 : i32
        %dma_start3A_613 = arith.constant 1 : i32
        %dma_start3A_614 = arith.constant 0 : i32
        %dma_start3A_615 = tpu.memref_slice %arg6[%dma_start3A_613, %dma_start3A_614] : memref<8x64xi32, #tpu.memory_space<vmem>> -> memref<1x64xi32, #tpu.memory_space<vmem>>
        %dma_start3A_616 = tpu.memref_squeeze %dma_start3A_615 : memref<1x64xi32, #tpu.memory_space<vmem>> -> memref<64xi32, #tpu.memory_space<vmem>>
        %dma_start3A_617 = tpu.memref_slice %arg3[%add3A_612] : memref<327680xi32, #tpu.memory_space<hbm>> -> memref<64xi32, #tpu.memory_space<hbm>>
        %dma_start3A_618 = arith.constant 0 : i32
        %dma_start3A_619 = tpu.memref_slice %arg6[%dma_start3A_613, %dma_start3A_618] : memref<8x64xi32, #tpu.memory_space<vmem>> -> memref<1x64xi32, #tpu.memory_space<vmem>>
        %dma_start3A_620 = tpu.memref_squeeze %dma_start3A_619 : memref<1x64xi32, #tpu.memory_space<vmem>> -> memref<64xi32, #tpu.memory_space<vmem>>
        %dma_start3A_621 = tpu.memref_slice %arg3[%add3A_612] : memref<327680xi32, #tpu.memory_space<hbm>> -> memref<64xi32, #tpu.memory_space<hbm>>
        tpu.enqueue_dma source(%dma_start3A_621 : memref<64xi32, #tpu.memory_space<hbm>>) target(%dma_start3A_620 : memref<64xi32, #tpu.memory_space<vmem>>) target_semaphore(%arg14 : memref<!tpu.dma_semaphore, #tpu.memory_space<semaphore_mem>>)
        %mul3A_622 = arith.constant 64 : i32
        %mul3A_623 = arith.muli %add3A_440, %mul3A_622 : i32
        %add3A_624 = arith.addi %mul3A_49, %mul3A_623 : i32
        %dma_start3A_625 = arith.constant 1 : i32
        %dma_start3A_626 = arith.constant 0 : i32
        %dma_start3A_627 = tpu.memref_slice %arg7[%dma_start3A_625, %dma_start3A_626] : memref<8x64xi32, #tpu.memory_space<vmem>> -> memref<1x64xi32, #tpu.memory_space<vmem>>
        %dma_start3A_628 = tpu.memref_squeeze %dma_start3A_627 : memref<1x64xi32, #tpu.memory_space<vmem>> -> memref<64xi32, #tpu.memory_space<vmem>>
        %dma_start3A_629 = tpu.memref_slice %arg4[%add3A_624] : memref<327680xi32, #tpu.memory_space<hbm>> -> memref<64xi32, #tpu.memory_space<hbm>>
        %dma_start3A_630 = arith.constant 0 : i32
        %dma_start3A_631 = tpu.memref_slice %arg7[%dma_start3A_625, %dma_start3A_630] : memref<8x64xi32, #tpu.memory_space<vmem>> -> memref<1x64xi32, #tpu.memory_space<vmem>>
        %dma_start3A_632 = tpu.memref_squeeze %dma_start3A_631 : memref<1x64xi32, #tpu.memory_space<vmem>> -> memref<64xi32, #tpu.memory_space<vmem>>
        %dma_start3A_633 = tpu.memref_slice %arg4[%add3A_624] : memref<327680xi32, #tpu.memory_space<hbm>> -> memref<64xi32, #tpu.memory_space<hbm>>
        tpu.enqueue_dma source(%dma_start3A_633 : memref<64xi32, #tpu.memory_space<hbm>>) target(%dma_start3A_632 : memref<64xi32, #tpu.memory_space<vmem>>) target_semaphore(%arg14 : memref<!tpu.dma_semaphore, #tpu.memory_space<semaphore_mem>>)
      } else {
      }
      %add3A_446 = arith.constant 4 : i32
      %add3A_447 = arith.addi %add3A_430, %add3A_446 : i32
      %lt3A_448 = arith.constant 160 : i32
      %lt3A_449 = arith.cmpi slt, %add3A_447, %lt3A_448 : i32
      %convert_element_type3A_450 = arith.extui %lt3A_449 : i1 to i32
      %cond3A_451 = arith.constant 0 : i32
      %cond3A_452 = arith.cmpi ne, %convert_element_type3A_450, %cond3A_451 : i32
      scf.if %cond3A_452 {
        %mul3A_610 = arith.constant 64 : i32
        %mul3A_611 = arith.muli %add3A_447, %mul3A_610 : i32
        %add3A_612 = arith.addi %mul3A_49, %mul3A_611 : i32
        %dma_wait3A_613 = arith.constant 5 : i32
        %dma_wait3A_614 = arith.constant 0 : i32
        %dma_wait3A_615 = tpu.memref_slice %arg6[%dma_wait3A_613, %dma_wait3A_614] : memref<8x64xi32, #tpu.memory_space<vmem>> -> memref<1x64xi32, #tpu.memory_space<vmem>>
        %dma_wait3A_616 = tpu.memref_squeeze %dma_wait3A_615 : memref<1x64xi32, #tpu.memory_space<vmem>> -> memref<64xi32, #tpu.memory_space<vmem>>
        %dma_wait3A_617 = tpu.memref_slice %arg3[%add3A_612] : memref<327680xi32, #tpu.memory_space<hbm>> -> memref<64xi32, #tpu.memory_space<hbm>>
        %dma_wait3A_618 = arith.constant 0 : i32
        %dma_wait3A_619 = tpu.memref_slice %arg6[%dma_wait3A_613, %dma_wait3A_618] : memref<8x64xi32, #tpu.memory_space<vmem>> -> memref<1x64xi32, #tpu.memory_space<vmem>>
        %dma_wait3A_620 = tpu.memref_squeeze %dma_wait3A_619 : memref<1x64xi32, #tpu.memory_space<vmem>> -> memref<64xi32, #tpu.memory_space<vmem>>
        %dma_wait3A_621 = tpu.memref_slice %arg3[%add3A_612] : memref<327680xi32, #tpu.memory_space<hbm>> -> memref<64xi32, #tpu.memory_space<hbm>>
        tpu.wait_dma2 semaphore(%arg18 : memref<!tpu.dma_semaphore, #tpu.memory_space<semaphore_mem>>) src(%dma_wait3A_621 : memref<64xi32, #tpu.memory_space<hbm>>) dst(%dma_wait3A_620 : memref<64xi32, #tpu.memory_space<vmem>>)
        %mul3A_622 = arith.constant 64 : i32
        %mul3A_623 = arith.muli %add3A_447, %mul3A_622 : i32
        %add3A_624 = arith.addi %mul3A_49, %mul3A_623 : i32
        %dma_wait3A_625 = arith.constant 5 : i32
        %dma_wait3A_626 = arith.constant 0 : i32
        %dma_wait3A_627 = tpu.memref_slice %arg7[%dma_wait3A_625, %dma_wait3A_626] : memref<8x64xi32, #tpu.memory_space<vmem>> -> memref<1x64xi32, #tpu.memory_space<vmem>>
        %dma_wait3A_628 = tpu.memref_squeeze %dma_wait3A_627 : memref<1x64xi32, #tpu.memory_space<vmem>> -> memref<64xi32, #tpu.memory_space<vmem>>
        %dma_wait3A_629 = tpu.memref_slice %arg4[%add3A_624] : memref<327680xi32, #tpu.memory_space<hbm>> -> memref<64xi32, #tpu.memory_space<hbm>>
        %dma_wait3A_630 = arith.constant 0 : i32
        %dma_wait3A_631 = tpu.memref_slice %arg7[%dma_wait3A_625, %dma_wait3A_630] : memref<8x64xi32, #tpu.memory_space<vmem>> -> memref<1x64xi32, #tpu.memory_space<vmem>>
        %dma_wait3A_632 = tpu.memref_squeeze %dma_wait3A_631 : memref<1x64xi32, #tpu.memory_space<vmem>> -> memref<64xi32, #tpu.memory_space<vmem>>
        %dma_wait3A_633 = tpu.memref_slice %arg4[%add3A_624] : memref<327680xi32, #tpu.memory_space<hbm>> -> memref<64xi32, #tpu.memory_space<hbm>>
        tpu.wait_dma2 semaphore(%arg18 : memref<!tpu.dma_semaphore, #tpu.memory_space<semaphore_mem>>) src(%dma_wait3A_633 : memref<64xi32, #tpu.memory_space<hbm>>) dst(%dma_wait3A_632 : memref<64xi32, #tpu.memory_space<vmem>>)
        %dma_start3A_634 = arith.constant 5 : i32
        %dma_start3A_635 = arith.constant 0 : i32
        %dma_start3A_636 = tpu.memref_slice %arg6[%dma_start3A_634, %dma_start3A_635] : memref<8x64xi32, #tpu.memory_space<vmem>> -> memref<1x64xi32, #tpu.memory_space<vmem>>
        %dma_start3A_637 = tpu.memref_squeeze %dma_start3A_636 : memref<1x64xi32, #tpu.memory_space<vmem>> -> memref<64xi32, #tpu.memory_space<vmem>>
        %dma_start3A_638 = arith.constant 0 : i32
        %dma_start3A_639 = arith.constant 0 : i32
        %dma_start3A_640 = tpu.memref_slice %arg2[%dma_start3A_638, %dma_start3A_639] : memref<10000x128xf32, #tpu.memory_space<hbm>> -> memref<10000x128xf32, #tpu.memory_space<hbm>>
        tpu.enqueue_indirect_dma source(%dma_start3A_640 : memref<10000x128xf32, #tpu.memory_space<hbm>>) target(%arg9 : memref<64x128xf32, #tpu.memory_space<vmem>>) offsets(%dma_start3A_637 : memref<64xi32, #tpu.memory_space<vmem>>) semaphore(%arg22 : memref<!tpu.dma_semaphore, #tpu.memory_space<semaphore_mem>>)
      } else {
      }
      %mul3A_453 = arith.constant 8 : i32
      %mul3A_454 = arith.muli %scan3A_403, %mul3A_453 : i32
      %add3A_455 = arith.constant 2 : i32
      %add3A_456 = arith.addi %mul3A_454, %add3A_455 : i32
      %dma_wait3A_457 = arith.constant 2 : i32
      %dma_wait3A_458 = arith.constant 0 : i32
      %dma_wait3A_459 = tpu.memref_slice %arg6[%dma_wait3A_457, %dma_wait3A_458] : memref<8x64xi32, #tpu.memory_space<vmem>> -> memref<1x64xi32, #tpu.memory_space<vmem>>
      %dma_wait3A_460 = tpu.memref_squeeze %dma_wait3A_459 : memref<1x64xi32, #tpu.memory_space<vmem>> -> memref<64xi32, #tpu.memory_space<vmem>>
      %dma_wait3A_461 = arith.constant 0 : i32
      %dma_wait3A_462 = arith.constant 0 : i32
      %dma_wait3A_463 = tpu.memref_slice %arg2[%dma_wait3A_461, %dma_wait3A_462] : memref<10000x128xf32, #tpu.memory_space<hbm>> -> memref<10000x128xf32, #tpu.memory_space<hbm>>
      tpu.wait_indirect_dma semaphore(%arg23 : memref<!tpu.dma_semaphore, #tpu.memory_space<semaphore_mem>>) src(%dma_wait3A_463 : memref<10000x128xf32, #tpu.memory_space<hbm>>) dst(%arg10 : memref<64x128xf32, #tpu.memory_space<vmem>>)
      %run_scoped3A_464 = arith.constant 2 : i32
      "tpu.region"() ({
        %run_scoped3A_610 = tpu.sem_alloc : memref<!tpu.dma_semaphore, #tpu.memory_space<semaphore_mem>>
        %dma_start3A_611 = arith.constant 0 : i32
        %dma_start3A_612 = tpu.memref_slice %arg7[%run_scoped3A_464, %dma_start3A_611] : memref<8x64xi32, #tpu.memory_space<vmem>> -> memref<1x64xi32, #tpu.memory_space<vmem>>
        %dma_start3A_613 = tpu.memref_squeeze %dma_start3A_612 : memref<1x64xi32, #tpu.memory_space<vmem>> -> memref<64xi32, #tpu.memory_space<vmem>>
        %dma_start3A_614 = arith.constant 0 : i32
        %dma_start3A_615 = arith.constant 0 : i32
        %dma_start3A_616 = tpu.memref_slice %arg12[%dma_start3A_614, %dma_start3A_615] : memref<10240x128xf32, #tpu.memory_space<vmem_shared>> -> memref<10240x128xf32, #tpu.memory_space<vmem_shared>>
        tpu.enqueue_indirect_dma source(%arg10 : memref<64x128xf32, #tpu.memory_space<vmem>>) target(%dma_start3A_616 : memref<10240x128xf32, #tpu.memory_space<vmem_shared>>) offsets(%dma_start3A_613 : memref<64xi32, #tpu.memory_space<vmem>>) semaphore(%run_scoped3A_610 : memref<!tpu.dma_semaphore, #tpu.memory_space<semaphore_mem>>) {add = true}
        %dma_wait3A_617 = arith.constant 0 : i32
        %dma_wait3A_618 = tpu.memref_slice %arg7[%run_scoped3A_464, %dma_wait3A_617] : memref<8x64xi32, #tpu.memory_space<vmem>> -> memref<1x64xi32, #tpu.memory_space<vmem>>
        %dma_wait3A_619 = tpu.memref_squeeze %dma_wait3A_618 : memref<1x64xi32, #tpu.memory_space<vmem>> -> memref<64xi32, #tpu.memory_space<vmem>>
        %dma_wait3A_620 = arith.constant 0 : i32
        %dma_wait3A_621 = arith.constant 0 : i32
        %dma_wait3A_622 = tpu.memref_slice %arg12[%dma_wait3A_620, %dma_wait3A_621] : memref<10240x128xf32, #tpu.memory_space<vmem_shared>> -> memref<10240x128xf32, #tpu.memory_space<vmem_shared>>
        tpu.wait_indirect_dma semaphore(%run_scoped3A_610 : memref<!tpu.dma_semaphore, #tpu.memory_space<semaphore_mem>>) src(%arg10 : memref<64x128xf32, #tpu.memory_space<vmem>>) dst(%dma_wait3A_622 : memref<10240x128xf32, #tpu.memory_space<vmem_shared>>)
        tpu.yield
      }) : () -> ()
      %add3A_465 = arith.constant 8 : i32
      %add3A_466 = arith.addi %add3A_456, %add3A_465 : i32
      %lt3A_467 = arith.constant 160 : i32
      %lt3A_468 = arith.cmpi slt, %add3A_466, %lt3A_467 : i32
      %convert_element_type3A_469 = arith.extui %lt3A_468 : i1 to i32
      %cond3A_470 = arith.constant 0 : i32
      %cond3A_471 = arith.cmpi ne, %convert_element_type3A_469, %cond3A_470 : i32
      scf.if %cond3A_471 {
        %mul3A_610 = arith.constant 64 : i32
        %mul3A_611 = arith.muli %add3A_466, %mul3A_610 : i32
        %add3A_612 = arith.addi %mul3A_49, %mul3A_611 : i32
        %dma_start3A_613 = arith.constant 2 : i32
        %dma_start3A_614 = arith.constant 0 : i32
        %dma_start3A_615 = tpu.memref_slice %arg6[%dma_start3A_613, %dma_start3A_614] : memref<8x64xi32, #tpu.memory_space<vmem>> -> memref<1x64xi32, #tpu.memory_space<vmem>>
        %dma_start3A_616 = tpu.memref_squeeze %dma_start3A_615 : memref<1x64xi32, #tpu.memory_space<vmem>> -> memref<64xi32, #tpu.memory_space<vmem>>
        %dma_start3A_617 = tpu.memref_slice %arg3[%add3A_612] : memref<327680xi32, #tpu.memory_space<hbm>> -> memref<64xi32, #tpu.memory_space<hbm>>
        %dma_start3A_618 = arith.constant 0 : i32
        %dma_start3A_619 = tpu.memref_slice %arg6[%dma_start3A_613, %dma_start3A_618] : memref<8x64xi32, #tpu.memory_space<vmem>> -> memref<1x64xi32, #tpu.memory_space<vmem>>
        %dma_start3A_620 = tpu.memref_squeeze %dma_start3A_619 : memref<1x64xi32, #tpu.memory_space<vmem>> -> memref<64xi32, #tpu.memory_space<vmem>>
        %dma_start3A_621 = tpu.memref_slice %arg3[%add3A_612] : memref<327680xi32, #tpu.memory_space<hbm>> -> memref<64xi32, #tpu.memory_space<hbm>>
        tpu.enqueue_dma source(%dma_start3A_621 : memref<64xi32, #tpu.memory_space<hbm>>) target(%dma_start3A_620 : memref<64xi32, #tpu.memory_space<vmem>>) target_semaphore(%arg15 : memref<!tpu.dma_semaphore, #tpu.memory_space<semaphore_mem>>)
        %mul3A_622 = arith.constant 64 : i32
        %mul3A_623 = arith.muli %add3A_466, %mul3A_622 : i32
        %add3A_624 = arith.addi %mul3A_49, %mul3A_623 : i32
        %dma_start3A_625 = arith.constant 2 : i32
        %dma_start3A_626 = arith.constant 0 : i32
        %dma_start3A_627 = tpu.memref_slice %arg7[%dma_start3A_625, %dma_start3A_626] : memref<8x64xi32, #tpu.memory_space<vmem>> -> memref<1x64xi32, #tpu.memory_space<vmem>>
        %dma_start3A_628 = tpu.memref_squeeze %dma_start3A_627 : memref<1x64xi32, #tpu.memory_space<vmem>> -> memref<64xi32, #tpu.memory_space<vmem>>
        %dma_start3A_629 = tpu.memref_slice %arg4[%add3A_624] : memref<327680xi32, #tpu.memory_space<hbm>> -> memref<64xi32, #tpu.memory_space<hbm>>
        %dma_start3A_630 = arith.constant 0 : i32
        %dma_start3A_631 = tpu.memref_slice %arg7[%dma_start3A_625, %dma_start3A_630] : memref<8x64xi32, #tpu.memory_space<vmem>> -> memref<1x64xi32, #tpu.memory_space<vmem>>
        %dma_start3A_632 = tpu.memref_squeeze %dma_start3A_631 : memref<1x64xi32, #tpu.memory_space<vmem>> -> memref<64xi32, #tpu.memory_space<vmem>>
        %dma_start3A_633 = tpu.memref_slice %arg4[%add3A_624] : memref<327680xi32, #tpu.memory_space<hbm>> -> memref<64xi32, #tpu.memory_space<hbm>>
        tpu.enqueue_dma source(%dma_start3A_633 : memref<64xi32, #tpu.memory_space<hbm>>) target(%dma_start3A_632 : memref<64xi32, #tpu.memory_space<vmem>>) target_semaphore(%arg15 : memref<!tpu.dma_semaphore, #tpu.memory_space<semaphore_mem>>)
      } else {
      }
      %add3A_472 = arith.constant 4 : i32
      %add3A_473 = arith.addi %add3A_456, %add3A_472 : i32
      %lt3A_474 = arith.constant 160 : i32
      %lt3A_475 = arith.cmpi slt, %add3A_473, %lt3A_474 : i32
      %convert_element_type3A_476 = arith.extui %lt3A_475 : i1 to i32
      %cond3A_477 = arith.constant 0 : i32
      %cond3A_478 = arith.cmpi ne, %convert_element_type3A_476, %cond3A_477 : i32
      scf.if %cond3A_478 {
        %mul3A_610 = arith.constant 64 : i32
        %mul3A_611 = arith.muli %add3A_473, %mul3A_610 : i32
        %add3A_612 = arith.addi %mul3A_49, %mul3A_611 : i32
        %dma_wait3A_613 = arith.constant 6 : i32
        %dma_wait3A_614 = arith.constant 0 : i32
        %dma_wait3A_615 = tpu.memref_slice %arg6[%dma_wait3A_613, %dma_wait3A_614] : memref<8x64xi32, #tpu.memory_space<vmem>> -> memref<1x64xi32, #tpu.memory_space<vmem>>
        %dma_wait3A_616 = tpu.memref_squeeze %dma_wait3A_615 : memref<1x64xi32, #tpu.memory_space<vmem>> -> memref<64xi32, #tpu.memory_space<vmem>>
        %dma_wait3A_617 = tpu.memref_slice %arg3[%add3A_612] : memref<327680xi32, #tpu.memory_space<hbm>> -> memref<64xi32, #tpu.memory_space<hbm>>
        %dma_wait3A_618 = arith.constant 0 : i32
        %dma_wait3A_619 = tpu.memref_slice %arg6[%dma_wait3A_613, %dma_wait3A_618] : memref<8x64xi32, #tpu.memory_space<vmem>> -> memref<1x64xi32, #tpu.memory_space<vmem>>
        %dma_wait3A_620 = tpu.memref_squeeze %dma_wait3A_619 : memref<1x64xi32, #tpu.memory_space<vmem>> -> memref<64xi32, #tpu.memory_space<vmem>>
        %dma_wait3A_621 = tpu.memref_slice %arg3[%add3A_612] : memref<327680xi32, #tpu.memory_space<hbm>> -> memref<64xi32, #tpu.memory_space<hbm>>
        tpu.wait_dma2 semaphore(%arg19 : memref<!tpu.dma_semaphore, #tpu.memory_space<semaphore_mem>>) src(%dma_wait3A_621 : memref<64xi32, #tpu.memory_space<hbm>>) dst(%dma_wait3A_620 : memref<64xi32, #tpu.memory_space<vmem>>)
        %mul3A_622 = arith.constant 64 : i32
        %mul3A_623 = arith.muli %add3A_473, %mul3A_622 : i32
        %add3A_624 = arith.addi %mul3A_49, %mul3A_623 : i32
        %dma_wait3A_625 = arith.constant 6 : i32
        %dma_wait3A_626 = arith.constant 0 : i32
        %dma_wait3A_627 = tpu.memref_slice %arg7[%dma_wait3A_625, %dma_wait3A_626] : memref<8x64xi32, #tpu.memory_space<vmem>> -> memref<1x64xi32, #tpu.memory_space<vmem>>
        %dma_wait3A_628 = tpu.memref_squeeze %dma_wait3A_627 : memref<1x64xi32, #tpu.memory_space<vmem>> -> memref<64xi32, #tpu.memory_space<vmem>>
        %dma_wait3A_629 = tpu.memref_slice %arg4[%add3A_624] : memref<327680xi32, #tpu.memory_space<hbm>> -> memref<64xi32, #tpu.memory_space<hbm>>
        %dma_wait3A_630 = arith.constant 0 : i32
        %dma_wait3A_631 = tpu.memref_slice %arg7[%dma_wait3A_625, %dma_wait3A_630] : memref<8x64xi32, #tpu.memory_space<vmem>> -> memref<1x64xi32, #tpu.memory_space<vmem>>
        %dma_wait3A_632 = tpu.memref_squeeze %dma_wait3A_631 : memref<1x64xi32, #tpu.memory_space<vmem>> -> memref<64xi32, #tpu.memory_space<vmem>>
        %dma_wait3A_633 = tpu.memref_slice %arg4[%add3A_624] : memref<327680xi32, #tpu.memory_space<hbm>> -> memref<64xi32, #tpu.memory_space<hbm>>
        tpu.wait_dma2 semaphore(%arg19 : memref<!tpu.dma_semaphore, #tpu.memory_space<semaphore_mem>>) src(%dma_wait3A_633 : memref<64xi32, #tpu.memory_space<hbm>>) dst(%dma_wait3A_632 : memref<64xi32, #tpu.memory_space<vmem>>)
        %dma_start3A_634 = arith.constant 6 : i32
        %dma_start3A_635 = arith.constant 0 : i32
        %dma_start3A_636 = tpu.memref_slice %arg6[%dma_start3A_634, %dma_start3A_635] : memref<8x64xi32, #tpu.memory_space<vmem>> -> memref<1x64xi32, #tpu.memory_space<vmem>>
        %dma_start3A_637 = tpu.memref_squeeze %dma_start3A_636 : memref<1x64xi32, #tpu.memory_space<vmem>> -> memref<64xi32, #tpu.memory_space<vmem>>
        %dma_start3A_638 = arith.constant 0 : i32
        %dma_start3A_639 = arith.constant 0 : i32
        %dma_start3A_640 = tpu.memref_slice %arg2[%dma_start3A_638, %dma_start3A_639] : memref<10000x128xf32, #tpu.memory_space<hbm>> -> memref<10000x128xf32, #tpu.memory_space<hbm>>
        tpu.enqueue_indirect_dma source(%dma_start3A_640 : memref<10000x128xf32, #tpu.memory_space<hbm>>) target(%arg10 : memref<64x128xf32, #tpu.memory_space<vmem>>) offsets(%dma_start3A_637 : memref<64xi32, #tpu.memory_space<vmem>>) semaphore(%arg23 : memref<!tpu.dma_semaphore, #tpu.memory_space<semaphore_mem>>)
      } else {
      }
      %mul3A_479 = arith.constant 8 : i32
      %mul3A_480 = arith.muli %scan3A_403, %mul3A_479 : i32
      %add3A_481 = arith.constant 3 : i32
      %add3A_482 = arith.addi %mul3A_480, %add3A_481 : i32
      %dma_wait3A_483 = arith.constant 3 : i32
      %dma_wait3A_484 = arith.constant 0 : i32
      %dma_wait3A_485 = tpu.memref_slice %arg6[%dma_wait3A_483, %dma_wait3A_484] : memref<8x64xi32, #tpu.memory_space<vmem>> -> memref<1x64xi32, #tpu.memory_space<vmem>>
      %dma_wait3A_486 = tpu.memref_squeeze %dma_wait3A_485 : memref<1x64xi32, #tpu.memory_space<vmem>> -> memref<64xi32, #tpu.memory_space<vmem>>
      %dma_wait3A_487 = arith.constant 0 : i32
      %dma_wait3A_488 = arith.constant 0 : i32
      %dma_wait3A_489 = tpu.memref_slice %arg2[%dma_wait3A_487, %dma_wait3A_488] : memref<10000x128xf32, #tpu.memory_space<hbm>> -> memref<10000x128xf32, #tpu.memory_space<hbm>>
      tpu.wait_indirect_dma semaphore(%arg24 : memref<!tpu.dma_semaphore, #tpu.memory_space<semaphore_mem>>) src(%dma_wait3A_489 : memref<10000x128xf32, #tpu.memory_space<hbm>>) dst(%arg11 : memref<64x128xf32, #tpu.memory_space<vmem>>)
      %run_scoped3A_490 = arith.constant 3 : i32
      "tpu.region"() ({
        %run_scoped3A_610 = tpu.sem_alloc : memref<!tpu.dma_semaphore, #tpu.memory_space<semaphore_mem>>
        %dma_start3A_611 = arith.constant 0 : i32
        %dma_start3A_612 = tpu.memref_slice %arg7[%run_scoped3A_490, %dma_start3A_611] : memref<8x64xi32, #tpu.memory_space<vmem>> -> memref<1x64xi32, #tpu.memory_space<vmem>>
        %dma_start3A_613 = tpu.memref_squeeze %dma_start3A_612 : memref<1x64xi32, #tpu.memory_space<vmem>> -> memref<64xi32, #tpu.memory_space<vmem>>
        %dma_start3A_614 = arith.constant 0 : i32
        %dma_start3A_615 = arith.constant 0 : i32
        %dma_start3A_616 = tpu.memref_slice %arg12[%dma_start3A_614, %dma_start3A_615] : memref<10240x128xf32, #tpu.memory_space<vmem_shared>> -> memref<10240x128xf32, #tpu.memory_space<vmem_shared>>
        tpu.enqueue_indirect_dma source(%arg11 : memref<64x128xf32, #tpu.memory_space<vmem>>) target(%dma_start3A_616 : memref<10240x128xf32, #tpu.memory_space<vmem_shared>>) offsets(%dma_start3A_613 : memref<64xi32, #tpu.memory_space<vmem>>) semaphore(%run_scoped3A_610 : memref<!tpu.dma_semaphore, #tpu.memory_space<semaphore_mem>>) {add = true}
        %dma_wait3A_617 = arith.constant 0 : i32
        %dma_wait3A_618 = tpu.memref_slice %arg7[%run_scoped3A_490, %dma_wait3A_617] : memref<8x64xi32, #tpu.memory_space<vmem>> -> memref<1x64xi32, #tpu.memory_space<vmem>>
        %dma_wait3A_619 = tpu.memref_squeeze %dma_wait3A_618 : memref<1x64xi32, #tpu.memory_space<vmem>> -> memref<64xi32, #tpu.memory_space<vmem>>
        %dma_wait3A_620 = arith.constant 0 : i32
        %dma_wait3A_621 = arith.constant 0 : i32
        %dma_wait3A_622 = tpu.memref_slice %arg12[%dma_wait3A_620, %dma_wait3A_621] : memref<10240x128xf32, #tpu.memory_space<vmem_shared>> -> memref<10240x128xf32, #tpu.memory_space<vmem_shared>>
        tpu.wait_indirect_dma semaphore(%run_scoped3A_610 : memref<!tpu.dma_semaphore, #tpu.memory_space<semaphore_mem>>) src(%arg11 : memref<64x128xf32, #tpu.memory_space<vmem>>) dst(%dma_wait3A_622 : memref<10240x128xf32, #tpu.memory_space<vmem_shared>>)
        tpu.yield
      }) : () -> ()
      %add3A_491 = arith.constant 8 : i32
      %add3A_492 = arith.addi %add3A_482, %add3A_491 : i32
      %lt3A_493 = arith.constant 160 : i32
      %lt3A_494 = arith.cmpi slt, %add3A_492, %lt3A_493 : i32
      %convert_element_type3A_495 = arith.extui %lt3A_494 : i1 to i32
      %cond3A_496 = arith.constant 0 : i32
      %cond3A_497 = arith.cmpi ne, %convert_element_type3A_495, %cond3A_496 : i32
      scf.if %cond3A_497 {
        %mul3A_610 = arith.constant 64 : i32
        %mul3A_611 = arith.muli %add3A_492, %mul3A_610 : i32
        %add3A_612 = arith.addi %mul3A_49, %mul3A_611 : i32
        %dma_start3A_613 = arith.constant 3 : i32
        %dma_start3A_614 = arith.constant 0 : i32
        %dma_start3A_615 = tpu.memref_slice %arg6[%dma_start3A_613, %dma_start3A_614] : memref<8x64xi32, #tpu.memory_space<vmem>> -> memref<1x64xi32, #tpu.memory_space<vmem>>
        %dma_start3A_616 = tpu.memref_squeeze %dma_start3A_615 : memref<1x64xi32, #tpu.memory_space<vmem>> -> memref<64xi32, #tpu.memory_space<vmem>>
        %dma_start3A_617 = tpu.memref_slice %arg3[%add3A_612] : memref<327680xi32, #tpu.memory_space<hbm>> -> memref<64xi32, #tpu.memory_space<hbm>>
        %dma_start3A_618 = arith.constant 0 : i32
        %dma_start3A_619 = tpu.memref_slice %arg6[%dma_start3A_613, %dma_start3A_618] : memref<8x64xi32, #tpu.memory_space<vmem>> -> memref<1x64xi32, #tpu.memory_space<vmem>>
        %dma_start3A_620 = tpu.memref_squeeze %dma_start3A_619 : memref<1x64xi32, #tpu.memory_space<vmem>> -> memref<64xi32, #tpu.memory_space<vmem>>
        %dma_start3A_621 = tpu.memref_slice %arg3[%add3A_612] : memref<327680xi32, #tpu.memory_space<hbm>> -> memref<64xi32, #tpu.memory_space<hbm>>
        tpu.enqueue_dma source(%dma_start3A_621 : memref<64xi32, #tpu.memory_space<hbm>>) target(%dma_start3A_620 : memref<64xi32, #tpu.memory_space<vmem>>) target_semaphore(%arg16 : memref<!tpu.dma_semaphore, #tpu.memory_space<semaphore_mem>>)
        %mul3A_622 = arith.constant 64 : i32
        %mul3A_623 = arith.muli %add3A_492, %mul3A_622 : i32
        %add3A_624 = arith.addi %mul3A_49, %mul3A_623 : i32
        %dma_start3A_625 = arith.constant 3 : i32
        %dma_start3A_626 = arith.constant 0 : i32
        %dma_start3A_627 = tpu.memref_slice %arg7[%dma_start3A_625, %dma_start3A_626] : memref<8x64xi32, #tpu.memory_space<vmem>> -> memref<1x64xi32, #tpu.memory_space<vmem>>
        %dma_start3A_628 = tpu.memref_squeeze %dma_start3A_627 : memref<1x64xi32, #tpu.memory_space<vmem>> -> memref<64xi32, #tpu.memory_space<vmem>>
        %dma_start3A_629 = tpu.memref_slice %arg4[%add3A_624] : memref<327680xi32, #tpu.memory_space<hbm>> -> memref<64xi32, #tpu.memory_space<hbm>>
        %dma_start3A_630 = arith.constant 0 : i32
        %dma_start3A_631 = tpu.memref_slice %arg7[%dma_start3A_625, %dma_start3A_630] : memref<8x64xi32, #tpu.memory_space<vmem>> -> memref<1x64xi32, #tpu.memory_space<vmem>>
        %dma_start3A_632 = tpu.memref_squeeze %dma_start3A_631 : memref<1x64xi32, #tpu.memory_space<vmem>> -> memref<64xi32, #tpu.memory_space<vmem>>
        %dma_start3A_633 = tpu.memref_slice %arg4[%add3A_624] : memref<327680xi32, #tpu.memory_space<hbm>> -> memref<64xi32, #tpu.memory_space<hbm>>
        tpu.enqueue_dma source(%dma_start3A_633 : memref<64xi32, #tpu.memory_space<hbm>>) target(%dma_start3A_632 : memref<64xi32, #tpu.memory_space<vmem>>) target_semaphore(%arg16 : memref<!tpu.dma_semaphore, #tpu.memory_space<semaphore_mem>>)
      } else {
      }
      %add3A_498 = arith.constant 4 : i32
      %add3A_499 = arith.addi %add3A_482, %add3A_498 : i32
      %lt3A_500 = arith.constant 160 : i32
      %lt3A_501 = arith.cmpi slt, %add3A_499, %lt3A_500 : i32
      %convert_element_type3A_502 = arith.extui %lt3A_501 : i1 to i32
      %cond3A_503 = arith.constant 0 : i32
      %cond3A_504 = arith.cmpi ne, %convert_element_type3A_502, %cond3A_503 : i32
      scf.if %cond3A_504 {
        %mul3A_610 = arith.constant 64 : i32
        %mul3A_611 = arith.muli %add3A_499, %mul3A_610 : i32
        %add3A_612 = arith.addi %mul3A_49, %mul3A_611 : i32
        %dma_wait3A_613 = arith.constant 7 : i32
        %dma_wait3A_614 = arith.constant 0 : i32
        %dma_wait3A_615 = tpu.memref_slice %arg6[%dma_wait3A_613, %dma_wait3A_614] : memref<8x64xi32, #tpu.memory_space<vmem>> -> memref<1x64xi32, #tpu.memory_space<vmem>>
        %dma_wait3A_616 = tpu.memref_squeeze %dma_wait3A_615 : memref<1x64xi32, #tpu.memory_space<vmem>> -> memref<64xi32, #tpu.memory_space<vmem>>
        %dma_wait3A_617 = tpu.memref_slice %arg3[%add3A_612] : memref<327680xi32, #tpu.memory_space<hbm>> -> memref<64xi32, #tpu.memory_space<hbm>>
        %dma_wait3A_618 = arith.constant 0 : i32
        %dma_wait3A_619 = tpu.memref_slice %arg6[%dma_wait3A_613, %dma_wait3A_618] : memref<8x64xi32, #tpu.memory_space<vmem>> -> memref<1x64xi32, #tpu.memory_space<vmem>>
        %dma_wait3A_620 = tpu.memref_squeeze %dma_wait3A_619 : memref<1x64xi32, #tpu.memory_space<vmem>> -> memref<64xi32, #tpu.memory_space<vmem>>
        %dma_wait3A_621 = tpu.memref_slice %arg3[%add3A_612] : memref<327680xi32, #tpu.memory_space<hbm>> -> memref<64xi32, #tpu.memory_space<hbm>>
        tpu.wait_dma2 semaphore(%arg20 : memref<!tpu.dma_semaphore, #tpu.memory_space<semaphore_mem>>) src(%dma_wait3A_621 : memref<64xi32, #tpu.memory_space<hbm>>) dst(%dma_wait3A_620 : memref<64xi32, #tpu.memory_space<vmem>>)
        %mul3A_622 = arith.constant 64 : i32
        %mul3A_623 = arith.muli %add3A_499, %mul3A_622 : i32
        %add3A_624 = arith.addi %mul3A_49, %mul3A_623 : i32
        %dma_wait3A_625 = arith.constant 7 : i32
        %dma_wait3A_626 = arith.constant 0 : i32
        %dma_wait3A_627 = tpu.memref_slice %arg7[%dma_wait3A_625, %dma_wait3A_626] : memref<8x64xi32, #tpu.memory_space<vmem>> -> memref<1x64xi32, #tpu.memory_space<vmem>>
        %dma_wait3A_628 = tpu.memref_squeeze %dma_wait3A_627 : memref<1x64xi32, #tpu.memory_space<vmem>> -> memref<64xi32, #tpu.memory_space<vmem>>
        %dma_wait3A_629 = tpu.memref_slice %arg4[%add3A_624] : memref<327680xi32, #tpu.memory_space<hbm>> -> memref<64xi32, #tpu.memory_space<hbm>>
        %dma_wait3A_630 = arith.constant 0 : i32
        %dma_wait3A_631 = tpu.memref_slice %arg7[%dma_wait3A_625, %dma_wait3A_630] : memref<8x64xi32, #tpu.memory_space<vmem>> -> memref<1x64xi32, #tpu.memory_space<vmem>>
        %dma_wait3A_632 = tpu.memref_squeeze %dma_wait3A_631 : memref<1x64xi32, #tpu.memory_space<vmem>> -> memref<64xi32, #tpu.memory_space<vmem>>
        %dma_wait3A_633 = tpu.memref_slice %arg4[%add3A_624] : memref<327680xi32, #tpu.memory_space<hbm>> -> memref<64xi32, #tpu.memory_space<hbm>>
        tpu.wait_dma2 semaphore(%arg20 : memref<!tpu.dma_semaphore, #tpu.memory_space<semaphore_mem>>) src(%dma_wait3A_633 : memref<64xi32, #tpu.memory_space<hbm>>) dst(%dma_wait3A_632 : memref<64xi32, #tpu.memory_space<vmem>>)
        %dma_start3A_634 = arith.constant 7 : i32
        %dma_start3A_635 = arith.constant 0 : i32
        %dma_start3A_636 = tpu.memref_slice %arg6[%dma_start3A_634, %dma_start3A_635] : memref<8x64xi32, #tpu.memory_space<vmem>> -> memref<1x64xi32, #tpu.memory_space<vmem>>
        %dma_start3A_637 = tpu.memref_squeeze %dma_start3A_636 : memref<1x64xi32, #tpu.memory_space<vmem>> -> memref<64xi32, #tpu.memory_space<vmem>>
        %dma_start3A_638 = arith.constant 0 : i32
        %dma_start3A_639 = arith.constant 0 : i32
        %dma_start3A_640 = tpu.memref_slice %arg2[%dma_start3A_638, %dma_start3A_639] : memref<10000x128xf32, #tpu.memory_space<hbm>> -> memref<10000x128xf32, #tpu.memory_space<hbm>>
        tpu.enqueue_indirect_dma source(%dma_start3A_640 : memref<10000x128xf32, #tpu.memory_space<hbm>>) target(%arg11 : memref<64x128xf32, #tpu.memory_space<vmem>>) offsets(%dma_start3A_637 : memref<64xi32, #tpu.memory_space<vmem>>) semaphore(%arg24 : memref<!tpu.dma_semaphore, #tpu.memory_space<semaphore_mem>>)
      } else {
      }
      %mul3A_505 = arith.constant 8 : i32
      %mul3A_506 = arith.muli %scan3A_403, %mul3A_505 : i32
      %add3A_507 = arith.constant 4 : i32
      %add3A_508 = arith.addi %mul3A_506, %add3A_507 : i32
      %dma_wait3A_509 = arith.constant 4 : i32
      %dma_wait3A_510 = arith.constant 0 : i32
      %dma_wait3A_511 = tpu.memref_slice %arg6[%dma_wait3A_509, %dma_wait3A_510] : memref<8x64xi32, #tpu.memory_space<vmem>> -> memref<1x64xi32, #tpu.memory_space<vmem>>
      %dma_wait3A_512 = tpu.memref_squeeze %dma_wait3A_511 : memref<1x64xi32, #tpu.memory_space<vmem>> -> memref<64xi32, #tpu.memory_space<vmem>>
      %dma_wait3A_513 = arith.constant 0 : i32
      %dma_wait3A_514 = arith.constant 0 : i32
      %dma_wait3A_515 = tpu.memref_slice %arg2[%dma_wait3A_513, %dma_wait3A_514] : memref<10000x128xf32, #tpu.memory_space<hbm>> -> memref<10000x128xf32, #tpu.memory_space<hbm>>
      tpu.wait_indirect_dma semaphore(%arg21 : memref<!tpu.dma_semaphore, #tpu.memory_space<semaphore_mem>>) src(%dma_wait3A_515 : memref<10000x128xf32, #tpu.memory_space<hbm>>) dst(%arg8 : memref<64x128xf32, #tpu.memory_space<vmem>>)
      %run_scoped3A_516 = arith.constant 4 : i32
      "tpu.region"() ({
        %run_scoped3A_610 = tpu.sem_alloc : memref<!tpu.dma_semaphore, #tpu.memory_space<semaphore_mem>>
        %dma_start3A_611 = arith.constant 0 : i32
        %dma_start3A_612 = tpu.memref_slice %arg7[%run_scoped3A_516, %dma_start3A_611] : memref<8x64xi32, #tpu.memory_space<vmem>> -> memref<1x64xi32, #tpu.memory_space<vmem>>
        %dma_start3A_613 = tpu.memref_squeeze %dma_start3A_612 : memref<1x64xi32, #tpu.memory_space<vmem>> -> memref<64xi32, #tpu.memory_space<vmem>>
        %dma_start3A_614 = arith.constant 0 : i32
        %dma_start3A_615 = arith.constant 0 : i32
        %dma_start3A_616 = tpu.memref_slice %arg12[%dma_start3A_614, %dma_start3A_615] : memref<10240x128xf32, #tpu.memory_space<vmem_shared>> -> memref<10240x128xf32, #tpu.memory_space<vmem_shared>>
        tpu.enqueue_indirect_dma source(%arg8 : memref<64x128xf32, #tpu.memory_space<vmem>>) target(%dma_start3A_616 : memref<10240x128xf32, #tpu.memory_space<vmem_shared>>) offsets(%dma_start3A_613 : memref<64xi32, #tpu.memory_space<vmem>>) semaphore(%run_scoped3A_610 : memref<!tpu.dma_semaphore, #tpu.memory_space<semaphore_mem>>) {add = true}
        %dma_wait3A_617 = arith.constant 0 : i32
        %dma_wait3A_618 = tpu.memref_slice %arg7[%run_scoped3A_516, %dma_wait3A_617] : memref<8x64xi32, #tpu.memory_space<vmem>> -> memref<1x64xi32, #tpu.memory_space<vmem>>
        %dma_wait3A_619 = tpu.memref_squeeze %dma_wait3A_618 : memref<1x64xi32, #tpu.memory_space<vmem>> -> memref<64xi32, #tpu.memory_space<vmem>>
        %dma_wait3A_620 = arith.constant 0 : i32
        %dma_wait3A_621 = arith.constant 0 : i32
        %dma_wait3A_622 = tpu.memref_slice %arg12[%dma_wait3A_620, %dma_wait3A_621] : memref<10240x128xf32, #tpu.memory_space<vmem_shared>> -> memref<10240x128xf32, #tpu.memory_space<vmem_shared>>
        tpu.wait_indirect_dma semaphore(%run_scoped3A_610 : memref<!tpu.dma_semaphore, #tpu.memory_space<semaphore_mem>>) src(%arg8 : memref<64x128xf32, #tpu.memory_space<vmem>>) dst(%dma_wait3A_622 : memref<10240x128xf32, #tpu.memory_space<vmem_shared>>)
        tpu.yield
      }) : () -> ()
      %add3A_517 = arith.constant 8 : i32
      %add3A_518 = arith.addi %add3A_508, %add3A_517 : i32
      %lt3A_519 = arith.constant 160 : i32
      %lt3A_520 = arith.cmpi slt, %add3A_518, %lt3A_519 : i32
      %convert_element_type3A_521 = arith.extui %lt3A_520 : i1 to i32
      %cond3A_522 = arith.constant 0 : i32
      %cond3A_523 = arith.cmpi ne, %convert_element_type3A_521, %cond3A_522 : i32
      scf.if %cond3A_523 {
        %mul3A_610 = arith.constant 64 : i32
        %mul3A_611 = arith.muli %add3A_518, %mul3A_610 : i32
        %add3A_612 = arith.addi %mul3A_49, %mul3A_611 : i32
        %dma_start3A_613 = arith.constant 4 : i32
        %dma_start3A_614 = arith.constant 0 : i32
        %dma_start3A_615 = tpu.memref_slice %arg6[%dma_start3A_613, %dma_start3A_614] : memref<8x64xi32, #tpu.memory_space<vmem>> -> memref<1x64xi32, #tpu.memory_space<vmem>>
        %dma_start3A_616 = tpu.memref_squeeze %dma_start3A_615 : memref<1x64xi32, #tpu.memory_space<vmem>> -> memref<64xi32, #tpu.memory_space<vmem>>
        %dma_start3A_617 = tpu.memref_slice %arg3[%add3A_612] : memref<327680xi32, #tpu.memory_space<hbm>> -> memref<64xi32, #tpu.memory_space<hbm>>
        %dma_start3A_618 = arith.constant 0 : i32
        %dma_start3A_619 = tpu.memref_slice %arg6[%dma_start3A_613, %dma_start3A_618] : memref<8x64xi32, #tpu.memory_space<vmem>> -> memref<1x64xi32, #tpu.memory_space<vmem>>
        %dma_start3A_620 = tpu.memref_squeeze %dma_start3A_619 : memref<1x64xi32, #tpu.memory_space<vmem>> -> memref<64xi32, #tpu.memory_space<vmem>>
        %dma_start3A_621 = tpu.memref_slice %arg3[%add3A_612] : memref<327680xi32, #tpu.memory_space<hbm>> -> memref<64xi32, #tpu.memory_space<hbm>>
        tpu.enqueue_dma source(%dma_start3A_621 : memref<64xi32, #tpu.memory_space<hbm>>) target(%dma_start3A_620 : memref<64xi32, #tpu.memory_space<vmem>>) target_semaphore(%arg17 : memref<!tpu.dma_semaphore, #tpu.memory_space<semaphore_mem>>)
        %mul3A_622 = arith.constant 64 : i32
        %mul3A_623 = arith.muli %add3A_518, %mul3A_622 : i32
        %add3A_624 = arith.addi %mul3A_49, %mul3A_623 : i32
        %dma_start3A_625 = arith.constant 4 : i32
        %dma_start3A_626 = arith.constant 0 : i32
        %dma_start3A_627 = tpu.memref_slice %arg7[%dma_start3A_625, %dma_start3A_626] : memref<8x64xi32, #tpu.memory_space<vmem>> -> memref<1x64xi32, #tpu.memory_space<vmem>>
        %dma_start3A_628 = tpu.memref_squeeze %dma_start3A_627 : memref<1x64xi32, #tpu.memory_space<vmem>> -> memref<64xi32, #tpu.memory_space<vmem>>
        %dma_start3A_629 = tpu.memref_slice %arg4[%add3A_624] : memref<327680xi32, #tpu.memory_space<hbm>> -> memref<64xi32, #tpu.memory_space<hbm>>
        %dma_start3A_630 = arith.constant 0 : i32
        %dma_start3A_631 = tpu.memref_slice %arg7[%dma_start3A_625, %dma_start3A_630] : memref<8x64xi32, #tpu.memory_space<vmem>> -> memref<1x64xi32, #tpu.memory_space<vmem>>
        %dma_start3A_632 = tpu.memref_squeeze %dma_start3A_631 : memref<1x64xi32, #tpu.memory_space<vmem>> -> memref<64xi32, #tpu.memory_space<vmem>>
        %dma_start3A_633 = tpu.memref_slice %arg4[%add3A_624] : memref<327680xi32, #tpu.memory_space<hbm>> -> memref<64xi32, #tpu.memory_space<hbm>>
        tpu.enqueue_dma source(%dma_start3A_633 : memref<64xi32, #tpu.memory_space<hbm>>) target(%dma_start3A_632 : memref<64xi32, #tpu.memory_space<vmem>>) target_semaphore(%arg17 : memref<!tpu.dma_semaphore, #tpu.memory_space<semaphore_mem>>)
      } else {
      }
      %add3A_524 = arith.constant 4 : i32
      %add3A_525 = arith.addi %add3A_508, %add3A_524 : i32
      %lt3A_526 = arith.constant 160 : i32
      %lt3A_527 = arith.cmpi slt, %add3A_525, %lt3A_526 : i32
      %convert_element_type3A_528 = arith.extui %lt3A_527 : i1 to i32
      %cond3A_529 = arith.constant 0 : i32
      %cond3A_530 = arith.cmpi ne, %convert_element_type3A_528, %cond3A_529 : i32
      scf.if %cond3A_530 {
        %mul3A_610 = arith.constant 64 : i32
        %mul3A_611 = arith.muli %add3A_525, %mul3A_610 : i32
        %add3A_612 = arith.addi %mul3A_49, %mul3A_611 : i32
        %dma_wait3A_613 = arith.constant 0 : i32
        %dma_wait3A_614 = arith.constant 0 : i32
        %dma_wait3A_615 = tpu.memref_slice %arg6[%dma_wait3A_613, %dma_wait3A_614] : memref<8x64xi32, #tpu.memory_space<vmem>> -> memref<1x64xi32, #tpu.memory_space<vmem>>
        %dma_wait3A_616 = tpu.memref_squeeze %dma_wait3A_615 : memref<1x64xi32, #tpu.memory_space<vmem>> -> memref<64xi32, #tpu.memory_space<vmem>>
        %dma_wait3A_617 = tpu.memref_slice %arg3[%add3A_612] : memref<327680xi32, #tpu.memory_space<hbm>> -> memref<64xi32, #tpu.memory_space<hbm>>
        %dma_wait3A_618 = arith.constant 0 : i32
        %dma_wait3A_619 = tpu.memref_slice %arg6[%dma_wait3A_613, %dma_wait3A_618] : memref<8x64xi32, #tpu.memory_space<vmem>> -> memref<1x64xi32, #tpu.memory_space<vmem>>
        %dma_wait3A_620 = tpu.memref_squeeze %dma_wait3A_619 : memref<1x64xi32, #tpu.memory_space<vmem>> -> memref<64xi32, #tpu.memory_space<vmem>>
        %dma_wait3A_621 = tpu.memref_slice %arg3[%add3A_612] : memref<327680xi32, #tpu.memory_space<hbm>> -> memref<64xi32, #tpu.memory_space<hbm>>
        tpu.wait_dma2 semaphore(%arg13 : memref<!tpu.dma_semaphore, #tpu.memory_space<semaphore_mem>>) src(%dma_wait3A_621 : memref<64xi32, #tpu.memory_space<hbm>>) dst(%dma_wait3A_620 : memref<64xi32, #tpu.memory_space<vmem>>)
        %mul3A_622 = arith.constant 64 : i32
        %mul3A_623 = arith.muli %add3A_525, %mul3A_622 : i32
        %add3A_624 = arith.addi %mul3A_49, %mul3A_623 : i32
        %dma_wait3A_625 = arith.constant 0 : i32
        %dma_wait3A_626 = arith.constant 0 : i32
        %dma_wait3A_627 = tpu.memref_slice %arg7[%dma_wait3A_625, %dma_wait3A_626] : memref<8x64xi32, #tpu.memory_space<vmem>> -> memref<1x64xi32, #tpu.memory_space<vmem>>
        %dma_wait3A_628 = tpu.memref_squeeze %dma_wait3A_627 : memref<1x64xi32, #tpu.memory_space<vmem>> -> memref<64xi32, #tpu.memory_space<vmem>>
        %dma_wait3A_629 = tpu.memref_slice %arg4[%add3A_624] : memref<327680xi32, #tpu.memory_space<hbm>> -> memref<64xi32, #tpu.memory_space<hbm>>
        %dma_wait3A_630 = arith.constant 0 : i32
        %dma_wait3A_631 = tpu.memref_slice %arg7[%dma_wait3A_625, %dma_wait3A_630] : memref<8x64xi32, #tpu.memory_space<vmem>> -> memref<1x64xi32, #tpu.memory_space<vmem>>
        %dma_wait3A_632 = tpu.memref_squeeze %dma_wait3A_631 : memref<1x64xi32, #tpu.memory_space<vmem>> -> memref<64xi32, #tpu.memory_space<vmem>>
        %dma_wait3A_633 = tpu.memref_slice %arg4[%add3A_624] : memref<327680xi32, #tpu.memory_space<hbm>> -> memref<64xi32, #tpu.memory_space<hbm>>
        tpu.wait_dma2 semaphore(%arg13 : memref<!tpu.dma_semaphore, #tpu.memory_space<semaphore_mem>>) src(%dma_wait3A_633 : memref<64xi32, #tpu.memory_space<hbm>>) dst(%dma_wait3A_632 : memref<64xi32, #tpu.memory_space<vmem>>)
        %dma_start3A_634 = arith.constant 0 : i32
        %dma_start3A_635 = arith.constant 0 : i32
        %dma_start3A_636 = tpu.memref_slice %arg6[%dma_start3A_634, %dma_start3A_635] : memref<8x64xi32, #tpu.memory_space<vmem>> -> memref<1x64xi32, #tpu.memory_space<vmem>>
        %dma_start3A_637 = tpu.memref_squeeze %dma_start3A_636 : memref<1x64xi32, #tpu.memory_space<vmem>> -> memref<64xi32, #tpu.memory_space<vmem>>
        %dma_start3A_638 = arith.constant 0 : i32
        %dma_start3A_639 = arith.constant 0 : i32
        %dma_start3A_640 = tpu.memref_slice %arg2[%dma_start3A_638, %dma_start3A_639] : memref<10000x128xf32, #tpu.memory_space<hbm>> -> memref<10000x128xf32, #tpu.memory_space<hbm>>
        tpu.enqueue_indirect_dma source(%dma_start3A_640 : memref<10000x128xf32, #tpu.memory_space<hbm>>) target(%arg8 : memref<64x128xf32, #tpu.memory_space<vmem>>) offsets(%dma_start3A_637 : memref<64xi32, #tpu.memory_space<vmem>>) semaphore(%arg21 : memref<!tpu.dma_semaphore, #tpu.memory_space<semaphore_mem>>)
      } else {
      }
      %mul3A_531 = arith.constant 8 : i32
      %mul3A_532 = arith.muli %scan3A_403, %mul3A_531 : i32
      %add3A_533 = arith.constant 5 : i32
      %add3A_534 = arith.addi %mul3A_532, %add3A_533 : i32
      %dma_wait3A_535 = arith.constant 5 : i32
      %dma_wait3A_536 = arith.constant 0 : i32
      %dma_wait3A_537 = tpu.memref_slice %arg6[%dma_wait3A_535, %dma_wait3A_536] : memref<8x64xi32, #tpu.memory_space<vmem>> -> memref<1x64xi32, #tpu.memory_space<vmem>>
      %dma_wait3A_538 = tpu.memref_squeeze %dma_wait3A_537 : memref<1x64xi32, #tpu.memory_space<vmem>> -> memref<64xi32, #tpu.memory_space<vmem>>
      %dma_wait3A_539 = arith.constant 0 : i32
      %dma_wait3A_540 = arith.constant 0 : i32
      %dma_wait3A_541 = tpu.memref_slice %arg2[%dma_wait3A_539, %dma_wait3A_540] : memref<10000x128xf32, #tpu.memory_space<hbm>> -> memref<10000x128xf32, #tpu.memory_space<hbm>>
      tpu.wait_indirect_dma semaphore(%arg22 : memref<!tpu.dma_semaphore, #tpu.memory_space<semaphore_mem>>) src(%dma_wait3A_541 : memref<10000x128xf32, #tpu.memory_space<hbm>>) dst(%arg9 : memref<64x128xf32, #tpu.memory_space<vmem>>)
      %run_scoped3A_542 = arith.constant 5 : i32
      "tpu.region"() ({
        %run_scoped3A_610 = tpu.sem_alloc : memref<!tpu.dma_semaphore, #tpu.memory_space<semaphore_mem>>
        %dma_start3A_611 = arith.constant 0 : i32
        %dma_start3A_612 = tpu.memref_slice %arg7[%run_scoped3A_542, %dma_start3A_611] : memref<8x64xi32, #tpu.memory_space<vmem>> -> memref<1x64xi32, #tpu.memory_space<vmem>>
        %dma_start3A_613 = tpu.memref_squeeze %dma_start3A_612 : memref<1x64xi32, #tpu.memory_space<vmem>> -> memref<64xi32, #tpu.memory_space<vmem>>
        %dma_start3A_614 = arith.constant 0 : i32
        %dma_start3A_615 = arith.constant 0 : i32
        %dma_start3A_616 = tpu.memref_slice %arg12[%dma_start3A_614, %dma_start3A_615] : memref<10240x128xf32, #tpu.memory_space<vmem_shared>> -> memref<10240x128xf32, #tpu.memory_space<vmem_shared>>
        tpu.enqueue_indirect_dma source(%arg9 : memref<64x128xf32, #tpu.memory_space<vmem>>) target(%dma_start3A_616 : memref<10240x128xf32, #tpu.memory_space<vmem_shared>>) offsets(%dma_start3A_613 : memref<64xi32, #tpu.memory_space<vmem>>) semaphore(%run_scoped3A_610 : memref<!tpu.dma_semaphore, #tpu.memory_space<semaphore_mem>>) {add = true}
        %dma_wait3A_617 = arith.constant 0 : i32
        %dma_wait3A_618 = tpu.memref_slice %arg7[%run_scoped3A_542, %dma_wait3A_617] : memref<8x64xi32, #tpu.memory_space<vmem>> -> memref<1x64xi32, #tpu.memory_space<vmem>>
        %dma_wait3A_619 = tpu.memref_squeeze %dma_wait3A_618 : memref<1x64xi32, #tpu.memory_space<vmem>> -> memref<64xi32, #tpu.memory_space<vmem>>
        %dma_wait3A_620 = arith.constant 0 : i32
        %dma_wait3A_621 = arith.constant 0 : i32
        %dma_wait3A_622 = tpu.memref_slice %arg12[%dma_wait3A_620, %dma_wait3A_621] : memref<10240x128xf32, #tpu.memory_space<vmem_shared>> -> memref<10240x128xf32, #tpu.memory_space<vmem_shared>>
        tpu.wait_indirect_dma semaphore(%run_scoped3A_610 : memref<!tpu.dma_semaphore, #tpu.memory_space<semaphore_mem>>) src(%arg9 : memref<64x128xf32, #tpu.memory_space<vmem>>) dst(%dma_wait3A_622 : memref<10240x128xf32, #tpu.memory_space<vmem_shared>>)
        tpu.yield
      }) : () -> ()
      %add3A_543 = arith.constant 8 : i32
      %add3A_544 = arith.addi %add3A_534, %add3A_543 : i32
      %lt3A_545 = arith.constant 160 : i32
      %lt3A_546 = arith.cmpi slt, %add3A_544, %lt3A_545 : i32
      %convert_element_type3A_547 = arith.extui %lt3A_546 : i1 to i32
      %cond3A_548 = arith.constant 0 : i32
      %cond3A_549 = arith.cmpi ne, %convert_element_type3A_547, %cond3A_548 : i32
      scf.if %cond3A_549 {
        %mul3A_610 = arith.constant 64 : i32
        %mul3A_611 = arith.muli %add3A_544, %mul3A_610 : i32
        %add3A_612 = arith.addi %mul3A_49, %mul3A_611 : i32
        %dma_start3A_613 = arith.constant 5 : i32
        %dma_start3A_614 = arith.constant 0 : i32
        %dma_start3A_615 = tpu.memref_slice %arg6[%dma_start3A_613, %dma_start3A_614] : memref<8x64xi32, #tpu.memory_space<vmem>> -> memref<1x64xi32, #tpu.memory_space<vmem>>
        %dma_start3A_616 = tpu.memref_squeeze %dma_start3A_615 : memref<1x64xi32, #tpu.memory_space<vmem>> -> memref<64xi32, #tpu.memory_space<vmem>>
        %dma_start3A_617 = tpu.memref_slice %arg3[%add3A_612] : memref<327680xi32, #tpu.memory_space<hbm>> -> memref<64xi32, #tpu.memory_space<hbm>>
        %dma_start3A_618 = arith.constant 0 : i32
        %dma_start3A_619 = tpu.memref_slice %arg6[%dma_start3A_613, %dma_start3A_618] : memref<8x64xi32, #tpu.memory_space<vmem>> -> memref<1x64xi32, #tpu.memory_space<vmem>>
        %dma_start3A_620 = tpu.memref_squeeze %dma_start3A_619 : memref<1x64xi32, #tpu.memory_space<vmem>> -> memref<64xi32, #tpu.memory_space<vmem>>
        %dma_start3A_621 = tpu.memref_slice %arg3[%add3A_612] : memref<327680xi32, #tpu.memory_space<hbm>> -> memref<64xi32, #tpu.memory_space<hbm>>
        tpu.enqueue_dma source(%dma_start3A_621 : memref<64xi32, #tpu.memory_space<hbm>>) target(%dma_start3A_620 : memref<64xi32, #tpu.memory_space<vmem>>) target_semaphore(%arg18 : memref<!tpu.dma_semaphore, #tpu.memory_space<semaphore_mem>>)
        %mul3A_622 = arith.constant 64 : i32
        %mul3A_623 = arith.muli %add3A_544, %mul3A_622 : i32
        %add3A_624 = arith.addi %mul3A_49, %mul3A_623 : i32
        %dma_start3A_625 = arith.constant 5 : i32
        %dma_start3A_626 = arith.constant 0 : i32
        %dma_start3A_627 = tpu.memref_slice %arg7[%dma_start3A_625, %dma_start3A_626] : memref<8x64xi32, #tpu.memory_space<vmem>> -> memref<1x64xi32, #tpu.memory_space<vmem>>
        %dma_start3A_628 = tpu.memref_squeeze %dma_start3A_627 : memref<1x64xi32, #tpu.memory_space<vmem>> -> memref<64xi32, #tpu.memory_space<vmem>>
        %dma_start3A_629 = tpu.memref_slice %arg4[%add3A_624] : memref<327680xi32, #tpu.memory_space<hbm>> -> memref<64xi32, #tpu.memory_space<hbm>>
        %dma_start3A_630 = arith.constant 0 : i32
        %dma_start3A_631 = tpu.memref_slice %arg7[%dma_start3A_625, %dma_start3A_630] : memref<8x64xi32, #tpu.memory_space<vmem>> -> memref<1x64xi32, #tpu.memory_space<vmem>>
        %dma_start3A_632 = tpu.memref_squeeze %dma_start3A_631 : memref<1x64xi32, #tpu.memory_space<vmem>> -> memref<64xi32, #tpu.memory_space<vmem>>
        %dma_start3A_633 = tpu.memref_slice %arg4[%add3A_624] : memref<327680xi32, #tpu.memory_space<hbm>> -> memref<64xi32, #tpu.memory_space<hbm>>
        tpu.enqueue_dma source(%dma_start3A_633 : memref<64xi32, #tpu.memory_space<hbm>>) target(%dma_start3A_632 : memref<64xi32, #tpu.memory_space<vmem>>) target_semaphore(%arg18 : memref<!tpu.dma_semaphore, #tpu.memory_space<semaphore_mem>>)
      } else {
      }
      %add3A_550 = arith.constant 4 : i32
      %add3A_551 = arith.addi %add3A_534, %add3A_550 : i32
      %lt3A_552 = arith.constant 160 : i32
      %lt3A_553 = arith.cmpi slt, %add3A_551, %lt3A_552 : i32
      %convert_element_type3A_554 = arith.extui %lt3A_553 : i1 to i32
      %cond3A_555 = arith.constant 0 : i32
      %cond3A_556 = arith.cmpi ne, %convert_element_type3A_554, %cond3A_555 : i32
      scf.if %cond3A_556 {
        %mul3A_610 = arith.constant 64 : i32
        %mul3A_611 = arith.muli %add3A_551, %mul3A_610 : i32
        %add3A_612 = arith.addi %mul3A_49, %mul3A_611 : i32
        %dma_wait3A_613 = arith.constant 1 : i32
        %dma_wait3A_614 = arith.constant 0 : i32
        %dma_wait3A_615 = tpu.memref_slice %arg6[%dma_wait3A_613, %dma_wait3A_614] : memref<8x64xi32, #tpu.memory_space<vmem>> -> memref<1x64xi32, #tpu.memory_space<vmem>>
        %dma_wait3A_616 = tpu.memref_squeeze %dma_wait3A_615 : memref<1x64xi32, #tpu.memory_space<vmem>> -> memref<64xi32, #tpu.memory_space<vmem>>
        %dma_wait3A_617 = tpu.memref_slice %arg3[%add3A_612] : memref<327680xi32, #tpu.memory_space<hbm>> -> memref<64xi32, #tpu.memory_space<hbm>>
        %dma_wait3A_618 = arith.constant 0 : i32
        %dma_wait3A_619 = tpu.memref_slice %arg6[%dma_wait3A_613, %dma_wait3A_618] : memref<8x64xi32, #tpu.memory_space<vmem>> -> memref<1x64xi32, #tpu.memory_space<vmem>>
        %dma_wait3A_620 = tpu.memref_squeeze %dma_wait3A_619 : memref<1x64xi32, #tpu.memory_space<vmem>> -> memref<64xi32, #tpu.memory_space<vmem>>
        %dma_wait3A_621 = tpu.memref_slice %arg3[%add3A_612] : memref<327680xi32, #tpu.memory_space<hbm>> -> memref<64xi32, #tpu.memory_space<hbm>>
        tpu.wait_dma2 semaphore(%arg14 : memref<!tpu.dma_semaphore, #tpu.memory_space<semaphore_mem>>) src(%dma_wait3A_621 : memref<64xi32, #tpu.memory_space<hbm>>) dst(%dma_wait3A_620 : memref<64xi32, #tpu.memory_space<vmem>>)
        %mul3A_622 = arith.constant 64 : i32
        %mul3A_623 = arith.muli %add3A_551, %mul3A_622 : i32
        %add3A_624 = arith.addi %mul3A_49, %mul3A_623 : i32
        %dma_wait3A_625 = arith.constant 1 : i32
        %dma_wait3A_626 = arith.constant 0 : i32
        %dma_wait3A_627 = tpu.memref_slice %arg7[%dma_wait3A_625, %dma_wait3A_626] : memref<8x64xi32, #tpu.memory_space<vmem>> -> memref<1x64xi32, #tpu.memory_space<vmem>>
        %dma_wait3A_628 = tpu.memref_squeeze %dma_wait3A_627 : memref<1x64xi32, #tpu.memory_space<vmem>> -> memref<64xi32, #tpu.memory_space<vmem>>
        %dma_wait3A_629 = tpu.memref_slice %arg4[%add3A_624] : memref<327680xi32, #tpu.memory_space<hbm>> -> memref<64xi32, #tpu.memory_space<hbm>>
        %dma_wait3A_630 = arith.constant 0 : i32
        %dma_wait3A_631 = tpu.memref_slice %arg7[%dma_wait3A_625, %dma_wait3A_630] : memref<8x64xi32, #tpu.memory_space<vmem>> -> memref<1x64xi32, #tpu.memory_space<vmem>>
        %dma_wait3A_632 = tpu.memref_squeeze %dma_wait3A_631 : memref<1x64xi32, #tpu.memory_space<vmem>> -> memref<64xi32, #tpu.memory_space<vmem>>
        %dma_wait3A_633 = tpu.memref_slice %arg4[%add3A_624] : memref<327680xi32, #tpu.memory_space<hbm>> -> memref<64xi32, #tpu.memory_space<hbm>>
        tpu.wait_dma2 semaphore(%arg14 : memref<!tpu.dma_semaphore, #tpu.memory_space<semaphore_mem>>) src(%dma_wait3A_633 : memref<64xi32, #tpu.memory_space<hbm>>) dst(%dma_wait3A_632 : memref<64xi32, #tpu.memory_space<vmem>>)
        %dma_start3A_634 = arith.constant 1 : i32
        %dma_start3A_635 = arith.constant 0 : i32
        %dma_start3A_636 = tpu.memref_slice %arg6[%dma_start3A_634, %dma_start3A_635] : memref<8x64xi32, #tpu.memory_space<vmem>> -> memref<1x64xi32, #tpu.memory_space<vmem>>
        %dma_start3A_637 = tpu.memref_squeeze %dma_start3A_636 : memref<1x64xi32, #tpu.memory_space<vmem>> -> memref<64xi32, #tpu.memory_space<vmem>>
        %dma_start3A_638 = arith.constant 0 : i32
        %dma_start3A_639 = arith.constant 0 : i32
        %dma_start3A_640 = tpu.memref_slice %arg2[%dma_start3A_638, %dma_start3A_639] : memref<10000x128xf32, #tpu.memory_space<hbm>> -> memref<10000x128xf32, #tpu.memory_space<hbm>>
        tpu.enqueue_indirect_dma source(%dma_start3A_640 : memref<10000x128xf32, #tpu.memory_space<hbm>>) target(%arg9 : memref<64x128xf32, #tpu.memory_space<vmem>>) offsets(%dma_start3A_637 : memref<64xi32, #tpu.memory_space<vmem>>) semaphore(%arg22 : memref<!tpu.dma_semaphore, #tpu.memory_space<semaphore_mem>>)
      } else {
      }
      %mul3A_557 = arith.constant 8 : i32
      %mul3A_558 = arith.muli %scan3A_403, %mul3A_557 : i32
      %add3A_559 = arith.constant 6 : i32
      %add3A_560 = arith.addi %mul3A_558, %add3A_559 : i32
      %dma_wait3A_561 = arith.constant 6 : i32
      %dma_wait3A_562 = arith.constant 0 : i32
      %dma_wait3A_563 = tpu.memref_slice %arg6[%dma_wait3A_561, %dma_wait3A_562] : memref<8x64xi32, #tpu.memory_space<vmem>> -> memref<1x64xi32, #tpu.memory_space<vmem>>
      %dma_wait3A_564 = tpu.memref_squeeze %dma_wait3A_563 : memref<1x64xi32, #tpu.memory_space<vmem>> -> memref<64xi32, #tpu.memory_space<vmem>>
      %dma_wait3A_565 = arith.constant 0 : i32
      %dma_wait3A_566 = arith.constant 0 : i32
      %dma_wait3A_567 = tpu.memref_slice %arg2[%dma_wait3A_565, %dma_wait3A_566] : memref<10000x128xf32, #tpu.memory_space<hbm>> -> memref<10000x128xf32, #tpu.memory_space<hbm>>
      tpu.wait_indirect_dma semaphore(%arg23 : memref<!tpu.dma_semaphore, #tpu.memory_space<semaphore_mem>>) src(%dma_wait3A_567 : memref<10000x128xf32, #tpu.memory_space<hbm>>) dst(%arg10 : memref<64x128xf32, #tpu.memory_space<vmem>>)
      %run_scoped3A_568 = arith.constant 6 : i32
      "tpu.region"() ({
        %run_scoped3A_610 = tpu.sem_alloc : memref<!tpu.dma_semaphore, #tpu.memory_space<semaphore_mem>>
        %dma_start3A_611 = arith.constant 0 : i32
        %dma_start3A_612 = tpu.memref_slice %arg7[%run_scoped3A_568, %dma_start3A_611] : memref<8x64xi32, #tpu.memory_space<vmem>> -> memref<1x64xi32, #tpu.memory_space<vmem>>
        %dma_start3A_613 = tpu.memref_squeeze %dma_start3A_612 : memref<1x64xi32, #tpu.memory_space<vmem>> -> memref<64xi32, #tpu.memory_space<vmem>>
        %dma_start3A_614 = arith.constant 0 : i32
        %dma_start3A_615 = arith.constant 0 : i32
        %dma_start3A_616 = tpu.memref_slice %arg12[%dma_start3A_614, %dma_start3A_615] : memref<10240x128xf32, #tpu.memory_space<vmem_shared>> -> memref<10240x128xf32, #tpu.memory_space<vmem_shared>>
        tpu.enqueue_indirect_dma source(%arg10 : memref<64x128xf32, #tpu.memory_space<vmem>>) target(%dma_start3A_616 : memref<10240x128xf32, #tpu.memory_space<vmem_shared>>) offsets(%dma_start3A_613 : memref<64xi32, #tpu.memory_space<vmem>>) semaphore(%run_scoped3A_610 : memref<!tpu.dma_semaphore, #tpu.memory_space<semaphore_mem>>) {add = true}
        %dma_wait3A_617 = arith.constant 0 : i32
        %dma_wait3A_618 = tpu.memref_slice %arg7[%run_scoped3A_568, %dma_wait3A_617] : memref<8x64xi32, #tpu.memory_space<vmem>> -> memref<1x64xi32, #tpu.memory_space<vmem>>
        %dma_wait3A_619 = tpu.memref_squeeze %dma_wait3A_618 : memref<1x64xi32, #tpu.memory_space<vmem>> -> memref<64xi32, #tpu.memory_space<vmem>>
        %dma_wait3A_620 = arith.constant 0 : i32
        %dma_wait3A_621 = arith.constant 0 : i32
        %dma_wait3A_622 = tpu.memref_slice %arg12[%dma_wait3A_620, %dma_wait3A_621] : memref<10240x128xf32, #tpu.memory_space<vmem_shared>> -> memref<10240x128xf32, #tpu.memory_space<vmem_shared>>
        tpu.wait_indirect_dma semaphore(%run_scoped3A_610 : memref<!tpu.dma_semaphore, #tpu.memory_space<semaphore_mem>>) src(%arg10 : memref<64x128xf32, #tpu.memory_space<vmem>>) dst(%dma_wait3A_622 : memref<10240x128xf32, #tpu.memory_space<vmem_shared>>)
        tpu.yield
      }) : () -> ()
      %add3A_569 = arith.constant 8 : i32
      %add3A_570 = arith.addi %add3A_560, %add3A_569 : i32
      %lt3A_571 = arith.constant 160 : i32
      %lt3A_572 = arith.cmpi slt, %add3A_570, %lt3A_571 : i32
      %convert_element_type3A_573 = arith.extui %lt3A_572 : i1 to i32
      %cond3A_574 = arith.constant 0 : i32
      %cond3A_575 = arith.cmpi ne, %convert_element_type3A_573, %cond3A_574 : i32
      scf.if %cond3A_575 {
        %mul3A_610 = arith.constant 64 : i32
        %mul3A_611 = arith.muli %add3A_570, %mul3A_610 : i32
        %add3A_612 = arith.addi %mul3A_49, %mul3A_611 : i32
        %dma_start3A_613 = arith.constant 6 : i32
        %dma_start3A_614 = arith.constant 0 : i32
        %dma_start3A_615 = tpu.memref_slice %arg6[%dma_start3A_613, %dma_start3A_614] : memref<8x64xi32, #tpu.memory_space<vmem>> -> memref<1x64xi32, #tpu.memory_space<vmem>>
        %dma_start3A_616 = tpu.memref_squeeze %dma_start3A_615 : memref<1x64xi32, #tpu.memory_space<vmem>> -> memref<64xi32, #tpu.memory_space<vmem>>
        %dma_start3A_617 = tpu.memref_slice %arg3[%add3A_612] : memref<327680xi32, #tpu.memory_space<hbm>> -> memref<64xi32, #tpu.memory_space<hbm>>
        %dma_start3A_618 = arith.constant 0 : i32
        %dma_start3A_619 = tpu.memref_slice %arg6[%dma_start3A_613, %dma_start3A_618] : memref<8x64xi32, #tpu.memory_space<vmem>> -> memref<1x64xi32, #tpu.memory_space<vmem>>
        %dma_start3A_620 = tpu.memref_squeeze %dma_start3A_619 : memref<1x64xi32, #tpu.memory_space<vmem>> -> memref<64xi32, #tpu.memory_space<vmem>>
        %dma_start3A_621 = tpu.memref_slice %arg3[%add3A_612] : memref<327680xi32, #tpu.memory_space<hbm>> -> memref<64xi32, #tpu.memory_space<hbm>>
        tpu.enqueue_dma source(%dma_start3A_621 : memref<64xi32, #tpu.memory_space<hbm>>) target(%dma_start3A_620 : memref<64xi32, #tpu.memory_space<vmem>>) target_semaphore(%arg19 : memref<!tpu.dma_semaphore, #tpu.memory_space<semaphore_mem>>)
        %mul3A_622 = arith.constant 64 : i32
        %mul3A_623 = arith.muli %add3A_570, %mul3A_622 : i32
        %add3A_624 = arith.addi %mul3A_49, %mul3A_623 : i32
        %dma_start3A_625 = arith.constant 6 : i32
        %dma_start3A_626 = arith.constant 0 : i32
        %dma_start3A_627 = tpu.memref_slice %arg7[%dma_start3A_625, %dma_start3A_626] : memref<8x64xi32, #tpu.memory_space<vmem>> -> memref<1x64xi32, #tpu.memory_space<vmem>>
        %dma_start3A_628 = tpu.memref_squeeze %dma_start3A_627 : memref<1x64xi32, #tpu.memory_space<vmem>> -> memref<64xi32, #tpu.memory_space<vmem>>
        %dma_start3A_629 = tpu.memref_slice %arg4[%add3A_624] : memref<327680xi32, #tpu.memory_space<hbm>> -> memref<64xi32, #tpu.memory_space<hbm>>
        %dma_start3A_630 = arith.constant 0 : i32
        %dma_start3A_631 = tpu.memref_slice %arg7[%dma_start3A_625, %dma_start3A_630] : memref<8x64xi32, #tpu.memory_space<vmem>> -> memref<1x64xi32, #tpu.memory_space<vmem>>
        %dma_start3A_632 = tpu.memref_squeeze %dma_start3A_631 : memref<1x64xi32, #tpu.memory_space<vmem>> -> memref<64xi32, #tpu.memory_space<vmem>>
        %dma_start3A_633 = tpu.memref_slice %arg4[%add3A_624] : memref<327680xi32, #tpu.memory_space<hbm>> -> memref<64xi32, #tpu.memory_space<hbm>>
        tpu.enqueue_dma source(%dma_start3A_633 : memref<64xi32, #tpu.memory_space<hbm>>) target(%dma_start3A_632 : memref<64xi32, #tpu.memory_space<vmem>>) target_semaphore(%arg19 : memref<!tpu.dma_semaphore, #tpu.memory_space<semaphore_mem>>)
      } else {
      }
      %add3A_576 = arith.constant 4 : i32
      %add3A_577 = arith.addi %add3A_560, %add3A_576 : i32
      %lt3A_578 = arith.constant 160 : i32
      %lt3A_579 = arith.cmpi slt, %add3A_577, %lt3A_578 : i32
      %convert_element_type3A_580 = arith.extui %lt3A_579 : i1 to i32
      %cond3A_581 = arith.constant 0 : i32
      %cond3A_582 = arith.cmpi ne, %convert_element_type3A_580, %cond3A_581 : i32
      scf.if %cond3A_582 {
        %mul3A_610 = arith.constant 64 : i32
        %mul3A_611 = arith.muli %add3A_577, %mul3A_610 : i32
        %add3A_612 = arith.addi %mul3A_49, %mul3A_611 : i32
        %dma_wait3A_613 = arith.constant 2 : i32
        %dma_wait3A_614 = arith.constant 0 : i32
        %dma_wait3A_615 = tpu.memref_slice %arg6[%dma_wait3A_613, %dma_wait3A_614] : memref<8x64xi32, #tpu.memory_space<vmem>> -> memref<1x64xi32, #tpu.memory_space<vmem>>
        %dma_wait3A_616 = tpu.memref_squeeze %dma_wait3A_615 : memref<1x64xi32, #tpu.memory_space<vmem>> -> memref<64xi32, #tpu.memory_space<vmem>>
        %dma_wait3A_617 = tpu.memref_slice %arg3[%add3A_612] : memref<327680xi32, #tpu.memory_space<hbm>> -> memref<64xi32, #tpu.memory_space<hbm>>
        %dma_wait3A_618 = arith.constant 0 : i32
        %dma_wait3A_619 = tpu.memref_slice %arg6[%dma_wait3A_613, %dma_wait3A_618] : memref<8x64xi32, #tpu.memory_space<vmem>> -> memref<1x64xi32, #tpu.memory_space<vmem>>
        %dma_wait3A_620 = tpu.memref_squeeze %dma_wait3A_619 : memref<1x64xi32, #tpu.memory_space<vmem>> -> memref<64xi32, #tpu.memory_space<vmem>>
        %dma_wait3A_621 = tpu.memref_slice %arg3[%add3A_612] : memref<327680xi32, #tpu.memory_space<hbm>> -> memref<64xi32, #tpu.memory_space<hbm>>
        tpu.wait_dma2 semaphore(%arg15 : memref<!tpu.dma_semaphore, #tpu.memory_space<semaphore_mem>>) src(%dma_wait3A_621 : memref<64xi32, #tpu.memory_space<hbm>>) dst(%dma_wait3A_620 : memref<64xi32, #tpu.memory_space<vmem>>)
        %mul3A_622 = arith.constant 64 : i32
        %mul3A_623 = arith.muli %add3A_577, %mul3A_622 : i32
        %add3A_624 = arith.addi %mul3A_49, %mul3A_623 : i32
        %dma_wait3A_625 = arith.constant 2 : i32
        %dma_wait3A_626 = arith.constant 0 : i32
        %dma_wait3A_627 = tpu.memref_slice %arg7[%dma_wait3A_625, %dma_wait3A_626] : memref<8x64xi32, #tpu.memory_space<vmem>> -> memref<1x64xi32, #tpu.memory_space<vmem>>
        %dma_wait3A_628 = tpu.memref_squeeze %dma_wait3A_627 : memref<1x64xi32, #tpu.memory_space<vmem>> -> memref<64xi32, #tpu.memory_space<vmem>>
        %dma_wait3A_629 = tpu.memref_slice %arg4[%add3A_624] : memref<327680xi32, #tpu.memory_space<hbm>> -> memref<64xi32, #tpu.memory_space<hbm>>
        %dma_wait3A_630 = arith.constant 0 : i32
        %dma_wait3A_631 = tpu.memref_slice %arg7[%dma_wait3A_625, %dma_wait3A_630] : memref<8x64xi32, #tpu.memory_space<vmem>> -> memref<1x64xi32, #tpu.memory_space<vmem>>
        %dma_wait3A_632 = tpu.memref_squeeze %dma_wait3A_631 : memref<1x64xi32, #tpu.memory_space<vmem>> -> memref<64xi32, #tpu.memory_space<vmem>>
        %dma_wait3A_633 = tpu.memref_slice %arg4[%add3A_624] : memref<327680xi32, #tpu.memory_space<hbm>> -> memref<64xi32, #tpu.memory_space<hbm>>
        tpu.wait_dma2 semaphore(%arg15 : memref<!tpu.dma_semaphore, #tpu.memory_space<semaphore_mem>>) src(%dma_wait3A_633 : memref<64xi32, #tpu.memory_space<hbm>>) dst(%dma_wait3A_632 : memref<64xi32, #tpu.memory_space<vmem>>)
        %dma_start3A_634 = arith.constant 2 : i32
        %dma_start3A_635 = arith.constant 0 : i32
        %dma_start3A_636 = tpu.memref_slice %arg6[%dma_start3A_634, %dma_start3A_635] : memref<8x64xi32, #tpu.memory_space<vmem>> -> memref<1x64xi32, #tpu.memory_space<vmem>>
        %dma_start3A_637 = tpu.memref_squeeze %dma_start3A_636 : memref<1x64xi32, #tpu.memory_space<vmem>> -> memref<64xi32, #tpu.memory_space<vmem>>
        %dma_start3A_638 = arith.constant 0 : i32
        %dma_start3A_639 = arith.constant 0 : i32
        %dma_start3A_640 = tpu.memref_slice %arg2[%dma_start3A_638, %dma_start3A_639] : memref<10000x128xf32, #tpu.memory_space<hbm>> -> memref<10000x128xf32, #tpu.memory_space<hbm>>
        tpu.enqueue_indirect_dma source(%dma_start3A_640 : memref<10000x128xf32, #tpu.memory_space<hbm>>) target(%arg10 : memref<64x128xf32, #tpu.memory_space<vmem>>) offsets(%dma_start3A_637 : memref<64xi32, #tpu.memory_space<vmem>>) semaphore(%arg23 : memref<!tpu.dma_semaphore, #tpu.memory_space<semaphore_mem>>)
      } else {
      }
      %mul3A_583 = arith.constant 8 : i32
      %mul3A_584 = arith.muli %scan3A_403, %mul3A_583 : i32
      %add3A_585 = arith.constant 7 : i32
      %add3A_586 = arith.addi %mul3A_584, %add3A_585 : i32
      %dma_wait3A_587 = arith.constant 7 : i32
      %dma_wait3A_588 = arith.constant 0 : i32
      %dma_wait3A_589 = tpu.memref_slice %arg6[%dma_wait3A_587, %dma_wait3A_588] : memref<8x64xi32, #tpu.memory_space<vmem>> -> memref<1x64xi32, #tpu.memory_space<vmem>>
      %dma_wait3A_590 = tpu.memref_squeeze %dma_wait3A_589 : memref<1x64xi32, #tpu.memory_space<vmem>> -> memref<64xi32, #tpu.memory_space<vmem>>
      %dma_wait3A_591 = arith.constant 0 : i32
      %dma_wait3A_592 = arith.constant 0 : i32
      %dma_wait3A_593 = tpu.memref_slice %arg2[%dma_wait3A_591, %dma_wait3A_592] : memref<10000x128xf32, #tpu.memory_space<hbm>> -> memref<10000x128xf32, #tpu.memory_space<hbm>>
      tpu.wait_indirect_dma semaphore(%arg24 : memref<!tpu.dma_semaphore, #tpu.memory_space<semaphore_mem>>) src(%dma_wait3A_593 : memref<10000x128xf32, #tpu.memory_space<hbm>>) dst(%arg11 : memref<64x128xf32, #tpu.memory_space<vmem>>)
      %run_scoped3A_594 = arith.constant 7 : i32
      "tpu.region"() ({
        %run_scoped3A_610 = tpu.sem_alloc : memref<!tpu.dma_semaphore, #tpu.memory_space<semaphore_mem>>
        %dma_start3A_611 = arith.constant 0 : i32
        %dma_start3A_612 = tpu.memref_slice %arg7[%run_scoped3A_594, %dma_start3A_611] : memref<8x64xi32, #tpu.memory_space<vmem>> -> memref<1x64xi32, #tpu.memory_space<vmem>>
        %dma_start3A_613 = tpu.memref_squeeze %dma_start3A_612 : memref<1x64xi32, #tpu.memory_space<vmem>> -> memref<64xi32, #tpu.memory_space<vmem>>
        %dma_start3A_614 = arith.constant 0 : i32
        %dma_start3A_615 = arith.constant 0 : i32
        %dma_start3A_616 = tpu.memref_slice %arg12[%dma_start3A_614, %dma_start3A_615] : memref<10240x128xf32, #tpu.memory_space<vmem_shared>> -> memref<10240x128xf32, #tpu.memory_space<vmem_shared>>
        tpu.enqueue_indirect_dma source(%arg11 : memref<64x128xf32, #tpu.memory_space<vmem>>) target(%dma_start3A_616 : memref<10240x128xf32, #tpu.memory_space<vmem_shared>>) offsets(%dma_start3A_613 : memref<64xi32, #tpu.memory_space<vmem>>) semaphore(%run_scoped3A_610 : memref<!tpu.dma_semaphore, #tpu.memory_space<semaphore_mem>>) {add = true}
        %dma_wait3A_617 = arith.constant 0 : i32
        %dma_wait3A_618 = tpu.memref_slice %arg7[%run_scoped3A_594, %dma_wait3A_617] : memref<8x64xi32, #tpu.memory_space<vmem>> -> memref<1x64xi32, #tpu.memory_space<vmem>>
        %dma_wait3A_619 = tpu.memref_squeeze %dma_wait3A_618 : memref<1x64xi32, #tpu.memory_space<vmem>> -> memref<64xi32, #tpu.memory_space<vmem>>
        %dma_wait3A_620 = arith.constant 0 : i32
        %dma_wait3A_621 = arith.constant 0 : i32
        %dma_wait3A_622 = tpu.memref_slice %arg12[%dma_wait3A_620, %dma_wait3A_621] : memref<10240x128xf32, #tpu.memory_space<vmem_shared>> -> memref<10240x128xf32, #tpu.memory_space<vmem_shared>>
        tpu.wait_indirect_dma semaphore(%run_scoped3A_610 : memref<!tpu.dma_semaphore, #tpu.memory_space<semaphore_mem>>) src(%arg11 : memref<64x128xf32, #tpu.memory_space<vmem>>) dst(%dma_wait3A_622 : memref<10240x128xf32, #tpu.memory_space<vmem_shared>>)
        tpu.yield
      }) : () -> ()
      %add3A_595 = arith.constant 8 : i32
      %add3A_596 = arith.addi %add3A_586, %add3A_595 : i32
      %lt3A_597 = arith.constant 160 : i32
      %lt3A_598 = arith.cmpi slt, %add3A_596, %lt3A_597 : i32
      %convert_element_type3A_599 = arith.extui %lt3A_598 : i1 to i32
      %cond3A_600 = arith.constant 0 : i32
      %cond3A_601 = arith.cmpi ne, %convert_element_type3A_599, %cond3A_600 : i32
      scf.if %cond3A_601 {
        %mul3A_610 = arith.constant 64 : i32
        %mul3A_611 = arith.muli %add3A_596, %mul3A_610 : i32
        %add3A_612 = arith.addi %mul3A_49, %mul3A_611 : i32
        %dma_start3A_613 = arith.constant 7 : i32
        %dma_start3A_614 = arith.constant 0 : i32
        %dma_start3A_615 = tpu.memref_slice %arg6[%dma_start3A_613, %dma_start3A_614] : memref<8x64xi32, #tpu.memory_space<vmem>> -> memref<1x64xi32, #tpu.memory_space<vmem>>
        %dma_start3A_616 = tpu.memref_squeeze %dma_start3A_615 : memref<1x64xi32, #tpu.memory_space<vmem>> -> memref<64xi32, #tpu.memory_space<vmem>>
        %dma_start3A_617 = tpu.memref_slice %arg3[%add3A_612] : memref<327680xi32, #tpu.memory_space<hbm>> -> memref<64xi32, #tpu.memory_space<hbm>>
        %dma_start3A_618 = arith.constant 0 : i32
        %dma_start3A_619 = tpu.memref_slice %arg6[%dma_start3A_613, %dma_start3A_618] : memref<8x64xi32, #tpu.memory_space<vmem>> -> memref<1x64xi32, #tpu.memory_space<vmem>>
        %dma_start3A_620 = tpu.memref_squeeze %dma_start3A_619 : memref<1x64xi32, #tpu.memory_space<vmem>> -> memref<64xi32, #tpu.memory_space<vmem>>
        %dma_start3A_621 = tpu.memref_slice %arg3[%add3A_612] : memref<327680xi32, #tpu.memory_space<hbm>> -> memref<64xi32, #tpu.memory_space<hbm>>
        tpu.enqueue_dma source(%dma_start3A_621 : memref<64xi32, #tpu.memory_space<hbm>>) target(%dma_start3A_620 : memref<64xi32, #tpu.memory_space<vmem>>) target_semaphore(%arg20 : memref<!tpu.dma_semaphore, #tpu.memory_space<semaphore_mem>>)
        %mul3A_622 = arith.constant 64 : i32
        %mul3A_623 = arith.muli %add3A_596, %mul3A_622 : i32
        %add3A_624 = arith.addi %mul3A_49, %mul3A_623 : i32
        %dma_start3A_625 = arith.constant 7 : i32
        %dma_start3A_626 = arith.constant 0 : i32
        %dma_start3A_627 = tpu.memref_slice %arg7[%dma_start3A_625, %dma_start3A_626] : memref<8x64xi32, #tpu.memory_space<vmem>> -> memref<1x64xi32, #tpu.memory_space<vmem>>
        %dma_start3A_628 = tpu.memref_squeeze %dma_start3A_627 : memref<1x64xi32, #tpu.memory_space<vmem>> -> memref<64xi32, #tpu.memory_space<vmem>>
        %dma_start3A_629 = tpu.memref_slice %arg4[%add3A_624] : memref<327680xi32, #tpu.memory_space<hbm>> -> memref<64xi32, #tpu.memory_space<hbm>>
        %dma_start3A_630 = arith.constant 0 : i32
        %dma_start3A_631 = tpu.memref_slice %arg7[%dma_start3A_625, %dma_start3A_630] : memref<8x64xi32, #tpu.memory_space<vmem>> -> memref<1x64xi32, #tpu.memory_space<vmem>>
        %dma_start3A_632 = tpu.memref_squeeze %dma_start3A_631 : memref<1x64xi32, #tpu.memory_space<vmem>> -> memref<64xi32, #tpu.memory_space<vmem>>
        %dma_start3A_633 = tpu.memref_slice %arg4[%add3A_624] : memref<327680xi32, #tpu.memory_space<hbm>> -> memref<64xi32, #tpu.memory_space<hbm>>
        tpu.enqueue_dma source(%dma_start3A_633 : memref<64xi32, #tpu.memory_space<hbm>>) target(%dma_start3A_632 : memref<64xi32, #tpu.memory_space<vmem>>) target_semaphore(%arg20 : memref<!tpu.dma_semaphore, #tpu.memory_space<semaphore_mem>>)
      } else {
      }
      %add3A_602 = arith.constant 4 : i32
      %add3A_603 = arith.addi %add3A_586, %add3A_602 : i32
      %lt3A_604 = arith.constant 160 : i32
      %lt3A_605 = arith.cmpi slt, %add3A_603, %lt3A_604 : i32
      %convert_element_type3A_606 = arith.extui %lt3A_605 : i1 to i32
      %cond3A_607 = arith.constant 0 : i32
      %cond3A_608 = arith.cmpi ne, %convert_element_type3A_606, %cond3A_607 : i32
      scf.if %cond3A_608 {
        %mul3A_610 = arith.constant 64 : i32
        %mul3A_611 = arith.muli %add3A_603, %mul3A_610 : i32
        %add3A_612 = arith.addi %mul3A_49, %mul3A_611 : i32
        %dma_wait3A_613 = arith.constant 3 : i32
        %dma_wait3A_614 = arith.constant 0 : i32
        %dma_wait3A_615 = tpu.memref_slice %arg6[%dma_wait3A_613, %dma_wait3A_614] : memref<8x64xi32, #tpu.memory_space<vmem>> -> memref<1x64xi32, #tpu.memory_space<vmem>>
        %dma_wait3A_616 = tpu.memref_squeeze %dma_wait3A_615 : memref<1x64xi32, #tpu.memory_space<vmem>> -> memref<64xi32, #tpu.memory_space<vmem>>
        %dma_wait3A_617 = tpu.memref_slice %arg3[%add3A_612] : memref<327680xi32, #tpu.memory_space<hbm>> -> memref<64xi32, #tpu.memory_space<hbm>>
        %dma_wait3A_618 = arith.constant 0 : i32
        %dma_wait3A_619 = tpu.memref_slice %arg6[%dma_wait3A_613, %dma_wait3A_618] : memref<8x64xi32, #tpu.memory_space<vmem>> -> memref<1x64xi32, #tpu.memory_space<vmem>>
        %dma_wait3A_620 = tpu.memref_squeeze %dma_wait3A_619 : memref<1x64xi32, #tpu.memory_space<vmem>> -> memref<64xi32, #tpu.memory_space<vmem>>
        %dma_wait3A_621 = tpu.memref_slice %arg3[%add3A_612] : memref<327680xi32, #tpu.memory_space<hbm>> -> memref<64xi32, #tpu.memory_space<hbm>>
        tpu.wait_dma2 semaphore(%arg16 : memref<!tpu.dma_semaphore, #tpu.memory_space<semaphore_mem>>) src(%dma_wait3A_621 : memref<64xi32, #tpu.memory_space<hbm>>) dst(%dma_wait3A_620 : memref<64xi32, #tpu.memory_space<vmem>>)
        %mul3A_622 = arith.constant 64 : i32
        %mul3A_623 = arith.muli %add3A_603, %mul3A_622 : i32
        %add3A_624 = arith.addi %mul3A_49, %mul3A_623 : i32
        %dma_wait3A_625 = arith.constant 3 : i32
        %dma_wait3A_626 = arith.constant 0 : i32
        %dma_wait3A_627 = tpu.memref_slice %arg7[%dma_wait3A_625, %dma_wait3A_626] : memref<8x64xi32, #tpu.memory_space<vmem>> -> memref<1x64xi32, #tpu.memory_space<vmem>>
        %dma_wait3A_628 = tpu.memref_squeeze %dma_wait3A_627 : memref<1x64xi32, #tpu.memory_space<vmem>> -> memref<64xi32, #tpu.memory_space<vmem>>
        %dma_wait3A_629 = tpu.memref_slice %arg4[%add3A_624] : memref<327680xi32, #tpu.memory_space<hbm>> -> memref<64xi32, #tpu.memory_space<hbm>>
        %dma_wait3A_630 = arith.constant 0 : i32
        %dma_wait3A_631 = tpu.memref_slice %arg7[%dma_wait3A_625, %dma_wait3A_630] : memref<8x64xi32, #tpu.memory_space<vmem>> -> memref<1x64xi32, #tpu.memory_space<vmem>>
        %dma_wait3A_632 = tpu.memref_squeeze %dma_wait3A_631 : memref<1x64xi32, #tpu.memory_space<vmem>> -> memref<64xi32, #tpu.memory_space<vmem>>
        %dma_wait3A_633 = tpu.memref_slice %arg4[%add3A_624] : memref<327680xi32, #tpu.memory_space<hbm>> -> memref<64xi32, #tpu.memory_space<hbm>>
        tpu.wait_dma2 semaphore(%arg16 : memref<!tpu.dma_semaphore, #tpu.memory_space<semaphore_mem>>) src(%dma_wait3A_633 : memref<64xi32, #tpu.memory_space<hbm>>) dst(%dma_wait3A_632 : memref<64xi32, #tpu.memory_space<vmem>>)
        %dma_start3A_634 = arith.constant 3 : i32
        %dma_start3A_635 = arith.constant 0 : i32
        %dma_start3A_636 = tpu.memref_slice %arg6[%dma_start3A_634, %dma_start3A_635] : memref<8x64xi32, #tpu.memory_space<vmem>> -> memref<1x64xi32, #tpu.memory_space<vmem>>
        %dma_start3A_637 = tpu.memref_squeeze %dma_start3A_636 : memref<1x64xi32, #tpu.memory_space<vmem>> -> memref<64xi32, #tpu.memory_space<vmem>>
        %dma_start3A_638 = arith.constant 0 : i32
        %dma_start3A_639 = arith.constant 0 : i32
        %dma_start3A_640 = tpu.memref_slice %arg2[%dma_start3A_638, %dma_start3A_639] : memref<10000x128xf32, #tpu.memory_space<hbm>> -> memref<10000x128xf32, #tpu.memory_space<hbm>>
        tpu.enqueue_indirect_dma source(%dma_start3A_640 : memref<10000x128xf32, #tpu.memory_space<hbm>>) target(%arg11 : memref<64x128xf32, #tpu.memory_space<vmem>>) offsets(%dma_start3A_637 : memref<64xi32, #tpu.memory_space<vmem>>) semaphore(%arg24 : memref<!tpu.dma_semaphore, #tpu.memory_space<semaphore_mem>>)
      } else {
      }
      %scan3A_609 = arith.constant 0 : i32
      scf.yield %scan3A_609 : i32
    }
    %scan3A_346 = arith.constant 20 : i32
    %barrier3A_347 = arith.constant 0 : index
    tpu.barrier barrier_id(%barrier3A_347)
    %mul3A_348 = arith.constant 640 : i32
    %mul3A_349 = arith.muli %arg1, %mul3A_348 : i32
    %add3A_350 = arith.constant 0 : i32
    %add3A_351 = arith.addi %mul3A_349, %add3A_350 : i32
    %mul3A_352 = arith.constant 10240 : i32
    %mul3A_353 = arith.muli %arg0, %mul3A_352 : i32
    %mul3A_354 = arith.constant 640 : i32
    %mul3A_355 = arith.muli %arg1, %mul3A_354 : i32
    %add3A_356 = arith.addi %mul3A_353, %mul3A_355 : i32
    %add3A_357 = arith.constant 0 : i32
    %add3A_358 = arith.addi %add3A_356, %add3A_357 : i32
    "tpu.region"() ({
      %run_scoped3A = tpu.sem_alloc : memref<!tpu.dma_semaphore, #tpu.memory_space<semaphore_mem>>
      %dma_start3A_403 = arith.constant 0 : i32
      %dma_start3A_404 = tpu.memref_slice %arg5[%add3A_358, %dma_start3A_403] : memref<20480x128xf32, #tpu.memory_space<hbm>> -> memref<128x128xf32, #tpu.memory_space<hbm>>
      %dma_start3A_405 = arith.constant 0 : i32
      %dma_start3A_406 = tpu.memref_slice %arg12[%add3A_351, %dma_start3A_405] : memref<10240x128xf32, #tpu.memory_space<vmem_shared>> -> memref<128x128xf32, #tpu.memory_space<vmem_shared>>
      tpu.enqueue_dma source(%dma_start3A_406 : memref<128x128xf32, #tpu.memory_space<vmem_shared>>) target(%dma_start3A_404 : memref<128x128xf32, #tpu.memory_space<hbm>>) target_semaphore(%run_scoped3A : memref<!tpu.dma_semaphore, #tpu.memory_space<semaphore_mem>>)
      %dma_wait3A_407 = arith.constant 0 : i32
      %dma_wait3A_408 = tpu.memref_slice %arg5[%add3A_358, %dma_wait3A_407] : memref<20480x128xf32, #tpu.memory_space<hbm>> -> memref<128x128xf32, #tpu.memory_space<hbm>>
      %dma_wait3A_409 = arith.constant 0 : i32
      %dma_wait3A_410 = tpu.memref_slice %arg12[%add3A_351, %dma_wait3A_409] : memref<10240x128xf32, #tpu.memory_space<vmem_shared>> -> memref<128x128xf32, #tpu.memory_space<vmem_shared>>
      tpu.wait_dma2 semaphore(%run_scoped3A : memref<!tpu.dma_semaphore, #tpu.memory_space<semaphore_mem>>) src(%dma_wait3A_410 : memref<128x128xf32, #tpu.memory_space<vmem_shared>>) dst(%dma_wait3A_408 : memref<128x128xf32, #tpu.memory_space<hbm>>)
      tpu.yield
    }) : () -> ()
    %mul3A_359 = arith.constant 640 : i32
    %mul3A_360 = arith.muli %arg1, %mul3A_359 : i32
    %add3A_361 = arith.constant 128 : i32
    %add3A_362 = arith.addi %mul3A_360, %add3A_361 : i32
    %mul3A_363 = arith.constant 10240 : i32
    %mul3A_364 = arith.muli %arg0, %mul3A_363 : i32
    %mul3A_365 = arith.constant 640 : i32
    %mul3A_366 = arith.muli %arg1, %mul3A_365 : i32
    %add3A_367 = arith.addi %mul3A_364, %mul3A_366 : i32
    %add3A_368 = arith.constant 128 : i32
    %add3A_369 = arith.addi %add3A_367, %add3A_368 : i32
    "tpu.region"() ({
      %run_scoped3A = tpu.sem_alloc : memref<!tpu.dma_semaphore, #tpu.memory_space<semaphore_mem>>
      %dma_start3A_403 = arith.constant 0 : i32
      %dma_start3A_404 = tpu.memref_slice %arg5[%add3A_369, %dma_start3A_403] : memref<20480x128xf32, #tpu.memory_space<hbm>> -> memref<128x128xf32, #tpu.memory_space<hbm>>
      %dma_start3A_405 = arith.constant 0 : i32
      %dma_start3A_406 = tpu.memref_slice %arg12[%add3A_362, %dma_start3A_405] : memref<10240x128xf32, #tpu.memory_space<vmem_shared>> -> memref<128x128xf32, #tpu.memory_space<vmem_shared>>
      tpu.enqueue_dma source(%dma_start3A_406 : memref<128x128xf32, #tpu.memory_space<vmem_shared>>) target(%dma_start3A_404 : memref<128x128xf32, #tpu.memory_space<hbm>>) target_semaphore(%run_scoped3A : memref<!tpu.dma_semaphore, #tpu.memory_space<semaphore_mem>>)
      %dma_wait3A_407 = arith.constant 0 : i32
      %dma_wait3A_408 = tpu.memref_slice %arg5[%add3A_369, %dma_wait3A_407] : memref<20480x128xf32, #tpu.memory_space<hbm>> -> memref<128x128xf32, #tpu.memory_space<hbm>>
      %dma_wait3A_409 = arith.constant 0 : i32
      %dma_wait3A_410 = tpu.memref_slice %arg12[%add3A_362, %dma_wait3A_409] : memref<10240x128xf32, #tpu.memory_space<vmem_shared>> -> memref<128x128xf32, #tpu.memory_space<vmem_shared>>
      tpu.wait_dma2 semaphore(%run_scoped3A : memref<!tpu.dma_semaphore, #tpu.memory_space<semaphore_mem>>) src(%dma_wait3A_410 : memref<128x128xf32, #tpu.memory_space<vmem_shared>>) dst(%dma_wait3A_408 : memref<128x128xf32, #tpu.memory_space<hbm>>)
      tpu.yield
    }) : () -> ()
    %mul3A_370 = arith.constant 640 : i32
    %mul3A_371 = arith.muli %arg1, %mul3A_370 : i32
    %add3A_372 = arith.constant 256 : i32
    %add3A_373 = arith.addi %mul3A_371, %add3A_372 : i32
    %mul3A_374 = arith.constant 10240 : i32
    %mul3A_375 = arith.muli %arg0, %mul3A_374 : i32
    %mul3A_376 = arith.constant 640 : i32
    %mul3A_377 = arith.muli %arg1, %mul3A_376 : i32
    %add3A_378 = arith.addi %mul3A_375, %mul3A_377 : i32
    %add3A_379 = arith.constant 256 : i32
    %add3A_380 = arith.addi %add3A_378, %add3A_379 : i32
    "tpu.region"() ({
      %run_scoped3A = tpu.sem_alloc : memref<!tpu.dma_semaphore, #tpu.memory_space<semaphore_mem>>
      %dma_start3A_403 = arith.constant 0 : i32
      %dma_start3A_404 = tpu.memref_slice %arg5[%add3A_380, %dma_start3A_403] : memref<20480x128xf32, #tpu.memory_space<hbm>> -> memref<128x128xf32, #tpu.memory_space<hbm>>
      %dma_start3A_405 = arith.constant 0 : i32
      %dma_start3A_406 = tpu.memref_slice %arg12[%add3A_373, %dma_start3A_405] : memref<10240x128xf32, #tpu.memory_space<vmem_shared>> -> memref<128x128xf32, #tpu.memory_space<vmem_shared>>
      tpu.enqueue_dma source(%dma_start3A_406 : memref<128x128xf32, #tpu.memory_space<vmem_shared>>) target(%dma_start3A_404 : memref<128x128xf32, #tpu.memory_space<hbm>>) target_semaphore(%run_scoped3A : memref<!tpu.dma_semaphore, #tpu.memory_space<semaphore_mem>>)
      %dma_wait3A_407 = arith.constant 0 : i32
      %dma_wait3A_408 = tpu.memref_slice %arg5[%add3A_380, %dma_wait3A_407] : memref<20480x128xf32, #tpu.memory_space<hbm>> -> memref<128x128xf32, #tpu.memory_space<hbm>>
      %dma_wait3A_409 = arith.constant 0 : i32
      %dma_wait3A_410 = tpu.memref_slice %arg12[%add3A_373, %dma_wait3A_409] : memref<10240x128xf32, #tpu.memory_space<vmem_shared>> -> memref<128x128xf32, #tpu.memory_space<vmem_shared>>
      tpu.wait_dma2 semaphore(%run_scoped3A : memref<!tpu.dma_semaphore, #tpu.memory_space<semaphore_mem>>) src(%dma_wait3A_410 : memref<128x128xf32, #tpu.memory_space<vmem_shared>>) dst(%dma_wait3A_408 : memref<128x128xf32, #tpu.memory_space<hbm>>)
      tpu.yield
    }) : () -> ()
    %mul3A_381 = arith.constant 640 : i32
    %mul3A_382 = arith.muli %arg1, %mul3A_381 : i32
    %add3A_383 = arith.constant 384 : i32
    %add3A_384 = arith.addi %mul3A_382, %add3A_383 : i32
    %mul3A_385 = arith.constant 10240 : i32
    %mul3A_386 = arith.muli %arg0, %mul3A_385 : i32
    %mul3A_387 = arith.constant 640 : i32
    %mul3A_388 = arith.muli %arg1, %mul3A_387 : i32
    %add3A_389 = arith.addi %mul3A_386, %mul3A_388 : i32
    %add3A_390 = arith.constant 384 : i32
    %add3A_391 = arith.addi %add3A_389, %add3A_390 : i32
    "tpu.region"() ({
      %run_scoped3A = tpu.sem_alloc : memref<!tpu.dma_semaphore, #tpu.memory_space<semaphore_mem>>
      %dma_start3A_403 = arith.constant 0 : i32
      %dma_start3A_404 = tpu.memref_slice %arg5[%add3A_391, %dma_start3A_403] : memref<20480x128xf32, #tpu.memory_space<hbm>> -> memref<128x128xf32, #tpu.memory_space<hbm>>
      %dma_start3A_405 = arith.constant 0 : i32
      %dma_start3A_406 = tpu.memref_slice %arg12[%add3A_384, %dma_start3A_405] : memref<10240x128xf32, #tpu.memory_space<vmem_shared>> -> memref<128x128xf32, #tpu.memory_space<vmem_shared>>
      tpu.enqueue_dma source(%dma_start3A_406 : memref<128x128xf32, #tpu.memory_space<vmem_shared>>) target(%dma_start3A_404 : memref<128x128xf32, #tpu.memory_space<hbm>>) target_semaphore(%run_scoped3A : memref<!tpu.dma_semaphore, #tpu.memory_space<semaphore_mem>>)
      %dma_wait3A_407 = arith.constant 0 : i32
      %dma_wait3A_408 = tpu.memref_slice %arg5[%add3A_391, %dma_wait3A_407] : memref<20480x128xf32, #tpu.memory_space<hbm>> -> memref<128x128xf32, #tpu.memory_space<hbm>>
      %dma_wait3A_409 = arith.constant 0 : i32
      %dma_wait3A_410 = tpu.memref_slice %arg12[%add3A_384, %dma_wait3A_409] : memref<10240x128xf32, #tpu.memory_space<vmem_shared>> -> memref<128x128xf32, #tpu.memory_space<vmem_shared>>
      tpu.wait_dma2 semaphore(%run_scoped3A : memref<!tpu.dma_semaphore, #tpu.memory_space<semaphore_mem>>) src(%dma_wait3A_410 : memref<128x128xf32, #tpu.memory_space<vmem_shared>>) dst(%dma_wait3A_408 : memref<128x128xf32, #tpu.memory_space<hbm>>)
      tpu.yield
    }) : () -> ()
    %mul3A_392 = arith.constant 640 : i32
    %mul3A_393 = arith.muli %arg1, %mul3A_392 : i32
    %add3A_394 = arith.constant 512 : i32
    %add3A_395 = arith.addi %mul3A_393, %add3A_394 : i32
    %mul3A_396 = arith.constant 10240 : i32
    %mul3A_397 = arith.muli %arg0, %mul3A_396 : i32
    %mul3A_398 = arith.constant 640 : i32
    %mul3A_399 = arith.muli %arg1, %mul3A_398 : i32
    %add3A_400 = arith.addi %mul3A_397, %mul3A_399 : i32
    %add3A_401 = arith.constant 512 : i32
    %add3A_402 = arith.addi %add3A_400, %add3A_401 : i32
    "tpu.region"() ({
      %run_scoped3A = tpu.sem_alloc : memref<!tpu.dma_semaphore, #tpu.memory_space<semaphore_mem>>
      %dma_start3A_403 = arith.constant 0 : i32
      %dma_start3A_404 = tpu.memref_slice %arg5[%add3A_402, %dma_start3A_403] : memref<20480x128xf32, #tpu.memory_space<hbm>> -> memref<128x128xf32, #tpu.memory_space<hbm>>
      %dma_start3A_405 = arith.constant 0 : i32
      %dma_start3A_406 = tpu.memref_slice %arg12[%add3A_395, %dma_start3A_405] : memref<10240x128xf32, #tpu.memory_space<vmem_shared>> -> memref<128x128xf32, #tpu.memory_space<vmem_shared>>
      tpu.enqueue_dma source(%dma_start3A_406 : memref<128x128xf32, #tpu.memory_space<vmem_shared>>) target(%dma_start3A_404 : memref<128x128xf32, #tpu.memory_space<hbm>>) target_semaphore(%run_scoped3A : memref<!tpu.dma_semaphore, #tpu.memory_space<semaphore_mem>>)
      %dma_wait3A_407 = arith.constant 0 : i32
      %dma_wait3A_408 = tpu.memref_slice %arg5[%add3A_402, %dma_wait3A_407] : memref<20480x128xf32, #tpu.memory_space<hbm>> -> memref<128x128xf32, #tpu.memory_space<hbm>>
      %dma_wait3A_409 = arith.constant 0 : i32
      %dma_wait3A_410 = tpu.memref_slice %arg12[%add3A_395, %dma_wait3A_409] : memref<10240x128xf32, #tpu.memory_space<vmem_shared>> -> memref<128x128xf32, #tpu.memory_space<vmem_shared>>
      tpu.wait_dma2 semaphore(%run_scoped3A : memref<!tpu.dma_semaphore, #tpu.memory_space<semaphore_mem>>) src(%dma_wait3A_410 : memref<128x128xf32, #tpu.memory_space<vmem_shared>>) dst(%dma_wait3A_408 : memref<128x128xf32, #tpu.memory_space<hbm>>)
      tpu.yield
    }) : () -> ()
    return
  }
}

module attributes {stable_mosaic.version = 14 : i64} {
  func.func @_pre_body(%arg0: i32, %arg1: memref<2x1024x128xf32, #tpu.memory_space<vmem>>, %arg2: memref<1024x128xf32, #tpu.memory_space<vmem>>, %arg3: memref<128x128xf32, #tpu.memory_space<vmem>>, %arg4: memref<1024x128xf32, #tpu.memory_space<vmem>>, %arg5: memref<1024x128xf32, #tpu.memory_space<vmem>>) attributes {dimension_semantics = [#tpu.dimension_semantics<arbitrary>], iteration_bounds = array<i64: 10>, scalar_prefetch = 0 : i64, scratch_operands = 0 : i64, tpu.core_type = #tpu.core_type<tc>, window_params = [{transform_indices = @transform_0, window_bounds = array<i64: 2, 1024, 128>}, {transform_indices = @transform_1, window_bounds = array<i64: 1024, 128>}, {pipeline_mode = #tpu.pipeline_mode<synchronous>, transform_indices = @transform_2, window_bounds = array<i64: 128, 128>}, {transform_indices = @transform_3, window_bounds = array<i64: 1024, 128>}, {transform_indices = @transform_4, window_bounds = array<i64: 1024, 128>}]} {
    %get3A = arith.constant 0 : index
    %get3A_0 = arith.constant 0 : index
    %get3A_1 = arith.constant 0 : index
    %get3A_2 = vector.load %arg1[%get3A, %get3A_0, %get3A_1] : memref<2x1024x128xf32, #tpu.memory_space<vmem>>, vector<1x1024x128xf32>
    %get3A_3 = vector.shape_cast %get3A_2 : vector<1x1024x128xf32> to vector<1024x128xf32>
    %get3A_4 = arith.constant 1 : index
    %get3A_5 = arith.constant 0 : index
    %get3A_6 = arith.constant 0 : index
    %get3A_7 = vector.load %arg1[%get3A_4, %get3A_5, %get3A_6] : memref<2x1024x128xf32, #tpu.memory_space<vmem>>, vector<1x1024x128xf32>
    %get3A_8 = vector.shape_cast %get3A_7 : vector<1x1024x128xf32> to vector<1024x128xf32>
    %add3A = arith.addf %get3A_3, %get3A_8 : vector<1024x128xf32>
    %add3A_9 = arith.constant 1.000000e+00 : f32
    %add3A_10 = vector.broadcast %add3A_9 : f32 to vector<1024x128xf32>
    %add3A_11 = arith.addf %add3A, %add3A_10 : vector<1024x128xf32>
    %max3A = arith.constant 9.99999996E-13 : f32
    %max3A_12 = vector.broadcast %max3A : f32 to vector<1024x128xf32>
    %max3A_13 = arith.maximumf %add3A_11, %max3A_12 : vector<1024x128xf32>
    %rsqrt3A = math.rsqrt %max3A_13 : vector<1024x128xf32>
    %get3A_14 = arith.constant 0 : index
    %get3A_15 = arith.constant 0 : index
    %get3A_16 = vector.load %arg2[%get3A_14, %get3A_15] : memref<1024x128xf32, #tpu.memory_space<vmem>>, vector<1024x128xf32>
    %get3A_17 = arith.constant 0 : index
    %get3A_18 = arith.constant 0 : index
    %get3A_19 = vector.load %arg3[%get3A_17, %get3A_18] : memref<128x128xf32, #tpu.memory_space<vmem>>, vector<128x128xf32>
    %dot_general3A = arith.constant dense<0.000000e+00> : vector<1024x128xf32>
    %dot_general3A_20 = tpu.matmul %get3A_16, %get3A_19, %dot_general3A {dimension_numbers = #tpu.dot_dimension_numbers<[1], [0], [0], [1], [0, 0, 1, 1], [], []>, transpose_lhs_hint = false} : vector<1024x128xf32>, vector<128x128xf32>, vector<1024x128xf32> -> vector<1024x128xf32>
    %swap3A = arith.constant 0 : index
    %swap3A_21 = arith.constant 0 : index
    %swap3A_22 = vector.load %arg4[%swap3A, %swap3A_21] : memref<1024x128xf32, #tpu.memory_space<vmem>>, vector<1024x128xf32>
    tpu.vector_store %arg4[%swap3A, %swap3A_21], %rsqrt3A {strides = array<i32>} : memref<1024x128xf32, #tpu.memory_space<vmem>>, vector<1024x128xf32>,
    %mul3A = arith.mulf %dot_general3A_20, %rsqrt3A : vector<1024x128xf32>
    %swap3A_23 = arith.constant 0 : index
    %swap3A_24 = arith.constant 0 : index
    %swap3A_25 = vector.load %arg5[%swap3A_23, %swap3A_24] : memref<1024x128xf32, #tpu.memory_space<vmem>>, vector<1024x128xf32>
    tpu.vector_store %arg5[%swap3A_23, %swap3A_24], %mul3A {strides = array<i32>} : memref<1024x128xf32, #tpu.memory_space<vmem>>, vector<1024x128xf32>,
    return
  }
  func.func @transform_0(%arg0: i32) -> (i32, i32, i32) {
    %c0_i32 = arith.constant 0 : i32
    %c0_i32_0 = arith.constant 0 : i32
    %c0_i32_1 = arith.constant 0 : i32
    return %c0_i32, %arg0, %c0_i32_0 : i32, i32, i32
  }
  func.func @transform_1(%arg0: i32) -> (i32, i32) {
    %c0_i32 = arith.constant 0 : i32
    %c0_i32_0 = arith.constant 0 : i32
    return %arg0, %c0_i32 : i32, i32
  }
  func.func @transform_2(%arg0: i32) -> (i32, i32) {
    %c0_i32 = arith.constant 0 : i32
    %c0_i32_0 = arith.constant 0 : i32
    %c0_i32_1 = arith.constant 0 : i32
    return %c0_i32, %c0_i32_0 : i32, i32
  }
  func.func @transform_3(%arg0: i32) -> (i32, i32) {
    %c0_i32 = arith.constant 0 : i32
    %c0_i32_0 = arith.constant 0 : i32
    return %arg0, %c0_i32 : i32, i32
  }
  func.func @transform_4(%arg0: i32) -> (i32, i32) {
    %c0_i32 = arith.constant 0 : i32
    %c0_i32_0 = arith.constant 0 : i32
    return %arg0, %c0_i32 : i32, i32
  }
}

module attributes {stable_mosaic.version = 14 : i64} {
  func.func @_mid_body(%arg0: i32, %arg1: memref<2x1024x128xf32, #tpu.memory_space<vmem>>, %arg2: memref<1024x128xf32, #tpu.memory_space<vmem>>, %arg3: memref<1024x128xf32, #tpu.memory_space<vmem>>, %arg4: memref<1x128xf32, #tpu.memory_space<vmem>>, %arg5: memref<128x128xf32, #tpu.memory_space<vmem>>, %arg6: memref<1024x128xf32, #tpu.memory_space<vmem>>) attributes {dimension_semantics = [#tpu.dimension_semantics<arbitrary>], iteration_bounds = array<i64: 10>, scalar_prefetch = 0 : i64, scratch_operands = 0 : i64, tpu.core_type = #tpu.core_type<tc>, window_params = [{transform_indices = @transform_0, window_bounds = array<i64: 2, 1024, 128>}, {transform_indices = @transform_1, window_bounds = array<i64: 1024, 128>}, {transform_indices = @transform_2, window_bounds = array<i64: 1024, 128>}, {pipeline_mode = #tpu.pipeline_mode<synchronous>, transform_indices = @transform_3, window_bounds = array<i64: 1, 128>}, {pipeline_mode = #tpu.pipeline_mode<synchronous>, transform_indices = @transform_4, window_bounds = array<i64: 128, 128>}, {transform_indices = @transform_5, window_bounds = array<i64: 1024, 128>}]} {
    %get3A = arith.constant 0 : index
    %get3A_0 = arith.constant 0 : index
    %get3A_1 = arith.constant 0 : index
    %get3A_2 = vector.load %arg1[%get3A, %get3A_0, %get3A_1] : memref<2x1024x128xf32, #tpu.memory_space<vmem>>, vector<1x1024x128xf32>
    %get3A_3 = vector.shape_cast %get3A_2 : vector<1x1024x128xf32> to vector<1024x128xf32>
    %get3A_4 = arith.constant 1 : index
    %get3A_5 = arith.constant 0 : index
    %get3A_6 = arith.constant 0 : index
    %get3A_7 = vector.load %arg1[%get3A_4, %get3A_5, %get3A_6] : memref<2x1024x128xf32, #tpu.memory_space<vmem>>, vector<1x1024x128xf32>
    %get3A_8 = vector.shape_cast %get3A_7 : vector<1x1024x128xf32> to vector<1024x128xf32>
    %add3A = arith.addf %get3A_3, %get3A_8 : vector<1024x128xf32>
    %get3A_9 = arith.constant 0 : index
    %get3A_10 = arith.constant 0 : index
    %get3A_11 = vector.load %arg2[%get3A_9, %get3A_10] : memref<1024x128xf32, #tpu.memory_space<vmem>>, vector<1024x128xf32>
    %add3A_12 = arith.addf %add3A, %get3A_11 : vector<1024x128xf32>
    %get3A_13 = arith.constant 0 : index
    %get3A_14 = arith.constant 0 : index
    %get3A_15 = vector.load %arg3[%get3A_13, %get3A_14] : memref<1024x128xf32, #tpu.memory_space<vmem>>, vector<1024x128xf32>
    %mul3A = arith.mulf %add3A_12, %get3A_15 : vector<1024x128xf32>
    %get3A_16 = arith.constant 0 : index
    %get3A_17 = arith.constant 0 : index
    %get3A_18 = vector.load %arg4[%get3A_16, %get3A_17] : memref<1x128xf32, #tpu.memory_space<vmem>>, vector<1x128xf32>
    %add3A_19 = vector.broadcast %get3A_18 : vector<1x128xf32> to vector<1024x128xf32>
    %add3A_20 = arith.addf %mul3A, %add3A_19 : vector<1024x128xf32>
    %max3A = arith.constant 0.000000e+00 : f32
    %max3A_21 = vector.broadcast %max3A : f32 to vector<1024x128xf32>
    %max3A_22 = arith.maximumf %add3A_20, %max3A_21 : vector<1024x128xf32>
    %get3A_23 = arith.constant 0 : index
    %get3A_24 = arith.constant 0 : index
    %get3A_25 = vector.load %arg5[%get3A_23, %get3A_24] : memref<128x128xf32, #tpu.memory_space<vmem>>, vector<128x128xf32>
    %dot_general3A = arith.constant dense<0.000000e+00> : vector<1024x128xf32>
    %dot_general3A_26 = tpu.matmul %max3A_22, %get3A_25, %dot_general3A {dimension_numbers = #tpu.dot_dimension_numbers<[1], [0], [0], [1], [0, 0, 1, 1], [], []>, transpose_lhs_hint = false} : vector<1024x128xf32>, vector<128x128xf32>, vector<1024x128xf32> -> vector<1024x128xf32>
    %get3A_27 = arith.constant 0 : index
    %get3A_28 = arith.constant 0 : index
    %get3A_29 = vector.load %arg3[%get3A_27, %get3A_28] : memref<1024x128xf32, #tpu.memory_space<vmem>>, vector<1024x128xf32>
    %mul3A_30 = arith.mulf %dot_general3A_26, %get3A_29 : vector<1024x128xf32>
    %swap3A = arith.constant 0 : index
    %swap3A_31 = arith.constant 0 : index
    %swap3A_32 = vector.load %arg6[%swap3A, %swap3A_31] : memref<1024x128xf32, #tpu.memory_space<vmem>>, vector<1024x128xf32>
    tpu.vector_store %arg6[%swap3A, %swap3A_31], %mul3A_30 {strides = array<i32>} : memref<1024x128xf32, #tpu.memory_space<vmem>>, vector<1024x128xf32>,
    return
  }
  func.func @transform_0(%arg0: i32) -> (i32, i32, i32) {
    %c0_i32 = arith.constant 0 : i32
    %c0_i32_0 = arith.constant 0 : i32
    %c0_i32_1 = arith.constant 0 : i32
    return %c0_i32, %arg0, %c0_i32_0 : i32, i32, i32
  }
  func.func @transform_1(%arg0: i32) -> (i32, i32) {
    %c0_i32 = arith.constant 0 : i32
    %c0_i32_0 = arith.constant 0 : i32
    return %arg0, %c0_i32 : i32, i32
  }
  func.func @transform_2(%arg0: i32) -> (i32, i32) {
    %c0_i32 = arith.constant 0 : i32
    %c0_i32_0 = arith.constant 0 : i32
    return %arg0, %c0_i32 : i32, i32
  }
  func.func @transform_3(%arg0: i32) -> (i32, i32) {
    %c0_i32 = arith.constant 0 : i32
    %c0_i32_0 = arith.constant 0 : i32
    %c0_i32_1 = arith.constant 0 : i32
    return %c0_i32, %c0_i32_0 : i32, i32
  }
  func.func @transform_4(%arg0: i32) -> (i32, i32) {
    %c0_i32 = arith.constant 0 : i32
    %c0_i32_0 = arith.constant 0 : i32
    %c0_i32_1 = arith.constant 0 : i32
    return %c0_i32, %c0_i32_0 : i32, i32
  }
  func.func @transform_5(%arg0: i32) -> (i32, i32) {
    %c0_i32 = arith.constant 0 : i32
    %c0_i32_0 = arith.constant 0 : i32
    return %arg0, %c0_i32 : i32, i32
  }
}

module attributes {stable_mosaic.version = 14 : i64} {
  func.func @_fin_body(%arg0: i32, %arg1: memref<2x1024x128xf32, #tpu.memory_space<vmem>>, %arg2: memref<1024x128xf32, #tpu.memory_space<vmem>>, %arg3: memref<1024x128xf32, #tpu.memory_space<vmem>>, %arg4: memref<1x128xf32, #tpu.memory_space<vmem>>, %arg5: memref<1024x128xf32, #tpu.memory_space<vmem>>) attributes {dimension_semantics = [#tpu.dimension_semantics<arbitrary>], iteration_bounds = array<i64: 10>, scalar_prefetch = 0 : i64, scratch_operands = 0 : i64, tpu.core_type = #tpu.core_type<tc>, window_params = [{transform_indices = @transform_0, window_bounds = array<i64: 2, 1024, 128>}, {transform_indices = @transform_1, window_bounds = array<i64: 1024, 128>}, {transform_indices = @transform_2, window_bounds = array<i64: 1024, 128>}, {pipeline_mode = #tpu.pipeline_mode<synchronous>, transform_indices = @transform_3, window_bounds = array<i64: 1, 128>}, {transform_indices = @transform_4, window_bounds = array<i64: 1024, 128>}]} {
    %get3A = arith.constant 0 : index
    %get3A_0 = arith.constant 0 : index
    %get3A_1 = arith.constant 0 : index
    %get3A_2 = vector.load %arg1[%get3A, %get3A_0, %get3A_1] : memref<2x1024x128xf32, #tpu.memory_space<vmem>>, vector<1x1024x128xf32>
    %get3A_3 = vector.shape_cast %get3A_2 : vector<1x1024x128xf32> to vector<1024x128xf32>
    %get3A_4 = arith.constant 1 : index
    %get3A_5 = arith.constant 0 : index
    %get3A_6 = arith.constant 0 : index
    %get3A_7 = vector.load %arg1[%get3A_4, %get3A_5, %get3A_6] : memref<2x1024x128xf32, #tpu.memory_space<vmem>>, vector<1x1024x128xf32>
    %get3A_8 = vector.shape_cast %get3A_7 : vector<1x1024x128xf32> to vector<1024x128xf32>
    %add3A = arith.addf %get3A_3, %get3A_8 : vector<1024x128xf32>
    %get3A_9 = arith.constant 0 : index
    %get3A_10 = arith.constant 0 : index
    %get3A_11 = vector.load %arg2[%get3A_9, %get3A_10] : memref<1024x128xf32, #tpu.memory_space<vmem>>, vector<1024x128xf32>
    %add3A_12 = arith.addf %add3A, %get3A_11 : vector<1024x128xf32>
    %get3A_13 = arith.constant 0 : index
    %get3A_14 = arith.constant 0 : index
    %get3A_15 = vector.load %arg3[%get3A_13, %get3A_14] : memref<1024x128xf32, #tpu.memory_space<vmem>>, vector<1024x128xf32>
    %mul3A = arith.mulf %add3A_12, %get3A_15 : vector<1024x128xf32>
    %get3A_16 = arith.constant 0 : index
    %get3A_17 = arith.constant 0 : index
    %get3A_18 = vector.load %arg4[%get3A_16, %get3A_17] : memref<1x128xf32, #tpu.memory_space<vmem>>, vector<1x128xf32>
    %add3A_19 = vector.broadcast %get3A_18 : vector<1x128xf32> to vector<1024x128xf32>
    %add3A_20 = arith.addf %mul3A, %add3A_19 : vector<1024x128xf32>
    %swap3A = arith.constant 0 : index
    %swap3A_21 = arith.constant 0 : index
    %swap3A_22 = vector.load %arg5[%swap3A, %swap3A_21] : memref<1024x128xf32, #tpu.memory_space<vmem>>, vector<1024x128xf32>
    tpu.vector_store %arg5[%swap3A, %swap3A_21], %add3A_20 {strides = array<i32>} : memref<1024x128xf32, #tpu.memory_space<vmem>>, vector<1024x128xf32>,
    return
  }
  func.func @transform_0(%arg0: i32) -> (i32, i32, i32) {
    %c0_i32 = arith.constant 0 : i32
    %c0_i32_0 = arith.constant 0 : i32
    %c0_i32_1 = arith.constant 0 : i32
    return %c0_i32, %arg0, %c0_i32_0 : i32, i32, i32
  }
  func.func @transform_1(%arg0: i32) -> (i32, i32) {
    %c0_i32 = arith.constant 0 : i32
    %c0_i32_0 = arith.constant 0 : i32
    return %arg0, %c0_i32 : i32, i32
  }
  func.func @transform_2(%arg0: i32) -> (i32, i32) {
    %c0_i32 = arith.constant 0 : i32
    %c0_i32_0 = arith.constant 0 : i32
    return %arg0, %c0_i32 : i32, i32
  }
  func.func @transform_3(%arg0: i32) -> (i32, i32) {
    %c0_i32 = arith.constant 0 : i32
    %c0_i32_0 = arith.constant 0 : i32
    %c0_i32_1 = arith.constant 0 : i32
    return %c0_i32, %c0_i32_0 : i32, i32
  }
  func.func @transform_4(%arg0: i32) -> (i32, i32) {
    %c0_i32 = arith.constant 0 : i32
    %c0_i32_0 = arith.constant 0 : i32
    return %arg0, %c0_i32 : i32, i32
  }
}

</mosaic_0001>

<sc_bundles>
// kernel: kernel.11.cloned.1.call-start
scs
__scs_entry_jumppad:
0x0: {  	(pc) =	sbr.rel $0x88, $3  }
0x1: {  	(tag) =	ssettag $0x0;
	lr =	simm.s32 $0x1  }
0x2: {  	[smem:$0x3F9B] =	sst lr;
	_ =	strace $0xD0000000  }
0x3: {  	_ = 	snop  }
0x4: {  	_ = 	snop  }
0x5: {  	_ = 	snop  }
0x6: {  	_ = 	snop  }
0x7: {  	_ = 	snop  }
__scs_overlays_trampoline_lowered:
0x8: {  	[smem:$0x3FAA] =	sst s0  }
0x9: {  	[smem:$0x3FAB] =	sst s1  }
0xa: {  	[smem:$0x3FAC] =	sst s2  }
0xb: {  	[smem:$0x3FAD] =	sst s3  }
0xc: {  	[smem:$0x3FAE] =	sst s4  }
0xd: {  	[smem:$0x3FAF] =	sst s5  }
0xe: {  	[smem:$0x3FB0] =	sst s6  }
0xf: {  	[smem:$0x3FB1] =	sst s7  }
0x10: {  	[smem:$0x3FB2] =	sst s8  }
0x11: {  	[smem:$0x3FB3] =	sst s9;
	s0 =	simm.s32 @!p0 $0x0  }
0x12: {  	s1 =	sld [smem:$0x3F99];
	s0 =	simm.s32 @p0 $0x1  }
0x13: {  	[smem:$0x3FB4] =	sst s0;
	s0 =	simm.s32 @!p1 $0x0  }
0x14: {  	s2 =	sld [smem:$0x3F98];
	s0 =	simm.s32 @p1 $0x1  }
0x15: {  	[smem:$0x3FB5] =	sst s0;
	s0 =	simm.s32 @!p2 $0x0  }
0x16: {  	s3 =	sld [smem:$0x3FDB];
	s0 =	simm.s32 @p2 $0x1  }
0x17: {  	s4 =	simm.s32 $0x1BF5;
	[smem:$0x3FB7] =	sst s0  }
0x18: {  	s0 =	sld [smem:$0x3F9A];
	_ =	swait.ge [sflag:s4], $0x0  }
0x19: {  	s7 =	sld [smem:$0x3F9B]  }
0x1a: {  	s8 =	sadd.s32 $0xFFFFE003, lr  }
0x1b: {  	s9 =	sadd.s32 $0xFFFFFEF7, lr;
	s5 =	simm.s32 $0xFFFFFFFF;
	p2 =	slt.u32 s8, $0xFFFFF086  }
0x1c: {  	p1 =	slt.u32 s9, $0xF7A;
	s5 =	simm.s32 @!p2 $0x0  }
0x1d: {  	s5 =	simm.s32 @p1 $0x1;
	p0 =	seq.s32 s7, s2  }
0x1e: {  	s7 =	smul.u32 @!p0 $0xF7A, s2;
	p2 =	seq.s32 @!p0 s5, $0x0  }
0x1f: {  	s9 =	smul.u32 $0xF7A, s1;
	s8 =	simm.s32 @!p0 $0x1BF5;
	p2 =	por !p2, p0  }
0x20: {  	[sflag:s8] =	ssyncset.s32 @!p0 $0xFFFFF086;
	s6 =	sadd.s32 @!p0 s3, s7;
	s7 =	simm.s32 @!p0 $0x108  }
0x21: {  	s3 =	sadd.s32 s3, s9;
	s6 =	sadd.s32 @!p0 $0x88, s6;
	s7 =	simm.s32 @p2 $0x1082  }
0x22: {  	[simem:s7], [sflag:s8] =	dma.local @!p0 [hbm:s6], $0xF7A  }
0x23: {  	s9 =	sor.u32 $0xD0000000, s2;
	s6 =	simm.s32 $0x108;
	_ =	swait.ge @!p0 [sflag:s8], $0x0  }
0x24: {  	s3 =	sadd.s32 $0x88, s3;
	s6 =	simm.s32 @!p1 $0x1082;
	[sflag:s4] =	ssyncset.s32 $0xFFFFF086  }
0x25: {  	[simem:s6], [sflag:s4] =	dma.local [hbm:s3], $0xF7A  }
0x26: {  	[smem:$0x3F9B] =	sst s1;
	(tag) =	ssettag s2;
	_ =	strace s9  }
0x27: {  	s1 =	sld [smem:$0x3FAB]  }
0x28: {  	s2 =	sld [smem:$0x3FAC]  }
0x29: {  	s4 =	sld [smem:$0x3FAE]  }
0x2a: {  	p0 =	seq.s32 s5, $0x0;
	s5 =	sld [smem:$0x3FAF]  }
0x2b: {  	s6 =	sld [smem:$0x3FB0]  }
0x2c: {  	s7 =	sld [smem:$0x3FB1]  }
0x2d: {  	s3 =	simm.s32 $0x108;
	s8 =	sld [smem:$0x3FB2]  }
0x2e: {  	s3 =	simm.s32 @!p0 $0x1082;
	s9 =	sld [smem:$0x3FB3]  }
0x2f: {  	lr =	sadd.s32 s0, s3;
	s0 =	sld [smem:$0x3FAA]  }
0x30: {  	s3 =	sld [smem:$0x3FAD]  }
0x31: {  	[smem:$0x3FB6] =	sst s10  }
0x32: {  	s10 =	sld [smem:$0x3FB4];
	_ =	sdelay $0x3  }
0x33: {  	p0 =	seq.s32 s10, $0x1;
	s10 =	sld [smem:$0x3FB6];
	_ =	sdelay $0x3  }
0x34: {  	[smem:$0x3FB6] =	sst s10  }
0x35: {  	s10 =	sld [smem:$0x3FB5];
	_ =	sdelay $0x3  }
0x36: {  	p1 =	seq.s32 s10, $0x1;
	s10 =	sld [smem:$0x3FB6];
	_ =	sdelay $0x3  }
0x37: {  	[smem:$0x3FB6] =	sst s10  }
0x38: {  	s10 =	sld [smem:$0x3FB7]  }
0x39: {  	_ = 	snop;
	(pc) =	sbr.ind lr, $3  }
0x3a: {  	_ = 	snop  }
0x3b: {  	_ = 	snop  }
0x3c: {  	p2 =	seq.s32 s10, $0x1;
	s10 =	sld [smem:$0x3FB6]  }
0x3d: {  	_ =	shalt  }
0x3e: {  	_ =	shalt  }
0x3f: {  	_ =	shalt  }
0x40: {  	_ =	shalt  }
0x41: {  	_ =	shalt  }
0x42: {  	_ =	shalt  }
0x43: {  	_ =	shalt  }
0x44: {  	_ =	shalt  }
0x45: {  	_ =	shalt  }
0x46: {  	_ =	shalt  }
0x47: {  	_ =	shalt  }
0x48: {  	_ =	shalt  }
0x49: {  	_ =	shalt  }
0x4a: {  	_ =	shalt  }
0x4b: {  	_ =	shalt  }
0x4c: {  	_ =	shalt  }
0x4d: {  	_ =	shalt  }
0x4e: {  	_ =	shalt  }
0x4f: {  	_ =	shalt  }
0x50: {  	_ =	shalt  }
0x51: {  	_ =	shalt  }
0x52: {  	_ =	shalt  }
0x53: {  	_ =	shalt  }
0x54: {  	_ =	shalt  }
0x55: {  	_ =	shalt  }
0x56: {  	_ =	shalt  }
0x57: {  	_ =	shalt  }
0x58: {  	_ =	shalt  }
0x59: {  	_ =	shalt  }
0x5a: {  	_ =	shalt  }
0x5b: {  	_ =	shalt  }
0x5c: {  	_ =	shalt  }
0x5d: {  	_ =	shalt  }
0x5e: {  	_ =	shalt  }
0x5f: {  	_ =	shalt  }
0x60: {  	_ =	shalt  }
0x61: {  	_ =	shalt  }
0x62: {  	_ =	shalt  }
0x63: {  	_ =	shalt  }
0x64: {  	_ =	shalt  }
0x65: {  	_ =	shalt  }
0x66: {  	_ =	shalt  }
0x67: {  	_ =	shalt  }
0x68: {  	_ =	shalt  }
0x69: {  	_ =	shalt  }
0x6a: {  	_ =	shalt  }
0x6b: {  	_ =	shalt  }
0x6c: {  	_ =	shalt  }
0x6d: {  	_ =	shalt  }
0x6e: {  	_ =	shalt  }
0x6f: {  	_ =	shalt  }
0x70: {  	_ =	shalt  }
0x71: {  	_ =	shalt  }
0x72: {  	_ =	shalt  }
0x73: {  	_ =	shalt  }
0x74: {  	_ =	shalt  }
0x75: {  	_ =	shalt  }
0x76: {  	_ =	shalt  }
0x77: {  	_ =	shalt  }
0x78: {  	_ =	shalt  }
0x79: {  	_ =	shalt  }
0x7a: {  	_ =	shalt  }
0x7b: {  	_ =	shalt  }
0x7c: {  	_ =	shalt  }
0x7d: {  	_ =	shalt  }
0x7e: {  	_ =	shalt  }
0x7f: {  	_ =	shalt  }
0x80: {  	_ =	shalt  }
0x81: {  	_ =	shalt  }
0x82: {  	_ =	shalt  }
0x83: {  	_ =	shalt  }
0x84: {  	_ =	shalt  }
0x85: {  	_ =	shalt  }
0x86: {  	_ =	shalt  }
0x87: {  	_ =	shalt  }
.Lfunc_end0:
.L_simem_size_0:
called_computation.1_lowered:
.L_overlay_start_0:
0x88: {  	s2 =	sld [smem:$0x3FD9]  }
0x89: {  	s3 =	sld [smem:$0x3FFE];
	_ =	sdelay $0x1  }
0x8a: {  	s1 =	srdreg.scid  }
0x8b: {  	s0 =	sand.u32 $0x1, s1  }
0x8c: {  	s17 =	sshll.u32 s0, $0xA;
	s2 =	sadd.s32 s3, s2  }
0x8d: {  	s2 =	sadd.s32 s2, s17  }
0x8e: {  	[smem:$0x3FC2] =	sst s2  }
0x8f: {  	_ = 	snop  }
0x90: {  	s2 =	sld [smem:$0x3FD0];
	(tm) =	ssettm $0x1  }
0x91: {  	s18 =	sld [smem:$0x3FFB];
	_ =	sdelay $0x3  }
0x92: {  	_ =	strace s18  }
0x93: {  	s3 =	sld [smem:$0x3FFC];
	_ =	sdelay $0x3  }
0x94: {  	_ =	strace s3  }
0x95: {  	s3 =	sld [smem:$0x3FFD];
	_ =	sdelay $0x3  }
0x96: {  	_ =	strace s3  }
0x97: {  	_ =	strace $0x8FFFFFFF  }
0x98: {  	s19 =	sld [smem:$0x3FDB];
	_ =	sdelay $0x1  }
0x99: {  	s4 =	simm.s32 $_scs_section_size  }
0x9a: {  	s5 =	simm.s32 $_size__tile_overlayer_lowered;
	s6 =	simm.s32 $_tile_overlayer_lowered  }
0x9b: {  	s22 =	simm.s32 $0x1BFF;
	s21 =	sshll.u32 s6, $0x1;
	s3 =	sadd.s32 s4, s19  }
0x9c: {  	s7 =	simm.s32 $0x0;
	s20 =	sshll.u32 s5, $0x1;
	s5 =	sadd.s32 s21, s3  }
0x9d: {  	[timem:s7], [sflag:s22] =	dma.local [hbm:s5], s20  }
0x9e: {  	_ =	swait.ge [sflag:s22], s20  }
0x9f: {  	s4 =	ssub.s32 $0x0, s20;
	[sflag:s22] =	ssyncset.done $0x0  }
0xa0: {  	[sflag:s22] =	ssyncadd.s32 s4;
	_ =	sdelay $0x1  }
0xa1: {  	s23 =	simm.s32 $0x1B8B  }
0xa2: {  	_ =	swait.ge [sflag:s23], $0x1  }
0xa3: {  	[sflag:s23] =	ssyncset.done $0x0  }
0xa4: {  	s25 =	simm.s32 $0x1B8E;
	s24 =	sld [smem:$0x3FFE];
	[sflag:s23] =	ssyncadd.s32 $0xFFFFFFFF  }
0xa5: {  	s26 =	simm.s32 $execute0_lowered;
	[smem:$0x3FD2] =	sst s25  }
0xa6: {  	s5 =	sshll.u32 s26, $0x1;
	_ =	strace $0x80000049;
	[dreg:$0x1] =	wrdreg $0xFFFFFFFF  }
0xa7: {  	s28 =	simm.s32 $_size_execute0_lowered;
	s3 =	sadd.s32 s3, s5;
	[dreg:$0x0] =	wrdreg $0x0  }
0xa8: {  	s5 =	sshll.u32 s28, $0x1;
	[dreg:$0x2] =	wrdreg s3  }
0xa9: {  	[dreg:$0x3] =	wrdreg s5  }
0xaa: {  	[dreg:$0x4] =	wrdreg $0xC0  }
0xab: {  	_ =	task [dreg:s7], $0x5FFFF  }
0xac: {  	[dreg:$0x1] =	wrdreg $0xFFFFFFFF  }
0xad: {  	[dreg:$0x0] =	wrdreg $0x60  }
0xae: {  	[dreg:$0x2] =	wrdreg s2  }
0xaf: {  	[dreg:$0x3] =	wrdreg s24  }
0xb0: {  	[dreg:$0x4] =	wrdreg $0x88000  }
0xb1: {  	[dreg:$0x5] =	wrdreg $0x9  }
0xb2: {  	_ =	task.clear_ibuf [dreg:s7], $0x6FFFF;
	_ =	strace $0x90000049  }
0xb3: {  	s29 =	simm.s32 $0x9;
	_ =	strace $0x8000004B  }
0xb4: {  	_ =	swait.ge [sflag:s29], $0x1  }
0xb5: {  	[sflag:s29] =	ssyncadd.s32 $0xFFFFFFFF  }
0xb6: {  	_ =	strace $0x9000004B  }
0xb7: {  	_ =	sfence  }
0xb8: {  	s30 =	sld [smem:$0x0];
	_ =	sdelay $0x2  }
0xb9: {  	s31 =	sshll.u32 s1, $0xD;
	s1 =	sshrl.u32 s1, $0x2  }
0xba: {  	s3 =	sand.u32 $0x4000, s31;
	s1 =	sadd.s32 s1, s30  }
0xbb: {  	s0 =	sor.u32 s3, s0;
	s1 =	sshll.u32 s1, $0x11  }
0xbc: {  	s0 =	sor.u32 s1, s0  }
0xbd: {  	s0 =	sadd.s32 $0x8F2B, s0  }
0xbe: {  	[sflag:s0] =	ssyncadd.remote.s32 $0x1  }
0xbf: {  	_ =	sfence.sel $0xFFFF  }
0xc0: {  	[dreg:$0x0] =	wrdreg $0xFFFFFFFF;
	(pc) =	sbr.abs _section_cstart, $3  }
0xc1: {  	[dreg:$0x1] =	wrdreg $0xFFFFFFFF  }
0xc2: {  	_ =	task.clear_ibuf [dreg:s7], $0x2FFFF;
	_ =	strace $0x9FFFFFFF  }
0xc3: {  	(tm) =	ssettm $0x7FFFFFFF  }
tec
execute0_lowered:
.L_overlay_start_1:
0x0: {  	(tag) =	ssettag $0x1  }
0x1: {  	s0 =	srdreg.scid;
	s10 =	stileid.u32  }
0x2: {  	s2 =	rddreg [dreg:$0x1];
	s3 =	smul.u32 $0x280, s10  }
0x3: {  	s1 =	simm.s32 $0x0;
	s0 =	sand.u32 $0x1, s0;
	s21 =	smul.u32 $0x2800, s10  }
0x4: {  	s31 =	rddreg [dreg:$0x0];
	s4 =	smul.u32 $0x2800, s0;
	s6 =	sshll.u32 s0, $0x4  }
0x5: {  	s7 =	ssub.s32 $0x2, s0;
	s0 =	smul.u32 $0x28000, s0;
	s6 =	sor.u32 s10, s6  }
0x6: {  	[smem:$0x7FF] =	sst s1;
	s5 =	sadd.s32 $0xC800, s2;
	s8 =	smul.u32 $0x2800, s6  }
0x7: {  	s9 =	sshrl.u32 s7, $0x1;
	s4 =	sadd.s32 s3, s4;
	s3 =	sadd.s32 $0x2800, s2  }
0x8: {  	s7 =	ssub.s32 s7, s9;
	s0 =	sadd.s32 s21, s0;
	s28 =	sshrl.u32 s8, $0x3  }
0x9: {  	s4 =	sshll.u32 s4, $0x4;
	s26 =	sor.u32 $0x3C0, s0;
	s11 =	sadd.s32 s5, s28  }
0xa: {  	s8 =	sshrl.u32 s26, $0x3;
	s12 =	sadd.s32 s3, s28;
	[dreg:$0x4] =	wrdreg s11  }
0xb: {  	s13 =	sor.u32 $0x8, s28;
	s9 =	sadd.s32 s8, s3;
	[dreg:$0x5] =	wrdreg s12  }
0xc: {  	s6 =	sadd.s32 s4, s2;
	s14 =	sadd.s32 s5, s13;
	[dreg:$0x14] =	wrdreg s9  }
0xd: {  	s15 =	sor.u32 $0x10, s28;
	s4 =	sadd.s32 s3, s13;
	[dreg:$0x6] =	wrdreg s14  }
0xe: {  	s17 =	sor.u32 $0x18, s28;
	s16 =	sadd.s32 s5, s15;
	[dreg:$0x7] =	wrdreg s4  }
0xf: {  	s19 =	sor.u32 $0x20, s28;
	s18 =	sadd.s32 s5, s17;
	[dreg:$0x8] =	wrdreg s16  }
0x10: {  	s20 =	sor.u32 $0x28, s28;
	s11 =	sadd.s32 s5, s19;
	[dreg:$0xa] =	wrdreg s18  }
0x11: {  	s22 =	sadd.s32 s5, s20;
	[dreg:$0xc] =	wrdreg s11  }
0x12: {  	s24 =	sor.u32 $0x30, s28;
	s23 =	sadd.s32 s3, s20;
	[dreg:$0xe] =	wrdreg s22  }
0x13: {  	s2 =	sor.u32 $0x38, s28;
	s25 =	sadd.s32 s5, s24;
	[dreg:$0xf] =	wrdreg s23  }
0x14: {  	s28 =	sadd.s32 s5, s2;
	s2 =	sadd.s32 s3, s2;
	[dreg:$0x10] =	wrdreg s25  }
0x15: {  	s12 =	sor.u32 $0x340, s0;
	s20 =	sor.u32 $0x280, s0;
	[dreg:$0x12] =	wrdreg s28  }
0x16: {  	s4 =	sadd.s32 s3, s15;
	[dreg:$0x13] =	wrdreg s2;
	s11 =	sor.u32 $0x380, s0  }
0x17: {  	s14 =	sor.u32 $0x300, s0;
	[dreg:$0x9] =	wrdreg s4;
	s4 =	sadd.s32 s3, s17  }
0x18: {  	s2 =	sshrl.u32 s11, $0x3;
	[dreg:$0xb] =	wrdreg s4;
	s4 =	sadd.s32 s3, s19  }
0x19: {  	s23 =	sor.u32 $0x240, s0;
	s13 =	sadd.s32 s2, s3;
	[dreg:$0xd] =	wrdreg s4  }
0x1a: {  	s15 =	sshrl.u32 s14, $0x3;
	s2 =	sadd.s32 s2, s5;
	[dreg:$0x16] =	wrdreg s13  }
0x1b: {  	s25 =	sshrl.u32 s23, $0x3;
	s17 =	sadd.s32 s15, s3;
	[dreg:$0x17] =	wrdreg s2  }
0x1c: {  	s28 =	smul.u32 $0x50000, s10;
	s10 =	sadd.s32 s25, s3;
	[dreg:$0x1a] =	wrdreg s17  }
0x1d: {  	s18 =	sor.u32 $0x2C0, s0;
	s11 =	sadd.s32 s25, s5;
	[smem:$0x7EA] =	sst s10  }
0x1e: {  	s22 =	sshrl.u32 s20, $0x3;
	s4 =	sadd.s32 s3, s24;
	[smem:$0x7EB] =	sst s11  }
0x1f: {  	s19 =	sshrl.u32 s18, $0x3;
	s2 =	sadd.s32 s15, s5;
	[dreg:$0x11] =	wrdreg s4  }
0x20: {  	s0 =	sor.u32 $0x200, s0;
	s21 =	sadd.s32 s19, s3;
	[dreg:$0x1b] =	wrdreg s2  }
0x21: {  	s26 =	sshrl.u32 s0, $0x3;
	s24 =	sadd.s32 s22, s3;
	[dreg:$0x1c] =	wrdreg s21  }
0x22: {  	s13 =	sadd.s32 s26, s5;
	[dreg:$0x1e] =	wrdreg s24  }
0x23: {  	s4 =	sadd.s32 s8, s5;
	[smem:$0x7ED] =	sst s13  }
0x24: {  	s9 =	simm.s32 $0x6800;
	s2 =	sadd.s32 s19, s5;
	[dreg:$0x15] =	wrdreg s4  }
0x25: {  	s20 =	smax.u32 s7, $0x1;
	[dreg:$0x1d] =	wrdreg s2;
	s2 =	sadd.s32 s22, s5  }
0x26: {  	s4 =	sshrl.u32 s12, $0x3;
	s12 =	sadd.s32 s26, s3;
	[dreg:$0x1f] =	wrdreg s2  }
0x27: {  	s7 =	simm.s32 $0x4;
	s16 =	sadd.s32 s4, s3;
	[smem:$0x7EC] =	sst s12  }
0x28: {  	s14 =	sshrl.u32 s28, $0x2;
	s4 =	sadd.s32 s4, s5;
	[dreg:$0x18] =	wrdreg s16  }
0x29: {  	s18 =	sadd.s32 $0x18000, s6;
	s15 =	sadd.s32 $0x16800, s6;
	[dreg:$0x19] =	wrdreg s4  }
0x2a: {  	s17 =	sadd.s32 $0x17800, s6;
	s11 =	simm.s32 $0x800;
	s4 =	rddreg [dreg:$0x2]  }
0x2b: {  	s16 =	sadd.s32 $0x17000, s6;
	_ =	strace $0x8000004A;
	[smem:$0x7EE] =	sst s15  }
0x2c: {  	s10 =	simm.s32 $0x2800;
	s19 =	sadd.s32 $0x18800, s6;
	[smem:$0x7EF] =	sst s16  }
0x2d: {  	s13 =	simm.s32 $0x700;
	s8 =	simm.s32 $0x40;
	[smem:$0x7F0] =	sst s17  }
0x2e: {  	s12 =	simm.s32 $0xD;
	s2 =	simm.s32 $0x0;
	[smem:$0x7F1] =	sst s18  }
0x2f: {  	s6 =	simm.s32 $0x300;
	s3 =	sadd.s32 s14, s4;
	[smem:$0x7F2] =	sst s19  }
0x30: {  	[smem:$0x7F3] =	sst s20;
	s17 =	simm.s32 $0x380;
	s15 =	simm.s32 $0x780  }
0x31: {  	s14 =	simm.s32 $0x3;
	s21 =	sadd.s32 $0x2000, s3;
	[smem:$0x7FB] =	sst s3  }
0x32: {  	s16 =	simm.s32 $0x4800;
	s22 =	sadd.s32 $0x6000, s3;
	[smem:$0x7F4] =	sst s21  }
0x33: {  	s18 =	simm.s32 $0x9;
	s23 =	sadd.s32 $0xA000, s3;
	[smem:$0x7F5] =	sst s22  }
0x34: {  	s19 =	simm.s32 $0x5;
	s24 =	sadd.s32 $0xC000, s3;
	[smem:$0x7F6] =	sst s23  }
0x35: {  	s20 =	simm.s32 $0xA;
	s25 =	sadd.s32 $0xE000, s3;
	[smem:$0x7F7] =	sst s24  }
.Ltmp0:
0x36: {  	s26 =	sadd.s32 $0x10000, s3;
	[smem:$0x7F8] =	sst s25;
	(pc) =	sbr.rel .LBB2_1-.Ltmp0, $4  }
0x37: {  	s29 =	sadd.s32 $0x4000, s3;
	s28 =	sadd.s32 $0x12000, s3;
	[smem:$0x7F9] =	sst s26  }
0x38: {  	s30 =	sadd.s32 $0x8000, s3;
	[smem:$0x7FA] =	sst s28;
	s21 =	simm.s32 $0x6  }
0x39: {  	s22 =	simm.s32 $0xB;
	s23 =	simm.s32 $0x7;
	[smem:$0x7FC] =	sst s29  }
0x3a: {  	v0 =	vimm.f32 $0.0e+00;
	s24 =	simm.s32 $0xC;
	s25 =	simm.s32 $0x8;
	[smem:$0x7FD] =	sst s30  }
.LBB2_6:
0x3b: {  	_ =	swait.ge [sflag:s24], $0x2000  }
0x3c: {  	[sflag:s24] =	ssyncset.done $0x0  }
0x3d: {  	[sflag:s24] =	ssyncadd.s32 $0xFFFFE000  }
0x3e: {  	[spmem:s4] =	stream.indirect.scatter.add.f32 [tilespmem:s9], [sflag:$0xD], $0x80, s15, s8, $0xb8;
	[tilespmem:$0x1C800] =	vst v63  }
0x3f: {  	_ =	swait.ge [sflag:s12], $0x2000  }
0x40: {  	[sflag:s12] =	ssyncset.done $0x0  }
0x41: {  	[sflag:s12] =	ssyncadd.s32 $0xFFFFE000  }
0x42: {  	[bflag:$0x0] =	sbarrier.arrive $0xFFFF  }
0x43: {  	s3 =	sld [smem:$0x7FB]  }
0x44: {  	s0 =	stileid.u32;
	s5 =	sld [smem:$0x7EE]  }
0x45: {  	s0 =	sshll.u32 s0, $0x6  }
0x46: {  	s0 =	sor.u32 $0x1C0D, s0;
	s2 =	sshrl.u32 s3, $0x3  }
0x47: {  	[hbm:s5], [sflag:s0] =	dma.local [spmem:s2], $0x800  }
0x48: {  	_ =	swait.ge [sflag:s12], $0x800  }
0x49: {  	s29 =	sld [smem:$0x7FC]  }
0x4a: {  	s28 =	sld [smem:$0x7EF]  }
0x4b: {  	[sflag:s12] =	ssyncset.done $0x0  }
0x4c: {  	[sflag:s12] =	ssyncadd.s32 $0xFFFFF800;
	s26 =	sshrl.u32 s29, $0x3  }
0x4d: {  	[hbm:s28], [sflag:s0] =	dma.local [spmem:s26], $0x800  }
0x4e: {  	_ =	swait.ge [sflag:s12], $0x800  }
0x4f: {  	s30 =	sld [smem:$0x7FD]  }
0x50: {  	s28 =	sld [smem:$0x7F0]  }
0x51: {  	[sflag:s12] =	ssyncset.done $0x0  }
0x52: {  	[sflag:s12] =	ssyncadd.s32 $0xFFFFF800;
	s26 =	sshrl.u32 s30, $0x3  }
0x53: {  	[hbm:s28], [sflag:s0] =	dma.local [spmem:s26], $0x800  }
0x54: {  	_ =	swait.ge [sflag:s12], $0x800  }
0x55: {  	s26 =	sld [smem:$0x7F7]  }
0x56: {  	s28 =	sld [smem:$0x7F1]  }
0x57: {  	[sflag:s12] =	ssyncset.done $0x0  }
0x58: {  	[sflag:s12] =	ssyncadd.s32 $0xFFFFF800;
	s2 =	sshrl.u32 s26, $0x3  }
0x59: {  	[hbm:s28], [sflag:s0] =	dma.local [spmem:s2], $0x800  }
0x5a: {  	_ =	swait.ge [sflag:s12], $0x800  }
0x5b: {  	s26 =	sld [smem:$0x7F9]  }
0x5c: {  	s28 =	sld [smem:$0x7F2]  }
0x5d: {  	[sflag:s12] =	ssyncset.done $0x0  }
0x5e: {  	[sflag:s12] =	ssyncadd.s32 $0xFFFFF800;
	s2 =	sshrl.u32 s26, $0x3  }
0x5f: {  	[hbm:s28], [sflag:s0] =	dma.local [spmem:s2], $0x800  }
0x60: {  	_ =	swait.ge [sflag:s12], $0x800  }
0x61: {  	s26 =	sld [smem:$0x7E9]  }
0x62: {  	s28 =	sld [smem:$0x7F3];
	_ =	sdelay $0x1  }
0x63: {  	s2 =	sadd.s32 $0x1, s26  }
0x64: {  	p0 =	sne.s32 s2, s28  }
.Ltmp1:
0x65: {  	_ = 	snop;
	(pc) =	sbr.rel @!p0 .LBB2_7-.Ltmp1, $3  }
0x66: {  	_ =	sdelay $0x1  }
0x67: {  	[sflag:s12] =	ssyncset.done $0x0  }
0x68: {  	[sflag:s12] =	ssyncadd.s32 $0xFFFFF800  }
.LBB2_1:
0x69: {  	[smem:$0x7E9] =	sst s2;
	s26 =	simm.s32 $0x0;
	s28 =	simm.s32 $0x200  }
.LBB2_2:
0x6a: {  	p0 =	sne.s32 s28, $0x7E00;
	[tilespmem:s26+$0x870] =	vst v0  }
0x6b: {  	[tilespmem:s26+$0x800] =	vst v0  }
0x6c: {  	[tilespmem:s26+$0x810] =	vst v0  }
.Ltmp2:
0x6d: {  	[tilespmem:s26+$0x820] =	vst v0;
	(pc) =	sbr.rel @p0 .LBB2_2-.Ltmp2, $4  }
0x6e: {  	[tilespmem:s26+$0x830] =	vst v0  }
0x6f: {  	[tilespmem:s26+$0x840] =	vst v0  }
0x70: {  	[tilespmem:s26+$0x850] =	vst v0  }
0x71: {  	[tilespmem:s26+$0x860] =	vst v0;
	s26 =	sshra.s32 s28, $0x2;
	s28 =	sadd.s32 $0x200, s28  }
0x72: {  	[tilespmem:s26+$0x870] =	vst v0  }
0x73: {  	[tilespmem:s26+$0x800] =	vst v0  }
0x74: {  	[tilespmem:s26+$0x810] =	vst v0  }
0x75: {  	[tilespmem:s26+$0x820] =	vst v0  }
0x76: {  	[tilespmem:s26+$0x830] =	vst v0  }
0x77: {  	[tilespmem:s26+$0x840] =	vst v0  }
0x78: {  	[tilespmem:s26+$0x850] =	vst v0  }
0x79: {  	[tilespmem:s26+$0x860] =	vst v0  }
0x7a: {  	[spmem:s3] =	stream.linear.scatter [tilespmem:s11], [sflag:$0xD], $0x2000, $0x38;
	[tilespmem:$0x1C800] =	vst v63  }
0x7b: {  	_ =	swait.ge [sflag:s12], $0x2000  }
0x7c: {  	s0 =	sld [smem:$0x7F4]  }
0x7d: {  	[sflag:s12] =	ssyncset.done $0x0  }
0x7e: {  	[sflag:s12] =	ssyncadd.s32 $0xFFFFE000  }
0x7f: {  	[spmem:s0] =	stream.linear.scatter [tilespmem:s11], [sflag:$0xD], $0x2000, $0x38;
	[tilespmem:$0x1C800] =	vst v63  }
0x80: {  	_ =	swait.ge [sflag:s12], $0x2000  }
0x81: {  	[sflag:s12] =	ssyncset.done $0x0  }
0x82: {  	[sflag:s12] =	ssyncadd.s32 $0xFFFFE000  }
0x83: {  	[spmem:s29] =	stream.linear.scatter [tilespmem:s11], [sflag:$0xD], $0x2000, $0x38;
	[tilespmem:$0x1C800] =	vst v63  }
0x84: {  	_ =	swait.ge [sflag:s12], $0x2000  }
0x85: {  	s5 =	sld [smem:$0x7F5]  }
0x86: {  	[sflag:s12] =	ssyncset.done $0x0  }
0x87: {  	[sflag:s12] =	ssyncadd.s32 $0xFFFFE000  }
0x88: {  	[spmem:s5] =	stream.linear.scatter [tilespmem:s11], [sflag:$0xD], $0x2000, $0x38;
	[tilespmem:$0x1C800] =	vst v63  }
0x89: {  	_ =	swait.ge [sflag:s12], $0x2000  }
0x8a: {  	[sflag:s12] =	ssyncset.done $0x0  }
0x8b: {  	[sflag:s12] =	ssyncadd.s32 $0xFFFFE000  }
0x8c: {  	[spmem:s30] =	stream.linear.scatter [tilespmem:s11], [sflag:$0xD], $0x2000, $0x38;
	[tilespmem:$0x1C800] =	vst v63  }
0x8d: {  	_ =	swait.ge [sflag:s12], $0x2000  }
0x8e: {  	s26 =	sld [smem:$0x7F6]  }
0x8f: {  	[sflag:s12] =	ssyncset.done $0x0  }
0x90: {  	[sflag:s12] =	ssyncadd.s32 $0xFFFFE000  }
0x91: {  	[spmem:s26] =	stream.linear.scatter [tilespmem:s11], [sflag:$0xD], $0x2000, $0x38;
	[tilespmem:$0x1C800] =	vst v63  }
0x92: {  	_ =	swait.ge [sflag:s12], $0x2000  }
0x93: {  	s28 =	sld [smem:$0x7F7]  }
0x94: {  	[sflag:s12] =	ssyncset.done $0x0  }
0x95: {  	[sflag:s12] =	ssyncadd.s32 $0xFFFFE000  }
0x96: {  	[spmem:s28] =	stream.linear.scatter [tilespmem:s11], [sflag:$0xD], $0x2000, $0x38;
	[tilespmem:$0x1C800] =	vst v63  }
0x97: {  	_ =	swait.ge [sflag:s12], $0x2000  }
0x98: {  	s29 =	sld [smem:$0x7F8]  }
0x99: {  	[sflag:s12] =	ssyncset.done $0x0  }
0x9a: {  	[sflag:s12] =	ssyncadd.s32 $0xFFFFE000  }
0x9b: {  	[spmem:s29] =	stream.linear.scatter [tilespmem:s11], [sflag:$0xD], $0x2000, $0x38;
	[tilespmem:$0x1C800] =	vst v63  }
0x9c: {  	_ =	swait.ge [sflag:s12], $0x2000  }
0x9d: {  	s30 =	sld [smem:$0x7F9]  }
0x9e: {  	[sflag:s12] =	ssyncset.done $0x0  }
0x9f: {  	[sflag:s12] =	ssyncadd.s32 $0xFFFFE000  }
0xa0: {  	[spmem:s30] =	stream.linear.scatter [tilespmem:s11], [sflag:$0xD], $0x2000, $0x38;
	[tilespmem:$0x1C800] =	vst v63  }
0xa1: {  	_ =	swait.ge [sflag:s12], $0x2000  }
0xa2: {  	s2 =	sld [smem:$0x7FA]  }
0xa3: {  	[sflag:s12] =	ssyncset.done $0x0  }
0xa4: {  	[sflag:s12] =	ssyncadd.s32 $0xFFFFE000  }
0xa5: {  	[spmem:s2] =	stream.linear.scatter [tilespmem:s11], [sflag:$0xD], $0x2000, $0x38;
	[tilespmem:$0x1C800] =	vst v63  }
0xa6: {  	_ =	swait.ge [sflag:s12], $0x2000  }
0xa7: {  	[sflag:s12] =	ssyncset.done $0x0  }
0xa8: {  	[sflag:s12] =	ssyncadd.s32 $0xFFFFE000  }
0xa9: {  	[bflag:$0x0] =	sbarrier.arrive $0xFFFF  }
0xaa: {  	s26 =	simm.s32 $0x0;
	s3 =	rddreg [dreg:$0x4]  }
0xab: {  	[tilespmem:s26], [sflag:$0x1] =	stream.linear.gather [hbm4b:s3+s26], $0x40, $0x38;
	[tilespmem:$0x1C800] =	vst v63  }
0xac: {  	s2 =	simm.s32 $0x400;
	s5 =	rddreg [dreg:$0x5]  }
0xad: {  	[tilespmem:s2], [sflag:$0x1] =	stream.linear.gather [hbm4b:s5+s26], $0x40, $0x38;
	[tilespmem:$0x1C800] =	vst v63  }
0xae: {  	s28 =	rddreg [dreg:$0x6];
	s2 =	simm.s32 $0x80  }
0xaf: {  	[tilespmem:s2], [sflag:$0x2] =	stream.linear.gather [hbm4b:s28+s26], $0x40, $0x38;
	[tilespmem:$0x1C800] =	vst v63  }
0xb0: {  	s30 =	simm.s32 $0x480;
	s29 =	rddreg [dreg:$0x7]  }
0xb1: {  	[tilespmem:s30], [sflag:$0x2] =	stream.linear.gather [hbm4b:s29+s26], $0x40, $0x38;
	[tilespmem:$0x1C800] =	vst v63  }
0xb2: {  	s3 =	simm.s32 $0x100;
	s5 =	rddreg [dreg:$0x8]  }
0xb3: {  	[tilespmem:s3], [sflag:$0x3] =	stream.linear.gather [hbm4b:s5+s26], $0x40, $0x38;
	[tilespmem:$0x1C800] =	vst v63  }
0xb4: {  	s28 =	rddreg [dreg:$0x9];
	s5 =	simm.s32 $0x500  }
0xb5: {  	[tilespmem:s5], [sflag:$0x3] =	stream.linear.gather [hbm4b:s28+s26], $0x40, $0x38;
	[tilespmem:$0x1C800] =	vst v63  }
0xb6: {  	s29 =	rddreg [dreg:$0xa];
	s5 =	simm.s32 $0x180  }
0xb7: {  	[tilespmem:s5], [sflag:$0x4] =	stream.linear.gather [hbm4b:s29+s26], $0x40, $0x38;
	[tilespmem:$0x1C800] =	vst v63  }
0xb8: {  	s30 =	rddreg [dreg:$0xb];
	s28 =	simm.s32 $0x580  }
0xb9: {  	[tilespmem:s28], [sflag:$0x4] =	stream.linear.gather [hbm4b:s30+s26], $0x40, $0x38;
	[tilespmem:$0x1C800] =	vst v63  }
0xba: {  	s29 =	rddreg [dreg:$0xc];
	s30 =	simm.s32 $0x200  }
0xbb: {  	[tilespmem:s30], [sflag:$0x5] =	stream.linear.gather [hbm4b:s29+s26], $0x40, $0x38;
	[tilespmem:$0x1C800] =	vst v63  }
0xbc: {  	s29 =	rddreg [dreg:$0xd];
	s30 =	simm.s32 $0x600  }
0xbd: {  	[tilespmem:s30], [sflag:$0x5] =	stream.linear.gather [hbm4b:s29+s26], $0x40, $0x38;
	[tilespmem:$0x1C800] =	vst v63  }
0xbe: {  	s29 =	rddreg [dreg:$0xe];
	s30 =	simm.s32 $0x280  }
0xbf: {  	[tilespmem:s30], [sflag:$0x6] =	stream.linear.gather [hbm4b:s29+s26], $0x40, $0x38;
	[tilespmem:$0x1C800] =	vst v63  }
0xc0: {  	s29 =	rddreg [dreg:$0xf];
	s30 =	simm.s32 $0x680  }
0xc1: {  	[tilespmem:s30], [sflag:$0x6] =	stream.linear.gather [hbm4b:s29+s26], $0x40, $0x38;
	[tilespmem:$0x1C800] =	vst v63  }
0xc2: {  	s28 =	rddreg [dreg:$0x10]  }
0xc3: {  	[tilespmem:s6], [sflag:$0x7] =	stream.linear.gather [hbm4b:s28+s26], $0x40, $0x38;
	[tilespmem:$0x1C800] =	vst v63  }
0xc4: {  	s29 =	rddreg [dreg:$0x11]  }
0xc5: {  	[tilespmem:s13], [sflag:$0x7] =	stream.linear.gather [hbm4b:s29+s26], $0x40, $0x38;
	[tilespmem:$0x1C800] =	vst v63  }
0xc6: {  	s30 =	rddreg [dreg:$0x12]  }
0xc7: {  	[tilespmem:s17], [sflag:$0x8] =	stream.linear.gather [hbm4b:s30+s26], $0x40, $0x38;
	[tilespmem:$0x1C800] =	vst v63  }
0xc8: {  	s28 =	rddreg [dreg:$0x13];
	s29 =	simm.s32 $0x1  }
0xc9: {  	[tilespmem:s15], [sflag:$0x8] =	stream.linear.gather [hbm4b:s28+s26], $0x40, $0x38;
	[tilespmem:$0x1C800] =	vst v63  }
0xca: {  	_ =	swait.ge [sflag:s29], $0x40  }
0xcb: {  	[sflag:s29] =	ssyncset.done $0x0  }
0xcc: {  	[sflag:s29] =	ssyncadd.s32 $0xFFFFFFC0  }
0xcd: {  	_ =	swait.ge [sflag:s29], $0x40  }
0xce: {  	[sflag:s29] =	ssyncset.done $0x0  }
0xcf: {  	s30 =	simm.s32 $0x2;
	[sflag:s29] =	ssyncadd.s32 $0xFFFFFFC0  }
0xd0: {  	[tilespmem:s11], [sflag:$0x9] =	stream.indirect.gather [hbm4b:s31+s8], $0x80, s26, s8, $0xb8;
	[tilespmem:$0x1C800] =	vst v63  }
0xd1: {  	_ =	swait.ge [sflag:s30], $0x40  }
0xd2: {  	[sflag:s30] =	ssyncset.done $0x0  }
0xd3: {  	[sflag:s30] =	ssyncadd.s32 $0xFFFFFFC0  }
0xd4: {  	_ =	swait.ge [sflag:s30], $0x40  }
0xd5: {  	[sflag:s30] =	ssyncset.done $0x0  }
0xd6: {  	[sflag:s30] =	ssyncadd.s32 $0xFFFFFFC0  }
0xd7: {  	[tilespmem:s10], [sflag:$0xA] =	stream.indirect.gather [hbm4b:s31+s8], $0x80, s2, s8, $0xb8;
	[tilespmem:$0x1C800] =	vst v63  }
0xd8: {  	_ =	swait.ge [sflag:s14], $0x40  }
0xd9: {  	[sflag:s14] =	ssyncset.done $0x0  }
0xda: {  	[sflag:s14] =	ssyncadd.s32 $0xFFFFFFC0  }
0xdb: {  	_ =	swait.ge [sflag:s14], $0x40  }
0xdc: {  	[sflag:s14] =	ssyncset.done $0x0  }
0xdd: {  	[sflag:s14] =	ssyncadd.s32 $0xFFFFFFC0  }
0xde: {  	[tilespmem:s16], [sflag:$0xB] =	stream.indirect.gather [hbm4b:s31+s8], $0x80, s3, s8, $0xb8;
	[tilespmem:$0x1C800] =	vst v63  }
0xdf: {  	_ =	swait.ge [sflag:s7], $0x40  }
0xe0: {  	[sflag:s7] =	ssyncset.done $0x0  }
0xe1: {  	[sflag:s7] =	ssyncadd.s32 $0xFFFFFFC0  }
0xe2: {  	_ =	swait.ge [sflag:s7], $0x40  }
0xe3: {  	[sflag:s7] =	ssyncset.done $0x0  }
0xe4: {  	[sflag:s7] =	ssyncadd.s32 $0xFFFFFFC0  }
0xe5: {  	[tilespmem:s9], [sflag:$0xC] =	stream.indirect.gather [hbm4b:s31+s8], $0x80, s5, s8, $0xb8;
	[tilespmem:$0x1C800] =	vst v63  }
.LBB2_4:
0xe6: {  	_ =	swait.ge [sflag:s18], $0x2000  }
0xe7: {  	[sflag:s18] =	ssyncset.done $0x0  }
0xe8: {  	s0 =	simm.s32 $0x400;
	[sflag:s18] =	ssyncadd.s32 $0xFFFFE000  }
0xe9: {  	[spmem:s4] =	stream.indirect.scatter.add.f32 [tilespmem:s11], [sflag:$0xD], $0x80, s0, s8, $0xb8;
	[tilespmem:$0x1C800] =	vst v63  }
0xea: {  	_ =	swait.ge [sflag:s12], $0x2000  }
0xeb: {  	s0 =	sld [smem:$0x7ED];
	_ =	sdelay $0x1  }
0xec: {  	p0 =	seq.s32 s26, $0x4C0  }
0xed: {  	[sflag:s12] =	ssyncset.done $0x0;
	s29 =	sadd.s32 @!p0 s26, s0;
	s0 =	sld [smem:$0x7EC]  }
0xee: {  	s28 =	simm.s32 @!p0 $0x0;
	[sflag:s12] =	ssyncadd.s32 $0xFFFFE000  }
0xef: {  	[tilespmem:s28], [sflag:$0x1] =	stream.linear.gather @!p0 [hbm4b:s29+s28], $0x40, $0x38;
	[tilespmem:$0x1C800] =	vst v63  }
0xf0: {  	s30 =	simm.s32 @!p0 $0x400;
	s29 =	sadd.s32 @!p0 s26, s0  }
0xf1: {  	[tilespmem:s30], [sflag:$0x1] =	stream.linear.gather @!p0 [hbm4b:s29+s28], $0x40, $0x38;
	[tilespmem:$0x1C800] =	vst v63  }
0xf2: {  	_ =	swait.ge [sflag:s19], $0x40  }
0xf3: {  	[sflag:s19] =	ssyncset.done $0x0  }
0xf4: {  	[sflag:s19] =	ssyncadd.s32 $0xFFFFFFC0  }
0xf5: {  	_ =	swait.ge [sflag:s19], $0x40  }
0xf6: {  	[sflag:s19] =	ssyncset.done $0x0  }
0xf7: {  	s29 =	simm.s32 $0x200;
	[sflag:s19] =	ssyncadd.s32 $0xFFFFFFC0  }
0xf8: {  	[tilespmem:s11], [sflag:$0x9] =	stream.indirect.gather [hbm4b:s31+s8], $0x80, s29, s8, $0xb8;
	[tilespmem:$0x1C800] =	vst v63  }
0xf9: {  	_ =	swait.ge [sflag:s20], $0x2000  }
0xfa: {  	[sflag:s20] =	ssyncset.done $0x0  }
0xfb: {  	s30 =	simm.s32 $0x480;
	[sflag:s20] =	ssyncadd.s32 $0xFFFFE000  }
0xfc: {  	[spmem:s4] =	stream.indirect.scatter.add.f32 [tilespmem:s10], [sflag:$0xD], $0x80, s30, s8, $0xb8;
	[tilespmem:$0x1C800] =	vst v63  }
0xfd: {  	_ =	swait.ge [sflag:s12], $0x2000  }
0xfe: {  	s0 =	sld [smem:$0x7EB];
	_ =	sdelay $0x2  }
0xff: {  	[sflag:s12] =	ssyncset.done $0x0;
	s30 =	sadd.s32 @!p0 s26, s0;
	s0 =	sld [smem:$0x7EA]  }
0x100: {  	s29 =	simm.s32 @!p0 $0x80;
	[sflag:s12] =	ssyncadd.s32 $0xFFFFE000  }
0x101: {  	[tilespmem:s29], [sflag:$0x2] =	stream.linear.gather @!p0 [hbm4b:s30+s28], $0x40, $0x38;
	[tilespmem:$0x1C800] =	vst v63  }
0x102: {  	s30 =	sadd.s32 @!p0 s26, s0;
	s0 =	simm.s32 @!p0 $0x480  }
0x103: {  	[tilespmem:s0], [sflag:$0x2] =	stream.linear.gather @!p0 [hbm4b:s30+s28], $0x40, $0x38;
	[tilespmem:$0x1C800] =	vst v63  }
0x104: {  	_ =	swait.ge [sflag:s21], $0x40  }
0x105: {  	[sflag:s21] =	ssyncset.done $0x0  }
0x106: {  	[sflag:s21] =	ssyncadd.s32 $0xFFFFFFC0  }
0x107: {  	_ =	swait.ge [sflag:s21], $0x40  }
0x108: {  	[sflag:s21] =	ssyncset.done $0x0  }
0x109: {  	s2 =	simm.s32 $0x280;
	[sflag:s21] =	ssyncadd.s32 $0xFFFFFFC0  }
0x10a: {  	[tilespmem:s10], [sflag:$0xA] =	stream.indirect.gather [hbm4b:s31+s8], $0x80, s2, s8, $0xb8;
	[tilespmem:$0x1C800] =	vst v63  }
0x10b: {  	_ =	swait.ge [sflag:s22], $0x2000  }
0x10c: {  	[sflag:s22] =	ssyncset.done $0x0  }
0x10d: {  	s3 =	simm.s32 $0x500;
	[sflag:s22] =	ssyncadd.s32 $0xFFFFE000  }
0x10e: {  	[spmem:s4] =	stream.indirect.scatter.add.f32 [tilespmem:s16], [sflag:$0xD], $0x80, s3, s8, $0xb8;
	[tilespmem:$0x1C800] =	vst v63  }
0x10f: {  	_ =	swait.ge [sflag:s12], $0x2000  }
0x110: {  	[sflag:s12] =	ssyncset.done $0x0;
	s0 =	rddreg [dreg:$0x1f]  }
0x111: {  	s30 =	simm.s32 @!p0 $0x100;
	[sflag:s12] =	ssyncadd.s32 $0xFFFFE000;
	s0 =	sadd.s32 @!p0 s26, s0  }
0x112: {  	[tilespmem:s30], [sflag:$0x3] =	stream.linear.gather @!p0 [hbm4b:s0+s28], $0x40, $0x38;
	[tilespmem:$0x1C800] =	vst v63  }
0x113: {  	s0 =	rddreg [dreg:$0x1e]  }
0x114: {  	s30 =	simm.s32 @!p0 $0x500;
	s0 =	sadd.s32 @!p0 s26, s0  }
0x115: {  	[tilespmem:s30], [sflag:$0x3] =	stream.linear.gather @!p0 [hbm4b:s0+s28], $0x40, $0x38;
	[tilespmem:$0x1C800] =	vst v63  }
0x116: {  	_ =	swait.ge [sflag:s23], $0x40  }
0x117: {  	[sflag:s23] =	ssyncset.done $0x0  }
0x118: {  	[sflag:s23] =	ssyncadd.s32 $0xFFFFFFC0  }
0x119: {  	_ =	swait.ge [sflag:s23], $0x40  }
0x11a: {  	[sflag:s23] =	ssyncset.done $0x0  }
0x11b: {  	[sflag:s23] =	ssyncadd.s32 $0xFFFFFFC0  }
0x11c: {  	[tilespmem:s16], [sflag:$0xB] =	stream.indirect.gather [hbm4b:s31+s8], $0x80, s6, s8, $0xb8;
	[tilespmem:$0x1C800] =	vst v63  }
0x11d: {  	_ =	swait.ge [sflag:s24], $0x2000  }
0x11e: {  	[sflag:s24] =	ssyncset.done $0x0  }
0x11f: {  	s5 =	simm.s32 $0x580;
	[sflag:s24] =	ssyncadd.s32 $0xFFFFE000  }
0x120: {  	[spmem:s4] =	stream.indirect.scatter.add.f32 [tilespmem:s9], [sflag:$0xD], $0x80, s5, s8, $0xb8;
	[tilespmem:$0x1C800] =	vst v63  }
0x121: {  	_ =	swait.ge [sflag:s12], $0x2000  }
0x122: {  	[sflag:s12] =	ssyncset.done $0x0;
	s0 =	rddreg [dreg:$0x1d]  }
0x123: {  	s30 =	simm.s32 @!p0 $0x180;
	[sflag:s12] =	ssyncadd.s32 $0xFFFFE000;
	s0 =	sadd.s32 @!p0 s26, s0  }
0x124: {  	[tilespmem:s30], [sflag:$0x4] =	stream.linear.gather @!p0 [hbm4b:s0+s28], $0x40, $0x38;
	[tilespmem:$0x1C800] =	vst v63  }
0x125: {  	s0 =	rddreg [dreg:$0x1c]  }
0x126: {  	s30 =	simm.s32 @!p0 $0x580;
	s0 =	sadd.s32 @!p0 s26, s0  }
0x127: {  	[tilespmem:s30], [sflag:$0x4] =	stream.linear.gather @!p0 [hbm4b:s0+s28], $0x40, $0x38;
	[tilespmem:$0x1C800] =	vst v63  }
0x128: {  	_ =	swait.ge [sflag:s25], $0x40  }
0x129: {  	[sflag:s25] =	ssyncset.done $0x0  }
0x12a: {  	[sflag:s25] =	ssyncadd.s32 $0xFFFFFFC0  }
0x12b: {  	_ =	swait.ge [sflag:s25], $0x40  }
0x12c: {  	[sflag:s25] =	ssyncset.done $0x0  }
0x12d: {  	[sflag:s25] =	ssyncadd.s32 $0xFFFFFFC0  }
0x12e: {  	[tilespmem:s9], [sflag:$0xC] =	stream.indirect.gather [hbm4b:s31+s8], $0x80, s17, s8, $0xb8;
	[tilespmem:$0x1C800] =	vst v63  }
0x12f: {  	_ =	swait.ge [sflag:s18], $0x2000  }
0x130: {  	[sflag:s18] =	ssyncset.done $0x0  }
0x131: {  	s30 =	simm.s32 $0x600;
	[sflag:s18] =	ssyncadd.s32 $0xFFFFE000  }
0x132: {  	[spmem:s4] =	stream.indirect.scatter.add.f32 [tilespmem:s11], [sflag:$0xD], $0x80, s30, s8, $0xb8;
	[tilespmem:$0x1C800] =	vst v63  }
0x133: {  	_ =	swait.ge [sflag:s12], $0x2000  }
0x134: {  	[sflag:s12] =	ssyncset.done $0x0  }
0x135: {  	s0 =	simm.s32 @p0 $0xA;
	[sflag:s12] =	ssyncadd.s32 $0xFFFFE000  }
0x136: {  	_ =	swait.ge @p0 [sflag:s0], $0x2000  }
0x137: {  	s2 =	simm.s32 @p0 $0x2800;
	[sflag:s0] =	ssyncset.done @p0 $0x0  }
0x138: {  	s30 =	simm.s32 @p0 $0x680;
	[sflag:s0] =	ssyncadd.s32 @p0 $0xFFFFE000;
	s0 =	simm.s32 @p0 $0x40  }
0x139: {  	[spmem:s4] =	stream.indirect.scatter.add.f32 @p0 [tilespmem:s2], [sflag:$0xD], $0x80, s30, s0, $0xb8;
	[tilespmem:$0x1C800] =	vst v63  }
0x13a: {  	s0 =	simm.s32 @p0 $0xD  }
0x13b: {  	_ =	swait.ge @p0 [sflag:s0], $0x2000  }
0x13c: {  	[sflag:s0] =	ssyncset.done @p0 $0x0  }
0x13d: {  	[sflag:s0] =	ssyncadd.s32 @p0 $0xFFFFE000;
	s0 =	rddreg [dreg:$0x1b]  }
0x13e: {  	s2 =	simm.s32 @!p0 $0x200;
	s0 =	sadd.s32 @!p0 s26, s0  }
0x13f: {  	[tilespmem:s2], [sflag:$0x5] =	stream.linear.gather @!p0 [hbm4b:s0+s28], $0x40, $0x38;
	[tilespmem:$0x1C800] =	vst v63  }
0x140: {  	s0 =	rddreg [dreg:$0x1a]  }
0x141: {  	s2 =	simm.s32 @!p0 $0x600;
	s0 =	sadd.s32 @!p0 s26, s0  }
0x142: {  	[tilespmem:s2], [sflag:$0x5] =	stream.linear.gather @!p0 [hbm4b:s0+s28], $0x40, $0x38;
	[tilespmem:$0x1C800] =	vst v63  }
0x143: {  	s0 =	simm.s32 @!p0 $0x1  }
0x144: {  	_ =	swait.ge @!p0 [sflag:s0], $0x40  }
0x145: {  	[sflag:s0] =	ssyncset.done @!p0 $0x0  }
0x146: {  	[sflag:s0] =	ssyncadd.s32 @!p0 $0xFFFFFFC0  }
0x147: {  	_ =	swait.ge @!p0 [sflag:s0], $0x40  }
0x148: {  	[sflag:s0] =	ssyncset.done @!p0 $0x0  }
0x149: {  	s2 =	simm.s32 @!p0 $0x800;
	[sflag:s0] =	ssyncadd.s32 @!p0 $0xFFFFFFC0;
	s0 =	simm.s32 @!p0 $0x40  }
0x14a: {  	[tilespmem:s2], [sflag:$0x9] =	stream.indirect.gather @!p0 [hbm4b:s31+s0], $0x80, s28, s0, $0xb8;
	[tilespmem:$0x1C800] =	vst v63  }
0x14b: {  	s2 =	simm.s32 @!p0 $0xA  }
0x14c: {  	_ =	swait.ge @!p0 [sflag:s2], $0x2000  }
0x14d: {  	s3 =	simm.s32 @!p0 $0xD;
	[sflag:s2] =	ssyncset.done @!p0 $0x0  }
0x14e: {  	s30 =	simm.s32 @!p0 $0x2800;
	[sflag:s2] =	ssyncadd.s32 @!p0 $0xFFFFE000;
	s2 =	simm.s32 @!p0 $0x680  }
0x14f: {  	[spmem:s4] =	stream.indirect.scatter.add.f32 @!p0 [tilespmem:s30], [sflag:$0xD], $0x80, s2, s0, $0xb8;
	[tilespmem:$0x1C800] =	vst v63  }
0x150: {  	_ =	swait.ge @!p0 [sflag:s3], $0x2000  }
0x151: {  	[sflag:s3] =	ssyncset.done @!p0 $0x0  }
0x152: {  	[sflag:s3] =	ssyncadd.s32 @!p0 $0xFFFFE000;
	s3 =	rddreg [dreg:$0x19]  }
0x153: {  	s5 =	simm.s32 @!p0 $0x280;
	s3 =	sadd.s32 @!p0 s26, s3  }
0x154: {  	[tilespmem:s5], [sflag:$0x6] =	stream.linear.gather @!p0 [hbm4b:s3+s28], $0x40, $0x38;
	[tilespmem:$0x1C800] =	vst v63  }
0x155: {  	s3 =	rddreg [dreg:$0x18]  }
0x156: {  	s3 =	sadd.s32 @!p0 s26, s3  }
0x157: {  	[tilespmem:s2], [sflag:$0x6] =	stream.linear.gather @!p0 [hbm4b:s3+s28], $0x40, $0x38;
	[tilespmem:$0x1C800] =	vst v63  }
0x158: {  	s2 =	simm.s32 @!p0 $0x2  }
0x159: {  	_ =	swait.ge @!p0 [sflag:s2], $0x40  }
0x15a: {  	[sflag:s2] =	ssyncset.done @!p0 $0x0  }
0x15b: {  	[sflag:s2] =	ssyncadd.s32 @!p0 $0xFFFFFFC0  }
0x15c: {  	_ =	swait.ge @!p0 [sflag:s2], $0x40  }
0x15d: {  	[sflag:s2] =	ssyncset.done @!p0 $0x0  }
0x15e: {  	[sflag:s2] =	ssyncadd.s32 @!p0 $0xFFFFFFC0  }
0x15f: {  	[tilespmem:s30], [sflag:$0xA] =	stream.indirect.gather @!p0 [hbm4b:s31+s0], $0x80, s29, s0, $0xb8;
	[tilespmem:$0x1C800] =	vst v63  }
0x160: {  	_ =	swait.ge [sflag:s22], $0x2000  }
0x161: {  	[sflag:s22] =	ssyncset.done $0x0  }
.Ltmp3:
0x162: {  	[sflag:s22] =	ssyncadd.s32 $0xFFFFE000;
	(pc) =	sbr.rel @p0 .LBB2_6-.Ltmp3, $4  }
0x163: {  	[spmem:s4] =	stream.indirect.scatter.add.f32 [tilespmem:s16], [sflag:$0xD], $0x80, s13, s8, $0xb8;
	[tilespmem:$0x1C800] =	vst v63  }
0x164: {  	_ =	swait.ge [sflag:s12], $0x2000  }
0x165: {  	[sflag:s12] =	ssyncset.done $0x0  }
0x166: {  	[sflag:s12] =	ssyncadd.s32 $0xFFFFE000  }
0x167: {  	s0 =	rddreg [dreg:$0x17]  }
0x168: {  	s3 =	rddreg [dreg:$0x16];
	s0 =	sadd.s32 s26, s0  }
0x169: {  	[tilespmem:s6], [sflag:$0x7] =	stream.linear.gather [hbm4b:s0+s1], $0x40, $0x38;
	[tilespmem:$0x1C800] =	vst v63  }
0x16a: {  	s0 =	sadd.s32 s26, s3  }
0x16b: {  	[tilespmem:s13], [sflag:$0x7] =	stream.linear.gather [hbm4b:s0+s1], $0x40, $0x38;
	[tilespmem:$0x1C800] =	vst v63  }
0x16c: {  	_ =	swait.ge [sflag:s14], $0x40  }
0x16d: {  	[sflag:s14] =	ssyncset.done $0x0  }
0x16e: {  	[sflag:s14] =	ssyncadd.s32 $0xFFFFFFC0  }
0x16f: {  	_ =	swait.ge [sflag:s14], $0x40  }
0x170: {  	[sflag:s14] =	ssyncset.done $0x0  }
0x171: {  	s5 =	simm.s32 $0x100;
	[sflag:s14] =	ssyncadd.s32 $0xFFFFFFC0  }
0x172: {  	[tilespmem:s16], [sflag:$0xB] =	stream.indirect.gather [hbm4b:s31+s8], $0x80, s5, s8, $0xb8;
	[tilespmem:$0x1C800] =	vst v63  }
0x173: {  	_ =	swait.ge [sflag:s24], $0x2000  }
0x174: {  	[sflag:s24] =	ssyncset.done $0x0  }
0x175: {  	[sflag:s24] =	ssyncadd.s32 $0xFFFFE000  }
0x176: {  	[spmem:s4] =	stream.indirect.scatter.add.f32 [tilespmem:s9], [sflag:$0xD], $0x80, s15, s8, $0xb8;
	[tilespmem:$0x1C800] =	vst v63  }
0x177: {  	_ =	swait.ge [sflag:s12], $0x2000  }
0x178: {  	[sflag:s12] =	ssyncset.done $0x0;
	s28 =	rddreg [dreg:$0x15]  }
0x179: {  	s29 =	rddreg [dreg:$0x14];
	[sflag:s12] =	ssyncadd.s32 $0xFFFFE000;
	s0 =	sadd.s32 s26, s28  }
0x17a: {  	[tilespmem:s17], [sflag:$0x8] =	stream.linear.gather [hbm4b:s0+s1], $0x40, $0x38;
	[tilespmem:$0x1C800] =	vst v63  }
0x17b: {  	s0 =	sadd.s32 s26, s29  }
0x17c: {  	[tilespmem:s15], [sflag:$0x8] =	stream.linear.gather [hbm4b:s0+s1], $0x40, $0x38;
	[tilespmem:$0x1C800] =	vst v63  }
0x17d: {  	_ =	swait.ge [sflag:s7], $0x40  }
0x17e: {  	[sflag:s7] =	ssyncset.done $0x0  }
.Ltmp4:
0x17f: {  	[sflag:s7] =	ssyncadd.s32 $0xFFFFFFC0;
	(pc) =	sbr.rel .LBB2_4-.Ltmp4, $4  }
0x180: {  	_ =	swait.ge [sflag:s7], $0x40  }
0x181: {  	[sflag:s7] =	ssyncset.done $0x0  }
0x182: {  	s30 =	simm.s32 $0x180;
	s26 =	sadd.s32 $0x40, s26;
	[sflag:s7] =	ssyncadd.s32 $0xFFFFFFC0  }
0x183: {  	[tilespmem:s9], [sflag:$0xC] =	stream.indirect.gather [hbm4b:s31+s8], $0x80, s30, s8, $0xb8;
	[tilespmem:$0x1C800] =	vst v63  }
.LBB2_7:
0x184: {  	_ =	sfence.sel $0x180000  }
0x185: {  	[bflag:$0x0] =	sbarrier.arrive $0xFFFF  }
0x186: {  	_ =	strace $0x9000004A  }
0x187: {  	s0 =	stileid.u32;
	[bflag:$0x2] =	sbarrier.arrive $0xFFFF  }
0x188: {  	p0 =	sne.s32 s0, $0x0;
	s0 =	rddreg [dreg:$0x3]  }
0x189: {  	s0 =	sadd.s32 @!p0 $0x100000, s0  }
0x18a: {  	[sflag:s0] =	ssyncadd.tile.s32 @!p0 $0x1;
	_ =	shalt  }
.Lfunc_end2:
_tile_overlayer_lowered:
.L_overlay_start_2:
0x18b: {  	(tag) =	ssettag $0x2  }
0x18c: {  	s0 =	rddreg [dreg:$0x0];
	s2 =	stileid.u32  }
0x18d: {  	s1 =	rddreg [dreg:$0x1];
	p0 =	sne.s32 s2, $0x0  }
0x18e: {  	s3 =	rddreg [dreg:$0x2];
	[bflag:$0x3] =	sbarrier.arrive $0xFFFF;
	s2 =	simm.s32 @!p0 $0x1C0D  }
0x18f: {  	[timem:s3], [sflag:s2] =	dma.local @!p0 [hbm:s0], s1  }
0x190: {  	s0 =	simm.s32 @!p0 $0xD  }
0x191: {  	_ =	swait.ge @!p0 [sflag:s0], s1  }
0x192: {  	s1 =	ssub.s32 @!p0 $0x0, s1;
	[sflag:s0] =	ssyncset.done @!p0 $0x0  }
0x193: {  	[sflag:s0] =	ssyncadd.s32 @!p0 s1  }
0x194: {  	[bflag:$0x3] =	sbarrier.arrive $0xFFFF  }
0x195: {  	_ =	shalt  }

// kernel: kernel.14.cloned.1.call-start
scs
__scs_entry_jumppad:
0x0: {  	(pc) =	sbr.rel $0x88, $3  }
0x1: {  	(tag) =	ssettag $0x0;
	lr =	simm.s32 $0x1  }
0x2: {  	[smem:$0x3F9B] =	sst lr;
	_ =	strace $0xD0000000  }
0x3: {  	_ = 	snop  }
0x4: {  	_ = 	snop  }
0x5: {  	_ = 	snop  }
0x6: {  	_ = 	snop  }
0x7: {  	_ = 	snop  }
__scs_overlays_trampoline_lowered:
0x8: {  	[smem:$0x3FAA] =	sst s0  }
0x9: {  	[smem:$0x3FAB] =	sst s1  }
0xa: {  	[smem:$0x3FAC] =	sst s2  }
0xb: {  	[smem:$0x3FAD] =	sst s3  }
0xc: {  	[smem:$0x3FAE] =	sst s4  }
0xd: {  	[smem:$0x3FAF] =	sst s5  }
0xe: {  	[smem:$0x3FB0] =	sst s6  }
0xf: {  	[smem:$0x3FB1] =	sst s7  }
0x10: {  	[smem:$0x3FB2] =	sst s8  }
0x11: {  	[smem:$0x3FB3] =	sst s9;
	s0 =	simm.s32 @!p0 $0x0  }
0x12: {  	s1 =	sld [smem:$0x3F99];
	s0 =	simm.s32 @p0 $0x1  }
0x13: {  	[smem:$0x3FB4] =	sst s0;
	s0 =	simm.s32 @!p1 $0x0  }
0x14: {  	s2 =	sld [smem:$0x3F98];
	s0 =	simm.s32 @p1 $0x1  }
0x15: {  	[smem:$0x3FB5] =	sst s0;
	s0 =	simm.s32 @!p2 $0x0  }
0x16: {  	s3 =	sld [smem:$0x3FDB];
	s0 =	simm.s32 @p2 $0x1  }
0x17: {  	s4 =	simm.s32 $0x1BF5;
	[smem:$0x3FB7] =	sst s0  }
0x18: {  	s0 =	sld [smem:$0x3F9A];
	_ =	swait.ge [sflag:s4], $0x0  }
0x19: {  	s7 =	sld [smem:$0x3F9B]  }
0x1a: {  	s8 =	sadd.s32 $0xFFFFE003, lr  }
0x1b: {  	s9 =	sadd.s32 $0xFFFFFEF7, lr;
	s5 =	simm.s32 $0xFFFFFFFF;
	p2 =	slt.u32 s8, $0xFFFFF086  }
0x1c: {  	p1 =	slt.u32 s9, $0xF7A;
	s5 =	simm.s32 @!p2 $0x0  }
0x1d: {  	s5 =	simm.s32 @p1 $0x1;
	p0 =	seq.s32 s7, s2  }
0x1e: {  	s7 =	smul.u32 @!p0 $0xF7A, s2;
	p2 =	seq.s32 @!p0 s5, $0x0  }
0x1f: {  	s9 =	smul.u32 $0xF7A, s1;
	s8 =	simm.s32 @!p0 $0x1BF5;
	p2 =	por !p2, p0  }
0x20: {  	[sflag:s8] =	ssyncset.s32 @!p0 $0xFFFFF086;
	s6 =	sadd.s32 @!p0 s3, s7;
	s7 =	simm.s32 @!p0 $0x108  }
0x21: {  	s3 =	sadd.s32 s3, s9;
	s6 =	sadd.s32 @!p0 $0x88, s6;
	s7 =	simm.s32 @p2 $0x1082  }
0x22: {  	[simem:s7], [sflag:s8] =	dma.local @!p0 [hbm:s6], $0xF7A  }
0x23: {  	s9 =	sor.u32 $0xD0000000, s2;
	s6 =	simm.s32 $0x108;
	_ =	swait.ge @!p0 [sflag:s8], $0x0  }
0x24: {  	s3 =	sadd.s32 $0x88, s3;
	s6 =	simm.s32 @!p1 $0x1082;
	[sflag:s4] =	ssyncset.s32 $0xFFFFF086  }
0x25: {  	[simem:s6], [sflag:s4] =	dma.local [hbm:s3], $0xF7A  }
0x26: {  	[smem:$0x3F9B] =	sst s1;
	(tag) =	ssettag s2;
	_ =	strace s9  }
0x27: {  	s1 =	sld [smem:$0x3FAB]  }
0x28: {  	s2 =	sld [smem:$0x3FAC]  }
0x29: {  	s4 =	sld [smem:$0x3FAE]  }
0x2a: {  	p0 =	seq.s32 s5, $0x0;
	s5 =	sld [smem:$0x3FAF]  }
0x2b: {  	s6 =	sld [smem:$0x3FB0]  }
0x2c: {  	s7 =	sld [smem:$0x3FB1]  }
0x2d: {  	s3 =	simm.s32 $0x108;
	s8 =	sld [smem:$0x3FB2]  }
0x2e: {  	s3 =	simm.s32 @!p0 $0x1082;
	s9 =	sld [smem:$0x3FB3]  }
0x2f: {  	lr =	sadd.s32 s0, s3;
	s0 =	sld [smem:$0x3FAA]  }
0x30: {  	s3 =	sld [smem:$0x3FAD]  }
0x31: {  	[smem:$0x3FB6] =	sst s10  }
0x32: {  	s10 =	sld [smem:$0x3FB4];
	_ =	sdelay $0x3  }
0x33: {  	p0 =	seq.s32 s10, $0x1;
	s10 =	sld [smem:$0x3FB6];
	_ =	sdelay $0x3  }
0x34: {  	[smem:$0x3FB6] =	sst s10  }
0x35: {  	s10 =	sld [smem:$0x3FB5];
	_ =	sdelay $0x3  }
0x36: {  	p1 =	seq.s32 s10, $0x1;
	s10 =	sld [smem:$0x3FB6];
	_ =	sdelay $0x3  }
0x37: {  	[smem:$0x3FB6] =	sst s10  }
0x38: {  	s10 =	sld [smem:$0x3FB7]  }
0x39: {  	_ = 	snop;
	(pc) =	sbr.ind lr, $3  }
0x3a: {  	_ = 	snop  }
0x3b: {  	_ = 	snop  }
0x3c: {  	p2 =	seq.s32 s10, $0x1;
	s10 =	sld [smem:$0x3FB6]  }
0x3d: {  	_ =	shalt  }
0x3e: {  	_ =	shalt  }
0x3f: {  	_ =	shalt  }
0x40: {  	_ =	shalt  }
0x41: {  	_ =	shalt  }
0x42: {  	_ =	shalt  }
0x43: {  	_ =	shalt  }
0x44: {  	_ =	shalt  }
0x45: {  	_ =	shalt  }
0x46: {  	_ =	shalt  }
0x47: {  	_ =	shalt  }
0x48: {  	_ =	shalt  }
0x49: {  	_ =	shalt  }
0x4a: {  	_ =	shalt  }
0x4b: {  	_ =	shalt  }
0x4c: {  	_ =	shalt  }
0x4d: {  	_ =	shalt  }
0x4e: {  	_ =	shalt  }
0x4f: {  	_ =	shalt  }
0x50: {  	_ =	shalt  }
0x51: {  	_ =	shalt  }
0x52: {  	_ =	shalt  }
0x53: {  	_ =	shalt  }
0x54: {  	_ =	shalt  }
0x55: {  	_ =	shalt  }
0x56: {  	_ =	shalt  }
0x57: {  	_ =	shalt  }
0x58: {  	_ =	shalt  }
0x59: {  	_ =	shalt  }
0x5a: {  	_ =	shalt  }
0x5b: {  	_ =	shalt  }
0x5c: {  	_ =	shalt  }
0x5d: {  	_ =	shalt  }
0x5e: {  	_ =	shalt  }
0x5f: {  	_ =	shalt  }
0x60: {  	_ =	shalt  }
0x61: {  	_ =	shalt  }
0x62: {  	_ =	shalt  }
0x63: {  	_ =	shalt  }
0x64: {  	_ =	shalt  }
0x65: {  	_ =	shalt  }
0x66: {  	_ =	shalt  }
0x67: {  	_ =	shalt  }
0x68: {  	_ =	shalt  }
0x69: {  	_ =	shalt  }
0x6a: {  	_ =	shalt  }
0x6b: {  	_ =	shalt  }
0x6c: {  	_ =	shalt  }
0x6d: {  	_ =	shalt  }
0x6e: {  	_ =	shalt  }
0x6f: {  	_ =	shalt  }
0x70: {  	_ =	shalt  }
0x71: {  	_ =	shalt  }
0x72: {  	_ =	shalt  }
0x73: {  	_ =	shalt  }
0x74: {  	_ =	shalt  }
0x75: {  	_ =	shalt  }
0x76: {  	_ =	shalt  }
0x77: {  	_ =	shalt  }
0x78: {  	_ =	shalt  }
0x79: {  	_ =	shalt  }
0x7a: {  	_ =	shalt  }
0x7b: {  	_ =	shalt  }
0x7c: {  	_ =	shalt  }
0x7d: {  	_ =	shalt  }
0x7e: {  	_ =	shalt  }
0x7f: {  	_ =	shalt  }
0x80: {  	_ =	shalt  }
0x81: {  	_ =	shalt  }
0x82: {  	_ =	shalt  }
0x83: {  	_ =	shalt  }
0x84: {  	_ =	shalt  }
0x85: {  	_ =	shalt  }
0x86: {  	_ =	shalt  }
0x87: {  	_ =	shalt  }
.Lfunc_end0:
.L_simem_size_0:
called_computation.2_lowered:
.L_overlay_start_0:
0x88: {  	s2 =	sld [smem:$0x3FD9]  }
0x89: {  	s3 =	sld [smem:$0x3FFE];
	_ =	sdelay $0x1  }
0x8a: {  	s1 =	srdreg.scid  }
0x8b: {  	s0 =	sand.u32 $0x1, s1  }
0x8c: {  	s17 =	sshll.u32 s0, $0xA;
	s2 =	sadd.s32 s3, s2  }
0x8d: {  	s2 =	sadd.s32 s2, s17  }
0x8e: {  	[smem:$0x3FC2] =	sst s2  }
0x8f: {  	_ = 	snop  }
0x90: {  	s2 =	sld [smem:$0x3FD0];
	(tm) =	ssettm $0x1  }
0x91: {  	s18 =	sld [smem:$0x3FFB];
	_ =	sdelay $0x3  }
0x92: {  	_ =	strace s18  }
0x93: {  	s3 =	sld [smem:$0x3FFC];
	_ =	sdelay $0x3  }
0x94: {  	_ =	strace s3  }
0x95: {  	s3 =	sld [smem:$0x3FFD];
	_ =	sdelay $0x3  }
0x96: {  	_ =	strace s3  }
0x97: {  	_ =	strace $0x8FFFFFFF  }
0x98: {  	s19 =	sld [smem:$0x3FDB];
	_ =	sdelay $0x1  }
0x99: {  	s4 =	simm.s32 $_scs_section_size  }
0x9a: {  	s5 =	simm.s32 $_size__tile_overlayer_lowered;
	s6 =	simm.s32 $_tile_overlayer_lowered  }
0x9b: {  	s22 =	simm.s32 $0x1BFF;
	s21 =	sshll.u32 s6, $0x1;
	s3 =	sadd.s32 s4, s19  }
0x9c: {  	s7 =	simm.s32 $0x0;
	s20 =	sshll.u32 s5, $0x1;
	s5 =	sadd.s32 s21, s3  }
0x9d: {  	[timem:s7], [sflag:s22] =	dma.local [hbm:s5], s20  }
0x9e: {  	_ =	swait.ge [sflag:s22], s20  }
0x9f: {  	s4 =	ssub.s32 $0x0, s20;
	[sflag:s22] =	ssyncset.done $0x0  }
0xa0: {  	[sflag:s22] =	ssyncadd.s32 s4;
	_ =	sdelay $0x1  }
0xa1: {  	s23 =	simm.s32 $0x1B8B  }
0xa2: {  	_ =	swait.ge [sflag:s23], $0x1  }
0xa3: {  	[sflag:s23] =	ssyncset.done $0x0  }
0xa4: {  	s25 =	simm.s32 $0x1B8E;
	s24 =	sld [smem:$0x3FFE];
	[sflag:s23] =	ssyncadd.s32 $0xFFFFFFFF  }
0xa5: {  	s26 =	simm.s32 $execute0_lowered;
	[smem:$0x3FD2] =	sst s25  }
0xa6: {  	s5 =	sshll.u32 s26, $0x1;
	_ =	strace $0x8000004C;
	[dreg:$0x1] =	wrdreg $0xFFFFFFFF  }
0xa7: {  	s28 =	simm.s32 $_size_execute0_lowered;
	s3 =	sadd.s32 s3, s5;
	[dreg:$0x0] =	wrdreg $0x0  }
0xa8: {  	s5 =	sshll.u32 s28, $0x1;
	[dreg:$0x2] =	wrdreg s3  }
0xa9: {  	[dreg:$0x3] =	wrdreg s5  }
0xaa: {  	[dreg:$0x4] =	wrdreg $0xC0  }
0xab: {  	_ =	task [dreg:s7], $0x5FFFF  }
0xac: {  	[dreg:$0x1] =	wrdreg $0xFFFFFFFF  }
0xad: {  	[dreg:$0x0] =	wrdreg $0x60  }
0xae: {  	[dreg:$0x2] =	wrdreg s2  }
0xaf: {  	[dreg:$0x3] =	wrdreg s24  }
0xb0: {  	[dreg:$0x4] =	wrdreg $0x88000  }
0xb1: {  	[dreg:$0x5] =	wrdreg $0x9  }
0xb2: {  	_ =	task.clear_ibuf [dreg:s7], $0x6FFFF;
	_ =	strace $0x9000004C  }
0xb3: {  	s29 =	simm.s32 $0x9;
	_ =	strace $0x8000004E  }
0xb4: {  	_ =	swait.ge [sflag:s29], $0x1  }
0xb5: {  	[sflag:s29] =	ssyncadd.s32 $0xFFFFFFFF  }
0xb6: {  	_ =	strace $0x9000004E  }
0xb7: {  	_ =	sfence  }
0xb8: {  	s30 =	sld [smem:$0x0];
	_ =	sdelay $0x2  }
0xb9: {  	s31 =	sshll.u32 s1, $0xD;
	s1 =	sshrl.u32 s1, $0x2  }
0xba: {  	s3 =	sand.u32 $0x4000, s31;
	s1 =	sadd.s32 s1, s30  }
0xbb: {  	s0 =	sor.u32 s3, s0;
	s1 =	sshll.u32 s1, $0x11  }
0xbc: {  	s0 =	sor.u32 s1, s0  }
0xbd: {  	s0 =	sadd.s32 $0x8F2B, s0  }
0xbe: {  	[sflag:s0] =	ssyncadd.remote.s32 $0x1  }
0xbf: {  	_ =	sfence.sel $0xFFFF  }
0xc0: {  	[dreg:$0x0] =	wrdreg $0xFFFFFFFF;
	(pc) =	sbr.abs _section_cstart, $3  }
0xc1: {  	[dreg:$0x1] =	wrdreg $0xFFFFFFFF  }
0xc2: {  	_ =	task.clear_ibuf [dreg:s7], $0x2FFFF;
	_ =	strace $0x9FFFFFFF  }
0xc3: {  	(tm) =	ssettm $0x7FFFFFFF  }
tec
execute0_lowered:
.L_overlay_start_1:
0x0: {  	(tag) =	ssettag $0x1  }
0x1: {  	s0 =	srdreg.scid;
	s10 =	stileid.u32  }
0x2: {  	s2 =	rddreg [dreg:$0x1];
	s3 =	smul.u32 $0x280, s10  }
0x3: {  	s1 =	simm.s32 $0x0;
	s0 =	sand.u32 $0x1, s0;
	s21 =	smul.u32 $0x2800, s10  }
0x4: {  	s31 =	rddreg [dreg:$0x0];
	s4 =	smul.u32 $0x2800, s0;
	s6 =	sshll.u32 s0, $0x4  }
0x5: {  	s7 =	ssub.s32 $0x2, s0;
	s0 =	smul.u32 $0x28000, s0;
	s6 =	sor.u32 s10, s6  }
0x6: {  	[smem:$0x7FF] =	sst s1;
	s5 =	sadd.s32 $0xC800, s2;
	s8 =	smul.u32 $0x2800, s6  }
0x7: {  	s9 =	sshrl.u32 s7, $0x1;
	s4 =	sadd.s32 s3, s4;
	s3 =	sadd.s32 $0x2800, s2  }
0x8: {  	s7 =	ssub.s32 s7, s9;
	s0 =	sadd.s32 s21, s0;
	s28 =	sshrl.u32 s8, $0x3  }
0x9: {  	s4 =	sshll.u32 s4, $0x4;
	s26 =	sor.u32 $0x3C0, s0;
	s11 =	sadd.s32 s5, s28  }
0xa: {  	s8 =	sshrl.u32 s26, $0x3;
	s12 =	sadd.s32 s3, s28;
	[dreg:$0x4] =	wrdreg s11  }
0xb: {  	s13 =	sor.u32 $0x8, s28;
	s9 =	sadd.s32 s8, s3;
	[dreg:$0x5] =	wrdreg s12  }
0xc: {  	s6 =	sadd.s32 s4, s2;
	s14 =	sadd.s32 s5, s13;
	[dreg:$0x14] =	wrdreg s9  }
0xd: {  	s15 =	sor.u32 $0x10, s28;
	s4 =	sadd.s32 s3, s13;
	[dreg:$0x6] =	wrdreg s14  }
0xe: {  	s17 =	sor.u32 $0x18, s28;
	s16 =	sadd.s32 s5, s15;
	[dreg:$0x7] =	wrdreg s4  }
0xf: {  	s19 =	sor.u32 $0x20, s28;
	s18 =	sadd.s32 s5, s17;
	[dreg:$0x8] =	wrdreg s16  }
0x10: {  	s20 =	sor.u32 $0x28, s28;
	s11 =	sadd.s32 s5, s19;
	[dreg:$0xa] =	wrdreg s18  }
0x11: {  	s22 =	sadd.s32 s5, s20;
	[dreg:$0xc] =	wrdreg s11  }
0x12: {  	s24 =	sor.u32 $0x30, s28;
	s23 =	sadd.s32 s3, s20;
	[dreg:$0xe] =	wrdreg s22  }
0x13: {  	s2 =	sor.u32 $0x38, s28;
	s25 =	sadd.s32 s5, s24;
	[dreg:$0xf] =	wrdreg s23  }
0x14: {  	s28 =	sadd.s32 s5, s2;
	s2 =	sadd.s32 s3, s2;
	[dreg:$0x10] =	wrdreg s25  }
0x15: {  	s12 =	sor.u32 $0x340, s0;
	s20 =	sor.u32 $0x280, s0;
	[dreg:$0x12] =	wrdreg s28  }
0x16: {  	s4 =	sadd.s32 s3, s15;
	[dreg:$0x13] =	wrdreg s2;
	s11 =	sor.u32 $0x380, s0  }
0x17: {  	s14 =	sor.u32 $0x300, s0;
	[dreg:$0x9] =	wrdreg s4;
	s4 =	sadd.s32 s3, s17  }
0x18: {  	s2 =	sshrl.u32 s11, $0x3;
	[dreg:$0xb] =	wrdreg s4;
	s4 =	sadd.s32 s3, s19  }
0x19: {  	s23 =	sor.u32 $0x240, s0;
	s13 =	sadd.s32 s2, s3;
	[dreg:$0xd] =	wrdreg s4  }
0x1a: {  	s15 =	sshrl.u32 s14, $0x3;
	s2 =	sadd.s32 s2, s5;
	[dreg:$0x16] =	wrdreg s13  }
0x1b: {  	s25 =	sshrl.u32 s23, $0x3;
	s17 =	sadd.s32 s15, s3;
	[dreg:$0x17] =	wrdreg s2  }
0x1c: {  	s28 =	smul.u32 $0x50000, s10;
	s10 =	sadd.s32 s25, s3;
	[dreg:$0x1a] =	wrdreg s17  }
0x1d: {  	s18 =	sor.u32 $0x2C0, s0;
	s11 =	sadd.s32 s25, s5;
	[smem:$0x7EA] =	sst s10  }
0x1e: {  	s22 =	sshrl.u32 s20, $0x3;
	s4 =	sadd.s32 s3, s24;
	[smem:$0x7EB] =	sst s11  }
0x1f: {  	s19 =	sshrl.u32 s18, $0x3;
	s2 =	sadd.s32 s15, s5;
	[dreg:$0x11] =	wrdreg s4  }
0x20: {  	s0 =	sor.u32 $0x200, s0;
	s21 =	sadd.s32 s19, s3;
	[dreg:$0x1b] =	wrdreg s2  }
0x21: {  	s26 =	sshrl.u32 s0, $0x3;
	s24 =	sadd.s32 s22, s3;
	[dreg:$0x1c] =	wrdreg s21  }
0x22: {  	s13 =	sadd.s32 s26, s5;
	[dreg:$0x1e] =	wrdreg s24  }
0x23: {  	s4 =	sadd.s32 s8, s5;
	[smem:$0x7ED] =	sst s13  }
0x24: {  	s9 =	simm.s32 $0x6800;
	s2 =	sadd.s32 s19, s5;
	[dreg:$0x15] =	wrdreg s4  }
0x25: {  	s20 =	smax.u32 s7, $0x1;
	[dreg:$0x1d] =	wrdreg s2;
	s2 =	sadd.s32 s22, s5  }
0x26: {  	s4 =	sshrl.u32 s12, $0x3;
	s12 =	sadd.s32 s26, s3;
	[dreg:$0x1f] =	wrdreg s2  }
0x27: {  	s7 =	simm.s32 $0x4;
	s16 =	sadd.s32 s4, s3;
	[smem:$0x7EC] =	sst s12  }
0x28: {  	s14 =	sshrl.u32 s28, $0x2;
	s4 =	sadd.s32 s4, s5;
	[dreg:$0x18] =	wrdreg s16  }
0x29: {  	s18 =	sadd.s32 $0x18000, s6;
	s15 =	sadd.s32 $0x16800, s6;
	[dreg:$0x19] =	wrdreg s4  }
0x2a: {  	s17 =	sadd.s32 $0x17800, s6;
	s11 =	simm.s32 $0x800;
	s4 =	rddreg [dreg:$0x2]  }
0x2b: {  	s16 =	sadd.s32 $0x17000, s6;
	_ =	strace $0x8000004D;
	[smem:$0x7EE] =	sst s15  }
0x2c: {  	s10 =	simm.s32 $0x2800;
	s19 =	sadd.s32 $0x18800, s6;
	[smem:$0x7EF] =	sst s16  }
0x2d: {  	s13 =	simm.s32 $0x700;
	s8 =	simm.s32 $0x40;
	[smem:$0x7F0] =	sst s17  }
0x2e: {  	s12 =	simm.s32 $0xD;
	s2 =	simm.s32 $0x0;
	[smem:$0x7F1] =	sst s18  }
0x2f: {  	s6 =	simm.s32 $0x300;
	s3 =	sadd.s32 s14, s4;
	[smem:$0x7F2] =	sst s19  }
0x30: {  	[smem:$0x7F3] =	sst s20;
	s17 =	simm.s32 $0x380;
	s15 =	simm.s32 $0x780  }
0x31: {  	s14 =	simm.s32 $0x3;
	s21 =	sadd.s32 $0x2000, s3;
	[smem:$0x7FB] =	sst s3  }
0x32: {  	s16 =	simm.s32 $0x4800;
	s22 =	sadd.s32 $0x6000, s3;
	[smem:$0x7F4] =	sst s21  }
0x33: {  	s18 =	simm.s32 $0x9;
	s23 =	sadd.s32 $0xA000, s3;
	[smem:$0x7F5] =	sst s22  }
0x34: {  	s19 =	simm.s32 $0x5;
	s24 =	sadd.s32 $0xC000, s3;
	[smem:$0x7F6] =	sst s23  }
0x35: {  	s20 =	simm.s32 $0xA;
	s25 =	sadd.s32 $0xE000, s3;
	[smem:$0x7F7] =	sst s24  }
.Ltmp0:
0x36: {  	s26 =	sadd.s32 $0x10000, s3;
	[smem:$0x7F8] =	sst s25;
	(pc) =	sbr.rel .LBB2_1-.Ltmp0, $4  }
0x37: {  	s29 =	sadd.s32 $0x4000, s3;
	s28 =	sadd.s32 $0x12000, s3;
	[smem:$0x7F9] =	sst s26  }
0x38: {  	s30 =	sadd.s32 $0x8000, s3;
	[smem:$0x7FA] =	sst s28;
	s21 =	simm.s32 $0x6  }
0x39: {  	s22 =	simm.s32 $0xB;
	s23 =	simm.s32 $0x7;
	[smem:$0x7FC] =	sst s29  }
0x3a: {  	v0 =	vimm.f32 $0.0e+00;
	s24 =	simm.s32 $0xC;
	s25 =	simm.s32 $0x8;
	[smem:$0x7FD] =	sst s30  }
.LBB2_6:
0x3b: {  	_ =	swait.ge [sflag:s24], $0x2000  }
0x3c: {  	[sflag:s24] =	ssyncset.done $0x0  }
0x3d: {  	[sflag:s24] =	ssyncadd.s32 $0xFFFFE000  }
0x3e: {  	[spmem:s4] =	stream.indirect.scatter.add.f32 [tilespmem:s9], [sflag:$0xD], $0x80, s15, s8, $0xb8;
	[tilespmem:$0x1C800] =	vst v63  }
0x3f: {  	_ =	swait.ge [sflag:s12], $0x2000  }
0x40: {  	[sflag:s12] =	ssyncset.done $0x0  }
0x41: {  	[sflag:s12] =	ssyncadd.s32 $0xFFFFE000  }
0x42: {  	[bflag:$0x0] =	sbarrier.arrive $0xFFFF  }
0x43: {  	s3 =	sld [smem:$0x7FB]  }
0x44: {  	s0 =	stileid.u32;
	s5 =	sld [smem:$0x7EE]  }
0x45: {  	s0 =	sshll.u32 s0, $0x6  }
0x46: {  	s0 =	sor.u32 $0x1C0D, s0;
	s2 =	sshrl.u32 s3, $0x3  }
0x47: {  	[hbm:s5], [sflag:s0] =	dma.local [spmem:s2], $0x800  }
0x48: {  	_ =	swait.ge [sflag:s12], $0x800  }
0x49: {  	s29 =	sld [smem:$0x7FC]  }
0x4a: {  	s28 =	sld [smem:$0x7EF]  }
0x4b: {  	[sflag:s12] =	ssyncset.done $0x0  }
0x4c: {  	[sflag:s12] =	ssyncadd.s32 $0xFFFFF800;
	s26 =	sshrl.u32 s29, $0x3  }
0x4d: {  	[hbm:s28], [sflag:s0] =	dma.local [spmem:s26], $0x800  }
0x4e: {  	_ =	swait.ge [sflag:s12], $0x800  }
0x4f: {  	s30 =	sld [smem:$0x7FD]  }
0x50: {  	s28 =	sld [smem:$0x7F0]  }
0x51: {  	[sflag:s12] =	ssyncset.done $0x0  }
0x52: {  	[sflag:s12] =	ssyncadd.s32 $0xFFFFF800;
	s26 =	sshrl.u32 s30, $0x3  }
0x53: {  	[hbm:s28], [sflag:s0] =	dma.local [spmem:s26], $0x800  }
0x54: {  	_ =	swait.ge [sflag:s12], $0x800  }
0x55: {  	s26 =	sld [smem:$0x7F7]  }
0x56: {  	s28 =	sld [smem:$0x7F1]  }
0x57: {  	[sflag:s12] =	ssyncset.done $0x0  }
0x58: {  	[sflag:s12] =	ssyncadd.s32 $0xFFFFF800;
	s2 =	sshrl.u32 s26, $0x3  }
0x59: {  	[hbm:s28], [sflag:s0] =	dma.local [spmem:s2], $0x800  }
0x5a: {  	_ =	swait.ge [sflag:s12], $0x800  }
0x5b: {  	s26 =	sld [smem:$0x7F9]  }
0x5c: {  	s28 =	sld [smem:$0x7F2]  }
0x5d: {  	[sflag:s12] =	ssyncset.done $0x0  }
0x5e: {  	[sflag:s12] =	ssyncadd.s32 $0xFFFFF800;
	s2 =	sshrl.u32 s26, $0x3  }
0x5f: {  	[hbm:s28], [sflag:s0] =	dma.local [spmem:s2], $0x800  }
0x60: {  	_ =	swait.ge [sflag:s12], $0x800  }
0x61: {  	s26 =	sld [smem:$0x7E9]  }
0x62: {  	s28 =	sld [smem:$0x7F3];
	_ =	sdelay $0x1  }
0x63: {  	s2 =	sadd.s32 $0x1, s26  }
0x64: {  	p0 =	sne.s32 s2, s28  }
.Ltmp1:
0x65: {  	_ = 	snop;
	(pc) =	sbr.rel @!p0 .LBB2_7-.Ltmp1, $3  }
0x66: {  	_ =	sdelay $0x1  }
0x67: {  	[sflag:s12] =	ssyncset.done $0x0  }
0x68: {  	[sflag:s12] =	ssyncadd.s32 $0xFFFFF800  }
.LBB2_1:
0x69: {  	[smem:$0x7E9] =	sst s2;
	s26 =	simm.s32 $0x0;
	s28 =	simm.s32 $0x200  }
.LBB2_2:
0x6a: {  	p0 =	sne.s32 s28, $0x7E00;
	[tilespmem:s26+$0x870] =	vst v0  }
0x6b: {  	[tilespmem:s26+$0x800] =	vst v0  }
0x6c: {  	[tilespmem:s26+$0x810] =	vst v0  }
.Ltmp2:
0x6d: {  	[tilespmem:s26+$0x820] =	vst v0;
	(pc) =	sbr.rel @p0 .LBB2_2-.Ltmp2, $4  }
0x6e: {  	[tilespmem:s26+$0x830] =	vst v0  }
0x6f: {  	[tilespmem:s26+$0x840] =	vst v0  }
0x70: {  	[tilespmem:s26+$0x850] =	vst v0  }
0x71: {  	[tilespmem:s26+$0x860] =	vst v0;
	s26 =	sshra.s32 s28, $0x2;
	s28 =	sadd.s32 $0x200, s28  }
0x72: {  	[tilespmem:s26+$0x870] =	vst v0  }
0x73: {  	[tilespmem:s26+$0x800] =	vst v0  }
0x74: {  	[tilespmem:s26+$0x810] =	vst v0  }
0x75: {  	[tilespmem:s26+$0x820] =	vst v0  }
0x76: {  	[tilespmem:s26+$0x830] =	vst v0  }
0x77: {  	[tilespmem:s26+$0x840] =	vst v0  }
0x78: {  	[tilespmem:s26+$0x850] =	vst v0  }
0x79: {  	[tilespmem:s26+$0x860] =	vst v0  }
0x7a: {  	[spmem:s3] =	stream.linear.scatter [tilespmem:s11], [sflag:$0xD], $0x2000, $0x38;
	[tilespmem:$0x1C800] =	vst v63  }
0x7b: {  	_ =	swait.ge [sflag:s12], $0x2000  }
0x7c: {  	s0 =	sld [smem:$0x7F4]  }
0x7d: {  	[sflag:s12] =	ssyncset.done $0x0  }
0x7e: {  	[sflag:s12] =	ssyncadd.s32 $0xFFFFE000  }
0x7f: {  	[spmem:s0] =	stream.linear.scatter [tilespmem:s11], [sflag:$0xD], $0x2000, $0x38;
	[tilespmem:$0x1C800] =	vst v63  }
0x80: {  	_ =	swait.ge [sflag:s12], $0x2000  }
0x81: {  	[sflag:s12] =	ssyncset.done $0x0  }
0x82: {  	[sflag:s12] =	ssyncadd.s32 $0xFFFFE000  }
0x83: {  	[spmem:s29] =	stream.linear.scatter [tilespmem:s11], [sflag:$0xD], $0x2000, $0x38;
	[tilespmem:$0x1C800] =	vst v63  }
0x84: {  	_ =	swait.ge [sflag:s12], $0x2000  }
0x85: {  	s5 =	sld [smem:$0x7F5]  }
0x86: {  	[sflag:s12] =	ssyncset.done $0x0  }
0x87: {  	[sflag:s12] =	ssyncadd.s32 $0xFFFFE000  }
0x88: {  	[spmem:s5] =	stream.linear.scatter [tilespmem:s11], [sflag:$0xD], $0x2000, $0x38;
	[tilespmem:$0x1C800] =	vst v63  }
0x89: {  	_ =	swait.ge [sflag:s12], $0x2000  }
0x8a: {  	[sflag:s12] =	ssyncset.done $0x0  }
0x8b: {  	[sflag:s12] =	ssyncadd.s32 $0xFFFFE000  }
0x8c: {  	[spmem:s30] =	stream.linear.scatter [tilespmem:s11], [sflag:$0xD], $0x2000, $0x38;
	[tilespmem:$0x1C800] =	vst v63  }
0x8d: {  	_ =	swait.ge [sflag:s12], $0x2000  }
0x8e: {  	s26 =	sld [smem:$0x7F6]  }
0x8f: {  	[sflag:s12] =	ssyncset.done $0x0  }
0x90: {  	[sflag:s12] =	ssyncadd.s32 $0xFFFFE000  }
0x91: {  	[spmem:s26] =	stream.linear.scatter [tilespmem:s11], [sflag:$0xD], $0x2000, $0x38;
	[tilespmem:$0x1C800] =	vst v63  }
0x92: {  	_ =	swait.ge [sflag:s12], $0x2000  }
0x93: {  	s28 =	sld [smem:$0x7F7]  }
0x94: {  	[sflag:s12] =	ssyncset.done $0x0  }
0x95: {  	[sflag:s12] =	ssyncadd.s32 $0xFFFFE000  }
0x96: {  	[spmem:s28] =	stream.linear.scatter [tilespmem:s11], [sflag:$0xD], $0x2000, $0x38;
	[tilespmem:$0x1C800] =	vst v63  }
0x97: {  	_ =	swait.ge [sflag:s12], $0x2000  }
0x98: {  	s29 =	sld [smem:$0x7F8]  }
0x99: {  	[sflag:s12] =	ssyncset.done $0x0  }
0x9a: {  	[sflag:s12] =	ssyncadd.s32 $0xFFFFE000  }
0x9b: {  	[spmem:s29] =	stream.linear.scatter [tilespmem:s11], [sflag:$0xD], $0x2000, $0x38;
	[tilespmem:$0x1C800] =	vst v63  }
0x9c: {  	_ =	swait.ge [sflag:s12], $0x2000  }
0x9d: {  	s30 =	sld [smem:$0x7F9]  }
0x9e: {  	[sflag:s12] =	ssyncset.done $0x0  }
0x9f: {  	[sflag:s12] =	ssyncadd.s32 $0xFFFFE000  }
0xa0: {  	[spmem:s30] =	stream.linear.scatter [tilespmem:s11], [sflag:$0xD], $0x2000, $0x38;
	[tilespmem:$0x1C800] =	vst v63  }
0xa1: {  	_ =	swait.ge [sflag:s12], $0x2000  }
0xa2: {  	s2 =	sld [smem:$0x7FA]  }
0xa3: {  	[sflag:s12] =	ssyncset.done $0x0  }
0xa4: {  	[sflag:s12] =	ssyncadd.s32 $0xFFFFE000  }
0xa5: {  	[spmem:s2] =	stream.linear.scatter [tilespmem:s11], [sflag:$0xD], $0x2000, $0x38;
	[tilespmem:$0x1C800] =	vst v63  }
0xa6: {  	_ =	swait.ge [sflag:s12], $0x2000  }
0xa7: {  	[sflag:s12] =	ssyncset.done $0x0  }
0xa8: {  	[sflag:s12] =	ssyncadd.s32 $0xFFFFE000  }
0xa9: {  	[bflag:$0x0] =	sbarrier.arrive $0xFFFF  }
0xaa: {  	s26 =	simm.s32 $0x0;
	s3 =	rddreg [dreg:$0x4]  }
0xab: {  	[tilespmem:s26], [sflag:$0x1] =	stream.linear.gather [hbm4b:s3+s26], $0x40, $0x38;
	[tilespmem:$0x1C800] =	vst v63  }
0xac: {  	s2 =	simm.s32 $0x400;
	s5 =	rddreg [dreg:$0x5]  }
0xad: {  	[tilespmem:s2], [sflag:$0x1] =	stream.linear.gather [hbm4b:s5+s26], $0x40, $0x38;
	[tilespmem:$0x1C800] =	vst v63  }
0xae: {  	s28 =	rddreg [dreg:$0x6];
	s2 =	simm.s32 $0x80  }
0xaf: {  	[tilespmem:s2], [sflag:$0x2] =	stream.linear.gather [hbm4b:s28+s26], $0x40, $0x38;
	[tilespmem:$0x1C800] =	vst v63  }
0xb0: {  	s30 =	simm.s32 $0x480;
	s29 =	rddreg [dreg:$0x7]  }
0xb1: {  	[tilespmem:s30], [sflag:$0x2] =	stream.linear.gather [hbm4b:s29+s26], $0x40, $0x38;
	[tilespmem:$0x1C800] =	vst v63  }
0xb2: {  	s3 =	simm.s32 $0x100;
	s5 =	rddreg [dreg:$0x8]  }
0xb3: {  	[tilespmem:s3], [sflag:$0x3] =	stream.linear.gather [hbm4b:s5+s26], $0x40, $0x38;
	[tilespmem:$0x1C800] =	vst v63  }
0xb4: {  	s28 =	rddreg [dreg:$0x9];
	s5 =	simm.s32 $0x500  }
0xb5: {  	[tilespmem:s5], [sflag:$0x3] =	stream.linear.gather [hbm4b:s28+s26], $0x40, $0x38;
	[tilespmem:$0x1C800] =	vst v63  }
0xb6: {  	s29 =	rddreg [dreg:$0xa];
	s5 =	simm.s32 $0x180  }
0xb7: {  	[tilespmem:s5], [sflag:$0x4] =	stream.linear.gather [hbm4b:s29+s26], $0x40, $0x38;
	[tilespmem:$0x1C800] =	vst v63  }
0xb8: {  	s30 =	rddreg [dreg:$0xb];
	s28 =	simm.s32 $0x580  }
0xb9: {  	[tilespmem:s28], [sflag:$0x4] =	stream.linear.gather [hbm4b:s30+s26], $0x40, $0x38;
	[tilespmem:$0x1C800] =	vst v63  }
0xba: {  	s29 =	rddreg [dreg:$0xc];
	s30 =	simm.s32 $0x200  }
0xbb: {  	[tilespmem:s30], [sflag:$0x5] =	stream.linear.gather [hbm4b:s29+s26], $0x40, $0x38;
	[tilespmem:$0x1C800] =	vst v63  }
0xbc: {  	s29 =	rddreg [dreg:$0xd];
	s30 =	simm.s32 $0x600  }
0xbd: {  	[tilespmem:s30], [sflag:$0x5] =	stream.linear.gather [hbm4b:s29+s26], $0x40, $0x38;
	[tilespmem:$0x1C800] =	vst v63  }
0xbe: {  	s29 =	rddreg [dreg:$0xe];
	s30 =	simm.s32 $0x280  }
0xbf: {  	[tilespmem:s30], [sflag:$0x6] =	stream.linear.gather [hbm4b:s29+s26], $0x40, $0x38;
	[tilespmem:$0x1C800] =	vst v63  }
0xc0: {  	s29 =	rddreg [dreg:$0xf];
	s30 =	simm.s32 $0x680  }
0xc1: {  	[tilespmem:s30], [sflag:$0x6] =	stream.linear.gather [hbm4b:s29+s26], $0x40, $0x38;
	[tilespmem:$0x1C800] =	vst v63  }
0xc2: {  	s28 =	rddreg [dreg:$0x10]  }
0xc3: {  	[tilespmem:s6], [sflag:$0x7] =	stream.linear.gather [hbm4b:s28+s26], $0x40, $0x38;
	[tilespmem:$0x1C800] =	vst v63  }
0xc4: {  	s29 =	rddreg [dreg:$0x11]  }
0xc5: {  	[tilespmem:s13], [sflag:$0x7] =	stream.linear.gather [hbm4b:s29+s26], $0x40, $0x38;
	[tilespmem:$0x1C800] =	vst v63  }
0xc6: {  	s30 =	rddreg [dreg:$0x12]  }
0xc7: {  	[tilespmem:s17], [sflag:$0x8] =	stream.linear.gather [hbm4b:s30+s26], $0x40, $0x38;
	[tilespmem:$0x1C800] =	vst v63  }
0xc8: {  	s28 =	rddreg [dreg:$0x13];
	s29 =	simm.s32 $0x1  }
0xc9: {  	[tilespmem:s15], [sflag:$0x8] =	stream.linear.gather [hbm4b:s28+s26], $0x40, $0x38;
	[tilespmem:$0x1C800] =	vst v63  }
0xca: {  	_ =	swait.ge [sflag:s29], $0x40  }
0xcb: {  	[sflag:s29] =	ssyncset.done $0x0  }
0xcc: {  	[sflag:s29] =	ssyncadd.s32 $0xFFFFFFC0  }
0xcd: {  	_ =	swait.ge [sflag:s29], $0x40  }
0xce: {  	[sflag:s29] =	ssyncset.done $0x0  }
0xcf: {  	s30 =	simm.s32 $0x2;
	[sflag:s29] =	ssyncadd.s32 $0xFFFFFFC0  }
0xd0: {  	[tilespmem:s11], [sflag:$0x9] =	stream.indirect.gather [hbm4b:s31+s8], $0x80, s26, s8, $0xb8;
	[tilespmem:$0x1C800] =	vst v63  }
0xd1: {  	_ =	swait.ge [sflag:s30], $0x40  }
0xd2: {  	[sflag:s30] =	ssyncset.done $0x0  }
0xd3: {  	[sflag:s30] =	ssyncadd.s32 $0xFFFFFFC0  }
0xd4: {  	_ =	swait.ge [sflag:s30], $0x40  }
0xd5: {  	[sflag:s30] =	ssyncset.done $0x0  }
0xd6: {  	[sflag:s30] =	ssyncadd.s32 $0xFFFFFFC0  }
0xd7: {  	[tilespmem:s10], [sflag:$0xA] =	stream.indirect.gather [hbm4b:s31+s8], $0x80, s2, s8, $0xb8;
	[tilespmem:$0x1C800] =	vst v63  }
0xd8: {  	_ =	swait.ge [sflag:s14], $0x40  }
0xd9: {  	[sflag:s14] =	ssyncset.done $0x0  }
0xda: {  	[sflag:s14] =	ssyncadd.s32 $0xFFFFFFC0  }
0xdb: {  	_ =	swait.ge [sflag:s14], $0x40  }
0xdc: {  	[sflag:s14] =	ssyncset.done $0x0  }
0xdd: {  	[sflag:s14] =	ssyncadd.s32 $0xFFFFFFC0  }
0xde: {  	[tilespmem:s16], [sflag:$0xB] =	stream.indirect.gather [hbm4b:s31+s8], $0x80, s3, s8, $0xb8;
	[tilespmem:$0x1C800] =	vst v63  }
0xdf: {  	_ =	swait.ge [sflag:s7], $0x40  }
0xe0: {  	[sflag:s7] =	ssyncset.done $0x0  }
0xe1: {  	[sflag:s7] =	ssyncadd.s32 $0xFFFFFFC0  }
0xe2: {  	_ =	swait.ge [sflag:s7], $0x40  }
0xe3: {  	[sflag:s7] =	ssyncset.done $0x0  }
0xe4: {  	[sflag:s7] =	ssyncadd.s32 $0xFFFFFFC0  }
0xe5: {  	[tilespmem:s9], [sflag:$0xC] =	stream.indirect.gather [hbm4b:s31+s8], $0x80, s5, s8, $0xb8;
	[tilespmem:$0x1C800] =	vst v63  }
.LBB2_4:
0xe6: {  	_ =	swait.ge [sflag:s18], $0x2000  }
0xe7: {  	[sflag:s18] =	ssyncset.done $0x0  }
0xe8: {  	s0 =	simm.s32 $0x400;
	[sflag:s18] =	ssyncadd.s32 $0xFFFFE000  }
0xe9: {  	[spmem:s4] =	stream.indirect.scatter.add.f32 [tilespmem:s11], [sflag:$0xD], $0x80, s0, s8, $0xb8;
	[tilespmem:$0x1C800] =	vst v63  }
0xea: {  	_ =	swait.ge [sflag:s12], $0x2000  }
0xeb: {  	s0 =	sld [smem:$0x7ED];
	_ =	sdelay $0x1  }
0xec: {  	p0 =	seq.s32 s26, $0x4C0  }
0xed: {  	[sflag:s12] =	ssyncset.done $0x0;
	s29 =	sadd.s32 @!p0 s26, s0;
	s0 =	sld [smem:$0x7EC]  }
0xee: {  	s28 =	simm.s32 @!p0 $0x0;
	[sflag:s12] =	ssyncadd.s32 $0xFFFFE000  }
0xef: {  	[tilespmem:s28], [sflag:$0x1] =	stream.linear.gather @!p0 [hbm4b:s29+s28], $0x40, $0x38;
	[tilespmem:$0x1C800] =	vst v63  }
0xf0: {  	s30 =	simm.s32 @!p0 $0x400;
	s29 =	sadd.s32 @!p0 s26, s0  }
0xf1: {  	[tilespmem:s30], [sflag:$0x1] =	stream.linear.gather @!p0 [hbm4b:s29+s28], $0x40, $0x38;
	[tilespmem:$0x1C800] =	vst v63  }
0xf2: {  	_ =	swait.ge [sflag:s19], $0x40  }
0xf3: {  	[sflag:s19] =	ssyncset.done $0x0  }
0xf4: {  	[sflag:s19] =	ssyncadd.s32 $0xFFFFFFC0  }
0xf5: {  	_ =	swait.ge [sflag:s19], $0x40  }
0xf6: {  	[sflag:s19] =	ssyncset.done $0x0  }
0xf7: {  	s29 =	simm.s32 $0x200;
	[sflag:s19] =	ssyncadd.s32 $0xFFFFFFC0  }
0xf8: {  	[tilespmem:s11], [sflag:$0x9] =	stream.indirect.gather [hbm4b:s31+s8], $0x80, s29, s8, $0xb8;
	[tilespmem:$0x1C800] =	vst v63  }
0xf9: {  	_ =	swait.ge [sflag:s20], $0x2000  }
0xfa: {  	[sflag:s20] =	ssyncset.done $0x0  }
0xfb: {  	s30 =	simm.s32 $0x480;
	[sflag:s20] =	ssyncadd.s32 $0xFFFFE000  }
0xfc: {  	[spmem:s4] =	stream.indirect.scatter.add.f32 [tilespmem:s10], [sflag:$0xD], $0x80, s30, s8, $0xb8;
	[tilespmem:$0x1C800] =	vst v63  }
0xfd: {  	_ =	swait.ge [sflag:s12], $0x2000  }
0xfe: {  	s0 =	sld [smem:$0x7EB];
	_ =	sdelay $0x2  }
0xff: {  	[sflag:s12] =	ssyncset.done $0x0;
	s30 =	sadd.s32 @!p0 s26, s0;
	s0 =	sld [smem:$0x7EA]  }
0x100: {  	s29 =	simm.s32 @!p0 $0x80;
	[sflag:s12] =	ssyncadd.s32 $0xFFFFE000  }
0x101: {  	[tilespmem:s29], [sflag:$0x2] =	stream.linear.gather @!p0 [hbm4b:s30+s28], $0x40, $0x38;
	[tilespmem:$0x1C800] =	vst v63  }
0x102: {  	s30 =	sadd.s32 @!p0 s26, s0;
	s0 =	simm.s32 @!p0 $0x480  }
0x103: {  	[tilespmem:s0], [sflag:$0x2] =	stream.linear.gather @!p0 [hbm4b:s30+s28], $0x40, $0x38;
	[tilespmem:$0x1C800] =	vst v63  }
0x104: {  	_ =	swait.ge [sflag:s21], $0x40  }
0x105: {  	[sflag:s21] =	ssyncset.done $0x0  }
0x106: {  	[sflag:s21] =	ssyncadd.s32 $0xFFFFFFC0  }
0x107: {  	_ =	swait.ge [sflag:s21], $0x40  }
0x108: {  	[sflag:s21] =	ssyncset.done $0x0  }
0x109: {  	s2 =	simm.s32 $0x280;
	[sflag:s21] =	ssyncadd.s32 $0xFFFFFFC0  }
0x10a: {  	[tilespmem:s10], [sflag:$0xA] =	stream.indirect.gather [hbm4b:s31+s8], $0x80, s2, s8, $0xb8;
	[tilespmem:$0x1C800] =	vst v63  }
0x10b: {  	_ =	swait.ge [sflag:s22], $0x2000  }
0x10c: {  	[sflag:s22] =	ssyncset.done $0x0  }
0x10d: {  	s3 =	simm.s32 $0x500;
	[sflag:s22] =	ssyncadd.s32 $0xFFFFE000  }
0x10e: {  	[spmem:s4] =	stream.indirect.scatter.add.f32 [tilespmem:s16], [sflag:$0xD], $0x80, s3, s8, $0xb8;
	[tilespmem:$0x1C800] =	vst v63  }
0x10f: {  	_ =	swait.ge [sflag:s12], $0x2000  }
0x110: {  	[sflag:s12] =	ssyncset.done $0x0;
	s0 =	rddreg [dreg:$0x1f]  }
0x111: {  	s30 =	simm.s32 @!p0 $0x100;
	[sflag:s12] =	ssyncadd.s32 $0xFFFFE000;
	s0 =	sadd.s32 @!p0 s26, s0  }
0x112: {  	[tilespmem:s30], [sflag:$0x3] =	stream.linear.gather @!p0 [hbm4b:s0+s28], $0x40, $0x38;
	[tilespmem:$0x1C800] =	vst v63  }
0x113: {  	s0 =	rddreg [dreg:$0x1e]  }
0x114: {  	s30 =	simm.s32 @!p0 $0x500;
	s0 =	sadd.s32 @!p0 s26, s0  }
0x115: {  	[tilespmem:s30], [sflag:$0x3] =	stream.linear.gather @!p0 [hbm4b:s0+s28], $0x40, $0x38;
	[tilespmem:$0x1C800] =	vst v63  }
0x116: {  	_ =	swait.ge [sflag:s23], $0x40  }
0x117: {  	[sflag:s23] =	ssyncset.done $0x0  }
0x118: {  	[sflag:s23] =	ssyncadd.s32 $0xFFFFFFC0  }
0x119: {  	_ =	swait.ge [sflag:s23], $0x40  }
0x11a: {  	[sflag:s23] =	ssyncset.done $0x0  }
0x11b: {  	[sflag:s23] =	ssyncadd.s32 $0xFFFFFFC0  }
0x11c: {  	[tilespmem:s16], [sflag:$0xB] =	stream.indirect.gather [hbm4b:s31+s8], $0x80, s6, s8, $0xb8;
	[tilespmem:$0x1C800] =	vst v63  }
0x11d: {  	_ =	swait.ge [sflag:s24], $0x2000  }
0x11e: {  	[sflag:s24] =	ssyncset.done $0x0  }
0x11f: {  	s5 =	simm.s32 $0x580;
	[sflag:s24] =	ssyncadd.s32 $0xFFFFE000  }
0x120: {  	[spmem:s4] =	stream.indirect.scatter.add.f32 [tilespmem:s9], [sflag:$0xD], $0x80, s5, s8, $0xb8;
	[tilespmem:$0x1C800] =	vst v63  }
0x121: {  	_ =	swait.ge [sflag:s12], $0x2000  }
0x122: {  	[sflag:s12] =	ssyncset.done $0x0;
	s0 =	rddreg [dreg:$0x1d]  }
0x123: {  	s30 =	simm.s32 @!p0 $0x180;
	[sflag:s12] =	ssyncadd.s32 $0xFFFFE000;
	s0 =	sadd.s32 @!p0 s26, s0  }
0x124: {  	[tilespmem:s30], [sflag:$0x4] =	stream.linear.gather @!p0 [hbm4b:s0+s28], $0x40, $0x38;
	[tilespmem:$0x1C800] =	vst v63  }
0x125: {  	s0 =	rddreg [dreg:$0x1c]  }
0x126: {  	s30 =	simm.s32 @!p0 $0x580;
	s0 =	sadd.s32 @!p0 s26, s0  }
0x127: {  	[tilespmem:s30], [sflag:$0x4] =	stream.linear.gather @!p0 [hbm4b:s0+s28], $0x40, $0x38;
	[tilespmem:$0x1C800] =	vst v63  }
0x128: {  	_ =	swait.ge [sflag:s25], $0x40  }
0x129: {  	[sflag:s25] =	ssyncset.done $0x0  }
0x12a: {  	[sflag:s25] =	ssyncadd.s32 $0xFFFFFFC0  }
0x12b: {  	_ =	swait.ge [sflag:s25], $0x40  }
0x12c: {  	[sflag:s25] =	ssyncset.done $0x0  }
0x12d: {  	[sflag:s25] =	ssyncadd.s32 $0xFFFFFFC0  }
0x12e: {  	[tilespmem:s9], [sflag:$0xC] =	stream.indirect.gather [hbm4b:s31+s8], $0x80, s17, s8, $0xb8;
	[tilespmem:$0x1C800] =	vst v63  }
0x12f: {  	_ =	swait.ge [sflag:s18], $0x2000  }
0x130: {  	[sflag:s18] =	ssyncset.done $0x0  }
0x131: {  	s30 =	simm.s32 $0x600;
	[sflag:s18] =	ssyncadd.s32 $0xFFFFE000  }
0x132: {  	[spmem:s4] =	stream.indirect.scatter.add.f32 [tilespmem:s11], [sflag:$0xD], $0x80, s30, s8, $0xb8;
	[tilespmem:$0x1C800] =	vst v63  }
0x133: {  	_ =	swait.ge [sflag:s12], $0x2000  }
0x134: {  	[sflag:s12] =	ssyncset.done $0x0  }
0x135: {  	s0 =	simm.s32 @p0 $0xA;
	[sflag:s12] =	ssyncadd.s32 $0xFFFFE000  }
0x136: {  	_ =	swait.ge @p0 [sflag:s0], $0x2000  }
0x137: {  	s2 =	simm.s32 @p0 $0x2800;
	[sflag:s0] =	ssyncset.done @p0 $0x0  }
0x138: {  	s30 =	simm.s32 @p0 $0x680;
	[sflag:s0] =	ssyncadd.s32 @p0 $0xFFFFE000;
	s0 =	simm.s32 @p0 $0x40  }
0x139: {  	[spmem:s4] =	stream.indirect.scatter.add.f32 @p0 [tilespmem:s2], [sflag:$0xD], $0x80, s30, s0, $0xb8;
	[tilespmem:$0x1C800] =	vst v63  }
0x13a: {  	s0 =	simm.s32 @p0 $0xD  }
0x13b: {  	_ =	swait.ge @p0 [sflag:s0], $0x2000  }
0x13c: {  	[sflag:s0] =	ssyncset.done @p0 $0x0  }
0x13d: {  	[sflag:s0] =	ssyncadd.s32 @p0 $0xFFFFE000;
	s0 =	rddreg [dreg:$0x1b]  }
0x13e: {  	s2 =	simm.s32 @!p0 $0x200;
	s0 =	sadd.s32 @!p0 s26, s0  }
0x13f: {  	[tilespmem:s2], [sflag:$0x5] =	stream.linear.gather @!p0 [hbm4b:s0+s28], $0x40, $0x38;
	[tilespmem:$0x1C800] =	vst v63  }
0x140: {  	s0 =	rddreg [dreg:$0x1a]  }
0x141: {  	s2 =	simm.s32 @!p0 $0x600;
	s0 =	sadd.s32 @!p0 s26, s0  }
0x142: {  	[tilespmem:s2], [sflag:$0x5] =	stream.linear.gather @!p0 [hbm4b:s0+s28], $0x40, $0x38;
	[tilespmem:$0x1C800] =	vst v63  }
0x143: {  	s0 =	simm.s32 @!p0 $0x1  }
0x144: {  	_ =	swait.ge @!p0 [sflag:s0], $0x40  }
0x145: {  	[sflag:s0] =	ssyncset.done @!p0 $0x0  }
0x146: {  	[sflag:s0] =	ssyncadd.s32 @!p0 $0xFFFFFFC0  }
0x147: {  	_ =	swait.ge @!p0 [sflag:s0], $0x40  }
0x148: {  	[sflag:s0] =	ssyncset.done @!p0 $0x0  }
0x149: {  	s2 =	simm.s32 @!p0 $0x800;
	[sflag:s0] =	ssyncadd.s32 @!p0 $0xFFFFFFC0;
	s0 =	simm.s32 @!p0 $0x40  }
0x14a: {  	[tilespmem:s2], [sflag:$0x9] =	stream.indirect.gather @!p0 [hbm4b:s31+s0], $0x80, s28, s0, $0xb8;
	[tilespmem:$0x1C800] =	vst v63  }
0x14b: {  	s2 =	simm.s32 @!p0 $0xA  }
0x14c: {  	_ =	swait.ge @!p0 [sflag:s2], $0x2000  }
0x14d: {  	s3 =	simm.s32 @!p0 $0xD;
	[sflag:s2] =	ssyncset.done @!p0 $0x0  }
0x14e: {  	s30 =	simm.s32 @!p0 $0x2800;
	[sflag:s2] =	ssyncadd.s32 @!p0 $0xFFFFE000;
	s2 =	simm.s32 @!p0 $0x680  }
0x14f: {  	[spmem:s4] =	stream.indirect.scatter.add.f32 @!p0 [tilespmem:s30], [sflag:$0xD], $0x80, s2, s0, $0xb8;
	[tilespmem:$0x1C800] =	vst v63  }
0x150: {  	_ =	swait.ge @!p0 [sflag:s3], $0x2000  }
0x151: {  	[sflag:s3] =	ssyncset.done @!p0 $0x0  }
0x152: {  	[sflag:s3] =	ssyncadd.s32 @!p0 $0xFFFFE000;
	s3 =	rddreg [dreg:$0x19]  }
0x153: {  	s5 =	simm.s32 @!p0 $0x280;
	s3 =	sadd.s32 @!p0 s26, s3  }
0x154: {  	[tilespmem:s5], [sflag:$0x6] =	stream.linear.gather @!p0 [hbm4b:s3+s28], $0x40, $0x38;
	[tilespmem:$0x1C800] =	vst v63  }
0x155: {  	s3 =	rddreg [dreg:$0x18]  }
0x156: {  	s3 =	sadd.s32 @!p0 s26, s3  }
0x157: {  	[tilespmem:s2], [sflag:$0x6] =	stream.linear.gather @!p0 [hbm4b:s3+s28], $0x40, $0x38;
	[tilespmem:$0x1C800] =	vst v63  }
0x158: {  	s2 =	simm.s32 @!p0 $0x2  }
0x159: {  	_ =	swait.ge @!p0 [sflag:s2], $0x40  }
0x15a: {  	[sflag:s2] =	ssyncset.done @!p0 $0x0  }
0x15b: {  	[sflag:s2] =	ssyncadd.s32 @!p0 $0xFFFFFFC0  }
0x15c: {  	_ =	swait.ge @!p0 [sflag:s2], $0x40  }
0x15d: {  	[sflag:s2] =	ssyncset.done @!p0 $0x0  }
0x15e: {  	[sflag:s2] =	ssyncadd.s32 @!p0 $0xFFFFFFC0  }
0x15f: {  	[tilespmem:s30], [sflag:$0xA] =	stream.indirect.gather @!p0 [hbm4b:s31+s0], $0x80, s29, s0, $0xb8;
	[tilespmem:$0x1C800] =	vst v63  }
0x160: {  	_ =	swait.ge [sflag:s22], $0x2000  }
0x161: {  	[sflag:s22] =	ssyncset.done $0x0  }
.Ltmp3:
0x162: {  	[sflag:s22] =	ssyncadd.s32 $0xFFFFE000;
	(pc) =	sbr.rel @p0 .LBB2_6-.Ltmp3, $4  }
0x163: {  	[spmem:s4] =	stream.indirect.scatter.add.f32 [tilespmem:s16], [sflag:$0xD], $0x80, s13, s8, $0xb8;
	[tilespmem:$0x1C800] =	vst v63  }
0x164: {  	_ =	swait.ge [sflag:s12], $0x2000  }
0x165: {  	[sflag:s12] =	ssyncset.done $0x0  }
0x166: {  	[sflag:s12] =	ssyncadd.s32 $0xFFFFE000  }
0x167: {  	s0 =	rddreg [dreg:$0x17]  }
0x168: {  	s3 =	rddreg [dreg:$0x16];
	s0 =	sadd.s32 s26, s0  }
0x169: {  	[tilespmem:s6], [sflag:$0x7] =	stream.linear.gather [hbm4b:s0+s1], $0x40, $0x38;
	[tilespmem:$0x1C800] =	vst v63  }
0x16a: {  	s0 =	sadd.s32 s26, s3  }
0x16b: {  	[tilespmem:s13], [sflag:$0x7] =	stream.linear.gather [hbm4b:s0+s1], $0x40, $0x38;
	[tilespmem:$0x1C800] =	vst v63  }
0x16c: {  	_ =	swait.ge [sflag:s14], $0x40  }
0x16d: {  	[sflag:s14] =	ssyncset.done $0x0  }
0x16e: {  	[sflag:s14] =	ssyncadd.s32 $0xFFFFFFC0  }
0x16f: {  	_ =	swait.ge [sflag:s14], $0x40  }
0x170: {  	[sflag:s14] =	ssyncset.done $0x0  }
0x171: {  	s5 =	simm.s32 $0x100;
	[sflag:s14] =	ssyncadd.s32 $0xFFFFFFC0  }
0x172: {  	[tilespmem:s16], [sflag:$0xB] =	stream.indirect.gather [hbm4b:s31+s8], $0x80, s5, s8, $0xb8;
	[tilespmem:$0x1C800] =	vst v63  }
0x173: {  	_ =	swait.ge [sflag:s24], $0x2000  }
0x174: {  	[sflag:s24] =	ssyncset.done $0x0  }
0x175: {  	[sflag:s24] =	ssyncadd.s32 $0xFFFFE000  }
0x176: {  	[spmem:s4] =	stream.indirect.scatter.add.f32 [tilespmem:s9], [sflag:$0xD], $0x80, s15, s8, $0xb8;
	[tilespmem:$0x1C800] =	vst v63  }
0x177: {  	_ =	swait.ge [sflag:s12], $0x2000  }
0x178: {  	[sflag:s12] =	ssyncset.done $0x0;
	s28 =	rddreg [dreg:$0x15]  }
0x179: {  	s29 =	rddreg [dreg:$0x14];
	[sflag:s12] =	ssyncadd.s32 $0xFFFFE000;
	s0 =	sadd.s32 s26, s28  }
0x17a: {  	[tilespmem:s17], [sflag:$0x8] =	stream.linear.gather [hbm4b:s0+s1], $0x40, $0x38;
	[tilespmem:$0x1C800] =	vst v63  }
0x17b: {  	s0 =	sadd.s32 s26, s29  }
0x17c: {  	[tilespmem:s15], [sflag:$0x8] =	stream.linear.gather [hbm4b:s0+s1], $0x40, $0x38;
	[tilespmem:$0x1C800] =	vst v63  }
0x17d: {  	_ =	swait.ge [sflag:s7], $0x40  }
0x17e: {  	[sflag:s7] =	ssyncset.done $0x0  }
.Ltmp4:
0x17f: {  	[sflag:s7] =	ssyncadd.s32 $0xFFFFFFC0;
	(pc) =	sbr.rel .LBB2_4-.Ltmp4, $4  }
0x180: {  	_ =	swait.ge [sflag:s7], $0x40  }
0x181: {  	[sflag:s7] =	ssyncset.done $0x0  }
0x182: {  	s30 =	simm.s32 $0x180;
	s26 =	sadd.s32 $0x40, s26;
	[sflag:s7] =	ssyncadd.s32 $0xFFFFFFC0  }
0x183: {  	[tilespmem:s9], [sflag:$0xC] =	stream.indirect.gather [hbm4b:s31+s8], $0x80, s30, s8, $0xb8;
	[tilespmem:$0x1C800] =	vst v63  }
.LBB2_7:
0x184: {  	_ =	sfence.sel $0x180000  }
0x185: {  	[bflag:$0x0] =	sbarrier.arrive $0xFFFF  }
0x186: {  	_ =	strace $0x9000004D  }
0x187: {  	s0 =	stileid.u32;
	[bflag:$0x2] =	sbarrier.arrive $0xFFFF  }
0x188: {  	p0 =	sne.s32 s0, $0x0;
	s0 =	rddreg [dreg:$0x3]  }
0x189: {  	s0 =	sadd.s32 @!p0 $0x100000, s0  }
0x18a: {  	[sflag:s0] =	ssyncadd.tile.s32 @!p0 $0x1;
	_ =	shalt  }
.Lfunc_end2:
_tile_overlayer_lowered:
.L_overlay_start_2:
0x18b: {  	(tag) =	ssettag $0x2  }
0x18c: {  	s0 =	rddreg [dreg:$0x0];
	s2 =	stileid.u32  }
0x18d: {  	s1 =	rddreg [dreg:$0x1];
	p0 =	sne.s32 s2, $0x0  }
0x18e: {  	s3 =	rddreg [dreg:$0x2];
	[bflag:$0x3] =	sbarrier.arrive $0xFFFF;
	s2 =	simm.s32 @!p0 $0x1C0D  }
0x18f: {  	[timem:s3], [sflag:s2] =	dma.local @!p0 [hbm:s0], s1  }
0x190: {  	s0 =	simm.s32 @!p0 $0xD  }
0x191: {  	_ =	swait.ge @!p0 [sflag:s0], s1  }
0x192: {  	s1 =	ssub.s32 @!p0 $0x0, s1;
	[sflag:s0] =	ssyncset.done @!p0 $0x0  }
0x193: {  	[sflag:s0] =	ssyncadd.s32 @!p0 s1  }
0x194: {  	[bflag:$0x3] =	sbarrier.arrive $0xFFFF  }
0x195: {  	_ =	shalt  }

// kernel: kernel.8.cloned.1.call-start
scs
__scs_entry_jumppad:
0x0: {  	(pc) =	sbr.rel $0x88, $3  }
0x1: {  	(tag) =	ssettag $0x0;
	lr =	simm.s32 $0x1  }
0x2: {  	[smem:$0x3F9B] =	sst lr;
	_ =	strace $0xD0000000  }
0x3: {  	_ = 	snop  }
0x4: {  	_ = 	snop  }
0x5: {  	_ = 	snop  }
0x6: {  	_ = 	snop  }
0x7: {  	_ = 	snop  }
__scs_overlays_trampoline_lowered:
0x8: {  	[smem:$0x3FAA] =	sst s0  }
0x9: {  	[smem:$0x3FAB] =	sst s1  }
0xa: {  	[smem:$0x3FAC] =	sst s2  }
0xb: {  	[smem:$0x3FAD] =	sst s3  }
0xc: {  	[smem:$0x3FAE] =	sst s4  }
0xd: {  	[smem:$0x3FAF] =	sst s5  }
0xe: {  	[smem:$0x3FB0] =	sst s6  }
0xf: {  	[smem:$0x3FB1] =	sst s7  }
0x10: {  	[smem:$0x3FB2] =	sst s8  }
0x11: {  	[smem:$0x3FB3] =	sst s9;
	s0 =	simm.s32 @!p0 $0x0  }
0x12: {  	s1 =	sld [smem:$0x3F99];
	s0 =	simm.s32 @p0 $0x1  }
0x13: {  	[smem:$0x3FB4] =	sst s0;
	s0 =	simm.s32 @!p1 $0x0  }
0x14: {  	s2 =	sld [smem:$0x3F98];
	s0 =	simm.s32 @p1 $0x1  }
0x15: {  	[smem:$0x3FB5] =	sst s0;
	s0 =	simm.s32 @!p2 $0x0  }
0x16: {  	s3 =	sld [smem:$0x3FDB];
	s0 =	simm.s32 @p2 $0x1  }
0x17: {  	s4 =	simm.s32 $0x1BF5;
	[smem:$0x3FB7] =	sst s0  }
0x18: {  	s0 =	sld [smem:$0x3F9A];
	_ =	swait.ge [sflag:s4], $0x0  }
0x19: {  	s7 =	sld [smem:$0x3F9B]  }
0x1a: {  	s8 =	sadd.s32 $0xFFFFE003, lr  }
0x1b: {  	s9 =	sadd.s32 $0xFFFFFEF7, lr;
	s5 =	simm.s32 $0xFFFFFFFF;
	p2 =	slt.u32 s8, $0xFFFFF086  }
0x1c: {  	p1 =	slt.u32 s9, $0xF7A;
	s5 =	simm.s32 @!p2 $0x0  }
0x1d: {  	s5 =	simm.s32 @p1 $0x1;
	p0 =	seq.s32 s7, s2  }
0x1e: {  	s7 =	smul.u32 @!p0 $0xF7A, s2;
	p2 =	seq.s32 @!p0 s5, $0x0  }
0x1f: {  	s9 =	smul.u32 $0xF7A, s1;
	s8 =	simm.s32 @!p0 $0x1BF5;
	p2 =	por !p2, p0  }
0x20: {  	[sflag:s8] =	ssyncset.s32 @!p0 $0xFFFFF086;
	s6 =	sadd.s32 @!p0 s3, s7;
	s7 =	simm.s32 @!p0 $0x108  }
0x21: {  	s3 =	sadd.s32 s3, s9;
	s6 =	sadd.s32 @!p0 $0x88, s6;
	s7 =	simm.s32 @p2 $0x1082  }
0x22: {  	[simem:s7], [sflag:s8] =	dma.local @!p0 [hbm:s6], $0xF7A  }
0x23: {  	s9 =	sor.u32 $0xD0000000, s2;
	s6 =	simm.s32 $0x108;
	_ =	swait.ge @!p0 [sflag:s8], $0x0  }
0x24: {  	s3 =	sadd.s32 $0x88, s3;
	s6 =	simm.s32 @!p1 $0x1082;
	[sflag:s4] =	ssyncset.s32 $0xFFFFF086  }
0x25: {  	[simem:s6], [sflag:s4] =	dma.local [hbm:s3], $0xF7A  }
0x26: {  	[smem:$0x3F9B] =	sst s1;
	(tag) =	ssettag s2;
	_ =	strace s9  }
0x27: {  	s1 =	sld [smem:$0x3FAB]  }
0x28: {  	s2 =	sld [smem:$0x3FAC]  }
0x29: {  	s4 =	sld [smem:$0x3FAE]  }
0x2a: {  	p0 =	seq.s32 s5, $0x0;
	s5 =	sld [smem:$0x3FAF]  }
0x2b: {  	s6 =	sld [smem:$0x3FB0]  }
0x2c: {  	s7 =	sld [smem:$0x3FB1]  }
0x2d: {  	s3 =	simm.s32 $0x108;
	s8 =	sld [smem:$0x3FB2]  }
0x2e: {  	s3 =	simm.s32 @!p0 $0x1082;
	s9 =	sld [smem:$0x3FB3]  }
0x2f: {  	lr =	sadd.s32 s0, s3;
	s0 =	sld [smem:$0x3FAA]  }
0x30: {  	s3 =	sld [smem:$0x3FAD]  }
0x31: {  	[smem:$0x3FB6] =	sst s10  }
0x32: {  	s10 =	sld [smem:$0x3FB4];
	_ =	sdelay $0x3  }
0x33: {  	p0 =	seq.s32 s10, $0x1;
	s10 =	sld [smem:$0x3FB6];
	_ =	sdelay $0x3  }
0x34: {  	[smem:$0x3FB6] =	sst s10  }
0x35: {  	s10 =	sld [smem:$0x3FB5];
	_ =	sdelay $0x3  }
0x36: {  	p1 =	seq.s32 s10, $0x1;
	s10 =	sld [smem:$0x3FB6];
	_ =	sdelay $0x3  }
0x37: {  	[smem:$0x3FB6] =	sst s10  }
0x38: {  	s10 =	sld [smem:$0x3FB7]  }
0x39: {  	_ = 	snop;
	(pc) =	sbr.ind lr, $3  }
0x3a: {  	_ = 	snop  }
0x3b: {  	_ = 	snop  }
0x3c: {  	p2 =	seq.s32 s10, $0x1;
	s10 =	sld [smem:$0x3FB6]  }
0x3d: {  	_ =	shalt  }
0x3e: {  	_ =	shalt  }
0x3f: {  	_ =	shalt  }
0x40: {  	_ =	shalt  }
0x41: {  	_ =	shalt  }
0x42: {  	_ =	shalt  }
0x43: {  	_ =	shalt  }
0x44: {  	_ =	shalt  }
0x45: {  	_ =	shalt  }
0x46: {  	_ =	shalt  }
0x47: {  	_ =	shalt  }
0x48: {  	_ =	shalt  }
0x49: {  	_ =	shalt  }
0x4a: {  	_ =	shalt  }
0x4b: {  	_ =	shalt  }
0x4c: {  	_ =	shalt  }
0x4d: {  	_ =	shalt  }
0x4e: {  	_ =	shalt  }
0x4f: {  	_ =	shalt  }
0x50: {  	_ =	shalt  }
0x51: {  	_ =	shalt  }
0x52: {  	_ =	shalt  }
0x53: {  	_ =	shalt  }
0x54: {  	_ =	shalt  }
0x55: {  	_ =	shalt  }
0x56: {  	_ =	shalt  }
0x57: {  	_ =	shalt  }
0x58: {  	_ =	shalt  }
0x59: {  	_ =	shalt  }
0x5a: {  	_ =	shalt  }
0x5b: {  	_ =	shalt  }
0x5c: {  	_ =	shalt  }
0x5d: {  	_ =	shalt  }
0x5e: {  	_ =	shalt  }
0x5f: {  	_ =	shalt  }
0x60: {  	_ =	shalt  }
0x61: {  	_ =	shalt  }
0x62: {  	_ =	shalt  }
0x63: {  	_ =	shalt  }
0x64: {  	_ =	shalt  }
0x65: {  	_ =	shalt  }
0x66: {  	_ =	shalt  }
0x67: {  	_ =	shalt  }
0x68: {  	_ =	shalt  }
0x69: {  	_ =	shalt  }
0x6a: {  	_ =	shalt  }
0x6b: {  	_ =	shalt  }
0x6c: {  	_ =	shalt  }
0x6d: {  	_ =	shalt  }
0x6e: {  	_ =	shalt  }
0x6f: {  	_ =	shalt  }
0x70: {  	_ =	shalt  }
0x71: {  	_ =	shalt  }
0x72: {  	_ =	shalt  }
0x73: {  	_ =	shalt  }
0x74: {  	_ =	shalt  }
0x75: {  	_ =	shalt  }
0x76: {  	_ =	shalt  }
0x77: {  	_ =	shalt  }
0x78: {  	_ =	shalt  }
0x79: {  	_ =	shalt  }
0x7a: {  	_ =	shalt  }
0x7b: {  	_ =	shalt  }
0x7c: {  	_ =	shalt  }
0x7d: {  	_ =	shalt  }
0x7e: {  	_ =	shalt  }
0x7f: {  	_ =	shalt  }
0x80: {  	_ =	shalt  }
0x81: {  	_ =	shalt  }
0x82: {  	_ =	shalt  }
0x83: {  	_ =	shalt  }
0x84: {  	_ =	shalt  }
0x85: {  	_ =	shalt  }
0x86: {  	_ =	shalt  }
0x87: {  	_ =	shalt  }
.Lfunc_end0:
.L_simem_size_0:
called_computation_lowered:
.L_overlay_start_0:
0x88: {  	s2 =	sld [smem:$0x3FD9]  }
0x89: {  	s3 =	sld [smem:$0x3FFE];
	_ =	sdelay $0x1  }
0x8a: {  	s1 =	srdreg.scid  }
0x8b: {  	s0 =	sand.u32 $0x1, s1  }
0x8c: {  	s16 =	sshll.u32 s0, $0xA;
	s2 =	sadd.s32 s3, s2  }
0x8d: {  	s2 =	sadd.s32 s2, s16  }
0x8e: {  	[smem:$0x3FC2] =	sst s2  }
0x8f: {  	_ = 	snop  }
0x90: {  	(tm) =	ssettm $0x1  }
0x91: {  	s17 =	sld [smem:$0x3FFB];
	_ =	sdelay $0x3  }
0x92: {  	_ =	strace s17  }
0x93: {  	s2 =	sld [smem:$0x3FFC];
	_ =	sdelay $0x3  }
0x94: {  	_ =	strace s2  }
0x95: {  	s2 =	sld [smem:$0x3FFD];
	_ =	sdelay $0x3  }
0x96: {  	_ =	strace s2  }
0x97: {  	_ =	strace $0x8FFFFFFF  }
0x98: {  	s18 =	sld [smem:$0x3FDB];
	_ =	sdelay $0x1  }
0x99: {  	s19 =	simm.s32 $_scs_section_size  }
0x9a: {  	s4 =	simm.s32 $_size__tile_overlayer_lowered;
	s5 =	simm.s32 $_tile_overlayer_lowered  }
0x9b: {  	s22 =	simm.s32 $0x1BFF;
	s21 =	sshll.u32 s5, $0x1;
	s2 =	sadd.s32 s19, s18  }
0x9c: {  	s6 =	simm.s32 $0x0;
	s20 =	sshll.u32 s4, $0x1;
	s4 =	sadd.s32 s21, s2  }
0x9d: {  	[timem:s6], [sflag:s22] =	dma.local [hbm:s4], s20  }
0x9e: {  	_ =	swait.ge [sflag:s22], s20  }
0x9f: {  	s3 =	ssub.s32 $0x0, s20;
	[sflag:s22] =	ssyncset.done $0x0  }
0xa0: {  	[sflag:s22] =	ssyncadd.s32 s3;
	_ =	sdelay $0x1  }
0xa1: {  	s23 =	simm.s32 $0x1B8B  }
0xa2: {  	_ =	swait.ge [sflag:s23], $0x1  }
0xa3: {  	[sflag:s23] =	ssyncset.done $0x0  }
0xa4: {  	s25 =	simm.s32 $0x1B8E;
	s24 =	sld [smem:$0x3FFE];
	[sflag:s23] =	ssyncadd.s32 $0xFFFFFFFF  }
0xa5: {  	s26 =	simm.s32 $execute0_lowered;
	[smem:$0x3FD2] =	sst s25  }
0xa6: {  	s4 =	sshll.u32 s26, $0x1;
	_ =	strace $0x80000046;
	[dreg:$0x1] =	wrdreg $0xFFFFFFFF  }
0xa7: {  	s28 =	simm.s32 $_size_execute0_lowered;
	s2 =	sadd.s32 s2, s4;
	[dreg:$0x0] =	wrdreg $0x0  }
0xa8: {  	s4 =	sshll.u32 s28, $0x1;
	[dreg:$0x2] =	wrdreg s2  }
0xa9: {  	[dreg:$0x3] =	wrdreg s4  }
0xaa: {  	[dreg:$0x4] =	wrdreg $0xC0  }
0xab: {  	_ =	task [dreg:s6], $0x5FFFF  }
0xac: {  	[dreg:$0x1] =	wrdreg $0xFFFFFFFF  }
0xad: {  	[dreg:$0x0] =	wrdreg $0x60  }
0xae: {  	[dreg:$0x2] =	wrdreg s24  }
0xaf: {  	[dreg:$0x3] =	wrdreg $0x41000  }
0xb0: {  	[dreg:$0x4] =	wrdreg $0x9  }
0xb1: {  	_ =	task.clear_ibuf [dreg:s6], $0x5FFFF;
	_ =	strace $0x90000046  }
0xb2: {  	s29 =	simm.s32 $0x9;
	_ =	strace $0x80000048  }
0xb3: {  	_ =	swait.ge [sflag:s29], $0x1  }
0xb4: {  	[sflag:s29] =	ssyncadd.s32 $0xFFFFFFFF  }
0xb5: {  	_ =	strace $0x90000048  }
0xb6: {  	_ =	sfence  }
0xb7: {  	s30 =	sld [smem:$0x0];
	_ =	sdelay $0x2  }
0xb8: {  	s31 =	sshll.u32 s1, $0xD;
	s1 =	sshrl.u32 s1, $0x2  }
0xb9: {  	s3 =	sand.u32 $0x4000, s31;
	s1 =	sadd.s32 s1, s30  }
0xba: {  	s0 =	sor.u32 s3, s0;
	s1 =	sshll.u32 s1, $0x11  }
0xbb: {  	s0 =	sor.u32 s1, s0  }
0xbc: {  	s0 =	sadd.s32 $0x8F2B, s0  }
0xbd: {  	[sflag:s0] =	ssyncadd.remote.s32 $0x1  }
0xbe: {  	_ =	sfence.sel $0xFFFF  }
0xbf: {  	[dreg:$0x0] =	wrdreg $0xFFFFFFFF;
	(pc) =	sbr.abs _section_cstart, $3  }
0xc0: {  	[dreg:$0x1] =	wrdreg $0xFFFFFFFF  }
0xc1: {  	_ =	task.clear_ibuf [dreg:s6], $0x2FFFF;
	_ =	strace $0x9FFFFFFF  }
0xc2: {  	(tm) =	ssettm $0x7FFFFFFF  }
0xc3: {  	_ =	shalt  }
tec
execute0_lowered:
.L_overlay_start_1:
0x0: {  	(tag) =	ssettag $0x1  }
0x1: {  	s5 =	rddreg [dreg:$0x0];
	s1 =	srdreg.scid  }
0x2: {  	s0 =	stileid.u32;
	s2 =	rddreg [dreg:$0x1]  }
0x3: {  	s3 =	simm.s32 $0x0;
	s21 =	simm.s32 $0x80;
	s22 =	simm.s32 $0x1  }
0x4: {  	s23 =	simm.s32 $0x2;
	s24 =	simm.s32 $0x0;
	s4 =	smul.u32 $0x280, s0  }
0x5: {  	s7 =	sand.u32 $0x1, s1;
	s1 =	rddreg [dreg:$0x2];
	s26 =	smul.u32 $0x50000, s0  }
0x6: {  	[smem:$0x7FF] =	sst s3;
	s18 =	sadd.s32 $0x2800, s5;
	s17 =	smul.u32 $0x2800, s0  }
0x7: {  	s6 =	smul.u32 $0x2800, s7;
	_ =	strace $0x80000047;
	s28 =	sshll.u32 s7, $0x4  }
0x8: {  	s9 =	ssub.s32 $0x2, s7;
	s14 =	smul.u32 $0x28000, s7;
	s10 =	sor.u32 s0, s28  }
0x9: {  	s29 =	sshrl.u32 s26, $0x2;
	s30 =	sshrl.u32 s9, $0x1;
	s4 =	sadd.s32 s4, s6  }
0xa: {  	s10 =	smul.u32 $0x2800, s10;
	s16 =	ssub.s32 s9, s30;
	s17 =	sadd.s32 s17, s14  }
0xb: {  	s8 =	sshll.u32 s4, $0x4;
	s4 =	sadd.s32 s29, s2;
	s19 =	sor.u32 $0x180, s17  }
0xc: {  	s17 =	sor.u32 $0x100, s17;
	s16 =	smax.u32 s16, $0x1;
	s15 =	sadd.s32 s8, s5  }
0xd: {  	s5 =	sadd.s32 $0x4000, s4;
	s6 =	sadd.s32 $0x8000, s4;
	s31 =	sshrl.u32 s10, $0x3  }
0xe: {  	s7 =	sadd.s32 $0xC000, s4;
	s9 =	sadd.s32 $0x10000, s4;
	s19 =	sshrl.u32 s19, $0x3  }
0xf: {  	s20 =	sshrl.u32 s17, $0x3;
	s8 =	sadd.s32 s18, s31;
	s11 =	sadd.s32 $0x16800, s15  }
0x10: {  	s12 =	sadd.s32 $0x17000, s15;
	s13 =	sadd.s32 $0x17800, s15;
	s14 =	sadd.s32 $0x18000, s15  }
0x11: {  	s15 =	sadd.s32 $0x18800, s15;
	s17 =	sadd.s32 s19, s18;
	s18 =	sadd.s32 s20, s18  }
0x12: {  	v0 =	vimm.f32 $0.0e+00;
	v1 =	vimm.f32 $1.000000000e+00;
	s19 =	simm.s32 $0x100;
	s20 =	simm.s32 $0x3;
	s10 =	sadd.s32 $0x10, s8  }
.LBB2_1:
0x13: {  	s25 =	simm.s32 $0x0;
	s26 =	simm.s32 $0x200  }
.LBB2_2:
0x14: {  	p0 =	sne.s32 s26, $0xFE00;
	[tilespmem:s25+$0x170] =	vst v0  }
0x15: {  	[tilespmem:s25+$0x100] =	vst v0  }
0x16: {  	[tilespmem:s25+$0x110] =	vst v0  }
.Ltmp0:
0x17: {  	[tilespmem:s25+$0x120] =	vst v0;
	(pc) =	sbr.rel @p0 .LBB2_2-.Ltmp0, $4  }
0x18: {  	[tilespmem:s25+$0x130] =	vst v0  }
0x19: {  	[tilespmem:s25+$0x140] =	vst v0  }
0x1a: {  	[tilespmem:s25+$0x150] =	vst v0  }
0x1b: {  	[tilespmem:s25+$0x160] =	vst v0;
	s25 =	sshra.s32 s26, $0x2;
	s26 =	sadd.s32 $0x200, s26  }
0x1c: {  	[tilespmem:s25+$0x170] =	vst v0  }
0x1d: {  	[tilespmem:s25+$0x100] =	vst v0  }
0x1e: {  	[tilespmem:s25+$0x110] =	vst v0  }
0x1f: {  	[tilespmem:s25+$0x120] =	vst v0  }
0x20: {  	[tilespmem:s25+$0x130] =	vst v0  }
0x21: {  	[tilespmem:s25+$0x140] =	vst v0  }
0x22: {  	[tilespmem:s25+$0x150] =	vst v0  }
0x23: {  	[tilespmem:s25+$0x160] =	vst v0  }
0x24: {  	[spmem:s4] =	stream.linear.scatter [tilespmem:s19], [sflag:$0x3], $0x4000, $0x38;
	[tilespmem:$0x18100] =	vst v63  }
0x25: {  	_ =	swait.ge [sflag:s20], $0x4000  }
0x26: {  	[sflag:s20] =	ssyncset.done $0x0  }
0x27: {  	[sflag:s20] =	ssyncadd.s32 $0xFFFFC000  }
0x28: {  	[spmem:s5] =	stream.linear.scatter [tilespmem:s19], [sflag:$0x3], $0x4000, $0x38;
	[tilespmem:$0x18100] =	vst v63  }
0x29: {  	_ =	swait.ge [sflag:s20], $0x4000  }
0x2a: {  	[sflag:s20] =	ssyncset.done $0x0  }
0x2b: {  	[sflag:s20] =	ssyncadd.s32 $0xFFFFC000  }
0x2c: {  	[spmem:s6] =	stream.linear.scatter [tilespmem:s19], [sflag:$0x3], $0x4000, $0x38;
	[tilespmem:$0x18100] =	vst v63  }
0x2d: {  	_ =	swait.ge [sflag:s20], $0x4000  }
0x2e: {  	[sflag:s20] =	ssyncset.done $0x0  }
0x2f: {  	[sflag:s20] =	ssyncadd.s32 $0xFFFFC000  }
0x30: {  	[spmem:s7] =	stream.linear.scatter [tilespmem:s19], [sflag:$0x3], $0x4000, $0x38;
	[tilespmem:$0x18100] =	vst v63  }
0x31: {  	_ =	swait.ge [sflag:s20], $0x4000  }
0x32: {  	[sflag:s20] =	ssyncset.done $0x0  }
0x33: {  	[sflag:s20] =	ssyncadd.s32 $0xFFFFC000  }
0x34: {  	[spmem:s9] =	stream.linear.scatter [tilespmem:s19], [sflag:$0x3], $0x4000, $0x38;
	[tilespmem:$0x18100] =	vst v63  }
0x35: {  	_ =	swait.ge [sflag:s20], $0x4000  }
0x36: {  	[sflag:s20] =	ssyncset.done $0x0  }
0x37: {  	[sflag:s20] =	ssyncadd.s32 $0xFFFFC000  }
0x38: {  	s25 =	simm.s32 $0x0;
	s26 =	simm.s32 $0x200;
	[bflag:$0x0] =	sbarrier.arrive $0xFFFF  }
.LBB2_4:
0x39: {  	p0 =	sne.s32 s26, $0xFE00;
	[tilespmem:s25+$0x170] =	vst v1  }
0x3a: {  	[tilespmem:s25+$0x100] =	vst v1  }
0x3b: {  	[tilespmem:s25+$0x110] =	vst v1  }
.Ltmp1:
0x3c: {  	[tilespmem:s25+$0x120] =	vst v1;
	(pc) =	sbr.rel @p0 .LBB2_4-.Ltmp1, $4  }
0x3d: {  	[tilespmem:s25+$0x130] =	vst v1  }
0x3e: {  	[tilespmem:s25+$0x140] =	vst v1  }
0x3f: {  	[tilespmem:s25+$0x150] =	vst v1  }
0x40: {  	[tilespmem:s25+$0x160] =	vst v1;
	s25 =	sshra.s32 s26, $0x2;
	s26 =	sadd.s32 $0x200, s26  }
0x41: {  	[tilespmem:s25+$0x170] =	vst v1  }
0x42: {  	[tilespmem:s25+$0x100] =	vst v1  }
0x43: {  	[tilespmem:s25+$0x110] =	vst v1  }
0x44: {  	[tilespmem:s25+$0x120] =	vst v1  }
0x45: {  	[tilespmem:s25+$0x130] =	vst v1  }
0x46: {  	[tilespmem:s25+$0x140] =	vst v1  }
0x47: {  	[tilespmem:s25+$0x150] =	vst v1  }
0x48: {  	[tilespmem:s25+$0x160] =	vst v1;
	s30 =	simm.s32 $0x0  }
0x49: {  	[tilespmem:s30], [sflag:$0x1] =	stream.linear.gather [hbm4b:s8+s30], $0x80, $0x38;
	[tilespmem:$0x18100] =	vst v63  }
0x4a: {  	_ = 	snop  }
0x4b: {  	[tilespmem:s21], [sflag:$0x2] =	stream.linear.gather [hbm4b:s10+s30], $0x80, $0x38;
	[tilespmem:$0x18100] =	vst v63  }
0x4c: {  	_ =	swait.ge [sflag:s22], $0x80  }
0x4d: {  	[sflag:s22] =	ssyncset.done $0x0  }
0x4e: {  	[sflag:s22] =	ssyncadd.s32 $0xFFFFFF80  }
0x4f: {  	[spmem:s2] =	stream.indirect.scatter.add.f32 [tilespmem:s19], [sflag:$0x3], $0x80, s3, s21, $0xb8;
	[tilespmem:$0x18100] =	vst v63  }
0x50: {  	_ =	swait.ge [sflag:s20], $0x4000  }
0x51: {  	[sflag:s20] =	ssyncset.done $0x0  }
0x52: {  	s31 =	sadd.s32 $0x0, s18;
	[sflag:s20] =	ssyncadd.s32 $0xFFFFC000  }
0x53: {  	[tilespmem:s3], [sflag:$0x1] =	stream.linear.gather [hbm4b:s31+s3], $0x80, $0x38;
	[tilespmem:$0x18100] =	vst v63  }
0x54: {  	_ =	swait.ge [sflag:s23], $0x80  }
0x55: {  	[sflag:s23] =	ssyncset.done $0x0  }
0x56: {  	[sflag:s23] =	ssyncadd.s32 $0xFFFFFF80  }
0x57: {  	[spmem:s2] =	stream.indirect.scatter.add.f32 [tilespmem:s19], [sflag:$0x3], $0x80, s21, s21, $0xb8;
	[tilespmem:$0x18100] =	vst v63  }
0x58: {  	_ =	swait.ge [sflag:s20], $0x4000  }
0x59: {  	[sflag:s20] =	ssyncset.done $0x0  }
0x5a: {  	s25 =	simm.s32 $0x20;
	s26 =	sadd.s32 $0x0, s17;
	[sflag:s20] =	ssyncadd.s32 $0xFFFFC000  }
.LBB2_6:
0x5b: {  	[tilespmem:s21], [sflag:$0x2] =	stream.linear.gather [hbm4b:s26+s3], $0x80, $0x38;
	[tilespmem:$0x18100] =	vst v63  }
0x5c: {  	s26 =	smov.u32 s25  }
0x5d: {  	p0 =	sne.s32 s25, $0x4C0;
	s25 =	sadd.s32 $0x20, s25;
	_ =	swait.ge [sflag:s22], $0x80  }
0x5e: {  	[sflag:s22] =	ssyncset.done $0x0  }
0x5f: {  	[sflag:s22] =	ssyncadd.s32 $0xFFFFFF80  }
0x60: {  	[spmem:s2] =	stream.indirect.scatter.add.f32 [tilespmem:s19], [sflag:$0x3], $0x80, s3, s21, $0xb8;
	[tilespmem:$0x18100] =	vst v63  }
0x61: {  	_ =	swait.ge [sflag:s20], $0x4000  }
0x62: {  	[sflag:s20] =	ssyncset.done $0x0  }
0x63: {  	s28 =	sadd.s32 s26, s18;
	[sflag:s20] =	ssyncadd.s32 $0xFFFFC000  }
0x64: {  	[tilespmem:s3], [sflag:$0x1] =	stream.linear.gather [hbm4b:s28+s3], $0x80, $0x38;
	[tilespmem:$0x18100] =	vst v63  }
0x65: {  	_ =	swait.ge [sflag:s23], $0x80  }
0x66: {  	[sflag:s23] =	ssyncset.done $0x0  }
.Ltmp2:
0x67: {  	[sflag:s23] =	ssyncadd.s32 $0xFFFFFF80;
	(pc) =	sbr.rel @p0 .LBB2_6-.Ltmp2, $4  }
0x68: {  	[spmem:s2] =	stream.indirect.scatter.add.f32 [tilespmem:s19], [sflag:$0x3], $0x80, s21, s21, $0xb8;
	[tilespmem:$0x18100] =	vst v63  }
0x69: {  	_ =	swait.ge [sflag:s20], $0x4000  }
0x6a: {  	[sflag:s20] =	ssyncset.done $0x0  }
0x6b: {  	s26 =	sadd.s32 s26, s17;
	[sflag:s20] =	ssyncadd.s32 $0xFFFFC000  }
0x6c: {  	[tilespmem:s21], [sflag:$0x2] =	stream.linear.gather [hbm4b:s26+s3], $0x80, $0x38;
	[tilespmem:$0x18100] =	vst v63  }
0x6d: {  	_ =	swait.ge [sflag:s22], $0x80  }
0x6e: {  	[sflag:s22] =	ssyncset.done $0x0  }
0x6f: {  	[sflag:s22] =	ssyncadd.s32 $0xFFFFFF80  }
0x70: {  	[spmem:s2] =	stream.indirect.scatter.add.f32 [tilespmem:s19], [sflag:$0x3], $0x80, s3, s21, $0xb8;
	[tilespmem:$0x18100] =	vst v63  }
0x71: {  	_ =	swait.ge [sflag:s20], $0x4000  }
0x72: {  	[sflag:s20] =	ssyncset.done $0x0  }
0x73: {  	[sflag:s20] =	ssyncadd.s32 $0xFFFFC000  }
0x74: {  	_ =	swait.ge [sflag:s23], $0x80  }
0x75: {  	[sflag:s23] =	ssyncset.done $0x0  }
0x76: {  	[sflag:s23] =	ssyncadd.s32 $0xFFFFFF80  }
0x77: {  	[spmem:s2] =	stream.indirect.scatter.add.f32 [tilespmem:s19], [sflag:$0x3], $0x80, s21, s21, $0xb8;
	[tilespmem:$0x18100] =	vst v63  }
0x78: {  	_ =	swait.ge [sflag:s20], $0x4000  }
0x79: {  	[sflag:s20] =	ssyncset.done $0x0  }
0x7a: {  	s25 =	sshll.u32 s0, $0x6;
	[sflag:s20] =	ssyncadd.s32 $0xFFFFC000  }
0x7b: {  	s31 =	sshrl.u32 s4, $0x3;
	s25 =	sor.u32 $0x1C03, s25;
	[bflag:$0x0] =	sbarrier.arrive $0xFFFF  }
0x7c: {  	[hbm:s11], [sflag:s25] =	dma.local [spmem:s31], $0x800  }
0x7d: {  	_ =	swait.ge [sflag:s20], $0x800  }
0x7e: {  	[sflag:s20] =	ssyncset.done $0x0  }
0x7f: {  	s28 =	sshrl.u32 s5, $0x3;
	[sflag:s20] =	ssyncadd.s32 $0xFFFFF800  }
0x80: {  	[hbm:s12], [sflag:s25] =	dma.local [spmem:s28], $0x800  }
0x81: {  	_ =	swait.ge [sflag:s20], $0x800  }
0x82: {  	[sflag:s20] =	ssyncset.done $0x0  }
0x83: {  	s29 =	sshrl.u32 s6, $0x3;
	[sflag:s20] =	ssyncadd.s32 $0xFFFFF800  }
0x84: {  	[hbm:s13], [sflag:s25] =	dma.local [spmem:s29], $0x800  }
0x85: {  	_ =	swait.ge [sflag:s20], $0x800  }
0x86: {  	[sflag:s20] =	ssyncset.done $0x0  }
0x87: {  	s30 =	sshrl.u32 s7, $0x3;
	[sflag:s20] =	ssyncadd.s32 $0xFFFFF800  }
0x88: {  	[hbm:s14], [sflag:s25] =	dma.local [spmem:s30], $0x800  }
0x89: {  	s24 =	sadd.s32 $0x1, s24;
	_ =	swait.ge [sflag:s20], $0x800  }
0x8a: {  	p0 =	sne.s32 s24, s16;
	[sflag:s20] =	ssyncset.done $0x0  }
.Ltmp3:
0x8b: {  	s31 =	sshrl.u32 s9, $0x3;
	[sflag:s20] =	ssyncadd.s32 $0xFFFFF800;
	(pc) =	sbr.rel @p0 .LBB2_1-.Ltmp3, $4  }
0x8c: {  	[hbm:s15], [sflag:s25] =	dma.local [spmem:s31], $0x800  }
0x8d: {  	_ =	swait.ge [sflag:s20], $0x800  }
0x8e: {  	[sflag:s20] =	ssyncset.done $0x0  }
0x8f: {  	[sflag:s20] =	ssyncadd.s32 $0xFFFFF800  }
0x90: {  	_ =	sfence.sel $0x180000  }
0x91: {  	[bflag:$0x0] =	sbarrier.arrive $0xFFFF  }
0x92: {  	p0 =	sne.s32 s0, $0x0;
	_ =	strace $0x90000047  }
0x93: {  	s0 =	sadd.s32 @!p0 $0x100000, s1;
	[bflag:$0x2] =	sbarrier.arrive $0xFFFF  }
0x94: {  	[sflag:s0] =	ssyncadd.tile.s32 @!p0 $0x1;
	_ =	shalt  }
.Lfunc_end2:
_tile_overlayer_lowered:
.L_overlay_start_2:
0x95: {  	(tag) =	ssettag $0x2  }
0x96: {  	s0 =	rddreg [dreg:$0x0];
	s2 =	stileid.u32  }
0x97: {  	s1 =	rddreg [dreg:$0x1];
	p0 =	sne.s32 s2, $0x0  }
0x98: {  	s3 =	rddreg [dreg:$0x2];
	[bflag:$0x3] =	sbarrier.arrive $0xFFFF;
	s2 =	simm.s32 @!p0 $0x1C03  }
0x99: {  	[timem:s3], [sflag:s2] =	dma.local @!p0 [hbm:s0], s1  }
0x9a: {  	s0 =	simm.s32 @!p0 $0x3  }
0x9b: {  	_ =	swait.ge @!p0 [sflag:s0], s1  }
0x9c: {  	s1 =	ssub.s32 @!p0 $0x0, s1;
	[sflag:s0] =	ssyncset.done @!p0 $0x0  }
0x9d: {  	[sflag:s0] =	ssyncadd.s32 @!p0 s1  }
0x9e: {  	[bflag:$0x3] =	sbarrier.arrive $0xFFFF  }
0x9f: {  	_ =	shalt  }

</sc_bundles>
